<compile_context>
chip_gen: v7x
topology: tpu7x:2x2x1
jax: 0.10.2.dev20260603
libtpu: 0.0.44.dev20260713+nightly
codegen_flags: <defaults>
</compile_context>

<pallas_src>
import functools
import numpy as np
import jax
import jax.numpy as jnp
from jax import lax
from jax.experimental import pallas as pl
from jax.experimental.pallas import tpu as pltpu
from jax.experimental.pallas import tpu_sc as plsc

N = 10000
E = 320000
V = 3
H = 128

NP = 10240
NW = 32
C = 128
EP = 327680
EP2 = EP // 2
EPW = EP2 // NW
NCH = EPW // C
EBLK = 2048
NBLK = 512

def _silu(x):
    return x * jax.nn.sigmoid(x)


def _sel_matrices():
    S1 = np.zeros((16, 32), np.float32)
    S2 = np.zeros((16, 32), np.float32)
    S3 = np.zeros((32, 16), np.float32)
    T1 = np.zeros((16, 32), np.float32)
    T2 = np.zeros((16, 32), np.float32)
    T3 = np.zeros((32, 16), np.float32)
    for i in range(3):
        for j in range(3):
            for k in range(3):
                m = i * 9 + j * 3 + k
                S1[j * 3 + i, m] = 1.0
                S2[j * 3 + k, m] = 1.0
                S3[m, i * 3 + k] = 1.0
                T1[i * 3 + j, m] = 1.0
                T2[j * 3 + k, m] = 1.0
                T3[m, i * 3 + k] = 1.0
    return S1, S2, S3, T1, T2, T3


_S1, _S2, _S3, _T1, _T2, _T3 = _sel_matrices()


def _k0_body(h_ref, wr_ref, wcb_ref, b1_ref, a_ref, b_ref):
    h = h_ref[...]
    a_ref[...] = jnp.dot(h, wr_ref[...], preferred_element_type=jnp.float32)
    b_ref[...] = jnp.dot(h, wcb_ref[...],
                         preferred_element_type=jnp.float32) + b1_ref[...]


def _k0(hp, wr, wc, b1):
    grid = NP // NBLK
    return pl.pallas_call(
        _k0_body,
        grid=(grid,),
        in_specs=[
            pl.BlockSpec((NBLK, H), lambda i: (i, 0)),
            pl.BlockSpec((H, H), lambda i: (0, 0)),
            pl.BlockSpec((H, H), lambda i: (0, 0)),
            pl.BlockSpec((1, H), lambda i: (0, 0)),
        ],
        out_specs=[
            pl.BlockSpec((NBLK, H), lambda i: (i, 0)),
            pl.BlockSpec((NBLK, H), lambda i: (i, 0)),
        ],
        out_shape=[
            jax.ShapeDtypeStruct((NP, H), jnp.float32),
            jax.ShapeDtypeStruct((NP, H), jnp.float32),
        ],
    )(hp, wr, wc, b1)


def _k1a_body(row3, col3, a_hbm, b_hbm,
              ag_o, bg_o,
              idxr, idxc, abuf, bbuf,
              gsem0, gsem1, wsem):
    wid = lax.axis_index("s") * 2 + lax.axis_index("c")
    base = wid * EPW
    pltpu.sync_copy(row3.at[wid], idxr)
    pltpu.sync_copy(col3.at[wid], idxc)

    def gather(j, b, sem):
        return [
            pltpu.async_copy(a_hbm.at[idxr.at[j]], abuf.at[b], sem),
            pltpu.async_copy(b_hbm.at[idxc.at[j]], bbuf.at[b], sem),
        ]

    def writeback(j, b):
        off = base + j * C
        return [
            pltpu.async_copy(abuf.at[b], ag_o.at[pl.ds(off, C)], wsem),
            pltpu.async_copy(bbuf.at[b], bg_o.at[pl.ds(off, C)], wsem),
        ]

    def pair(k, carry):
        j0 = 2 * k
        j1 = 2 * k + 1
        g0 = gather(j0, 0, gsem0)
        g1 = gather(j1, 1, gsem1)
        for cp in g0:
            cp.wait()
        w0 = writeback(j0, 0)
        for cp in g1:
            cp.wait()
        w1 = writeback(j1, 1)
        for cp in w0 + w1:
            cp.wait()
        return carry

    lax.fori_loop(0, NCH // 2, pair, 0)


def _k1a(row3, col3, A, B):
    f32 = jnp.float32
    mesh = plsc.VectorSubcoreMesh(core_axis_name="c", subcore_axis_name="s")
    fn = functools.partial(
        pl.kernel,
        out_type=[
            jax.ShapeDtypeStruct((EP2, H), f32),
            jax.ShapeDtypeStruct((EP2, H), f32),
        ],
        mesh=mesh,
        scratch_types=[
            pltpu.VMEM((NCH, C), jnp.int32),
            pltpu.VMEM((NCH, C), jnp.int32),
            pltpu.VMEM((2, C, H), f32),
            pltpu.VMEM((2, C, H), f32),
            pltpu.SemaphoreType.DMA,
            pltpu.SemaphoreType.DMA,
            pltpu.SemaphoreType.DMA,
        ],
    )(_k1a_body)
    return fn(row3, col3, A, B)


def _k1v_body(row3, col3, vec_hbm,
              zi_o, zj_o,
              idxr, idxc, zibuf, zjbuf,
              gsem0, gsem1, wsem):
    wid = lax.axis_index("s") * 2 + lax.axis_index("c")
    base = wid * EPW
    pltpu.sync_copy(row3.at[wid], idxr)
    pltpu.sync_copy(col3.at[wid], idxc)

    def gather(j, b, sem):
        return [
            pltpu.async_copy(vec_hbm.at[idxr.at[j]], zibuf.at[b], sem),
            pltpu.async_copy(vec_hbm.at[idxc.at[j]], zjbuf.at[b], sem),
        ]

    def writeback(j, b):
        off = base + j * C
        return [
            pltpu.async_copy(zibuf.at[b], zi_o.at[pl.ds(off, C)], wsem),
            pltpu.async_copy(zjbuf.at[b], zj_o.at[pl.ds(off, C)], wsem),
        ]

    def pair(k, carry):
        j0 = 2 * k
        j1 = 2 * k + 1
        g0 = gather(j0, 0, gsem0)
        g1 = gather(j1, 1, gsem1)
        for cp in g0:
            cp.wait()
        w0 = writeback(j0, 0)
        for cp in g1:
            cp.wait()
        w1 = writeback(j1, 1)
        for cp in w0 + w1:
            cp.wait()
        return carry

    lax.fori_loop(0, NCH // 2, pair, 0)


def _k1v(row3, col3, vecp):
    f32 = jnp.float32
    mesh = plsc.VectorSubcoreMesh(core_axis_name="c", subcore_axis_name="s")
    fn = functools.partial(
        pl.kernel,
        out_type=[
            jax.ShapeDtypeStruct((EP2, 16), f32),
            jax.ShapeDtypeStruct((EP2, 16), f32),
        ],
        mesh=mesh,
        scratch_types=[
            pltpu.VMEM((NCH, C), jnp.int32),
            pltpu.VMEM((NCH, C), jnp.int32),
            pltpu.VMEM((2, C, 16), f32),
            pltpu.VMEM((2, C, 16), f32),
            pltpu.SemaphoreType.DMA,
            pltpu.SemaphoreType.DMA,
            pltpu.SemaphoreType.DMA,
        ],
        compiler_params=pltpu.CompilerParams(use_tc_tiling_on_sc=False),
    )(_k1v_body)
    return fn(row3, col3, vecp)


NPS = NP // 16


def _make_k3(width, tiled):
    f32 = jnp.float32

    def body(row3, val_hbm, zeros_hbm, acc_o, idx, vbuf0, vbuf1, acc_sh,
             lsem0, lsem1):
        cid = lax.axis_index("c")
        sid = lax.axis_index("s")
        wid = sid * 2 + cid
        base = wid * EPW
        pltpu.sync_copy(row3.at[wid], idx)
        pltpu.sync_copy(zeros_hbm, acc_sh.at[pl.ds(sid * NPS, NPS)])
        plsc.subcore_barrier()

        def pair(k, carry):
            j0 = 2 * k
            j1 = 2 * k + 1
            cp0 = pltpu.async_copy(val_hbm.at[pl.ds(base + j0 * C, C)], vbuf0, lsem0)
            cp1 = pltpu.async_copy(val_hbm.at[pl.ds(base + j1 * C, C)], vbuf1, lsem1)
            cp0.wait()
            pltpu.sync_copy(vbuf0, acc_sh.at[idx.at[j0]], add=True)
            cp1.wait()
            pltpu.sync_copy(vbuf1, acc_sh.at[idx.at[j1]], add=True)
            return carry

        lax.fori_loop(0, NCH // 2, pair, 0)
        plsc.subcore_barrier()
        r = sid * NPS
        pltpu.sync_copy(acc_sh.at[pl.ds(r, NPS)], acc_o.at[cid, pl.ds(r, NPS)])

    params = None if tiled else pltpu.CompilerParams(use_tc_tiling_on_sc=False)
    mesh = plsc.VectorSubcoreMesh(core_axis_name="c", subcore_axis_name="s")
    fn = functools.partial(
        pl.kernel,
        out_type=jax.ShapeDtypeStruct((2, NP, width), f32),
        name=f"k3_{width}",
        mesh=mesh,
        scratch_types=[
            pltpu.VMEM((NCH, C), jnp.int32),
            pltpu.VMEM((C, width), f32),
            pltpu.VMEM((C, width), f32),
            pltpu.VMEM_SHARED((NP, width), f32),
            pltpu.SemaphoreType.DMA,
            pltpu.SemaphoreType.DMA,
        ],
        compiler_params=params,
    )(body)
    return fn


def _k2_body(ag_ref, bg_ref, zi_ref, zj_ref, fea_ref,
             wsf_ref, w2_ref, b2_ref, ow1_ref, ob1_ref, ow2_ref, ob2_ref,
             s1_ref, s2_ref, s3_ref, t1_ref, t2_ref, t3_ref, cnt_ref,
             msg_ref, tail_ref):
    zi = zi_ref[...]
    zj = zj_ref[...]
    t = (jnp.dot(zj, s1_ref[...], preferred_element_type=jnp.float32)
         * jnp.dot(zi, s2_ref[...], preferred_element_type=jnp.float32))
    scal = jnp.dot(t, s3_ref[...], preferred_element_type=jnp.float32)
    ss = jnp.sum(scal * scal, axis=1, keepdims=True)
    nrm = jnp.sqrt(ss)
    scal = scal * (1.0 / jnp.maximum(nrm, 1e-12))

    u = jnp.concatenate([scal, fea_ref[...]], axis=1)
    x = _silu(ag_ref[...] + bg_ref[...]
              + jnp.dot(u, wsf_ref[...], preferred_element_type=jnp.float32))
    msg = _silu(jnp.dot(x.astype(jnp.bfloat16), w2_ref[...],
                        preferred_element_type=jnp.float32) + b2_ref[...])

    y = _silu(jnp.dot(msg.astype(jnp.bfloat16), ow1_ref[...],
                      preferred_element_type=jnp.float32) + ob1_ref[...])
    vs = jnp.dot(y.astype(jnp.bfloat16), ow2_ref[...],
                 preferred_element_type=jnp.float32) + ob2_ref[...]

    t2 = (jnp.dot(zj, t1_ref[...], preferred_element_type=jnp.float32)
          * jnp.dot(vs, t2_ref[...], preferred_element_type=jnp.float32))
    vec = jnp.dot(t2, t3_ref[...], preferred_element_type=jnp.float32)

    msg_ref[...] = msg
    tail_ref[...] = vec + cnt_ref[...]


def _k2(half, ag, bg, zi, zj, fea, wsf, w2, b2, ow1, ob1, ow2, ob2):
    grid = EP2 // EBLK
    hoff = half * grid
    full = lambda i: (0, 0)
    blk = lambda i: (i, 0)
    fblk = lambda i: (i + hoff, 0)
    cnt = np.zeros((1, 16), np.float32)
    cnt[0, 9] = 1.0
    return pl.pallas_call(
        _k2_body,
        grid=(grid,),
        in_specs=[
            pl.BlockSpec((EBLK, H), blk),
            pl.BlockSpec((EBLK, H), blk),
            pl.BlockSpec((EBLK, 16), blk),
            pl.BlockSpec((EBLK, 16), blk),
            pl.BlockSpec((EBLK, 16), fblk),
            pl.BlockSpec((32, H), full),
            pl.BlockSpec((H, H), full),
            pl.BlockSpec((1, H), full),
            pl.BlockSpec((H, H), full),
            pl.BlockSpec((1, H), full),
            pl.BlockSpec((H, 16), full),
            pl.BlockSpec((1, 16), full),
            pl.BlockSpec((16, 32), full),
            pl.BlockSpec((16, 32), full),
            pl.BlockSpec((32, 16), full),
            pl.BlockSpec((16, 32), full),
            pl.BlockSpec((16, 32), full),
            pl.BlockSpec((32, 16), full),
            pl.BlockSpec((1, 16), full),
        ],
        out_specs=[
            pl.BlockSpec((EBLK, H), blk),
            pl.BlockSpec((EBLK, 16), blk),
        ],
        out_shape=[
            jax.ShapeDtypeStruct((EP2, H), jnp.float32),
            jax.ShapeDtypeStruct((EP2, 16), jnp.float32),
        ],
    )(ag, bg, zi, zj, fea, wsf, w2, b2, ow1, ob1, ow2, ob2,
      jnp.asarray(_S1), jnp.asarray(_S2), jnp.asarray(_S3),
      jnp.asarray(_T1), jnp.asarray(_T2), jnp.asarray(_T3),
      jnp.asarray(cnt))


def _k4_body(h_ref, accm0_ref, accm1_ref, accv0_ref, accv1_ref, vecp_ref,
             wn1a_ref, wn1b_ref, nb1_ref, wn2_ref, nb2_ref,
             hnew_ref, vout_ref):
    h = h_ref[...]
    tot = (accm0_ref[0] + accm0_ref[1]
           + accm1_ref[0] + accm1_ref[1])
    vsum = (accv0_ref[0] + accv0_ref[1]
            + accv1_ref[0] + accv1_ref[1])
    cnt = vsum[:, 9:10]
    recip = 1.0 / jnp.maximum(cnt, 1.0)
    vout_ref[...] = vsum * recip + vecp_ref[...]
    z = _silu(jnp.dot(h, wn1a_ref[...], preferred_element_type=jnp.float32)
              + jnp.dot(tot, wn1b_ref[...], preferred_element_type=jnp.float32)
              + nb1_ref[...])
    hnew_ref[...] = jnp.dot(z, wn2_ref[...], preferred_element_type=jnp.float32) + nb2_ref[...] + h


def _k4(hp, accm0, accm1, accv0, accv1, vecp, wn1a, wn1b, nb1, wn2, nb2):
    grid = NP // NBLK
    full = lambda i: (0, 0)
    return pl.pallas_call(
        _k4_body,
        grid=(grid,),
        in_specs=[
            pl.BlockSpec((NBLK, H), lambda i: (i, 0)),
            pl.BlockSpec((2, NBLK, H), lambda i: (0, i, 0)),
            pl.BlockSpec((2, NBLK, H), lambda i: (0, i, 0)),
            pl.BlockSpec((2, NBLK, 16), lambda i: (0, i, 0)),
            pl.BlockSpec((2, NBLK, 16), lambda i: (0, i, 0)),
            pl.BlockSpec((NBLK, 16), lambda i: (i, 0)),
            pl.BlockSpec((H, H), full),
            pl.BlockSpec((H, H), full),
            pl.BlockSpec((1, H), full),
            pl.BlockSpec((H, H), full),
            pl.BlockSpec((1, H), full),
        ],
        out_specs=[
            pl.BlockSpec((NBLK, H), lambda i: (i, 0)),
            pl.BlockSpec((NBLK, 16), lambda i: (i, 0)),
        ],
        out_shape=[
            jax.ShapeDtypeStruct((NP, H), jnp.float32),
            jax.ShapeDtypeStruct((NP, 16), jnp.float32),
        ],
    )(hp, accm0, accm1, accv0, accv1, vecp, wn1a, wn1b, nb1, wn2, nb2)


def kernel(vectors, h, edge_index, edge_fea,
           in_w1, in_b1, in_w2, in_b2,
           out_w1, out_b1, out_w2, out_b2,
           node_w1, node_b1, node_w2, node_b2):
    f32 = jnp.float32
    row = edge_index[0].astype(jnp.int32)
    col = edge_index[1].astype(jnp.int32)
    rowp = jnp.pad(row, (0, EP - E), constant_values=NP - 1)
    colp = jnp.pad(col, (0, EP - E))
    feap = jnp.pad(edge_fea.astype(f32), ((0, EP - E), (0, 16 - 4)))

    hp = jnp.pad(h.astype(f32), ((0, NP - N), (0, 0)))
    vecp = jnp.pad(vectors.astype(f32).reshape(N, V * V), ((0, NP - N), (0, 16 - V * V)))

    wr = in_w1[9:137]
    wc = in_w1[137:265]
    wsf = jnp.zeros((32, H), f32).at[0:9].set(in_w1[0:9]).at[16:20].set(in_w1[265:269])
    b1 = in_b1.reshape(1, H)

    A, B = _k0(hp, wr, wc, b1)

    row4 = rowp.reshape(2, NW, NCH, C)
    col4 = colp.reshape(2, NW, NCH, C)

    ow2p = jnp.zeros((H, 16), f32).at[:, :9].set(out_w2)
    ob2p = jnp.zeros((1, 16), f32).at[0, :9].set(out_b2)
    w2b = in_w2.astype(jnp.bfloat16)
    ow1b = out_w1.astype(jnp.bfloat16)
    ow2b = ow2p.astype(jnp.bfloat16)
    zm = jnp.zeros((NPS, H), f32)
    zv = jnp.zeros((NPS, 16), f32)
    k3m = _make_k3(H, True)
    k3v = _make_k3(16, False)

    accms = []
    accvs = []
    for hlf in range(2):
        ag, bg = _k1a(row4[hlf], col4[hlf], A, B)
        zi, zj = _k1v(row4[hlf], col4[hlf], vecp)
        msg, tail = _k2(hlf, ag, bg, zi, zj, feap,
                        wsf, w2b, in_b2.reshape(1, H),
                        ow1b, out_b1.reshape(1, H), ow2b, ob2p)
        accms.append(k3m(row4[hlf], msg, zm))
        accvs.append(k3v(row4[hlf], tail, zv))

    wn1a = node_w1[:H]
    wn1b = node_w1[H:]

    hnew, vout = _k4(hp, accms[0], accms[1], accvs[0], accvs[1], vecp,
                     wn1a, wn1b, node_b1.reshape(1, H),
                     node_w2, node_b2.reshape(1, H))

    return (vout[:N, :9].reshape(N, 3, V), hnew[:N])

# --- scband reference (transcript-rebuilt; emitter-appended) ---
"""Pipeline reference for scband-pooling-layer-31928786878581 (READ-ONLY COPY).

The authoritative reference and input builder live on the scoring server;
editing this copy changes nothing except your own understanding.
"""

import jax, jax.numpy as jnp
import numpy as np

N = 10000
E = 320000
V = 3
H = 128
T = 4
IN_DIM = V * V + 2 * H + T  # 9 + 256 + 4 = 269


def _linear_params(key, d_in, d_out):
    k1, k2 = jax.random.split(key)
    s = 1.0 / np.sqrt(d_in)
    w = jax.random.uniform(k1, (d_in, d_out), minval=-s, maxval=s, dtype=jnp.float32)
    b = jax.random.uniform(k2, (d_out,), minval=-s, maxval=s, dtype=jnp.float32)
    return w, b


def setup_inputs(seed: int = 0) -> dict:
    key = jax.random.key(seed)
    ks = jax.random.split(key, 12)
    vectors = jax.random.normal(ks[0], (N, 3, V), dtype=jnp.float32)
    h = jax.random.normal(ks[1], (N, H), dtype=jnp.float32)
    edge_index = jax.random.randint(ks[2], (2, E), 0, N, dtype=jnp.int64) if jax.config.jax_enable_x64 else jax.random.randint(ks[2], (2, E), 0, N, dtype=jnp.int32)
    edge_fea = jax.random.normal(ks[3], (E, T), dtype=jnp.float32)
    in_w1, in_b1 = _linear_params(ks[4], IN_DIM, H)
    in_w2, in_b2 = _linear_params(ks[5], H, H)
    out_w1, out_b1 = _linear_params(ks[6], H, H)
    out_w2, out_b2 = _linear_params(ks[7], H, V * V)
    node_w1, node_b1 = _linear_params(ks[8], 2 * H, H)
    node_w2, node_b2 = _linear_params(ks[9], H, H)
    return {
        "vectors": vectors, "h": h, "edge_index": edge_index, "edge_fea": edge_fea,
        "in_w1": in_w1, "in_b1": in_b1, "in_w2": in_w2, "in_b2": in_b2,
        "out_w1": out_w1, "out_b1": out_b1, "out_w2": out_w2, "out_b2": out_b2,
        "node_w1": node_w1, "node_b1": node_b1, "node_w2": node_w2, "node_b2": node_b2,
    }


def reference(vectors, h, edge_index, edge_fea,
              in_w1, in_b1, in_w2, in_b2,
              out_w1, out_b1, out_w2, out_b2,
              node_w1, node_b1, node_w2, node_b2):
    act = jax.nn.silu
    row = edge_index[0]
    col = edge_index[1]
    n_node = h.shape[0]

    # gather node features per edge
    hij = jnp.concatenate([h[row], h[col], edge_fea], axis=-1)  # [E, 2H+T]
    Zi = vectors[row]  # [E, 3, V]
    Zj = vectors[col]  # [E, 3, V]

    # scalar = Zj^T @ Zi  -> [E, V, V]
    scal = jnp.einsum('bji,bjk->bik', Zj, Zi)
    scal = scal.reshape(-1, V * V)
    nrm = jnp.linalg.norm(scal, axis=-1, keepdims=True)
    scal = scal / jnp.maximum(nrm, 1e-12)  # F.normalize p=2

    s = jnp.concatenate([scal, hij], axis=-1)  # [E, IN_DIM]
    x = act(s @ in_w1 + in_b1)
    message = act(x @ in_w2 + in_b2)  # [E, H]  (last_act=True)

    y = act(message @ out_w1 + out_b1)
    vec_scalar = y @ out_w2 + out_b2  # [E, V*V]
    vec_scalar = vec_scalar.reshape(-1, V, V)
    vector = jnp.einsum('bij,bjk->bik', Zj, vec_scalar)  # [E, 3, V]

    # mean aggregation of edge vectors to nodes
    vflat = vector.reshape(-1, 3 * V)
    seg = jax.ops.segment_sum(vflat, row, num_segments=n_node)
    cnt = jax.ops.segment_sum(jnp.ones((vflat.shape[0], 1), dtype=vflat.dtype), row, num_segments=n_node)
    vout = seg / jnp.maximum(cnt, 1.0)
    vout = vout.reshape(-1, 3, V) + vectors

    # sum aggregation of scalar messages
    tot_message = jax.ops.segment_sum(message, row, num_segments=n_node)
    node_message = jnp.concatenate([h, tot_message], axis=-1)  # [N, 2H]
    z = act(node_message @ node_w1 + node_b1)
    h_new = z @ node_w2 + node_b2 + h
    return (vout, h_new)

if __name__ == "__main__":
    import jax
    _d = setup_inputs()
    print(jax.jit(kernel)(*tuple(_d.values())))

</pallas_src>

<mosaic_0001>
#map = affine_map<(d0, d1) -> (0, 0, 0)>
#map1 = affine_map<(d0, d1) -> (0, 0)>
module attributes {stable_mosaic.version = 14 : i64} {
  func.func @_k1v_body(%arg0: i32, %arg1: i32, %arg2: memref<32x40x128xi32, #tpu.memory_space<hbm>>, %arg3: memref<32x40x128xi32, #tpu.memory_space<hbm>>, %arg4: memref<10240x16xf32, #tpu.memory_space<hbm>>, %arg5: memref<163840x16xf32, #tpu.memory_space<hbm>>, %arg6: memref<163840x16xf32, #tpu.memory_space<hbm>>, %arg7: memref<40x128xi32, #tpu.memory_space<vmem>>, %arg8: memref<40x128xi32, #tpu.memory_space<vmem>>, %arg9: memref<2x128x16xf32, #tpu.memory_space<vmem>>, %arg10: memref<2x128x16xf32, #tpu.memory_space<vmem>>, %arg11: memref<!tpu.dma_semaphore, #tpu.memory_space<semaphore_mem>>, %arg12: memref<!tpu.dma_semaphore, #tpu.memory_space<semaphore_mem>>, %arg13: memref<!tpu.dma_semaphore, #tpu.memory_space<semaphore_mem>>) attributes {dimension_semantics = [#tpu.dimension_semantics<core_parallel>, #tpu.dimension_semantics<subcore_parallel>], iteration_bounds = array<i64: 2, 16>, scalar_prefetch = 0 : i64, scratch_operands = 7 : i64, tpu.core_type = #tpu.core_type<sc_vector_subcore>, window_params = [{transform_indices = #map}, {transform_indices = #map}, {transform_indices = #map1}, {transform_indices = #map1}, {transform_indices = #map1}]} {
    %mul3A = arith.constant 2 : i32
    %mul3A_0 = arith.muli %arg1, %mul3A : i32
    %add3A = arith.addi %mul3A_0, %arg0 : i32
    %mul3A_1 = arith.constant 5120 : i32
    %mul3A_2 = arith.muli %add3A, %mul3A_1 : i32
    "tpu.region"() ({
      %run_scoped3A = tpu.sem_alloc : memref<!tpu.dma_semaphore, #tpu.memory_space<semaphore_mem>>
      %dma_start3A = arith.constant 0 : i32
      %dma_start3A_8 = arith.constant 0 : i32
      %dma_start3A_9 = tpu.memref_slice %arg2[%add3A, %dma_start3A, %dma_start3A_8] : memref<32x40x128xi32, #tpu.memory_space<hbm>> -> memref<1x40x128xi32, #tpu.memory_space<hbm>>
      %dma_start3A_10 = tpu.memref_squeeze %dma_start3A_9 : memref<1x40x128xi32, #tpu.memory_space<hbm>> -> memref<40x128xi32, #tpu.memory_space<hbm>>
      %dma_start3A_11 = arith.constant 0 : i32
      %dma_start3A_12 = arith.constant 0 : i32
      %dma_start3A_13 = tpu.memref_slice %arg2[%add3A, %dma_start3A_11, %dma_start3A_12] : memref<32x40x128xi32, #tpu.memory_space<hbm>> -> memref<1x40x128xi32, #tpu.memory_space<hbm>>
      %dma_start3A_14 = tpu.memref_squeeze %dma_start3A_13 : memref<1x40x128xi32, #tpu.memory_space<hbm>> -> memref<40x128xi32, #tpu.memory_space<hbm>>
      tpu.enqueue_dma source(%dma_start3A_14 : memref<40x128xi32, #tpu.memory_space<hbm>>) target(%arg7 : memref<40x128xi32, #tpu.memory_space<vmem>>) target_semaphore(%run_scoped3A : memref<!tpu.dma_semaphore, #tpu.memory_space<semaphore_mem>>)
      %dma_wait3A = arith.constant 0 : i32
      %dma_wait3A_15 = arith.constant 0 : i32
      %dma_wait3A_16 = tpu.memref_slice %arg2[%add3A, %dma_wait3A, %dma_wait3A_15] : memref<32x40x128xi32, #tpu.memory_space<hbm>> -> memref<1x40x128xi32, #tpu.memory_space<hbm>>
      %dma_wait3A_17 = tpu.memref_squeeze %dma_wait3A_16 : memref<1x40x128xi32, #tpu.memory_space<hbm>> -> memref<40x128xi32, #tpu.memory_space<hbm>>
      %dma_wait3A_18 = arith.constant 0 : i32
      %dma_wait3A_19 = arith.constant 0 : i32
      %dma_wait3A_20 = tpu.memref_slice %arg2[%add3A, %dma_wait3A_18, %dma_wait3A_19] : memref<32x40x128xi32, #tpu.memory_space<hbm>> -> memref<1x40x128xi32, #tpu.memory_space<hbm>>
      %dma_wait3A_21 = tpu.memref_squeeze %dma_wait3A_20 : memref<1x40x128xi32, #tpu.memory_space<hbm>> -> memref<40x128xi32, #tpu.memory_space<hbm>>
      tpu.wait_dma2 semaphore(%run_scoped3A : memref<!tpu.dma_semaphore, #tpu.memory_space<semaphore_mem>>) src(%dma_wait3A_21 : memref<40x128xi32, #tpu.memory_space<hbm>>) dst(%arg7 : memref<40x128xi32, #tpu.memory_space<vmem>>)
      tpu.yield
    }) : () -> ()
    "tpu.region"() ({
      %run_scoped3A = tpu.sem_alloc : memref<!tpu.dma_semaphore, #tpu.memory_space<semaphore_mem>>
      %dma_start3A = arith.constant 0 : i32
      %dma_start3A_8 = arith.constant 0 : i32
      %dma_start3A_9 = tpu.memref_slice %arg3[%add3A, %dma_start3A, %dma_start3A_8] : memref<32x40x128xi32, #tpu.memory_space<hbm>> -> memref<1x40x128xi32, #tpu.memory_space<hbm>>
      %dma_start3A_10 = tpu.memref_squeeze %dma_start3A_9 : memref<1x40x128xi32, #tpu.memory_space<hbm>> -> memref<40x128xi32, #tpu.memory_space<hbm>>
      %dma_start3A_11 = arith.constant 0 : i32
      %dma_start3A_12 = arith.constant 0 : i32
      %dma_start3A_13 = tpu.memref_slice %arg3[%add3A, %dma_start3A_11, %dma_start3A_12] : memref<32x40x128xi32, #tpu.memory_space<hbm>> -> memref<1x40x128xi32, #tpu.memory_space<hbm>>
      %dma_start3A_14 = tpu.memref_squeeze %dma_start3A_13 : memref<1x40x128xi32, #tpu.memory_space<hbm>> -> memref<40x128xi32, #tpu.memory_space<hbm>>
      tpu.enqueue_dma source(%dma_start3A_14 : memref<40x128xi32, #tpu.memory_space<hbm>>) target(%arg8 : memref<40x128xi32, #tpu.memory_space<vmem>>) target_semaphore(%run_scoped3A : memref<!tpu.dma_semaphore, #tpu.memory_space<semaphore_mem>>)
      %dma_wait3A = arith.constant 0 : i32
      %dma_wait3A_15 = arith.constant 0 : i32
      %dma_wait3A_16 = tpu.memref_slice %arg3[%add3A, %dma_wait3A, %dma_wait3A_15] : memref<32x40x128xi32, #tpu.memory_space<hbm>> -> memref<1x40x128xi32, #tpu.memory_space<hbm>>
      %dma_wait3A_17 = tpu.memref_squeeze %dma_wait3A_16 : memref<1x40x128xi32, #tpu.memory_space<hbm>> -> memref<40x128xi32, #tpu.memory_space<hbm>>
      %dma_wait3A_18 = arith.constant 0 : i32
      %dma_wait3A_19 = arith.constant 0 : i32
      %dma_wait3A_20 = tpu.memref_slice %arg3[%add3A, %dma_wait3A_18, %dma_wait3A_19] : memref<32x40x128xi32, #tpu.memory_space<hbm>> -> memref<1x40x128xi32, #tpu.memory_space<hbm>>
      %dma_wait3A_21 = tpu.memref_squeeze %dma_wait3A_20 : memref<1x40x128xi32, #tpu.memory_space<hbm>> -> memref<40x128xi32, #tpu.memory_space<hbm>>
      tpu.wait_dma2 semaphore(%run_scoped3A : memref<!tpu.dma_semaphore, #tpu.memory_space<semaphore_mem>>) src(%dma_wait3A_21 : memref<40x128xi32, #tpu.memory_space<hbm>>) dst(%arg8 : memref<40x128xi32, #tpu.memory_space<vmem>>)
      tpu.yield
    }) : () -> ()
    %scan3A = arith.constant 0 : i32
    %scan3A_3 = arith.constant 0 : i32
    %scan3A_4 = arith.constant 20 : i32
    %scan3A_5 = arith.addi %scan3A_3, %scan3A_4 : i32
    %scan3A_6 = arith.constant 1 : i32
    scf.for %scan3A_8 = %scan3A_3 to %scan3A_5 step %scan3A_6  : i32 {
      %mul3A_9 = arith.constant 2 : i32
      %mul3A_10 = arith.muli %mul3A_9, %scan3A_8 : i32
      %mul3A_11 = arith.constant 2 : i32
      %mul3A_12 = arith.muli %mul3A_11, %scan3A_8 : i32
      %add3A_13 = arith.constant 1 : i32
      %add3A_14 = arith.addi %mul3A_12, %add3A_13 : i32
      %dma_start3A = arith.constant 0 : i32
      %dma_start3A_15 = arith.constant 0 : i32
      %dma_start3A_16 = arith.constant 0 : i32
      %dma_start3A_17 = tpu.memref_slice %arg9[%dma_start3A, %dma_start3A_15, %dma_start3A_16] : memref<2x128x16xf32, #tpu.memory_space<vmem>> -> memref<1x128x16xf32, #tpu.memory_space<vmem>>
      %dma_start3A_18 = tpu.memref_squeeze %dma_start3A_17 : memref<1x128x16xf32, #tpu.memory_space<vmem>> -> memref<128x16xf32, #tpu.memory_space<vmem>>
      %dma_start3A_19 = arith.constant 0 : i32
      %dma_start3A_20 = tpu.memref_slice %arg7[%mul3A_10, %dma_start3A_19] : memref<40x128xi32, #tpu.memory_space<vmem>> -> memref<1x128xi32, #tpu.memory_space<vmem>>
      %dma_start3A_21 = tpu.memref_squeeze %dma_start3A_20 : memref<1x128xi32, #tpu.memory_space<vmem>> -> memref<128xi32, #tpu.memory_space<vmem>>
      %dma_start3A_22 = arith.constant 0 : i32
      %dma_start3A_23 = arith.constant 0 : i32
      %dma_start3A_24 = tpu.memref_slice %arg4[%dma_start3A_22, %dma_start3A_23] : memref<10240x16xf32, #tpu.memory_space<hbm>> -> memref<10240x16xf32, #tpu.memory_space<hbm>>
      tpu.enqueue_indirect_dma source(%dma_start3A_24 : memref<10240x16xf32, #tpu.memory_space<hbm>>) target(%dma_start3A_18 : memref<128x16xf32, #tpu.memory_space<vmem>>) offsets(%dma_start3A_21 : memref<128xi32, #tpu.memory_space<vmem>>) semaphore(%arg11 : memref<!tpu.dma_semaphore, #tpu.memory_space<semaphore_mem>>)
      %dma_start3A_25 = arith.constant 0 : i32
      %dma_start3A_26 = arith.constant 0 : i32
      %dma_start3A_27 = arith.constant 0 : i32
      %dma_start3A_28 = tpu.memref_slice %arg10[%dma_start3A_25, %dma_start3A_26, %dma_start3A_27] : memref<2x128x16xf32, #tpu.memory_space<vmem>> -> memref<1x128x16xf32, #tpu.memory_space<vmem>>
      %dma_start3A_29 = tpu.memref_squeeze %dma_start3A_28 : memref<1x128x16xf32, #tpu.memory_space<vmem>> -> memref<128x16xf32, #tpu.memory_space<vmem>>
      %dma_start3A_30 = arith.constant 0 : i32
      %dma_start3A_31 = tpu.memref_slice %arg8[%mul3A_10, %dma_start3A_30] : memref<40x128xi32, #tpu.memory_space<vmem>> -> memref<1x128xi32, #tpu.memory_space<vmem>>
      %dma_start3A_32 = tpu.memref_squeeze %dma_start3A_31 : memref<1x128xi32, #tpu.memory_space<vmem>> -> memref<128xi32, #tpu.memory_space<vmem>>
      %dma_start3A_33 = arith.constant 0 : i32
      %dma_start3A_34 = arith.constant 0 : i32
      %dma_start3A_35 = tpu.memref_slice %arg4[%dma_start3A_33, %dma_start3A_34] : memref<10240x16xf32, #tpu.memory_space<hbm>> -> memref<10240x16xf32, #tpu.memory_space<hbm>>
      tpu.enqueue_indirect_dma source(%dma_start3A_35 : memref<10240x16xf32, #tpu.memory_space<hbm>>) target(%dma_start3A_29 : memref<128x16xf32, #tpu.memory_space<vmem>>) offsets(%dma_start3A_32 : memref<128xi32, #tpu.memory_space<vmem>>) semaphore(%arg11 : memref<!tpu.dma_semaphore, #tpu.memory_space<semaphore_mem>>)
      %dma_start3A_36 = arith.constant 1 : i32
      %dma_start3A_37 = arith.constant 0 : i32
      %dma_start3A_38 = arith.constant 0 : i32
      %dma_start3A_39 = tpu.memref_slice %arg9[%dma_start3A_36, %dma_start3A_37, %dma_start3A_38] : memref<2x128x16xf32, #tpu.memory_space<vmem>> -> memref<1x128x16xf32, #tpu.memory_space<vmem>>
      %dma_start3A_40 = tpu.memref_squeeze %dma_start3A_39 : memref<1x128x16xf32, #tpu.memory_space<vmem>> -> memref<128x16xf32, #tpu.memory_space<vmem>>
      %dma_start3A_41 = arith.constant 0 : i32
      %dma_start3A_42 = tpu.memref_slice %arg7[%add3A_14, %dma_start3A_41] : memref<40x128xi32, #tpu.memory_space<vmem>> -> memref<1x128xi32, #tpu.memory_space<vmem>>
      %dma_start3A_43 = tpu.memref_squeeze %dma_start3A_42 : memref<1x128xi32, #tpu.memory_space<vmem>> -> memref<128xi32, #tpu.memory_space<vmem>>
      %dma_start3A_44 = arith.constant 0 : i32
      %dma_start3A_45 = arith.constant 0 : i32
      %dma_start3A_46 = tpu.memref_slice %arg4[%dma_start3A_44, %dma_start3A_45] : memref<10240x16xf32, #tpu.memory_space<hbm>> -> memref<10240x16xf32, #tpu.memory_space<hbm>>
      tpu.enqueue_indirect_dma source(%dma_start3A_46 : memref<10240x16xf32, #tpu.memory_space<hbm>>) target(%dma_start3A_40 : memref<128x16xf32, #tpu.memory_space<vmem>>) offsets(%dma_start3A_43 : memref<128xi32, #tpu.memory_space<vmem>>) semaphore(%arg12 : memref<!tpu.dma_semaphore, #tpu.memory_space<semaphore_mem>>)
      %dma_start3A_47 = arith.constant 1 : i32
      %dma_start3A_48 = arith.constant 0 : i32
      %dma_start3A_49 = arith.constant 0 : i32
      %dma_start3A_50 = tpu.memref_slice %arg10[%dma_start3A_47, %dma_start3A_48, %dma_start3A_49] : memref<2x128x16xf32, #tpu.memory_space<vmem>> -> memref<1x128x16xf32, #tpu.memory_space<vmem>>
      %dma_start3A_51 = tpu.memref_squeeze %dma_start3A_50 : memref<1x128x16xf32, #tpu.memory_space<vmem>> -> memref<128x16xf32, #tpu.memory_space<vmem>>
      %dma_start3A_52 = arith.constant 0 : i32
      %dma_start3A_53 = tpu.memref_slice %arg8[%add3A_14, %dma_start3A_52] : memref<40x128xi32, #tpu.memory_space<vmem>> -> memref<1x128xi32, #tpu.memory_space<vmem>>
      %dma_start3A_54 = tpu.memref_squeeze %dma_start3A_53 : memref<1x128xi32, #tpu.memory_space<vmem>> -> memref<128xi32, #tpu.memory_space<vmem>>
      %dma_start3A_55 = arith.constant 0 : i32
      %dma_start3A_56 = arith.constant 0 : i32
      %dma_start3A_57 = tpu.memref_slice %arg4[%dma_start3A_55, %dma_start3A_56] : memref<10240x16xf32, #tpu.memory_space<hbm>> -> memref<10240x16xf32, #tpu.memory_space<hbm>>
      tpu.enqueue_indirect_dma source(%dma_start3A_57 : memref<10240x16xf32, #tpu.memory_space<hbm>>) target(%dma_start3A_51 : memref<128x16xf32, #tpu.memory_space<vmem>>) offsets(%dma_start3A_54 : memref<128xi32, #tpu.memory_space<vmem>>) semaphore(%arg12 : memref<!tpu.dma_semaphore, #tpu.memory_space<semaphore_mem>>)
      %dma_wait3A = arith.constant 0 : i32
      %dma_wait3A_58 = arith.constant 0 : i32
      %dma_wait3A_59 = arith.constant 0 : i32
      %dma_wait3A_60 = tpu.memref_slice %arg9[%dma_wait3A, %dma_wait3A_58, %dma_wait3A_59] : memref<2x128x16xf32, #tpu.memory_space<vmem>> -> memref<1x128x16xf32, #tpu.memory_space<vmem>>
      %dma_wait3A_61 = tpu.memref_squeeze %dma_wait3A_60 : memref<1x128x16xf32, #tpu.memory_space<vmem>> -> memref<128x16xf32, #tpu.memory_space<vmem>>
      %dma_wait3A_62 = arith.constant 0 : i32
      %dma_wait3A_63 = tpu.memref_slice %arg7[%mul3A_10, %dma_wait3A_62] : memref<40x128xi32, #tpu.memory_space<vmem>> -> memref<1x128xi32, #tpu.memory_space<vmem>>
      %dma_wait3A_64 = tpu.memref_squeeze %dma_wait3A_63 : memref<1x128xi32, #tpu.memory_space<vmem>> -> memref<128xi32, #tpu.memory_space<vmem>>
      %dma_wait3A_65 = arith.constant 0 : i32
      %dma_wait3A_66 = arith.constant 0 : i32
      %dma_wait3A_67 = tpu.memref_slice %arg4[%dma_wait3A_65, %dma_wait3A_66] : memref<10240x16xf32, #tpu.memory_space<hbm>> -> memref<10240x16xf32, #tpu.memory_space<hbm>>
      tpu.wait_indirect_dma semaphore(%arg11 : memref<!tpu.dma_semaphore, #tpu.memory_space<semaphore_mem>>) src(%dma_wait3A_67 : memref<10240x16xf32, #tpu.memory_space<hbm>>) dst(%dma_wait3A_61 : memref<128x16xf32, #tpu.memory_space<vmem>>)
      %dma_wait3A_68 = arith.constant 0 : i32
      %dma_wait3A_69 = arith.constant 0 : i32
      %dma_wait3A_70 = arith.constant 0 : i32
      %dma_wait3A_71 = tpu.memref_slice %arg10[%dma_wait3A_68, %dma_wait3A_69, %dma_wait3A_70] : memref<2x128x16xf32, #tpu.memory_space<vmem>> -> memref<1x128x16xf32, #tpu.memory_space<vmem>>
      %dma_wait3A_72 = tpu.memref_squeeze %dma_wait3A_71 : memref<1x128x16xf32, #tpu.memory_space<vmem>> -> memref<128x16xf32, #tpu.memory_space<vmem>>
      %dma_wait3A_73 = arith.constant 0 : i32
      %dma_wait3A_74 = tpu.memref_slice %arg8[%mul3A_10, %dma_wait3A_73] : memref<40x128xi32, #tpu.memory_space<vmem>> -> memref<1x128xi32, #tpu.memory_space<vmem>>
      %dma_wait3A_75 = tpu.memref_squeeze %dma_wait3A_74 : memref<1x128xi32, #tpu.memory_space<vmem>> -> memref<128xi32, #tpu.memory_space<vmem>>
      %dma_wait3A_76 = arith.constant 0 : i32
      %dma_wait3A_77 = arith.constant 0 : i32
      %dma_wait3A_78 = tpu.memref_slice %arg4[%dma_wait3A_76, %dma_wait3A_77] : memref<10240x16xf32, #tpu.memory_space<hbm>> -> memref<10240x16xf32, #tpu.memory_space<hbm>>
      tpu.wait_indirect_dma semaphore(%arg11 : memref<!tpu.dma_semaphore, #tpu.memory_space<semaphore_mem>>) src(%dma_wait3A_78 : memref<10240x16xf32, #tpu.memory_space<hbm>>) dst(%dma_wait3A_72 : memref<128x16xf32, #tpu.memory_space<vmem>>)
      %mul3A_79 = arith.constant 128 : i32
      %mul3A_80 = arith.muli %mul3A_10, %mul3A_79 : i32
      %add3A_81 = arith.addi %mul3A_2, %mul3A_80 : i32
      %dma_start3A_82 = arith.constant 0 : i32
      %dma_start3A_83 = arith.constant 0 : i32
      %dma_start3A_84 = arith.constant 0 : i32
      %dma_start3A_85 = tpu.memref_slice %arg9[%dma_start3A_82, %dma_start3A_83, %dma_start3A_84] : memref<2x128x16xf32, #tpu.memory_space<vmem>> -> memref<1x128x16xf32, #tpu.memory_space<vmem>>
      %dma_start3A_86 = tpu.memref_squeeze %dma_start3A_85 : memref<1x128x16xf32, #tpu.memory_space<vmem>> -> memref<128x16xf32, #tpu.memory_space<vmem>>
      %dma_start3A_87 = arith.constant 0 : i32
      %dma_start3A_88 = tpu.memref_slice %arg5[%add3A_81, %dma_start3A_87] : memref<163840x16xf32, #tpu.memory_space<hbm>> -> memref<128x16xf32, #tpu.memory_space<hbm>>
      %dma_start3A_89 = arith.constant 0 : i32
      %dma_start3A_90 = tpu.memref_slice %arg5[%add3A_81, %dma_start3A_89] : memref<163840x16xf32, #tpu.memory_space<hbm>> -> memref<128x16xf32, #tpu.memory_space<hbm>>
      %dma_start3A_91 = arith.constant 0 : i32
      %dma_start3A_92 = arith.constant 0 : i32
      %dma_start3A_93 = tpu.memref_slice %arg9[%dma_start3A_82, %dma_start3A_91, %dma_start3A_92] : memref<2x128x16xf32, #tpu.memory_space<vmem>> -> memref<1x128x16xf32, #tpu.memory_space<vmem>>
      %dma_start3A_94 = tpu.memref_squeeze %dma_start3A_93 : memref<1x128x16xf32, #tpu.memory_space<vmem>> -> memref<128x16xf32, #tpu.memory_space<vmem>>
      tpu.enqueue_dma source(%dma_start3A_94 : memref<128x16xf32, #tpu.memory_space<vmem>>) target(%dma_start3A_90 : memref<128x16xf32, #tpu.memory_space<hbm>>) target_semaphore(%arg13 : memref<!tpu.dma_semaphore, #tpu.memory_space<semaphore_mem>>)
      %dma_start3A_95 = arith.constant 0 : i32
      %dma_start3A_96 = arith.constant 0 : i32
      %dma_start3A_97 = arith.constant 0 : i32
      %dma_start3A_98 = tpu.memref_slice %arg10[%dma_start3A_95, %dma_start3A_96, %dma_start3A_97] : memref<2x128x16xf32, #tpu.memory_space<vmem>> -> memref<1x128x16xf32, #tpu.memory_space<vmem>>
      %dma_start3A_99 = tpu.memref_squeeze %dma_start3A_98 : memref<1x128x16xf32, #tpu.memory_space<vmem>> -> memref<128x16xf32, #tpu.memory_space<vmem>>
      %dma_start3A_100 = arith.constant 0 : i32
      %dma_start3A_101 = tpu.memref_slice %arg6[%add3A_81, %dma_start3A_100] : memref<163840x16xf32, #tpu.memory_space<hbm>> -> memref<128x16xf32, #tpu.memory_space<hbm>>
      %dma_start3A_102 = arith.constant 0 : i32
      %dma_start3A_103 = tpu.memref_slice %arg6[%add3A_81, %dma_start3A_102] : memref<163840x16xf32, #tpu.memory_space<hbm>> -> memref<128x16xf32, #tpu.memory_space<hbm>>
      %dma_start3A_104 = arith.constant 0 : i32
      %dma_start3A_105 = arith.constant 0 : i32
      %dma_start3A_106 = tpu.memref_slice %arg10[%dma_start3A_95, %dma_start3A_104, %dma_start3A_105] : memref<2x128x16xf32, #tpu.memory_space<vmem>> -> memref<1x128x16xf32, #tpu.memory_space<vmem>>
      %dma_start3A_107 = tpu.memref_squeeze %dma_start3A_106 : memref<1x128x16xf32, #tpu.memory_space<vmem>> -> memref<128x16xf32, #tpu.memory_space<vmem>>
      tpu.enqueue_dma source(%dma_start3A_107 : memref<128x16xf32, #tpu.memory_space<vmem>>) target(%dma_start3A_103 : memref<128x16xf32, #tpu.memory_space<hbm>>) target_semaphore(%arg13 : memref<!tpu.dma_semaphore, #tpu.memory_space<semaphore_mem>>)
      %dma_wait3A_108 = arith.constant 1 : i32
      %dma_wait3A_109 = arith.constant 0 : i32
      %dma_wait3A_110 = arith.constant 0 : i32
      %dma_wait3A_111 = tpu.memref_slice %arg9[%dma_wait3A_108, %dma_wait3A_109, %dma_wait3A_110] : memref<2x128x16xf32, #tpu.memory_space<vmem>> -> memref<1x128x16xf32, #tpu.memory_space<vmem>>
      %dma_wait3A_112 = tpu.memref_squeeze %dma_wait3A_111 : memref<1x128x16xf32, #tpu.memory_space<vmem>> -> memref<128x16xf32, #tpu.memory_space<vmem>>
      %dma_wait3A_113 = arith.constant 0 : i32
      %dma_wait3A_114 = tpu.memref_slice %arg7[%add3A_14, %dma_wait3A_113] : memref<40x128xi32, #tpu.memory_space<vmem>> -> memref<1x128xi32, #tpu.memory_space<vmem>>
      %dma_wait3A_115 = tpu.memref_squeeze %dma_wait3A_114 : memref<1x128xi32, #tpu.memory_space<vmem>> -> memref<128xi32, #tpu.memory_space<vmem>>
      %dma_wait3A_116 = arith.constant 0 : i32
      %dma_wait3A_117 = arith.constant 0 : i32
      %dma_wait3A_118 = tpu.memref_slice %arg4[%dma_wait3A_116, %dma_wait3A_117] : memref<10240x16xf32, #tpu.memory_space<hbm>> -> memref<10240x16xf32, #tpu.memory_space<hbm>>
      tpu.wait_indirect_dma semaphore(%arg12 : memref<!tpu.dma_semaphore, #tpu.memory_space<semaphore_mem>>) src(%dma_wait3A_118 : memref<10240x16xf32, #tpu.memory_space<hbm>>) dst(%dma_wait3A_112 : memref<128x16xf32, #tpu.memory_space<vmem>>)
      %dma_wait3A_119 = arith.constant 1 : i32
      %dma_wait3A_120 = arith.constant 0 : i32
      %dma_wait3A_121 = arith.constant 0 : i32
      %dma_wait3A_122 = tpu.memref_slice %arg10[%dma_wait3A_119, %dma_wait3A_120, %dma_wait3A_121] : memref<2x128x16xf32, #tpu.memory_space<vmem>> -> memref<1x128x16xf32, #tpu.memory_space<vmem>>
      %dma_wait3A_123 = tpu.memref_squeeze %dma_wait3A_122 : memref<1x128x16xf32, #tpu.memory_space<vmem>> -> memref<128x16xf32, #tpu.memory_space<vmem>>
      %dma_wait3A_124 = arith.constant 0 : i32
      %dma_wait3A_125 = tpu.memref_slice %arg8[%add3A_14, %dma_wait3A_124] : memref<40x128xi32, #tpu.memory_space<vmem>> -> memref<1x128xi32, #tpu.memory_space<vmem>>
      %dma_wait3A_126 = tpu.memref_squeeze %dma_wait3A_125 : memref<1x128xi32, #tpu.memory_space<vmem>> -> memref<128xi32, #tpu.memory_space<vmem>>
      %dma_wait3A_127 = arith.constant 0 : i32
      %dma_wait3A_128 = arith.constant 0 : i32
      %dma_wait3A_129 = tpu.memref_slice %arg4[%dma_wait3A_127, %dma_wait3A_128] : memref<10240x16xf32, #tpu.memory_space<hbm>> -> memref<10240x16xf32, #tpu.memory_space<hbm>>
      tpu.wait_indirect_dma semaphore(%arg12 : memref<!tpu.dma_semaphore, #tpu.memory_space<semaphore_mem>>) src(%dma_wait3A_129 : memref<10240x16xf32, #tpu.memory_space<hbm>>) dst(%dma_wait3A_123 : memref<128x16xf32, #tpu.memory_space<vmem>>)
      %mul3A_130 = arith.constant 128 : i32
      %mul3A_131 = arith.muli %add3A_14, %mul3A_130 : i32
      %add3A_132 = arith.addi %mul3A_2, %mul3A_131 : i32
      %dma_start3A_133 = arith.constant 1 : i32
      %dma_start3A_134 = arith.constant 0 : i32
      %dma_start3A_135 = arith.constant 0 : i32
      %dma_start3A_136 = tpu.memref_slice %arg9[%dma_start3A_133, %dma_start3A_134, %dma_start3A_135] : memref<2x128x16xf32, #tpu.memory_space<vmem>> -> memref<1x128x16xf32, #tpu.memory_space<vmem>>
      %dma_start3A_137 = tpu.memref_squeeze %dma_start3A_136 : memref<1x128x16xf32, #tpu.memory_space<vmem>> -> memref<128x16xf32, #tpu.memory_space<vmem>>
      %dma_start3A_138 = arith.constant 0 : i32
      %dma_start3A_139 = tpu.memref_slice %arg5[%add3A_132, %dma_start3A_138] : memref<163840x16xf32, #tpu.memory_space<hbm>> -> memref<128x16xf32, #tpu.memory_space<hbm>>
      %dma_start3A_140 = arith.constant 0 : i32
      %dma_start3A_141 = tpu.memref_slice %arg5[%add3A_132, %dma_start3A_140] : memref<163840x16xf32, #tpu.memory_space<hbm>> -> memref<128x16xf32, #tpu.memory_space<hbm>>
      %dma_start3A_142 = arith.constant 0 : i32
      %dma_start3A_143 = arith.constant 0 : i32
      %dma_start3A_144 = tpu.memref_slice %arg9[%dma_start3A_133, %dma_start3A_142, %dma_start3A_143] : memref<2x128x16xf32, #tpu.memory_space<vmem>> -> memref<1x128x16xf32, #tpu.memory_space<vmem>>
      %dma_start3A_145 = tpu.memref_squeeze %dma_start3A_144 : memref<1x128x16xf32, #tpu.memory_space<vmem>> -> memref<128x16xf32, #tpu.memory_space<vmem>>
      tpu.enqueue_dma source(%dma_start3A_145 : memref<128x16xf32, #tpu.memory_space<vmem>>) target(%dma_start3A_141 : memref<128x16xf32, #tpu.memory_space<hbm>>) target_semaphore(%arg13 : memref<!tpu.dma_semaphore, #tpu.memory_space<semaphore_mem>>)
      %dma_start3A_146 = arith.constant 1 : i32
      %dma_start3A_147 = arith.constant 0 : i32
      %dma_start3A_148 = arith.constant 0 : i32
      %dma_start3A_149 = tpu.memref_slice %arg10[%dma_start3A_146, %dma_start3A_147, %dma_start3A_148] : memref<2x128x16xf32, #tpu.memory_space<vmem>> -> memref<1x128x16xf32, #tpu.memory_space<vmem>>
      %dma_start3A_150 = tpu.memref_squeeze %dma_start3A_149 : memref<1x128x16xf32, #tpu.memory_space<vmem>> -> memref<128x16xf32, #tpu.memory_space<vmem>>
      %dma_start3A_151 = arith.constant 0 : i32
      %dma_start3A_152 = tpu.memref_slice %arg6[%add3A_132, %dma_start3A_151] : memref<163840x16xf32, #tpu.memory_space<hbm>> -> memref<128x16xf32, #tpu.memory_space<hbm>>
      %dma_start3A_153 = arith.constant 0 : i32
      %dma_start3A_154 = tpu.memref_slice %arg6[%add3A_132, %dma_start3A_153] : memref<163840x16xf32, #tpu.memory_space<hbm>> -> memref<128x16xf32, #tpu.memory_space<hbm>>
      %dma_start3A_155 = arith.constant 0 : i32
      %dma_start3A_156 = arith.constant 0 : i32
      %dma_start3A_157 = tpu.memref_slice %arg10[%dma_start3A_146, %dma_start3A_155, %dma_start3A_156] : memref<2x128x16xf32, #tpu.memory_space<vmem>> -> memref<1x128x16xf32, #tpu.memory_space<vmem>>
      %dma_start3A_158 = tpu.memref_squeeze %dma_start3A_157 : memref<1x128x16xf32, #tpu.memory_space<vmem>> -> memref<128x16xf32, #tpu.memory_space<vmem>>
      tpu.enqueue_dma source(%dma_start3A_158 : memref<128x16xf32, #tpu.memory_space<vmem>>) target(%dma_start3A_154 : memref<128x16xf32, #tpu.memory_space<hbm>>) target_semaphore(%arg13 : memref<!tpu.dma_semaphore, #tpu.memory_space<semaphore_mem>>)
      %dma_wait3A_159 = arith.constant 0 : i32
      %dma_wait3A_160 = arith.constant 0 : i32
      %dma_wait3A_161 = arith.constant 0 : i32
      %dma_wait3A_162 = tpu.memref_slice %arg9[%dma_wait3A_159, %dma_wait3A_160, %dma_wait3A_161] : memref<2x128x16xf32, #tpu.memory_space<vmem>> -> memref<1x128x16xf32, #tpu.memory_space<vmem>>
      %dma_wait3A_163 = tpu.memref_squeeze %dma_wait3A_162 : memref<1x128x16xf32, #tpu.memory_space<vmem>> -> memref<128x16xf32, #tpu.memory_space<vmem>>
      %dma_wait3A_164 = arith.constant 0 : i32
      %dma_wait3A_165 = tpu.memref_slice %arg5[%add3A_81, %dma_wait3A_164] : memref<163840x16xf32, #tpu.memory_space<hbm>> -> memref<128x16xf32, #tpu.memory_space<hbm>>
      %dma_wait3A_166 = arith.constant 0 : i32
      %dma_wait3A_167 = tpu.memref_slice %arg5[%add3A_81, %dma_wait3A_166] : memref<163840x16xf32, #tpu.memory_space<hbm>> -> memref<128x16xf32, #tpu.memory_space<hbm>>
      %dma_wait3A_168 = arith.constant 0 : i32
      %dma_wait3A_169 = arith.constant 0 : i32
      %dma_wait3A_170 = tpu.memref_slice %arg9[%dma_wait3A_159, %dma_wait3A_168, %dma_wait3A_169] : memref<2x128x16xf32, #tpu.memory_space<vmem>> -> memref<1x128x16xf32, #tpu.memory_space<vmem>>
      %dma_wait3A_171 = tpu.memref_squeeze %dma_wait3A_170 : memref<1x128x16xf32, #tpu.memory_space<vmem>> -> memref<128x16xf32, #tpu.memory_space<vmem>>
      tpu.wait_dma2 semaphore(%arg13 : memref<!tpu.dma_semaphore, #tpu.memory_space<semaphore_mem>>) src(%dma_wait3A_171 : memref<128x16xf32, #tpu.memory_space<vmem>>) dst(%dma_wait3A_167 : memref<128x16xf32, #tpu.memory_space<hbm>>)
      %dma_wait3A_172 = arith.constant 0 : i32
      %dma_wait3A_173 = arith.constant 0 : i32
      %dma_wait3A_174 = arith.constant 0 : i32
      %dma_wait3A_175 = tpu.memref_slice %arg10[%dma_wait3A_172, %dma_wait3A_173, %dma_wait3A_174] : memref<2x128x16xf32, #tpu.memory_space<vmem>> -> memref<1x128x16xf32, #tpu.memory_space<vmem>>
      %dma_wait3A_176 = tpu.memref_squeeze %dma_wait3A_175 : memref<1x128x16xf32, #tpu.memory_space<vmem>> -> memref<128x16xf32, #tpu.memory_space<vmem>>
      %dma_wait3A_177 = arith.constant 0 : i32
      %dma_wait3A_178 = tpu.memref_slice %arg6[%add3A_81, %dma_wait3A_177] : memref<163840x16xf32, #tpu.memory_space<hbm>> -> memref<128x16xf32, #tpu.memory_space<hbm>>
      %dma_wait3A_179 = arith.constant 0 : i32
      %dma_wait3A_180 = tpu.memref_slice %arg6[%add3A_81, %dma_wait3A_179] : memref<163840x16xf32, #tpu.memory_space<hbm>> -> memref<128x16xf32, #tpu.memory_space<hbm>>
      %dma_wait3A_181 = arith.constant 0 : i32
      %dma_wait3A_182 = arith.constant 0 : i32
      %dma_wait3A_183 = tpu.memref_slice %arg10[%dma_wait3A_172, %dma_wait3A_181, %dma_wait3A_182] : memref<2x128x16xf32, #tpu.memory_space<vmem>> -> memref<1x128x16xf32, #tpu.memory_space<vmem>>
      %dma_wait3A_184 = tpu.memref_squeeze %dma_wait3A_183 : memref<1x128x16xf32, #tpu.memory_space<vmem>> -> memref<128x16xf32, #tpu.memory_space<vmem>>
      tpu.wait_dma2 semaphore(%arg13 : memref<!tpu.dma_semaphore, #tpu.memory_space<semaphore_mem>>) src(%dma_wait3A_184 : memref<128x16xf32, #tpu.memory_space<vmem>>) dst(%dma_wait3A_180 : memref<128x16xf32, #tpu.memory_space<hbm>>)
      %dma_wait3A_185 = arith.constant 1 : i32
      %dma_wait3A_186 = arith.constant 0 : i32
      %dma_wait3A_187 = arith.constant 0 : i32
      %dma_wait3A_188 = tpu.memref_slice %arg9[%dma_wait3A_185, %dma_wait3A_186, %dma_wait3A_187] : memref<2x128x16xf32, #tpu.memory_space<vmem>> -> memref<1x128x16xf32, #tpu.memory_space<vmem>>
      %dma_wait3A_189 = tpu.memref_squeeze %dma_wait3A_188 : memref<1x128x16xf32, #tpu.memory_space<vmem>> -> memref<128x16xf32, #tpu.memory_space<vmem>>
      %dma_wait3A_190 = arith.constant 0 : i32
      %dma_wait3A_191 = tpu.memref_slice %arg5[%add3A_132, %dma_wait3A_190] : memref<163840x16xf32, #tpu.memory_space<hbm>> -> memref<128x16xf32, #tpu.memory_space<hbm>>
      %dma_wait3A_192 = arith.constant 0 : i32
      %dma_wait3A_193 = tpu.memref_slice %arg5[%add3A_132, %dma_wait3A_192] : memref<163840x16xf32, #tpu.memory_space<hbm>> -> memref<128x16xf32, #tpu.memory_space<hbm>>
      %dma_wait3A_194 = arith.constant 0 : i32
      %dma_wait3A_195 = arith.constant 0 : i32
      %dma_wait3A_196 = tpu.memref_slice %arg9[%dma_wait3A_185, %dma_wait3A_194, %dma_wait3A_195] : memref<2x128x16xf32, #tpu.memory_space<vmem>> -> memref<1x128x16xf32, #tpu.memory_space<vmem>>
      %dma_wait3A_197 = tpu.memref_squeeze %dma_wait3A_196 : memref<1x128x16xf32, #tpu.memory_space<vmem>> -> memref<128x16xf32, #tpu.memory_space<vmem>>
      tpu.wait_dma2 semaphore(%arg13 : memref<!tpu.dma_semaphore, #tpu.memory_space<semaphore_mem>>) src(%dma_wait3A_197 : memref<128x16xf32, #tpu.memory_space<vmem>>) dst(%dma_wait3A_193 : memref<128x16xf32, #tpu.memory_space<hbm>>)
      %dma_wait3A_198 = arith.constant 1 : i32
      %dma_wait3A_199 = arith.constant 0 : i32
      %dma_wait3A_200 = arith.constant 0 : i32
      %dma_wait3A_201 = tpu.memref_slice %arg10[%dma_wait3A_198, %dma_wait3A_199, %dma_wait3A_200] : memref<2x128x16xf32, #tpu.memory_space<vmem>> -> memref<1x128x16xf32, #tpu.memory_space<vmem>>
      %dma_wait3A_202 = tpu.memref_squeeze %dma_wait3A_201 : memref<1x128x16xf32, #tpu.memory_space<vmem>> -> memref<128x16xf32, #tpu.memory_space<vmem>>
      %dma_wait3A_203 = arith.constant 0 : i32
      %dma_wait3A_204 = tpu.memref_slice %arg6[%add3A_132, %dma_wait3A_203] : memref<163840x16xf32, #tpu.memory_space<hbm>> -> memref<128x16xf32, #tpu.memory_space<hbm>>
      %dma_wait3A_205 = arith.constant 0 : i32
      %dma_wait3A_206 = tpu.memref_slice %arg6[%add3A_132, %dma_wait3A_205] : memref<163840x16xf32, #tpu.memory_space<hbm>> -> memref<128x16xf32, #tpu.memory_space<hbm>>
      %dma_wait3A_207 = arith.constant 0 : i32
      %dma_wait3A_208 = arith.constant 0 : i32
      %dma_wait3A_209 = tpu.memref_slice %arg10[%dma_wait3A_198, %dma_wait3A_207, %dma_wait3A_208] : memref<2x128x16xf32, #tpu.memory_space<vmem>> -> memref<1x128x16xf32, #tpu.memory_space<vmem>>
      %dma_wait3A_210 = tpu.memref_squeeze %dma_wait3A_209 : memref<1x128x16xf32, #tpu.memory_space<vmem>> -> memref<128x16xf32, #tpu.memory_space<vmem>>
      tpu.wait_dma2 semaphore(%arg13 : memref<!tpu.dma_semaphore, #tpu.memory_space<semaphore_mem>>) src(%dma_wait3A_210 : memref<128x16xf32, #tpu.memory_space<vmem>>) dst(%dma_wait3A_206 : memref<128x16xf32, #tpu.memory_space<hbm>>)
    }
    %scan3A_7 = arith.constant 20 : i32
    return
  }
}

#map = affine_map<(d0, d1) -> (0, 0, 0)>
#map1 = affine_map<(d0, d1) -> (0, 0)>
module attributes {stable_mosaic.version = 14 : i64} {
  func.func @_k1a_body(%arg0: i32, %arg1: i32, %arg2: memref<32x40x128xi32, #tpu.memory_space<hbm>>, %arg3: memref<32x40x128xi32, #tpu.memory_space<hbm>>, %arg4: memref<10240x128xf32, #tpu.memory_space<hbm>>, %arg5: memref<10240x128xf32, #tpu.memory_space<hbm>>, %arg6: memref<163840x128xf32, #tpu.memory_space<hbm>>, %arg7: memref<163840x128xf32, #tpu.memory_space<hbm>>, %arg8: memref<40x128xi32, #tpu.memory_space<vmem>>, %arg9: memref<40x128xi32, #tpu.memory_space<vmem>>, %arg10: memref<2x128x128xf32, #tpu.memory_space<vmem>>, %arg11: memref<2x128x128xf32, #tpu.memory_space<vmem>>, %arg12: memref<!tpu.dma_semaphore, #tpu.memory_space<semaphore_mem>>, %arg13: memref<!tpu.dma_semaphore, #tpu.memory_space<semaphore_mem>>, %arg14: memref<!tpu.dma_semaphore, #tpu.memory_space<semaphore_mem>>) attributes {dimension_semantics = [#tpu.dimension_semantics<core_parallel>, #tpu.dimension_semantics<subcore_parallel>], iteration_bounds = array<i64: 2, 16>, scalar_prefetch = 0 : i64, scratch_operands = 7 : i64, tpu.core_type = #tpu.core_type<sc_vector_subcore>, window_params = [{transform_indices = #map}, {transform_indices = #map}, {transform_indices = #map1}, {transform_indices = #map1}, {transform_indices = #map1}, {transform_indices = #map1}]} {
    %mul3A = arith.constant 2 : i32
    %mul3A_0 = arith.muli %arg1, %mul3A : i32
    %add3A = arith.addi %mul3A_0, %arg0 : i32
    %mul3A_1 = arith.constant 5120 : i32
    %mul3A_2 = arith.muli %add3A, %mul3A_1 : i32
    "tpu.region"() ({
      %run_scoped3A = tpu.sem_alloc : memref<!tpu.dma_semaphore, #tpu.memory_space<semaphore_mem>>
      %dma_start3A = arith.constant 0 : i32
      %dma_start3A_8 = arith.constant 0 : i32
      %dma_start3A_9 = tpu.memref_slice %arg2[%add3A, %dma_start3A, %dma_start3A_8] : memref<32x40x128xi32, #tpu.memory_space<hbm>> -> memref<1x40x128xi32, #tpu.memory_space<hbm>>
      %dma_start3A_10 = tpu.memref_squeeze %dma_start3A_9 : memref<1x40x128xi32, #tpu.memory_space<hbm>> -> memref<40x128xi32, #tpu.memory_space<hbm>>
      %dma_start3A_11 = arith.constant 0 : i32
      %dma_start3A_12 = arith.constant 0 : i32
      %dma_start3A_13 = tpu.memref_slice %arg2[%add3A, %dma_start3A_11, %dma_start3A_12] : memref<32x40x128xi32, #tpu.memory_space<hbm>> -> memref<1x40x128xi32, #tpu.memory_space<hbm>>
      %dma_start3A_14 = tpu.memref_squeeze %dma_start3A_13 : memref<1x40x128xi32, #tpu.memory_space<hbm>> -> memref<40x128xi32, #tpu.memory_space<hbm>>
      tpu.enqueue_dma source(%dma_start3A_14 : memref<40x128xi32, #tpu.memory_space<hbm>>) target(%arg8 : memref<40x128xi32, #tpu.memory_space<vmem>>) target_semaphore(%run_scoped3A : memref<!tpu.dma_semaphore, #tpu.memory_space<semaphore_mem>>)
      %dma_wait3A = arith.constant 0 : i32
      %dma_wait3A_15 = arith.constant 0 : i32
      %dma_wait3A_16 = tpu.memref_slice %arg2[%add3A, %dma_wait3A, %dma_wait3A_15] : memref<32x40x128xi32, #tpu.memory_space<hbm>> -> memref<1x40x128xi32, #tpu.memory_space<hbm>>
      %dma_wait3A_17 = tpu.memref_squeeze %dma_wait3A_16 : memref<1x40x128xi32, #tpu.memory_space<hbm>> -> memref<40x128xi32, #tpu.memory_space<hbm>>
      %dma_wait3A_18 = arith.constant 0 : i32
      %dma_wait3A_19 = arith.constant 0 : i32
      %dma_wait3A_20 = tpu.memref_slice %arg2[%add3A, %dma_wait3A_18, %dma_wait3A_19] : memref<32x40x128xi32, #tpu.memory_space<hbm>> -> memref<1x40x128xi32, #tpu.memory_space<hbm>>
      %dma_wait3A_21 = tpu.memref_squeeze %dma_wait3A_20 : memref<1x40x128xi32, #tpu.memory_space<hbm>> -> memref<40x128xi32, #tpu.memory_space<hbm>>
      tpu.wait_dma2 semaphore(%run_scoped3A : memref<!tpu.dma_semaphore, #tpu.memory_space<semaphore_mem>>) src(%dma_wait3A_21 : memref<40x128xi32, #tpu.memory_space<hbm>>) dst(%arg8 : memref<40x128xi32, #tpu.memory_space<vmem>>)
      tpu.yield
    }) : () -> ()
    "tpu.region"() ({
      %run_scoped3A = tpu.sem_alloc : memref<!tpu.dma_semaphore, #tpu.memory_space<semaphore_mem>>
      %dma_start3A = arith.constant 0 : i32
      %dma_start3A_8 = arith.constant 0 : i32
      %dma_start3A_9 = tpu.memref_slice %arg3[%add3A, %dma_start3A, %dma_start3A_8] : memref<32x40x128xi32, #tpu.memory_space<hbm>> -> memref<1x40x128xi32, #tpu.memory_space<hbm>>
      %dma_start3A_10 = tpu.memref_squeeze %dma_start3A_9 : memref<1x40x128xi32, #tpu.memory_space<hbm>> -> memref<40x128xi32, #tpu.memory_space<hbm>>
      %dma_start3A_11 = arith.constant 0 : i32
      %dma_start3A_12 = arith.constant 0 : i32
      %dma_start3A_13 = tpu.memref_slice %arg3[%add3A, %dma_start3A_11, %dma_start3A_12] : memref<32x40x128xi32, #tpu.memory_space<hbm>> -> memref<1x40x128xi32, #tpu.memory_space<hbm>>
      %dma_start3A_14 = tpu.memref_squeeze %dma_start3A_13 : memref<1x40x128xi32, #tpu.memory_space<hbm>> -> memref<40x128xi32, #tpu.memory_space<hbm>>
      tpu.enqueue_dma source(%dma_start3A_14 : memref<40x128xi32, #tpu.memory_space<hbm>>) target(%arg9 : memref<40x128xi32, #tpu.memory_space<vmem>>) target_semaphore(%run_scoped3A : memref<!tpu.dma_semaphore, #tpu.memory_space<semaphore_mem>>)
      %dma_wait3A = arith.constant 0 : i32
      %dma_wait3A_15 = arith.constant 0 : i32
      %dma_wait3A_16 = tpu.memref_slice %arg3[%add3A, %dma_wait3A, %dma_wait3A_15] : memref<32x40x128xi32, #tpu.memory_space<hbm>> -> memref<1x40x128xi32, #tpu.memory_space<hbm>>
      %dma_wait3A_17 = tpu.memref_squeeze %dma_wait3A_16 : memref<1x40x128xi32, #tpu.memory_space<hbm>> -> memref<40x128xi32, #tpu.memory_space<hbm>>
      %dma_wait3A_18 = arith.constant 0 : i32
      %dma_wait3A_19 = arith.constant 0 : i32
      %dma_wait3A_20 = tpu.memref_slice %arg3[%add3A, %dma_wait3A_18, %dma_wait3A_19] : memref<32x40x128xi32, #tpu.memory_space<hbm>> -> memref<1x40x128xi32, #tpu.memory_space<hbm>>
      %dma_wait3A_21 = tpu.memref_squeeze %dma_wait3A_20 : memref<1x40x128xi32, #tpu.memory_space<hbm>> -> memref<40x128xi32, #tpu.memory_space<hbm>>
      tpu.wait_dma2 semaphore(%run_scoped3A : memref<!tpu.dma_semaphore, #tpu.memory_space<semaphore_mem>>) src(%dma_wait3A_21 : memref<40x128xi32, #tpu.memory_space<hbm>>) dst(%arg9 : memref<40x128xi32, #tpu.memory_space<vmem>>)
      tpu.yield
    }) : () -> ()
    %scan3A = arith.constant 0 : i32
    %scan3A_3 = arith.constant 0 : i32
    %scan3A_4 = arith.constant 20 : i32
    %scan3A_5 = arith.addi %scan3A_3, %scan3A_4 : i32
    %scan3A_6 = arith.constant 1 : i32
    scf.for %scan3A_8 = %scan3A_3 to %scan3A_5 step %scan3A_6  : i32 {
      %mul3A_9 = arith.constant 2 : i32
      %mul3A_10 = arith.muli %mul3A_9, %scan3A_8 : i32
      %mul3A_11 = arith.constant 2 : i32
      %mul3A_12 = arith.muli %mul3A_11, %scan3A_8 : i32
      %add3A_13 = arith.constant 1 : i32
      %add3A_14 = arith.addi %mul3A_12, %add3A_13 : i32
      %dma_start3A = arith.constant 0 : i32
      %dma_start3A_15 = arith.constant 0 : i32
      %dma_start3A_16 = arith.constant 0 : i32
      %dma_start3A_17 = tpu.memref_slice %arg10[%dma_start3A, %dma_start3A_15, %dma_start3A_16] : memref<2x128x128xf32, #tpu.memory_space<vmem>> -> memref<1x128x128xf32, #tpu.memory_space<vmem>>
      %dma_start3A_18 = tpu.memref_squeeze %dma_start3A_17 : memref<1x128x128xf32, #tpu.memory_space<vmem>> -> memref<128x128xf32, #tpu.memory_space<vmem>>
      %dma_start3A_19 = arith.constant 0 : i32
      %dma_start3A_20 = tpu.memref_slice %arg8[%mul3A_10, %dma_start3A_19] : memref<40x128xi32, #tpu.memory_space<vmem>> -> memref<1x128xi32, #tpu.memory_space<vmem>>
      %dma_start3A_21 = tpu.memref_squeeze %dma_start3A_20 : memref<1x128xi32, #tpu.memory_space<vmem>> -> memref<128xi32, #tpu.memory_space<vmem>>
      %dma_start3A_22 = arith.constant 0 : i32
      %dma_start3A_23 = arith.constant 0 : i32
      %dma_start3A_24 = tpu.memref_slice %arg4[%dma_start3A_22, %dma_start3A_23] : memref<10240x128xf32, #tpu.memory_space<hbm>> -> memref<10240x128xf32, #tpu.memory_space<hbm>>
      tpu.enqueue_indirect_dma source(%dma_start3A_24 : memref<10240x128xf32, #tpu.memory_space<hbm>>) target(%dma_start3A_18 : memref<128x128xf32, #tpu.memory_space<vmem>>) offsets(%dma_start3A_21 : memref<128xi32, #tpu.memory_space<vmem>>) semaphore(%arg12 : memref<!tpu.dma_semaphore, #tpu.memory_space<semaphore_mem>>)
      %dma_start3A_25 = arith.constant 0 : i32
      %dma_start3A_26 = arith.constant 0 : i32
      %dma_start3A_27 = arith.constant 0 : i32
      %dma_start3A_28 = tpu.memref_slice %arg11[%dma_start3A_25, %dma_start3A_26, %dma_start3A_27] : memref<2x128x128xf32, #tpu.memory_space<vmem>> -> memref<1x128x128xf32, #tpu.memory_space<vmem>>
      %dma_start3A_29 = tpu.memref_squeeze %dma_start3A_28 : memref<1x128x128xf32, #tpu.memory_space<vmem>> -> memref<128x128xf32, #tpu.memory_space<vmem>>
      %dma_start3A_30 = arith.constant 0 : i32
      %dma_start3A_31 = tpu.memref_slice %arg9[%mul3A_10, %dma_start3A_30] : memref<40x128xi32, #tpu.memory_space<vmem>> -> memref<1x128xi32, #tpu.memory_space<vmem>>
      %dma_start3A_32 = tpu.memref_squeeze %dma_start3A_31 : memref<1x128xi32, #tpu.memory_space<vmem>> -> memref<128xi32, #tpu.memory_space<vmem>>
      %dma_start3A_33 = arith.constant 0 : i32
      %dma_start3A_34 = arith.constant 0 : i32
      %dma_start3A_35 = tpu.memref_slice %arg5[%dma_start3A_33, %dma_start3A_34] : memref<10240x128xf32, #tpu.memory_space<hbm>> -> memref<10240x128xf32, #tpu.memory_space<hbm>>
      tpu.enqueue_indirect_dma source(%dma_start3A_35 : memref<10240x128xf32, #tpu.memory_space<hbm>>) target(%dma_start3A_29 : memref<128x128xf32, #tpu.memory_space<vmem>>) offsets(%dma_start3A_32 : memref<128xi32, #tpu.memory_space<vmem>>) semaphore(%arg12 : memref<!tpu.dma_semaphore, #tpu.memory_space<semaphore_mem>>)
      %dma_start3A_36 = arith.constant 1 : i32
      %dma_start3A_37 = arith.constant 0 : i32
      %dma_start3A_38 = arith.constant 0 : i32
      %dma_start3A_39 = tpu.memref_slice %arg10[%dma_start3A_36, %dma_start3A_37, %dma_start3A_38] : memref<2x128x128xf32, #tpu.memory_space<vmem>> -> memref<1x128x128xf32, #tpu.memory_space<vmem>>
      %dma_start3A_40 = tpu.memref_squeeze %dma_start3A_39 : memref<1x128x128xf32, #tpu.memory_space<vmem>> -> memref<128x128xf32, #tpu.memory_space<vmem>>
      %dma_start3A_41 = arith.constant 0 : i32
      %dma_start3A_42 = tpu.memref_slice %arg8[%add3A_14, %dma_start3A_41] : memref<40x128xi32, #tpu.memory_space<vmem>> -> memref<1x128xi32, #tpu.memory_space<vmem>>
      %dma_start3A_43 = tpu.memref_squeeze %dma_start3A_42 : memref<1x128xi32, #tpu.memory_space<vmem>> -> memref<128xi32, #tpu.memory_space<vmem>>
      %dma_start3A_44 = arith.constant 0 : i32
      %dma_start3A_45 = arith.constant 0 : i32
      %dma_start3A_46 = tpu.memref_slice %arg4[%dma_start3A_44, %dma_start3A_45] : memref<10240x128xf32, #tpu.memory_space<hbm>> -> memref<10240x128xf32, #tpu.memory_space<hbm>>
      tpu.enqueue_indirect_dma source(%dma_start3A_46 : memref<10240x128xf32, #tpu.memory_space<hbm>>) target(%dma_start3A_40 : memref<128x128xf32, #tpu.memory_space<vmem>>) offsets(%dma_start3A_43 : memref<128xi32, #tpu.memory_space<vmem>>) semaphore(%arg13 : memref<!tpu.dma_semaphore, #tpu.memory_space<semaphore_mem>>)
      %dma_start3A_47 = arith.constant 1 : i32
      %dma_start3A_48 = arith.constant 0 : i32
      %dma_start3A_49 = arith.constant 0 : i32
      %dma_start3A_50 = tpu.memref_slice %arg11[%dma_start3A_47, %dma_start3A_48, %dma_start3A_49] : memref<2x128x128xf32, #tpu.memory_space<vmem>> -> memref<1x128x128xf32, #tpu.memory_space<vmem>>
      %dma_start3A_51 = tpu.memref_squeeze %dma_start3A_50 : memref<1x128x128xf32, #tpu.memory_space<vmem>> -> memref<128x128xf32, #tpu.memory_space<vmem>>
      %dma_start3A_52 = arith.constant 0 : i32
      %dma_start3A_53 = tpu.memref_slice %arg9[%add3A_14, %dma_start3A_52] : memref<40x128xi32, #tpu.memory_space<vmem>> -> memref<1x128xi32, #tpu.memory_space<vmem>>
      %dma_start3A_54 = tpu.memref_squeeze %dma_start3A_53 : memref<1x128xi32, #tpu.memory_space<vmem>> -> memref<128xi32, #tpu.memory_space<vmem>>
      %dma_start3A_55 = arith.constant 0 : i32
      %dma_start3A_56 = arith.constant 0 : i32
      %dma_start3A_57 = tpu.memref_slice %arg5[%dma_start3A_55, %dma_start3A_56] : memref<10240x128xf32, #tpu.memory_space<hbm>> -> memref<10240x128xf32, #tpu.memory_space<hbm>>
      tpu.enqueue_indirect_dma source(%dma_start3A_57 : memref<10240x128xf32, #tpu.memory_space<hbm>>) target(%dma_start3A_51 : memref<128x128xf32, #tpu.memory_space<vmem>>) offsets(%dma_start3A_54 : memref<128xi32, #tpu.memory_space<vmem>>) semaphore(%arg13 : memref<!tpu.dma_semaphore, #tpu.memory_space<semaphore_mem>>)
      %dma_wait3A = arith.constant 0 : i32
      %dma_wait3A_58 = arith.constant 0 : i32
      %dma_wait3A_59 = arith.constant 0 : i32
      %dma_wait3A_60 = tpu.memref_slice %arg10[%dma_wait3A, %dma_wait3A_58, %dma_wait3A_59] : memref<2x128x128xf32, #tpu.memory_space<vmem>> -> memref<1x128x128xf32, #tpu.memory_space<vmem>>
      %dma_wait3A_61 = tpu.memref_squeeze %dma_wait3A_60 : memref<1x128x128xf32, #tpu.memory_space<vmem>> -> memref<128x128xf32, #tpu.memory_space<vmem>>
      %dma_wait3A_62 = arith.constant 0 : i32
      %dma_wait3A_63 = tpu.memref_slice %arg8[%mul3A_10, %dma_wait3A_62] : memref<40x128xi32, #tpu.memory_space<vmem>> -> memref<1x128xi32, #tpu.memory_space<vmem>>
      %dma_wait3A_64 = tpu.memref_squeeze %dma_wait3A_63 : memref<1x128xi32, #tpu.memory_space<vmem>> -> memref<128xi32, #tpu.memory_space<vmem>>
      %dma_wait3A_65 = arith.constant 0 : i32
      %dma_wait3A_66 = arith.constant 0 : i32
      %dma_wait3A_67 = tpu.memref_slice %arg4[%dma_wait3A_65, %dma_wait3A_66] : memref<10240x128xf32, #tpu.memory_space<hbm>> -> memref<10240x128xf32, #tpu.memory_space<hbm>>
      tpu.wait_indirect_dma semaphore(%arg12 : memref<!tpu.dma_semaphore, #tpu.memory_space<semaphore_mem>>) src(%dma_wait3A_67 : memref<10240x128xf32, #tpu.memory_space<hbm>>) dst(%dma_wait3A_61 : memref<128x128xf32, #tpu.memory_space<vmem>>)
      %dma_wait3A_68 = arith.constant 0 : i32
      %dma_wait3A_69 = arith.constant 0 : i32
      %dma_wait3A_70 = arith.constant 0 : i32
      %dma_wait3A_71 = tpu.memref_slice %arg11[%dma_wait3A_68, %dma_wait3A_69, %dma_wait3A_70] : memref<2x128x128xf32, #tpu.memory_space<vmem>> -> memref<1x128x128xf32, #tpu.memory_space<vmem>>
      %dma_wait3A_72 = tpu.memref_squeeze %dma_wait3A_71 : memref<1x128x128xf32, #tpu.memory_space<vmem>> -> memref<128x128xf32, #tpu.memory_space<vmem>>
      %dma_wait3A_73 = arith.constant 0 : i32
      %dma_wait3A_74 = tpu.memref_slice %arg9[%mul3A_10, %dma_wait3A_73] : memref<40x128xi32, #tpu.memory_space<vmem>> -> memref<1x128xi32, #tpu.memory_space<vmem>>
      %dma_wait3A_75 = tpu.memref_squeeze %dma_wait3A_74 : memref<1x128xi32, #tpu.memory_space<vmem>> -> memref<128xi32, #tpu.memory_space<vmem>>
      %dma_wait3A_76 = arith.constant 0 : i32
      %dma_wait3A_77 = arith.constant 0 : i32
      %dma_wait3A_78 = tpu.memref_slice %arg5[%dma_wait3A_76, %dma_wait3A_77] : memref<10240x128xf32, #tpu.memory_space<hbm>> -> memref<10240x128xf32, #tpu.memory_space<hbm>>
      tpu.wait_indirect_dma semaphore(%arg12 : memref<!tpu.dma_semaphore, #tpu.memory_space<semaphore_mem>>) src(%dma_wait3A_78 : memref<10240x128xf32, #tpu.memory_space<hbm>>) dst(%dma_wait3A_72 : memref<128x128xf32, #tpu.memory_space<vmem>>)
      %mul3A_79 = arith.constant 128 : i32
      %mul3A_80 = arith.muli %mul3A_10, %mul3A_79 : i32
      %add3A_81 = arith.addi %mul3A_2, %mul3A_80 : i32
      %dma_start3A_82 = arith.constant 0 : i32
      %dma_start3A_83 = arith.constant 0 : i32
      %dma_start3A_84 = arith.constant 0 : i32
      %dma_start3A_85 = tpu.memref_slice %arg10[%dma_start3A_82, %dma_start3A_83, %dma_start3A_84] : memref<2x128x128xf32, #tpu.memory_space<vmem>> -> memref<1x128x128xf32, #tpu.memory_space<vmem>>
      %dma_start3A_86 = tpu.memref_squeeze %dma_start3A_85 : memref<1x128x128xf32, #tpu.memory_space<vmem>> -> memref<128x128xf32, #tpu.memory_space<vmem>>
      %dma_start3A_87 = arith.constant 0 : i32
      %dma_start3A_88 = tpu.memref_slice %arg6[%add3A_81, %dma_start3A_87] : memref<163840x128xf32, #tpu.memory_space<hbm>> -> memref<128x128xf32, #tpu.memory_space<hbm>>
      %dma_start3A_89 = arith.constant 0 : i32
      %dma_start3A_90 = tpu.memref_slice %arg6[%add3A_81, %dma_start3A_89] : memref<163840x128xf32, #tpu.memory_space<hbm>> -> memref<128x128xf32, #tpu.memory_space<hbm>>
      %dma_start3A_91 = arith.constant 0 : i32
      %dma_start3A_92 = arith.constant 0 : i32
      %dma_start3A_93 = tpu.memref_slice %arg10[%dma_start3A_82, %dma_start3A_91, %dma_start3A_92] : memref<2x128x128xf32, #tpu.memory_space<vmem>> -> memref<1x128x128xf32, #tpu.memory_space<vmem>>
      %dma_start3A_94 = tpu.memref_squeeze %dma_start3A_93 : memref<1x128x128xf32, #tpu.memory_space<vmem>> -> memref<128x128xf32, #tpu.memory_space<vmem>>
      tpu.enqueue_dma source(%dma_start3A_94 : memref<128x128xf32, #tpu.memory_space<vmem>>) target(%dma_start3A_90 : memref<128x128xf32, #tpu.memory_space<hbm>>) target_semaphore(%arg14 : memref<!tpu.dma_semaphore, #tpu.memory_space<semaphore_mem>>)
      %dma_start3A_95 = arith.constant 0 : i32
      %dma_start3A_96 = arith.constant 0 : i32
      %dma_start3A_97 = arith.constant 0 : i32
      %dma_start3A_98 = tpu.memref_slice %arg11[%dma_start3A_95, %dma_start3A_96, %dma_start3A_97] : memref<2x128x128xf32, #tpu.memory_space<vmem>> -> memref<1x128x128xf32, #tpu.memory_space<vmem>>
      %dma_start3A_99 = tpu.memref_squeeze %dma_start3A_98 : memref<1x128x128xf32, #tpu.memory_space<vmem>> -> memref<128x128xf32, #tpu.memory_space<vmem>>
      %dma_start3A_100 = arith.constant 0 : i32
      %dma_start3A_101 = tpu.memref_slice %arg7[%add3A_81, %dma_start3A_100] : memref<163840x128xf32, #tpu.memory_space<hbm>> -> memref<128x128xf32, #tpu.memory_space<hbm>>
      %dma_start3A_102 = arith.constant 0 : i32
      %dma_start3A_103 = tpu.memref_slice %arg7[%add3A_81, %dma_start3A_102] : memref<163840x128xf32, #tpu.memory_space<hbm>> -> memref<128x128xf32, #tpu.memory_space<hbm>>
      %dma_start3A_104 = arith.constant 0 : i32
      %dma_start3A_105 = arith.constant 0 : i32
      %dma_start3A_106 = tpu.memref_slice %arg11[%dma_start3A_95, %dma_start3A_104, %dma_start3A_105] : memref<2x128x128xf32, #tpu.memory_space<vmem>> -> memref<1x128x128xf32, #tpu.memory_space<vmem>>
      %dma_start3A_107 = tpu.memref_squeeze %dma_start3A_106 : memref<1x128x128xf32, #tpu.memory_space<vmem>> -> memref<128x128xf32, #tpu.memory_space<vmem>>
      tpu.enqueue_dma source(%dma_start3A_107 : memref<128x128xf32, #tpu.memory_space<vmem>>) target(%dma_start3A_103 : memref<128x128xf32, #tpu.memory_space<hbm>>) target_semaphore(%arg14 : memref<!tpu.dma_semaphore, #tpu.memory_space<semaphore_mem>>)
      %dma_wait3A_108 = arith.constant 1 : i32
      %dma_wait3A_109 = arith.constant 0 : i32
      %dma_wait3A_110 = arith.constant 0 : i32
      %dma_wait3A_111 = tpu.memref_slice %arg10[%dma_wait3A_108, %dma_wait3A_109, %dma_wait3A_110] : memref<2x128x128xf32, #tpu.memory_space<vmem>> -> memref<1x128x128xf32, #tpu.memory_space<vmem>>
      %dma_wait3A_112 = tpu.memref_squeeze %dma_wait3A_111 : memref<1x128x128xf32, #tpu.memory_space<vmem>> -> memref<128x128xf32, #tpu.memory_space<vmem>>
      %dma_wait3A_113 = arith.constant 0 : i32
      %dma_wait3A_114 = tpu.memref_slice %arg8[%add3A_14, %dma_wait3A_113] : memref<40x128xi32, #tpu.memory_space<vmem>> -> memref<1x128xi32, #tpu.memory_space<vmem>>
      %dma_wait3A_115 = tpu.memref_squeeze %dma_wait3A_114 : memref<1x128xi32, #tpu.memory_space<vmem>> -> memref<128xi32, #tpu.memory_space<vmem>>
      %dma_wait3A_116 = arith.constant 0 : i32
      %dma_wait3A_117 = arith.constant 0 : i32
      %dma_wait3A_118 = tpu.memref_slice %arg4[%dma_wait3A_116, %dma_wait3A_117] : memref<10240x128xf32, #tpu.memory_space<hbm>> -> memref<10240x128xf32, #tpu.memory_space<hbm>>
      tpu.wait_indirect_dma semaphore(%arg13 : memref<!tpu.dma_semaphore, #tpu.memory_space<semaphore_mem>>) src(%dma_wait3A_118 : memref<10240x128xf32, #tpu.memory_space<hbm>>) dst(%dma_wait3A_112 : memref<128x128xf32, #tpu.memory_space<vmem>>)
      %dma_wait3A_119 = arith.constant 1 : i32
      %dma_wait3A_120 = arith.constant 0 : i32
      %dma_wait3A_121 = arith.constant 0 : i32
      %dma_wait3A_122 = tpu.memref_slice %arg11[%dma_wait3A_119, %dma_wait3A_120, %dma_wait3A_121] : memref<2x128x128xf32, #tpu.memory_space<vmem>> -> memref<1x128x128xf32, #tpu.memory_space<vmem>>
      %dma_wait3A_123 = tpu.memref_squeeze %dma_wait3A_122 : memref<1x128x128xf32, #tpu.memory_space<vmem>> -> memref<128x128xf32, #tpu.memory_space<vmem>>
      %dma_wait3A_124 = arith.constant 0 : i32
      %dma_wait3A_125 = tpu.memref_slice %arg9[%add3A_14, %dma_wait3A_124] : memref<40x128xi32, #tpu.memory_space<vmem>> -> memref<1x128xi32, #tpu.memory_space<vmem>>
      %dma_wait3A_126 = tpu.memref_squeeze %dma_wait3A_125 : memref<1x128xi32, #tpu.memory_space<vmem>> -> memref<128xi32, #tpu.memory_space<vmem>>
      %dma_wait3A_127 = arith.constant 0 : i32
      %dma_wait3A_128 = arith.constant 0 : i32
      %dma_wait3A_129 = tpu.memref_slice %arg5[%dma_wait3A_127, %dma_wait3A_128] : memref<10240x128xf32, #tpu.memory_space<hbm>> -> memref<10240x128xf32, #tpu.memory_space<hbm>>
      tpu.wait_indirect_dma semaphore(%arg13 : memref<!tpu.dma_semaphore, #tpu.memory_space<semaphore_mem>>) src(%dma_wait3A_129 : memref<10240x128xf32, #tpu.memory_space<hbm>>) dst(%dma_wait3A_123 : memref<128x128xf32, #tpu.memory_space<vmem>>)
      %mul3A_130 = arith.constant 128 : i32
      %mul3A_131 = arith.muli %add3A_14, %mul3A_130 : i32
      %add3A_132 = arith.addi %mul3A_2, %mul3A_131 : i32
      %dma_start3A_133 = arith.constant 1 : i32
      %dma_start3A_134 = arith.constant 0 : i32
      %dma_start3A_135 = arith.constant 0 : i32
      %dma_start3A_136 = tpu.memref_slice %arg10[%dma_start3A_133, %dma_start3A_134, %dma_start3A_135] : memref<2x128x128xf32, #tpu.memory_space<vmem>> -> memref<1x128x128xf32, #tpu.memory_space<vmem>>
      %dma_start3A_137 = tpu.memref_squeeze %dma_start3A_136 : memref<1x128x128xf32, #tpu.memory_space<vmem>> -> memref<128x128xf32, #tpu.memory_space<vmem>>
      %dma_start3A_138 = arith.constant 0 : i32
      %dma_start3A_139 = tpu.memref_slice %arg6[%add3A_132, %dma_start3A_138] : memref<163840x128xf32, #tpu.memory_space<hbm>> -> memref<128x128xf32, #tpu.memory_space<hbm>>
      %dma_start3A_140 = arith.constant 0 : i32
      %dma_start3A_141 = tpu.memref_slice %arg6[%add3A_132, %dma_start3A_140] : memref<163840x128xf32, #tpu.memory_space<hbm>> -> memref<128x128xf32, #tpu.memory_space<hbm>>
      %dma_start3A_142 = arith.constant 0 : i32
      %dma_start3A_143 = arith.constant 0 : i32
      %dma_start3A_144 = tpu.memref_slice %arg10[%dma_start3A_133, %dma_start3A_142, %dma_start3A_143] : memref<2x128x128xf32, #tpu.memory_space<vmem>> -> memref<1x128x128xf32, #tpu.memory_space<vmem>>
      %dma_start3A_145 = tpu.memref_squeeze %dma_start3A_144 : memref<1x128x128xf32, #tpu.memory_space<vmem>> -> memref<128x128xf32, #tpu.memory_space<vmem>>
      tpu.enqueue_dma source(%dma_start3A_145 : memref<128x128xf32, #tpu.memory_space<vmem>>) target(%dma_start3A_141 : memref<128x128xf32, #tpu.memory_space<hbm>>) target_semaphore(%arg14 : memref<!tpu.dma_semaphore, #tpu.memory_space<semaphore_mem>>)
      %dma_start3A_146 = arith.constant 1 : i32
      %dma_start3A_147 = arith.constant 0 : i32
      %dma_start3A_148 = arith.constant 0 : i32
      %dma_start3A_149 = tpu.memref_slice %arg11[%dma_start3A_146, %dma_start3A_147, %dma_start3A_148] : memref<2x128x128xf32, #tpu.memory_space<vmem>> -> memref<1x128x128xf32, #tpu.memory_space<vmem>>
      %dma_start3A_150 = tpu.memref_squeeze %dma_start3A_149 : memref<1x128x128xf32, #tpu.memory_space<vmem>> -> memref<128x128xf32, #tpu.memory_space<vmem>>
      %dma_start3A_151 = arith.constant 0 : i32
      %dma_start3A_152 = tpu.memref_slice %arg7[%add3A_132, %dma_start3A_151] : memref<163840x128xf32, #tpu.memory_space<hbm>> -> memref<128x128xf32, #tpu.memory_space<hbm>>
      %dma_start3A_153 = arith.constant 0 : i32
      %dma_start3A_154 = tpu.memref_slice %arg7[%add3A_132, %dma_start3A_153] : memref<163840x128xf32, #tpu.memory_space<hbm>> -> memref<128x128xf32, #tpu.memory_space<hbm>>
      %dma_start3A_155 = arith.constant 0 : i32
      %dma_start3A_156 = arith.constant 0 : i32
      %dma_start3A_157 = tpu.memref_slice %arg11[%dma_start3A_146, %dma_start3A_155, %dma_start3A_156] : memref<2x128x128xf32, #tpu.memory_space<vmem>> -> memref<1x128x128xf32, #tpu.memory_space<vmem>>
      %dma_start3A_158 = tpu.memref_squeeze %dma_start3A_157 : memref<1x128x128xf32, #tpu.memory_space<vmem>> -> memref<128x128xf32, #tpu.memory_space<vmem>>
      tpu.enqueue_dma source(%dma_start3A_158 : memref<128x128xf32, #tpu.memory_space<vmem>>) target(%dma_start3A_154 : memref<128x128xf32, #tpu.memory_space<hbm>>) target_semaphore(%arg14 : memref<!tpu.dma_semaphore, #tpu.memory_space<semaphore_mem>>)
      %dma_wait3A_159 = arith.constant 0 : i32
      %dma_wait3A_160 = arith.constant 0 : i32
      %dma_wait3A_161 = arith.constant 0 : i32
      %dma_wait3A_162 = tpu.memref_slice %arg10[%dma_wait3A_159, %dma_wait3A_160, %dma_wait3A_161] : memref<2x128x128xf32, #tpu.memory_space<vmem>> -> memref<1x128x128xf32, #tpu.memory_space<vmem>>
      %dma_wait3A_163 = tpu.memref_squeeze %dma_wait3A_162 : memref<1x128x128xf32, #tpu.memory_space<vmem>> -> memref<128x128xf32, #tpu.memory_space<vmem>>
      %dma_wait3A_164 = arith.constant 0 : i32
      %dma_wait3A_165 = tpu.memref_slice %arg6[%add3A_81, %dma_wait3A_164] : memref<163840x128xf32, #tpu.memory_space<hbm>> -> memref<128x128xf32, #tpu.memory_space<hbm>>
      %dma_wait3A_166 = arith.constant 0 : i32
      %dma_wait3A_167 = tpu.memref_slice %arg6[%add3A_81, %dma_wait3A_166] : memref<163840x128xf32, #tpu.memory_space<hbm>> -> memref<128x128xf32, #tpu.memory_space<hbm>>
      %dma_wait3A_168 = arith.constant 0 : i32
      %dma_wait3A_169 = arith.constant 0 : i32
      %dma_wait3A_170 = tpu.memref_slice %arg10[%dma_wait3A_159, %dma_wait3A_168, %dma_wait3A_169] : memref<2x128x128xf32, #tpu.memory_space<vmem>> -> memref<1x128x128xf32, #tpu.memory_space<vmem>>
      %dma_wait3A_171 = tpu.memref_squeeze %dma_wait3A_170 : memref<1x128x128xf32, #tpu.memory_space<vmem>> -> memref<128x128xf32, #tpu.memory_space<vmem>>
      tpu.wait_dma2 semaphore(%arg14 : memref<!tpu.dma_semaphore, #tpu.memory_space<semaphore_mem>>) src(%dma_wait3A_171 : memref<128x128xf32, #tpu.memory_space<vmem>>) dst(%dma_wait3A_167 : memref<128x128xf32, #tpu.memory_space<hbm>>)
      %dma_wait3A_172 = arith.constant 0 : i32
      %dma_wait3A_173 = arith.constant 0 : i32
      %dma_wait3A_174 = arith.constant 0 : i32
      %dma_wait3A_175 = tpu.memref_slice %arg11[%dma_wait3A_172, %dma_wait3A_173, %dma_wait3A_174] : memref<2x128x128xf32, #tpu.memory_space<vmem>> -> memref<1x128x128xf32, #tpu.memory_space<vmem>>
      %dma_wait3A_176 = tpu.memref_squeeze %dma_wait3A_175 : memref<1x128x128xf32, #tpu.memory_space<vmem>> -> memref<128x128xf32, #tpu.memory_space<vmem>>
      %dma_wait3A_177 = arith.constant 0 : i32
      %dma_wait3A_178 = tpu.memref_slice %arg7[%add3A_81, %dma_wait3A_177] : memref<163840x128xf32, #tpu.memory_space<hbm>> -> memref<128x128xf32, #tpu.memory_space<hbm>>
      %dma_wait3A_179 = arith.constant 0 : i32
      %dma_wait3A_180 = tpu.memref_slice %arg7[%add3A_81, %dma_wait3A_179] : memref<163840x128xf32, #tpu.memory_space<hbm>> -> memref<128x128xf32, #tpu.memory_space<hbm>>
      %dma_wait3A_181 = arith.constant 0 : i32
      %dma_wait3A_182 = arith.constant 0 : i32
      %dma_wait3A_183 = tpu.memref_slice %arg11[%dma_wait3A_172, %dma_wait3A_181, %dma_wait3A_182] : memref<2x128x128xf32, #tpu.memory_space<vmem>> -> memref<1x128x128xf32, #tpu.memory_space<vmem>>
      %dma_wait3A_184 = tpu.memref_squeeze %dma_wait3A_183 : memref<1x128x128xf32, #tpu.memory_space<vmem>> -> memref<128x128xf32, #tpu.memory_space<vmem>>
      tpu.wait_dma2 semaphore(%arg14 : memref<!tpu.dma_semaphore, #tpu.memory_space<semaphore_mem>>) src(%dma_wait3A_184 : memref<128x128xf32, #tpu.memory_space<vmem>>) dst(%dma_wait3A_180 : memref<128x128xf32, #tpu.memory_space<hbm>>)
      %dma_wait3A_185 = arith.constant 1 : i32
      %dma_wait3A_186 = arith.constant 0 : i32
      %dma_wait3A_187 = arith.constant 0 : i32
      %dma_wait3A_188 = tpu.memref_slice %arg10[%dma_wait3A_185, %dma_wait3A_186, %dma_wait3A_187] : memref<2x128x128xf32, #tpu.memory_space<vmem>> -> memref<1x128x128xf32, #tpu.memory_space<vmem>>
      %dma_wait3A_189 = tpu.memref_squeeze %dma_wait3A_188 : memref<1x128x128xf32, #tpu.memory_space<vmem>> -> memref<128x128xf32, #tpu.memory_space<vmem>>
      %dma_wait3A_190 = arith.constant 0 : i32
      %dma_wait3A_191 = tpu.memref_slice %arg6[%add3A_132, %dma_wait3A_190] : memref<163840x128xf32, #tpu.memory_space<hbm>> -> memref<128x128xf32, #tpu.memory_space<hbm>>
      %dma_wait3A_192 = arith.constant 0 : i32
      %dma_wait3A_193 = tpu.memref_slice %arg6[%add3A_132, %dma_wait3A_192] : memref<163840x128xf32, #tpu.memory_space<hbm>> -> memref<128x128xf32, #tpu.memory_space<hbm>>
      %dma_wait3A_194 = arith.constant 0 : i32
      %dma_wait3A_195 = arith.constant 0 : i32
      %dma_wait3A_196 = tpu.memref_slice %arg10[%dma_wait3A_185, %dma_wait3A_194, %dma_wait3A_195] : memref<2x128x128xf32, #tpu.memory_space<vmem>> -> memref<1x128x128xf32, #tpu.memory_space<vmem>>
      %dma_wait3A_197 = tpu.memref_squeeze %dma_wait3A_196 : memref<1x128x128xf32, #tpu.memory_space<vmem>> -> memref<128x128xf32, #tpu.memory_space<vmem>>
      tpu.wait_dma2 semaphore(%arg14 : memref<!tpu.dma_semaphore, #tpu.memory_space<semaphore_mem>>) src(%dma_wait3A_197 : memref<128x128xf32, #tpu.memory_space<vmem>>) dst(%dma_wait3A_193 : memref<128x128xf32, #tpu.memory_space<hbm>>)
      %dma_wait3A_198 = arith.constant 1 : i32
      %dma_wait3A_199 = arith.constant 0 : i32
      %dma_wait3A_200 = arith.constant 0 : i32
      %dma_wait3A_201 = tpu.memref_slice %arg11[%dma_wait3A_198, %dma_wait3A_199, %dma_wait3A_200] : memref<2x128x128xf32, #tpu.memory_space<vmem>> -> memref<1x128x128xf32, #tpu.memory_space<vmem>>
      %dma_wait3A_202 = tpu.memref_squeeze %dma_wait3A_201 : memref<1x128x128xf32, #tpu.memory_space<vmem>> -> memref<128x128xf32, #tpu.memory_space<vmem>>
      %dma_wait3A_203 = arith.constant 0 : i32
      %dma_wait3A_204 = tpu.memref_slice %arg7[%add3A_132, %dma_wait3A_203] : memref<163840x128xf32, #tpu.memory_space<hbm>> -> memref<128x128xf32, #tpu.memory_space<hbm>>
      %dma_wait3A_205 = arith.constant 0 : i32
      %dma_wait3A_206 = tpu.memref_slice %arg7[%add3A_132, %dma_wait3A_205] : memref<163840x128xf32, #tpu.memory_space<hbm>> -> memref<128x128xf32, #tpu.memory_space<hbm>>
      %dma_wait3A_207 = arith.constant 0 : i32
      %dma_wait3A_208 = arith.constant 0 : i32
      %dma_wait3A_209 = tpu.memref_slice %arg11[%dma_wait3A_198, %dma_wait3A_207, %dma_wait3A_208] : memref<2x128x128xf32, #tpu.memory_space<vmem>> -> memref<1x128x128xf32, #tpu.memory_space<vmem>>
      %dma_wait3A_210 = tpu.memref_squeeze %dma_wait3A_209 : memref<1x128x128xf32, #tpu.memory_space<vmem>> -> memref<128x128xf32, #tpu.memory_space<vmem>>
      tpu.wait_dma2 semaphore(%arg14 : memref<!tpu.dma_semaphore, #tpu.memory_space<semaphore_mem>>) src(%dma_wait3A_210 : memref<128x128xf32, #tpu.memory_space<vmem>>) dst(%dma_wait3A_206 : memref<128x128xf32, #tpu.memory_space<hbm>>)
    }
    %scan3A_7 = arith.constant 20 : i32
    return
  }
}

#map = affine_map<(d0, d1) -> (0, 0, 0)>
#map1 = affine_map<(d0, d1) -> (0, 0)>
module attributes {stable_mosaic.version = 14 : i64} {
  func.func @_k1a_body(%arg0: i32, %arg1: i32, %arg2: memref<32x40x128xi32, #tpu.memory_space<hbm>>, %arg3: memref<32x40x128xi32, #tpu.memory_space<hbm>>, %arg4: memref<10240x128xf32, #tpu.memory_space<hbm>>, %arg5: memref<10240x128xf32, #tpu.memory_space<hbm>>, %arg6: memref<163840x128xf32, #tpu.memory_space<hbm>>, %arg7: memref<163840x128xf32, #tpu.memory_space<hbm>>, %arg8: memref<40x128xi32, #tpu.memory_space<vmem>>, %arg9: memref<40x128xi32, #tpu.memory_space<vmem>>, %arg10: memref<2x128x128xf32, #tpu.memory_space<vmem>>, %arg11: memref<2x128x128xf32, #tpu.memory_space<vmem>>, %arg12: memref<!tpu.dma_semaphore, #tpu.memory_space<semaphore_mem>>, %arg13: memref<!tpu.dma_semaphore, #tpu.memory_space<semaphore_mem>>, %arg14: memref<!tpu.dma_semaphore, #tpu.memory_space<semaphore_mem>>) attributes {dimension_semantics = [#tpu.dimension_semantics<core_parallel>, #tpu.dimension_semantics<subcore_parallel>], iteration_bounds = array<i64: 2, 16>, scalar_prefetch = 0 : i64, scratch_operands = 7 : i64, tpu.core_type = #tpu.core_type<sc_vector_subcore>, window_params = [{transform_indices = #map}, {transform_indices = #map}, {transform_indices = #map1}, {transform_indices = #map1}, {transform_indices = #map1}, {transform_indices = #map1}]} {
    %mul3A = arith.constant 2 : i32
    %mul3A_0 = arith.muli %arg1, %mul3A : i32
    %add3A = arith.addi %mul3A_0, %arg0 : i32
    %mul3A_1 = arith.constant 5120 : i32
    %mul3A_2 = arith.muli %add3A, %mul3A_1 : i32
    "tpu.region"() ({
      %run_scoped3A = tpu.sem_alloc : memref<!tpu.dma_semaphore, #tpu.memory_space<semaphore_mem>>
      %dma_start3A = arith.constant 0 : i32
      %dma_start3A_8 = arith.constant 0 : i32
      %dma_start3A_9 = tpu.memref_slice %arg2[%add3A, %dma_start3A, %dma_start3A_8] : memref<32x40x128xi32, #tpu.memory_space<hbm>> -> memref<1x40x128xi32, #tpu.memory_space<hbm>>
      %dma_start3A_10 = tpu.memref_squeeze %dma_start3A_9 : memref<1x40x128xi32, #tpu.memory_space<hbm>> -> memref<40x128xi32, #tpu.memory_space<hbm>>
      %dma_start3A_11 = arith.constant 0 : i32
      %dma_start3A_12 = arith.constant 0 : i32
      %dma_start3A_13 = tpu.memref_slice %arg2[%add3A, %dma_start3A_11, %dma_start3A_12] : memref<32x40x128xi32, #tpu.memory_space<hbm>> -> memref<1x40x128xi32, #tpu.memory_space<hbm>>
      %dma_start3A_14 = tpu.memref_squeeze %dma_start3A_13 : memref<1x40x128xi32, #tpu.memory_space<hbm>> -> memref<40x128xi32, #tpu.memory_space<hbm>>
      tpu.enqueue_dma source(%dma_start3A_14 : memref<40x128xi32, #tpu.memory_space<hbm>>) target(%arg8 : memref<40x128xi32, #tpu.memory_space<vmem>>) target_semaphore(%run_scoped3A : memref<!tpu.dma_semaphore, #tpu.memory_space<semaphore_mem>>)
      %dma_wait3A = arith.constant 0 : i32
      %dma_wait3A_15 = arith.constant 0 : i32
      %dma_wait3A_16 = tpu.memref_slice %arg2[%add3A, %dma_wait3A, %dma_wait3A_15] : memref<32x40x128xi32, #tpu.memory_space<hbm>> -> memref<1x40x128xi32, #tpu.memory_space<hbm>>
      %dma_wait3A_17 = tpu.memref_squeeze %dma_wait3A_16 : memref<1x40x128xi32, #tpu.memory_space<hbm>> -> memref<40x128xi32, #tpu.memory_space<hbm>>
      %dma_wait3A_18 = arith.constant 0 : i32
      %dma_wait3A_19 = arith.constant 0 : i32
      %dma_wait3A_20 = tpu.memref_slice %arg2[%add3A, %dma_wait3A_18, %dma_wait3A_19] : memref<32x40x128xi32, #tpu.memory_space<hbm>> -> memref<1x40x128xi32, #tpu.memory_space<hbm>>
      %dma_wait3A_21 = tpu.memref_squeeze %dma_wait3A_20 : memref<1x40x128xi32, #tpu.memory_space<hbm>> -> memref<40x128xi32, #tpu.memory_space<hbm>>
      tpu.wait_dma2 semaphore(%run_scoped3A : memref<!tpu.dma_semaphore, #tpu.memory_space<semaphore_mem>>) src(%dma_wait3A_21 : memref<40x128xi32, #tpu.memory_space<hbm>>) dst(%arg8 : memref<40x128xi32, #tpu.memory_space<vmem>>)
      tpu.yield
    }) : () -> ()
    "tpu.region"() ({
      %run_scoped3A = tpu.sem_alloc : memref<!tpu.dma_semaphore, #tpu.memory_space<semaphore_mem>>
      %dma_start3A = arith.constant 0 : i32
      %dma_start3A_8 = arith.constant 0 : i32
      %dma_start3A_9 = tpu.memref_slice %arg3[%add3A, %dma_start3A, %dma_start3A_8] : memref<32x40x128xi32, #tpu.memory_space<hbm>> -> memref<1x40x128xi32, #tpu.memory_space<hbm>>
      %dma_start3A_10 = tpu.memref_squeeze %dma_start3A_9 : memref<1x40x128xi32, #tpu.memory_space<hbm>> -> memref<40x128xi32, #tpu.memory_space<hbm>>
      %dma_start3A_11 = arith.constant 0 : i32
      %dma_start3A_12 = arith.constant 0 : i32
      %dma_start3A_13 = tpu.memref_slice %arg3[%add3A, %dma_start3A_11, %dma_start3A_12] : memref<32x40x128xi32, #tpu.memory_space<hbm>> -> memref<1x40x128xi32, #tpu.memory_space<hbm>>
      %dma_start3A_14 = tpu.memref_squeeze %dma_start3A_13 : memref<1x40x128xi32, #tpu.memory_space<hbm>> -> memref<40x128xi32, #tpu.memory_space<hbm>>
      tpu.enqueue_dma source(%dma_start3A_14 : memref<40x128xi32, #tpu.memory_space<hbm>>) target(%arg9 : memref<40x128xi32, #tpu.memory_space<vmem>>) target_semaphore(%run_scoped3A : memref<!tpu.dma_semaphore, #tpu.memory_space<semaphore_mem>>)
      %dma_wait3A = arith.constant 0 : i32
      %dma_wait3A_15 = arith.constant 0 : i32
      %dma_wait3A_16 = tpu.memref_slice %arg3[%add3A, %dma_wait3A, %dma_wait3A_15] : memref<32x40x128xi32, #tpu.memory_space<hbm>> -> memref<1x40x128xi32, #tpu.memory_space<hbm>>
      %dma_wait3A_17 = tpu.memref_squeeze %dma_wait3A_16 : memref<1x40x128xi32, #tpu.memory_space<hbm>> -> memref<40x128xi32, #tpu.memory_space<hbm>>
      %dma_wait3A_18 = arith.constant 0 : i32
      %dma_wait3A_19 = arith.constant 0 : i32
      %dma_wait3A_20 = tpu.memref_slice %arg3[%add3A, %dma_wait3A_18, %dma_wait3A_19] : memref<32x40x128xi32, #tpu.memory_space<hbm>> -> memref<1x40x128xi32, #tpu.memory_space<hbm>>
      %dma_wait3A_21 = tpu.memref_squeeze %dma_wait3A_20 : memref<1x40x128xi32, #tpu.memory_space<hbm>> -> memref<40x128xi32, #tpu.memory_space<hbm>>
      tpu.wait_dma2 semaphore(%run_scoped3A : memref<!tpu.dma_semaphore, #tpu.memory_space<semaphore_mem>>) src(%dma_wait3A_21 : memref<40x128xi32, #tpu.memory_space<hbm>>) dst(%arg9 : memref<40x128xi32, #tpu.memory_space<vmem>>)
      tpu.yield
    }) : () -> ()
    %scan3A = arith.constant 0 : i32
    %scan3A_3 = arith.constant 0 : i32
    %scan3A_4 = arith.constant 20 : i32
    %scan3A_5 = arith.addi %scan3A_3, %scan3A_4 : i32
    %scan3A_6 = arith.constant 1 : i32
    scf.for %scan3A_8 = %scan3A_3 to %scan3A_5 step %scan3A_6  : i32 {
      %mul3A_9 = arith.constant 2 : i32
      %mul3A_10 = arith.muli %mul3A_9, %scan3A_8 : i32
      %mul3A_11 = arith.constant 2 : i32
      %mul3A_12 = arith.muli %mul3A_11, %scan3A_8 : i32
      %add3A_13 = arith.constant 1 : i32
      %add3A_14 = arith.addi %mul3A_12, %add3A_13 : i32
      %dma_start3A = arith.constant 0 : i32
      %dma_start3A_15 = arith.constant 0 : i32
      %dma_start3A_16 = arith.constant 0 : i32
      %dma_start3A_17 = tpu.memref_slice %arg10[%dma_start3A, %dma_start3A_15, %dma_start3A_16] : memref<2x128x128xf32, #tpu.memory_space<vmem>> -> memref<1x128x128xf32, #tpu.memory_space<vmem>>
      %dma_start3A_18 = tpu.memref_squeeze %dma_start3A_17 : memref<1x128x128xf32, #tpu.memory_space<vmem>> -> memref<128x128xf32, #tpu.memory_space<vmem>>
      %dma_start3A_19 = arith.constant 0 : i32
      %dma_start3A_20 = tpu.memref_slice %arg8[%mul3A_10, %dma_start3A_19] : memref<40x128xi32, #tpu.memory_space<vmem>> -> memref<1x128xi32, #tpu.memory_space<vmem>>
      %dma_start3A_21 = tpu.memref_squeeze %dma_start3A_20 : memref<1x128xi32, #tpu.memory_space<vmem>> -> memref<128xi32, #tpu.memory_space<vmem>>
      %dma_start3A_22 = arith.constant 0 : i32
      %dma_start3A_23 = arith.constant 0 : i32
      %dma_start3A_24 = tpu.memref_slice %arg4[%dma_start3A_22, %dma_start3A_23] : memref<10240x128xf32, #tpu.memory_space<hbm>> -> memref<10240x128xf32, #tpu.memory_space<hbm>>
      tpu.enqueue_indirect_dma source(%dma_start3A_24 : memref<10240x128xf32, #tpu.memory_space<hbm>>) target(%dma_start3A_18 : memref<128x128xf32, #tpu.memory_space<vmem>>) offsets(%dma_start3A_21 : memref<128xi32, #tpu.memory_space<vmem>>) semaphore(%arg12 : memref<!tpu.dma_semaphore, #tpu.memory_space<semaphore_mem>>)
      %dma_start3A_25 = arith.constant 0 : i32
      %dma_start3A_26 = arith.constant 0 : i32
      %dma_start3A_27 = arith.constant 0 : i32
      %dma_start3A_28 = tpu.memref_slice %arg11[%dma_start3A_25, %dma_start3A_26, %dma_start3A_27] : memref<2x128x128xf32, #tpu.memory_space<vmem>> -> memref<1x128x128xf32, #tpu.memory_space<vmem>>
      %dma_start3A_29 = tpu.memref_squeeze %dma_start3A_28 : memref<1x128x128xf32, #tpu.memory_space<vmem>> -> memref<128x128xf32, #tpu.memory_space<vmem>>
      %dma_start3A_30 = arith.constant 0 : i32
      %dma_start3A_31 = tpu.memref_slice %arg9[%mul3A_10, %dma_start3A_30] : memref<40x128xi32, #tpu.memory_space<vmem>> -> memref<1x128xi32, #tpu.memory_space<vmem>>
      %dma_start3A_32 = tpu.memref_squeeze %dma_start3A_31 : memref<1x128xi32, #tpu.memory_space<vmem>> -> memref<128xi32, #tpu.memory_space<vmem>>
      %dma_start3A_33 = arith.constant 0 : i32
      %dma_start3A_34 = arith.constant 0 : i32
      %dma_start3A_35 = tpu.memref_slice %arg5[%dma_start3A_33, %dma_start3A_34] : memref<10240x128xf32, #tpu.memory_space<hbm>> -> memref<10240x128xf32, #tpu.memory_space<hbm>>
      tpu.enqueue_indirect_dma source(%dma_start3A_35 : memref<10240x128xf32, #tpu.memory_space<hbm>>) target(%dma_start3A_29 : memref<128x128xf32, #tpu.memory_space<vmem>>) offsets(%dma_start3A_32 : memref<128xi32, #tpu.memory_space<vmem>>) semaphore(%arg12 : memref<!tpu.dma_semaphore, #tpu.memory_space<semaphore_mem>>)
      %dma_start3A_36 = arith.constant 1 : i32
      %dma_start3A_37 = arith.constant 0 : i32
      %dma_start3A_38 = arith.constant 0 : i32
      %dma_start3A_39 = tpu.memref_slice %arg10[%dma_start3A_36, %dma_start3A_37, %dma_start3A_38] : memref<2x128x128xf32, #tpu.memory_space<vmem>> -> memref<1x128x128xf32, #tpu.memory_space<vmem>>
      %dma_start3A_40 = tpu.memref_squeeze %dma_start3A_39 : memref<1x128x128xf32, #tpu.memory_space<vmem>> -> memref<128x128xf32, #tpu.memory_space<vmem>>
      %dma_start3A_41 = arith.constant 0 : i32
      %dma_start3A_42 = tpu.memref_slice %arg8[%add3A_14, %dma_start3A_41] : memref<40x128xi32, #tpu.memory_space<vmem>> -> memref<1x128xi32, #tpu.memory_space<vmem>>
      %dma_start3A_43 = tpu.memref_squeeze %dma_start3A_42 : memref<1x128xi32, #tpu.memory_space<vmem>> -> memref<128xi32, #tpu.memory_space<vmem>>
      %dma_start3A_44 = arith.constant 0 : i32
      %dma_start3A_45 = arith.constant 0 : i32
      %dma_start3A_46 = tpu.memref_slice %arg4[%dma_start3A_44, %dma_start3A_45] : memref<10240x128xf32, #tpu.memory_space<hbm>> -> memref<10240x128xf32, #tpu.memory_space<hbm>>
      tpu.enqueue_indirect_dma source(%dma_start3A_46 : memref<10240x128xf32, #tpu.memory_space<hbm>>) target(%dma_start3A_40 : memref<128x128xf32, #tpu.memory_space<vmem>>) offsets(%dma_start3A_43 : memref<128xi32, #tpu.memory_space<vmem>>) semaphore(%arg13 : memref<!tpu.dma_semaphore, #tpu.memory_space<semaphore_mem>>)
      %dma_start3A_47 = arith.constant 1 : i32
      %dma_start3A_48 = arith.constant 0 : i32
      %dma_start3A_49 = arith.constant 0 : i32
      %dma_start3A_50 = tpu.memref_slice %arg11[%dma_start3A_47, %dma_start3A_48, %dma_start3A_49] : memref<2x128x128xf32, #tpu.memory_space<vmem>> -> memref<1x128x128xf32, #tpu.memory_space<vmem>>
      %dma_start3A_51 = tpu.memref_squeeze %dma_start3A_50 : memref<1x128x128xf32, #tpu.memory_space<vmem>> -> memref<128x128xf32, #tpu.memory_space<vmem>>
      %dma_start3A_52 = arith.constant 0 : i32
      %dma_start3A_53 = tpu.memref_slice %arg9[%add3A_14, %dma_start3A_52] : memref<40x128xi32, #tpu.memory_space<vmem>> -> memref<1x128xi32, #tpu.memory_space<vmem>>
      %dma_start3A_54 = tpu.memref_squeeze %dma_start3A_53 : memref<1x128xi32, #tpu.memory_space<vmem>> -> memref<128xi32, #tpu.memory_space<vmem>>
      %dma_start3A_55 = arith.constant 0 : i32
      %dma_start3A_56 = arith.constant 0 : i32
      %dma_start3A_57 = tpu.memref_slice %arg5[%dma_start3A_55, %dma_start3A_56] : memref<10240x128xf32, #tpu.memory_space<hbm>> -> memref<10240x128xf32, #tpu.memory_space<hbm>>
      tpu.enqueue_indirect_dma source(%dma_start3A_57 : memref<10240x128xf32, #tpu.memory_space<hbm>>) target(%dma_start3A_51 : memref<128x128xf32, #tpu.memory_space<vmem>>) offsets(%dma_start3A_54 : memref<128xi32, #tpu.memory_space<vmem>>) semaphore(%arg13 : memref<!tpu.dma_semaphore, #tpu.memory_space<semaphore_mem>>)
      %dma_wait3A = arith.constant 0 : i32
      %dma_wait3A_58 = arith.constant 0 : i32
      %dma_wait3A_59 = arith.constant 0 : i32
      %dma_wait3A_60 = tpu.memref_slice %arg10[%dma_wait3A, %dma_wait3A_58, %dma_wait3A_59] : memref<2x128x128xf32, #tpu.memory_space<vmem>> -> memref<1x128x128xf32, #tpu.memory_space<vmem>>
      %dma_wait3A_61 = tpu.memref_squeeze %dma_wait3A_60 : memref<1x128x128xf32, #tpu.memory_space<vmem>> -> memref<128x128xf32, #tpu.memory_space<vmem>>
      %dma_wait3A_62 = arith.constant 0 : i32
      %dma_wait3A_63 = tpu.memref_slice %arg8[%mul3A_10, %dma_wait3A_62] : memref<40x128xi32, #tpu.memory_space<vmem>> -> memref<1x128xi32, #tpu.memory_space<vmem>>
      %dma_wait3A_64 = tpu.memref_squeeze %dma_wait3A_63 : memref<1x128xi32, #tpu.memory_space<vmem>> -> memref<128xi32, #tpu.memory_space<vmem>>
      %dma_wait3A_65 = arith.constant 0 : i32
      %dma_wait3A_66 = arith.constant 0 : i32
      %dma_wait3A_67 = tpu.memref_slice %arg4[%dma_wait3A_65, %dma_wait3A_66] : memref<10240x128xf32, #tpu.memory_space<hbm>> -> memref<10240x128xf32, #tpu.memory_space<hbm>>
      tpu.wait_indirect_dma semaphore(%arg12 : memref<!tpu.dma_semaphore, #tpu.memory_space<semaphore_mem>>) src(%dma_wait3A_67 : memref<10240x128xf32, #tpu.memory_space<hbm>>) dst(%dma_wait3A_61 : memref<128x128xf32, #tpu.memory_space<vmem>>)
      %dma_wait3A_68 = arith.constant 0 : i32
      %dma_wait3A_69 = arith.constant 0 : i32
      %dma_wait3A_70 = arith.constant 0 : i32
      %dma_wait3A_71 = tpu.memref_slice %arg11[%dma_wait3A_68, %dma_wait3A_69, %dma_wait3A_70] : memref<2x128x128xf32, #tpu.memory_space<vmem>> -> memref<1x128x128xf32, #tpu.memory_space<vmem>>
      %dma_wait3A_72 = tpu.memref_squeeze %dma_wait3A_71 : memref<1x128x128xf32, #tpu.memory_space<vmem>> -> memref<128x128xf32, #tpu.memory_space<vmem>>
      %dma_wait3A_73 = arith.constant 0 : i32
      %dma_wait3A_74 = tpu.memref_slice %arg9[%mul3A_10, %dma_wait3A_73] : memref<40x128xi32, #tpu.memory_space<vmem>> -> memref<1x128xi32, #tpu.memory_space<vmem>>
      %dma_wait3A_75 = tpu.memref_squeeze %dma_wait3A_74 : memref<1x128xi32, #tpu.memory_space<vmem>> -> memref<128xi32, #tpu.memory_space<vmem>>
      %dma_wait3A_76 = arith.constant 0 : i32
      %dma_wait3A_77 = arith.constant 0 : i32
      %dma_wait3A_78 = tpu.memref_slice %arg5[%dma_wait3A_76, %dma_wait3A_77] : memref<10240x128xf32, #tpu.memory_space<hbm>> -> memref<10240x128xf32, #tpu.memory_space<hbm>>
      tpu.wait_indirect_dma semaphore(%arg12 : memref<!tpu.dma_semaphore, #tpu.memory_space<semaphore_mem>>) src(%dma_wait3A_78 : memref<10240x128xf32, #tpu.memory_space<hbm>>) dst(%dma_wait3A_72 : memref<128x128xf32, #tpu.memory_space<vmem>>)
      %mul3A_79 = arith.constant 128 : i32
      %mul3A_80 = arith.muli %mul3A_10, %mul3A_79 : i32
      %add3A_81 = arith.addi %mul3A_2, %mul3A_80 : i32
      %dma_start3A_82 = arith.constant 0 : i32
      %dma_start3A_83 = arith.constant 0 : i32
      %dma_start3A_84 = arith.constant 0 : i32
      %dma_start3A_85 = tpu.memref_slice %arg10[%dma_start3A_82, %dma_start3A_83, %dma_start3A_84] : memref<2x128x128xf32, #tpu.memory_space<vmem>> -> memref<1x128x128xf32, #tpu.memory_space<vmem>>
      %dma_start3A_86 = tpu.memref_squeeze %dma_start3A_85 : memref<1x128x128xf32, #tpu.memory_space<vmem>> -> memref<128x128xf32, #tpu.memory_space<vmem>>
      %dma_start3A_87 = arith.constant 0 : i32
      %dma_start3A_88 = tpu.memref_slice %arg6[%add3A_81, %dma_start3A_87] : memref<163840x128xf32, #tpu.memory_space<hbm>> -> memref<128x128xf32, #tpu.memory_space<hbm>>
      %dma_start3A_89 = arith.constant 0 : i32
      %dma_start3A_90 = tpu.memref_slice %arg6[%add3A_81, %dma_start3A_89] : memref<163840x128xf32, #tpu.memory_space<hbm>> -> memref<128x128xf32, #tpu.memory_space<hbm>>
      %dma_start3A_91 = arith.constant 0 : i32
      %dma_start3A_92 = arith.constant 0 : i32
      %dma_start3A_93 = tpu.memref_slice %arg10[%dma_start3A_82, %dma_start3A_91, %dma_start3A_92] : memref<2x128x128xf32, #tpu.memory_space<vmem>> -> memref<1x128x128xf32, #tpu.memory_space<vmem>>
      %dma_start3A_94 = tpu.memref_squeeze %dma_start3A_93 : memref<1x128x128xf32, #tpu.memory_space<vmem>> -> memref<128x128xf32, #tpu.memory_space<vmem>>
      tpu.enqueue_dma source(%dma_start3A_94 : memref<128x128xf32, #tpu.memory_space<vmem>>) target(%dma_start3A_90 : memref<128x128xf32, #tpu.memory_space<hbm>>) target_semaphore(%arg14 : memref<!tpu.dma_semaphore, #tpu.memory_space<semaphore_mem>>)
      %dma_start3A_95 = arith.constant 0 : i32
      %dma_start3A_96 = arith.constant 0 : i32
      %dma_start3A_97 = arith.constant 0 : i32
      %dma_start3A_98 = tpu.memref_slice %arg11[%dma_start3A_95, %dma_start3A_96, %dma_start3A_97] : memref<2x128x128xf32, #tpu.memory_space<vmem>> -> memref<1x128x128xf32, #tpu.memory_space<vmem>>
      %dma_start3A_99 = tpu.memref_squeeze %dma_start3A_98 : memref<1x128x128xf32, #tpu.memory_space<vmem>> -> memref<128x128xf32, #tpu.memory_space<vmem>>
      %dma_start3A_100 = arith.constant 0 : i32
      %dma_start3A_101 = tpu.memref_slice %arg7[%add3A_81, %dma_start3A_100] : memref<163840x128xf32, #tpu.memory_space<hbm>> -> memref<128x128xf32, #tpu.memory_space<hbm>>
      %dma_start3A_102 = arith.constant 0 : i32
      %dma_start3A_103 = tpu.memref_slice %arg7[%add3A_81, %dma_start3A_102] : memref<163840x128xf32, #tpu.memory_space<hbm>> -> memref<128x128xf32, #tpu.memory_space<hbm>>
      %dma_start3A_104 = arith.constant 0 : i32
      %dma_start3A_105 = arith.constant 0 : i32
      %dma_start3A_106 = tpu.memref_slice %arg11[%dma_start3A_95, %dma_start3A_104, %dma_start3A_105] : memref<2x128x128xf32, #tpu.memory_space<vmem>> -> memref<1x128x128xf32, #tpu.memory_space<vmem>>
      %dma_start3A_107 = tpu.memref_squeeze %dma_start3A_106 : memref<1x128x128xf32, #tpu.memory_space<vmem>> -> memref<128x128xf32, #tpu.memory_space<vmem>>
      tpu.enqueue_dma source(%dma_start3A_107 : memref<128x128xf32, #tpu.memory_space<vmem>>) target(%dma_start3A_103 : memref<128x128xf32, #tpu.memory_space<hbm>>) target_semaphore(%arg14 : memref<!tpu.dma_semaphore, #tpu.memory_space<semaphore_mem>>)
      %dma_wait3A_108 = arith.constant 1 : i32
      %dma_wait3A_109 = arith.constant 0 : i32
      %dma_wait3A_110 = arith.constant 0 : i32
      %dma_wait3A_111 = tpu.memref_slice %arg10[%dma_wait3A_108, %dma_wait3A_109, %dma_wait3A_110] : memref<2x128x128xf32, #tpu.memory_space<vmem>> -> memref<1x128x128xf32, #tpu.memory_space<vmem>>
      %dma_wait3A_112 = tpu.memref_squeeze %dma_wait3A_111 : memref<1x128x128xf32, #tpu.memory_space<vmem>> -> memref<128x128xf32, #tpu.memory_space<vmem>>
      %dma_wait3A_113 = arith.constant 0 : i32
      %dma_wait3A_114 = tpu.memref_slice %arg8[%add3A_14, %dma_wait3A_113] : memref<40x128xi32, #tpu.memory_space<vmem>> -> memref<1x128xi32, #tpu.memory_space<vmem>>
      %dma_wait3A_115 = tpu.memref_squeeze %dma_wait3A_114 : memref<1x128xi32, #tpu.memory_space<vmem>> -> memref<128xi32, #tpu.memory_space<vmem>>
      %dma_wait3A_116 = arith.constant 0 : i32
      %dma_wait3A_117 = arith.constant 0 : i32
      %dma_wait3A_118 = tpu.memref_slice %arg4[%dma_wait3A_116, %dma_wait3A_117] : memref<10240x128xf32, #tpu.memory_space<hbm>> -> memref<10240x128xf32, #tpu.memory_space<hbm>>
      tpu.wait_indirect_dma semaphore(%arg13 : memref<!tpu.dma_semaphore, #tpu.memory_space<semaphore_mem>>) src(%dma_wait3A_118 : memref<10240x128xf32, #tpu.memory_space<hbm>>) dst(%dma_wait3A_112 : memref<128x128xf32, #tpu.memory_space<vmem>>)
      %dma_wait3A_119 = arith.constant 1 : i32
      %dma_wait3A_120 = arith.constant 0 : i32
      %dma_wait3A_121 = arith.constant 0 : i32
      %dma_wait3A_122 = tpu.memref_slice %arg11[%dma_wait3A_119, %dma_wait3A_120, %dma_wait3A_121] : memref<2x128x128xf32, #tpu.memory_space<vmem>> -> memref<1x128x128xf32, #tpu.memory_space<vmem>>
      %dma_wait3A_123 = tpu.memref_squeeze %dma_wait3A_122 : memref<1x128x128xf32, #tpu.memory_space<vmem>> -> memref<128x128xf32, #tpu.memory_space<vmem>>
      %dma_wait3A_124 = arith.constant 0 : i32
      %dma_wait3A_125 = tpu.memref_slice %arg9[%add3A_14, %dma_wait3A_124] : memref<40x128xi32, #tpu.memory_space<vmem>> -> memref<1x128xi32, #tpu.memory_space<vmem>>
      %dma_wait3A_126 = tpu.memref_squeeze %dma_wait3A_125 : memref<1x128xi32, #tpu.memory_space<vmem>> -> memref<128xi32, #tpu.memory_space<vmem>>
      %dma_wait3A_127 = arith.constant 0 : i32
      %dma_wait3A_128 = arith.constant 0 : i32
      %dma_wait3A_129 = tpu.memref_slice %arg5[%dma_wait3A_127, %dma_wait3A_128] : memref<10240x128xf32, #tpu.memory_space<hbm>> -> memref<10240x128xf32, #tpu.memory_space<hbm>>
      tpu.wait_indirect_dma semaphore(%arg13 : memref<!tpu.dma_semaphore, #tpu.memory_space<semaphore_mem>>) src(%dma_wait3A_129 : memref<10240x128xf32, #tpu.memory_space<hbm>>) dst(%dma_wait3A_123 : memref<128x128xf32, #tpu.memory_space<vmem>>)
      %mul3A_130 = arith.constant 128 : i32
      %mul3A_131 = arith.muli %add3A_14, %mul3A_130 : i32
      %add3A_132 = arith.addi %mul3A_2, %mul3A_131 : i32
      %dma_start3A_133 = arith.constant 1 : i32
      %dma_start3A_134 = arith.constant 0 : i32
      %dma_start3A_135 = arith.constant 0 : i32
      %dma_start3A_136 = tpu.memref_slice %arg10[%dma_start3A_133, %dma_start3A_134, %dma_start3A_135] : memref<2x128x128xf32, #tpu.memory_space<vmem>> -> memref<1x128x128xf32, #tpu.memory_space<vmem>>
      %dma_start3A_137 = tpu.memref_squeeze %dma_start3A_136 : memref<1x128x128xf32, #tpu.memory_space<vmem>> -> memref<128x128xf32, #tpu.memory_space<vmem>>
      %dma_start3A_138 = arith.constant 0 : i32
      %dma_start3A_139 = tpu.memref_slice %arg6[%add3A_132, %dma_start3A_138] : memref<163840x128xf32, #tpu.memory_space<hbm>> -> memref<128x128xf32, #tpu.memory_space<hbm>>
      %dma_start3A_140 = arith.constant 0 : i32
      %dma_start3A_141 = tpu.memref_slice %arg6[%add3A_132, %dma_start3A_140] : memref<163840x128xf32, #tpu.memory_space<hbm>> -> memref<128x128xf32, #tpu.memory_space<hbm>>
      %dma_start3A_142 = arith.constant 0 : i32
      %dma_start3A_143 = arith.constant 0 : i32
      %dma_start3A_144 = tpu.memref_slice %arg10[%dma_start3A_133, %dma_start3A_142, %dma_start3A_143] : memref<2x128x128xf32, #tpu.memory_space<vmem>> -> memref<1x128x128xf32, #tpu.memory_space<vmem>>
      %dma_start3A_145 = tpu.memref_squeeze %dma_start3A_144 : memref<1x128x128xf32, #tpu.memory_space<vmem>> -> memref<128x128xf32, #tpu.memory_space<vmem>>
      tpu.enqueue_dma source(%dma_start3A_145 : memref<128x128xf32, #tpu.memory_space<vmem>>) target(%dma_start3A_141 : memref<128x128xf32, #tpu.memory_space<hbm>>) target_semaphore(%arg14 : memref<!tpu.dma_semaphore, #tpu.memory_space<semaphore_mem>>)
      %dma_start3A_146 = arith.constant 1 : i32
      %dma_start3A_147 = arith.constant 0 : i32
      %dma_start3A_148 = arith.constant 0 : i32
      %dma_start3A_149 = tpu.memref_slice %arg11[%dma_start3A_146, %dma_start3A_147, %dma_start3A_148] : memref<2x128x128xf32, #tpu.memory_space<vmem>> -> memref<1x128x128xf32, #tpu.memory_space<vmem>>
      %dma_start3A_150 = tpu.memref_squeeze %dma_start3A_149 : memref<1x128x128xf32, #tpu.memory_space<vmem>> -> memref<128x128xf32, #tpu.memory_space<vmem>>
      %dma_start3A_151 = arith.constant 0 : i32
      %dma_start3A_152 = tpu.memref_slice %arg7[%add3A_132, %dma_start3A_151] : memref<163840x128xf32, #tpu.memory_space<hbm>> -> memref<128x128xf32, #tpu.memory_space<hbm>>
      %dma_start3A_153 = arith.constant 0 : i32
      %dma_start3A_154 = tpu.memref_slice %arg7[%add3A_132, %dma_start3A_153] : memref<163840x128xf32, #tpu.memory_space<hbm>> -> memref<128x128xf32, #tpu.memory_space<hbm>>
      %dma_start3A_155 = arith.constant 0 : i32
      %dma_start3A_156 = arith.constant 0 : i32
      %dma_start3A_157 = tpu.memref_slice %arg11[%dma_start3A_146, %dma_start3A_155, %dma_start3A_156] : memref<2x128x128xf32, #tpu.memory_space<vmem>> -> memref<1x128x128xf32, #tpu.memory_space<vmem>>
      %dma_start3A_158 = tpu.memref_squeeze %dma_start3A_157 : memref<1x128x128xf32, #tpu.memory_space<vmem>> -> memref<128x128xf32, #tpu.memory_space<vmem>>
      tpu.enqueue_dma source(%dma_start3A_158 : memref<128x128xf32, #tpu.memory_space<vmem>>) target(%dma_start3A_154 : memref<128x128xf32, #tpu.memory_space<hbm>>) target_semaphore(%arg14 : memref<!tpu.dma_semaphore, #tpu.memory_space<semaphore_mem>>)
      %dma_wait3A_159 = arith.constant 0 : i32
      %dma_wait3A_160 = arith.constant 0 : i32
      %dma_wait3A_161 = arith.constant 0 : i32
      %dma_wait3A_162 = tpu.memref_slice %arg10[%dma_wait3A_159, %dma_wait3A_160, %dma_wait3A_161] : memref<2x128x128xf32, #tpu.memory_space<vmem>> -> memref<1x128x128xf32, #tpu.memory_space<vmem>>
      %dma_wait3A_163 = tpu.memref_squeeze %dma_wait3A_162 : memref<1x128x128xf32, #tpu.memory_space<vmem>> -> memref<128x128xf32, #tpu.memory_space<vmem>>
      %dma_wait3A_164 = arith.constant 0 : i32
      %dma_wait3A_165 = tpu.memref_slice %arg6[%add3A_81, %dma_wait3A_164] : memref<163840x128xf32, #tpu.memory_space<hbm>> -> memref<128x128xf32, #tpu.memory_space<hbm>>
      %dma_wait3A_166 = arith.constant 0 : i32
      %dma_wait3A_167 = tpu.memref_slice %arg6[%add3A_81, %dma_wait3A_166] : memref<163840x128xf32, #tpu.memory_space<hbm>> -> memref<128x128xf32, #tpu.memory_space<hbm>>
      %dma_wait3A_168 = arith.constant 0 : i32
      %dma_wait3A_169 = arith.constant 0 : i32
      %dma_wait3A_170 = tpu.memref_slice %arg10[%dma_wait3A_159, %dma_wait3A_168, %dma_wait3A_169] : memref<2x128x128xf32, #tpu.memory_space<vmem>> -> memref<1x128x128xf32, #tpu.memory_space<vmem>>
      %dma_wait3A_171 = tpu.memref_squeeze %dma_wait3A_170 : memref<1x128x128xf32, #tpu.memory_space<vmem>> -> memref<128x128xf32, #tpu.memory_space<vmem>>
      tpu.wait_dma2 semaphore(%arg14 : memref<!tpu.dma_semaphore, #tpu.memory_space<semaphore_mem>>) src(%dma_wait3A_171 : memref<128x128xf32, #tpu.memory_space<vmem>>) dst(%dma_wait3A_167 : memref<128x128xf32, #tpu.memory_space<hbm>>)
      %dma_wait3A_172 = arith.constant 0 : i32
      %dma_wait3A_173 = arith.constant 0 : i32
      %dma_wait3A_174 = arith.constant 0 : i32
      %dma_wait3A_175 = tpu.memref_slice %arg11[%dma_wait3A_172, %dma_wait3A_173, %dma_wait3A_174] : memref<2x128x128xf32, #tpu.memory_space<vmem>> -> memref<1x128x128xf32, #tpu.memory_space<vmem>>
      %dma_wait3A_176 = tpu.memref_squeeze %dma_wait3A_175 : memref<1x128x128xf32, #tpu.memory_space<vmem>> -> memref<128x128xf32, #tpu.memory_space<vmem>>
      %dma_wait3A_177 = arith.constant 0 : i32
      %dma_wait3A_178 = tpu.memref_slice %arg7[%add3A_81, %dma_wait3A_177] : memref<163840x128xf32, #tpu.memory_space<hbm>> -> memref<128x128xf32, #tpu.memory_space<hbm>>
      %dma_wait3A_179 = arith.constant 0 : i32
      %dma_wait3A_180 = tpu.memref_slice %arg7[%add3A_81, %dma_wait3A_179] : memref<163840x128xf32, #tpu.memory_space<hbm>> -> memref<128x128xf32, #tpu.memory_space<hbm>>
      %dma_wait3A_181 = arith.constant 0 : i32
      %dma_wait3A_182 = arith.constant 0 : i32
      %dma_wait3A_183 = tpu.memref_slice %arg11[%dma_wait3A_172, %dma_wait3A_181, %dma_wait3A_182] : memref<2x128x128xf32, #tpu.memory_space<vmem>> -> memref<1x128x128xf32, #tpu.memory_space<vmem>>
      %dma_wait3A_184 = tpu.memref_squeeze %dma_wait3A_183 : memref<1x128x128xf32, #tpu.memory_space<vmem>> -> memref<128x128xf32, #tpu.memory_space<vmem>>
      tpu.wait_dma2 semaphore(%arg14 : memref<!tpu.dma_semaphore, #tpu.memory_space<semaphore_mem>>) src(%dma_wait3A_184 : memref<128x128xf32, #tpu.memory_space<vmem>>) dst(%dma_wait3A_180 : memref<128x128xf32, #tpu.memory_space<hbm>>)
      %dma_wait3A_185 = arith.constant 1 : i32
      %dma_wait3A_186 = arith.constant 0 : i32
      %dma_wait3A_187 = arith.constant 0 : i32
      %dma_wait3A_188 = tpu.memref_slice %arg10[%dma_wait3A_185, %dma_wait3A_186, %dma_wait3A_187] : memref<2x128x128xf32, #tpu.memory_space<vmem>> -> memref<1x128x128xf32, #tpu.memory_space<vmem>>
      %dma_wait3A_189 = tpu.memref_squeeze %dma_wait3A_188 : memref<1x128x128xf32, #tpu.memory_space<vmem>> -> memref<128x128xf32, #tpu.memory_space<vmem>>
      %dma_wait3A_190 = arith.constant 0 : i32
      %dma_wait3A_191 = tpu.memref_slice %arg6[%add3A_132, %dma_wait3A_190] : memref<163840x128xf32, #tpu.memory_space<hbm>> -> memref<128x128xf32, #tpu.memory_space<hbm>>
      %dma_wait3A_192 = arith.constant 0 : i32
      %dma_wait3A_193 = tpu.memref_slice %arg6[%add3A_132, %dma_wait3A_192] : memref<163840x128xf32, #tpu.memory_space<hbm>> -> memref<128x128xf32, #tpu.memory_space<hbm>>
      %dma_wait3A_194 = arith.constant 0 : i32
      %dma_wait3A_195 = arith.constant 0 : i32
      %dma_wait3A_196 = tpu.memref_slice %arg10[%dma_wait3A_185, %dma_wait3A_194, %dma_wait3A_195] : memref<2x128x128xf32, #tpu.memory_space<vmem>> -> memref<1x128x128xf32, #tpu.memory_space<vmem>>
      %dma_wait3A_197 = tpu.memref_squeeze %dma_wait3A_196 : memref<1x128x128xf32, #tpu.memory_space<vmem>> -> memref<128x128xf32, #tpu.memory_space<vmem>>
      tpu.wait_dma2 semaphore(%arg14 : memref<!tpu.dma_semaphore, #tpu.memory_space<semaphore_mem>>) src(%dma_wait3A_197 : memref<128x128xf32, #tpu.memory_space<vmem>>) dst(%dma_wait3A_193 : memref<128x128xf32, #tpu.memory_space<hbm>>)
      %dma_wait3A_198 = arith.constant 1 : i32
      %dma_wait3A_199 = arith.constant 0 : i32
      %dma_wait3A_200 = arith.constant 0 : i32
      %dma_wait3A_201 = tpu.memref_slice %arg11[%dma_wait3A_198, %dma_wait3A_199, %dma_wait3A_200] : memref<2x128x128xf32, #tpu.memory_space<vmem>> -> memref<1x128x128xf32, #tpu.memory_space<vmem>>
      %dma_wait3A_202 = tpu.memref_squeeze %dma_wait3A_201 : memref<1x128x128xf32, #tpu.memory_space<vmem>> -> memref<128x128xf32, #tpu.memory_space<vmem>>
      %dma_wait3A_203 = arith.constant 0 : i32
      %dma_wait3A_204 = tpu.memref_slice %arg7[%add3A_132, %dma_wait3A_203] : memref<163840x128xf32, #tpu.memory_space<hbm>> -> memref<128x128xf32, #tpu.memory_space<hbm>>
      %dma_wait3A_205 = arith.constant 0 : i32
      %dma_wait3A_206 = tpu.memref_slice %arg7[%add3A_132, %dma_wait3A_205] : memref<163840x128xf32, #tpu.memory_space<hbm>> -> memref<128x128xf32, #tpu.memory_space<hbm>>
      %dma_wait3A_207 = arith.constant 0 : i32
      %dma_wait3A_208 = arith.constant 0 : i32
      %dma_wait3A_209 = tpu.memref_slice %arg11[%dma_wait3A_198, %dma_wait3A_207, %dma_wait3A_208] : memref<2x128x128xf32, #tpu.memory_space<vmem>> -> memref<1x128x128xf32, #tpu.memory_space<vmem>>
      %dma_wait3A_210 = tpu.memref_squeeze %dma_wait3A_209 : memref<1x128x128xf32, #tpu.memory_space<vmem>> -> memref<128x128xf32, #tpu.memory_space<vmem>>
      tpu.wait_dma2 semaphore(%arg14 : memref<!tpu.dma_semaphore, #tpu.memory_space<semaphore_mem>>) src(%dma_wait3A_210 : memref<128x128xf32, #tpu.memory_space<vmem>>) dst(%dma_wait3A_206 : memref<128x128xf32, #tpu.memory_space<hbm>>)
    }
    %scan3A_7 = arith.constant 20 : i32
    return
  }
}

#map = affine_map<(d0, d1) -> (0, 0, 0)>
#map1 = affine_map<(d0, d1) -> (0, 0)>
module attributes {stable_mosaic.version = 14 : i64} {
  func.func @_k1v_body(%arg0: i32, %arg1: i32, %arg2: memref<32x40x128xi32, #tpu.memory_space<hbm>>, %arg3: memref<32x40x128xi32, #tpu.memory_space<hbm>>, %arg4: memref<10240x16xf32, #tpu.memory_space<hbm>>, %arg5: memref<163840x16xf32, #tpu.memory_space<hbm>>, %arg6: memref<163840x16xf32, #tpu.memory_space<hbm>>, %arg7: memref<40x128xi32, #tpu.memory_space<vmem>>, %arg8: memref<40x128xi32, #tpu.memory_space<vmem>>, %arg9: memref<2x128x16xf32, #tpu.memory_space<vmem>>, %arg10: memref<2x128x16xf32, #tpu.memory_space<vmem>>, %arg11: memref<!tpu.dma_semaphore, #tpu.memory_space<semaphore_mem>>, %arg12: memref<!tpu.dma_semaphore, #tpu.memory_space<semaphore_mem>>, %arg13: memref<!tpu.dma_semaphore, #tpu.memory_space<semaphore_mem>>) attributes {dimension_semantics = [#tpu.dimension_semantics<core_parallel>, #tpu.dimension_semantics<subcore_parallel>], iteration_bounds = array<i64: 2, 16>, scalar_prefetch = 0 : i64, scratch_operands = 7 : i64, tpu.core_type = #tpu.core_type<sc_vector_subcore>, window_params = [{transform_indices = #map}, {transform_indices = #map}, {transform_indices = #map1}, {transform_indices = #map1}, {transform_indices = #map1}]} {
    %mul3A = arith.constant 2 : i32
    %mul3A_0 = arith.muli %arg1, %mul3A : i32
    %add3A = arith.addi %mul3A_0, %arg0 : i32
    %mul3A_1 = arith.constant 5120 : i32
    %mul3A_2 = arith.muli %add3A, %mul3A_1 : i32
    "tpu.region"() ({
      %run_scoped3A = tpu.sem_alloc : memref<!tpu.dma_semaphore, #tpu.memory_space<semaphore_mem>>
      %dma_start3A = arith.constant 0 : i32
      %dma_start3A_8 = arith.constant 0 : i32
      %dma_start3A_9 = tpu.memref_slice %arg2[%add3A, %dma_start3A, %dma_start3A_8] : memref<32x40x128xi32, #tpu.memory_space<hbm>> -> memref<1x40x128xi32, #tpu.memory_space<hbm>>
      %dma_start3A_10 = tpu.memref_squeeze %dma_start3A_9 : memref<1x40x128xi32, #tpu.memory_space<hbm>> -> memref<40x128xi32, #tpu.memory_space<hbm>>
      %dma_start3A_11 = arith.constant 0 : i32
      %dma_start3A_12 = arith.constant 0 : i32
      %dma_start3A_13 = tpu.memref_slice %arg2[%add3A, %dma_start3A_11, %dma_start3A_12] : memref<32x40x128xi32, #tpu.memory_space<hbm>> -> memref<1x40x128xi32, #tpu.memory_space<hbm>>
      %dma_start3A_14 = tpu.memref_squeeze %dma_start3A_13 : memref<1x40x128xi32, #tpu.memory_space<hbm>> -> memref<40x128xi32, #tpu.memory_space<hbm>>
      tpu.enqueue_dma source(%dma_start3A_14 : memref<40x128xi32, #tpu.memory_space<hbm>>) target(%arg7 : memref<40x128xi32, #tpu.memory_space<vmem>>) target_semaphore(%run_scoped3A : memref<!tpu.dma_semaphore, #tpu.memory_space<semaphore_mem>>)
      %dma_wait3A = arith.constant 0 : i32
      %dma_wait3A_15 = arith.constant 0 : i32
      %dma_wait3A_16 = tpu.memref_slice %arg2[%add3A, %dma_wait3A, %dma_wait3A_15] : memref<32x40x128xi32, #tpu.memory_space<hbm>> -> memref<1x40x128xi32, #tpu.memory_space<hbm>>
      %dma_wait3A_17 = tpu.memref_squeeze %dma_wait3A_16 : memref<1x40x128xi32, #tpu.memory_space<hbm>> -> memref<40x128xi32, #tpu.memory_space<hbm>>
      %dma_wait3A_18 = arith.constant 0 : i32
      %dma_wait3A_19 = arith.constant 0 : i32
      %dma_wait3A_20 = tpu.memref_slice %arg2[%add3A, %dma_wait3A_18, %dma_wait3A_19] : memref<32x40x128xi32, #tpu.memory_space<hbm>> -> memref<1x40x128xi32, #tpu.memory_space<hbm>>
      %dma_wait3A_21 = tpu.memref_squeeze %dma_wait3A_20 : memref<1x40x128xi32, #tpu.memory_space<hbm>> -> memref<40x128xi32, #tpu.memory_space<hbm>>
      tpu.wait_dma2 semaphore(%run_scoped3A : memref<!tpu.dma_semaphore, #tpu.memory_space<semaphore_mem>>) src(%dma_wait3A_21 : memref<40x128xi32, #tpu.memory_space<hbm>>) dst(%arg7 : memref<40x128xi32, #tpu.memory_space<vmem>>)
      tpu.yield
    }) : () -> ()
    "tpu.region"() ({
      %run_scoped3A = tpu.sem_alloc : memref<!tpu.dma_semaphore, #tpu.memory_space<semaphore_mem>>
      %dma_start3A = arith.constant 0 : i32
      %dma_start3A_8 = arith.constant 0 : i32
      %dma_start3A_9 = tpu.memref_slice %arg3[%add3A, %dma_start3A, %dma_start3A_8] : memref<32x40x128xi32, #tpu.memory_space<hbm>> -> memref<1x40x128xi32, #tpu.memory_space<hbm>>
      %dma_start3A_10 = tpu.memref_squeeze %dma_start3A_9 : memref<1x40x128xi32, #tpu.memory_space<hbm>> -> memref<40x128xi32, #tpu.memory_space<hbm>>
      %dma_start3A_11 = arith.constant 0 : i32
      %dma_start3A_12 = arith.constant 0 : i32
      %dma_start3A_13 = tpu.memref_slice %arg3[%add3A, %dma_start3A_11, %dma_start3A_12] : memref<32x40x128xi32, #tpu.memory_space<hbm>> -> memref<1x40x128xi32, #tpu.memory_space<hbm>>
      %dma_start3A_14 = tpu.memref_squeeze %dma_start3A_13 : memref<1x40x128xi32, #tpu.memory_space<hbm>> -> memref<40x128xi32, #tpu.memory_space<hbm>>
      tpu.enqueue_dma source(%dma_start3A_14 : memref<40x128xi32, #tpu.memory_space<hbm>>) target(%arg8 : memref<40x128xi32, #tpu.memory_space<vmem>>) target_semaphore(%run_scoped3A : memref<!tpu.dma_semaphore, #tpu.memory_space<semaphore_mem>>)
      %dma_wait3A = arith.constant 0 : i32
      %dma_wait3A_15 = arith.constant 0 : i32
      %dma_wait3A_16 = tpu.memref_slice %arg3[%add3A, %dma_wait3A, %dma_wait3A_15] : memref<32x40x128xi32, #tpu.memory_space<hbm>> -> memref<1x40x128xi32, #tpu.memory_space<hbm>>
      %dma_wait3A_17 = tpu.memref_squeeze %dma_wait3A_16 : memref<1x40x128xi32, #tpu.memory_space<hbm>> -> memref<40x128xi32, #tpu.memory_space<hbm>>
      %dma_wait3A_18 = arith.constant 0 : i32
      %dma_wait3A_19 = arith.constant 0 : i32
      %dma_wait3A_20 = tpu.memref_slice %arg3[%add3A, %dma_wait3A_18, %dma_wait3A_19] : memref<32x40x128xi32, #tpu.memory_space<hbm>> -> memref<1x40x128xi32, #tpu.memory_space<hbm>>
      %dma_wait3A_21 = tpu.memref_squeeze %dma_wait3A_20 : memref<1x40x128xi32, #tpu.memory_space<hbm>> -> memref<40x128xi32, #tpu.memory_space<hbm>>
      tpu.wait_dma2 semaphore(%run_scoped3A : memref<!tpu.dma_semaphore, #tpu.memory_space<semaphore_mem>>) src(%dma_wait3A_21 : memref<40x128xi32, #tpu.memory_space<hbm>>) dst(%arg8 : memref<40x128xi32, #tpu.memory_space<vmem>>)
      tpu.yield
    }) : () -> ()
    %scan3A = arith.constant 0 : i32
    %scan3A_3 = arith.constant 0 : i32
    %scan3A_4 = arith.constant 20 : i32
    %scan3A_5 = arith.addi %scan3A_3, %scan3A_4 : i32
    %scan3A_6 = arith.constant 1 : i32
    scf.for %scan3A_8 = %scan3A_3 to %scan3A_5 step %scan3A_6  : i32 {
      %mul3A_9 = arith.constant 2 : i32
      %mul3A_10 = arith.muli %mul3A_9, %scan3A_8 : i32
      %mul3A_11 = arith.constant 2 : i32
      %mul3A_12 = arith.muli %mul3A_11, %scan3A_8 : i32
      %add3A_13 = arith.constant 1 : i32
      %add3A_14 = arith.addi %mul3A_12, %add3A_13 : i32
      %dma_start3A = arith.constant 0 : i32
      %dma_start3A_15 = arith.constant 0 : i32
      %dma_start3A_16 = arith.constant 0 : i32
      %dma_start3A_17 = tpu.memref_slice %arg9[%dma_start3A, %dma_start3A_15, %dma_start3A_16] : memref<2x128x16xf32, #tpu.memory_space<vmem>> -> memref<1x128x16xf32, #tpu.memory_space<vmem>>
      %dma_start3A_18 = tpu.memref_squeeze %dma_start3A_17 : memref<1x128x16xf32, #tpu.memory_space<vmem>> -> memref<128x16xf32, #tpu.memory_space<vmem>>
      %dma_start3A_19 = arith.constant 0 : i32
      %dma_start3A_20 = tpu.memref_slice %arg7[%mul3A_10, %dma_start3A_19] : memref<40x128xi32, #tpu.memory_space<vmem>> -> memref<1x128xi32, #tpu.memory_space<vmem>>
      %dma_start3A_21 = tpu.memref_squeeze %dma_start3A_20 : memref<1x128xi32, #tpu.memory_space<vmem>> -> memref<128xi32, #tpu.memory_space<vmem>>
      %dma_start3A_22 = arith.constant 0 : i32
      %dma_start3A_23 = arith.constant 0 : i32
      %dma_start3A_24 = tpu.memref_slice %arg4[%dma_start3A_22, %dma_start3A_23] : memref<10240x16xf32, #tpu.memory_space<hbm>> -> memref<10240x16xf32, #tpu.memory_space<hbm>>
      tpu.enqueue_indirect_dma source(%dma_start3A_24 : memref<10240x16xf32, #tpu.memory_space<hbm>>) target(%dma_start3A_18 : memref<128x16xf32, #tpu.memory_space<vmem>>) offsets(%dma_start3A_21 : memref<128xi32, #tpu.memory_space<vmem>>) semaphore(%arg11 : memref<!tpu.dma_semaphore, #tpu.memory_space<semaphore_mem>>)
      %dma_start3A_25 = arith.constant 0 : i32
      %dma_start3A_26 = arith.constant 0 : i32
      %dma_start3A_27 = arith.constant 0 : i32
      %dma_start3A_28 = tpu.memref_slice %arg10[%dma_start3A_25, %dma_start3A_26, %dma_start3A_27] : memref<2x128x16xf32, #tpu.memory_space<vmem>> -> memref<1x128x16xf32, #tpu.memory_space<vmem>>
      %dma_start3A_29 = tpu.memref_squeeze %dma_start3A_28 : memref<1x128x16xf32, #tpu.memory_space<vmem>> -> memref<128x16xf32, #tpu.memory_space<vmem>>
      %dma_start3A_30 = arith.constant 0 : i32
      %dma_start3A_31 = tpu.memref_slice %arg8[%mul3A_10, %dma_start3A_30] : memref<40x128xi32, #tpu.memory_space<vmem>> -> memref<1x128xi32, #tpu.memory_space<vmem>>
      %dma_start3A_32 = tpu.memref_squeeze %dma_start3A_31 : memref<1x128xi32, #tpu.memory_space<vmem>> -> memref<128xi32, #tpu.memory_space<vmem>>
      %dma_start3A_33 = arith.constant 0 : i32
      %dma_start3A_34 = arith.constant 0 : i32
      %dma_start3A_35 = tpu.memref_slice %arg4[%dma_start3A_33, %dma_start3A_34] : memref<10240x16xf32, #tpu.memory_space<hbm>> -> memref<10240x16xf32, #tpu.memory_space<hbm>>
      tpu.enqueue_indirect_dma source(%dma_start3A_35 : memref<10240x16xf32, #tpu.memory_space<hbm>>) target(%dma_start3A_29 : memref<128x16xf32, #tpu.memory_space<vmem>>) offsets(%dma_start3A_32 : memref<128xi32, #tpu.memory_space<vmem>>) semaphore(%arg11 : memref<!tpu.dma_semaphore, #tpu.memory_space<semaphore_mem>>)
      %dma_start3A_36 = arith.constant 1 : i32
      %dma_start3A_37 = arith.constant 0 : i32
      %dma_start3A_38 = arith.constant 0 : i32
      %dma_start3A_39 = tpu.memref_slice %arg9[%dma_start3A_36, %dma_start3A_37, %dma_start3A_38] : memref<2x128x16xf32, #tpu.memory_space<vmem>> -> memref<1x128x16xf32, #tpu.memory_space<vmem>>
      %dma_start3A_40 = tpu.memref_squeeze %dma_start3A_39 : memref<1x128x16xf32, #tpu.memory_space<vmem>> -> memref<128x16xf32, #tpu.memory_space<vmem>>
      %dma_start3A_41 = arith.constant 0 : i32
      %dma_start3A_42 = tpu.memref_slice %arg7[%add3A_14, %dma_start3A_41] : memref<40x128xi32, #tpu.memory_space<vmem>> -> memref<1x128xi32, #tpu.memory_space<vmem>>
      %dma_start3A_43 = tpu.memref_squeeze %dma_start3A_42 : memref<1x128xi32, #tpu.memory_space<vmem>> -> memref<128xi32, #tpu.memory_space<vmem>>
      %dma_start3A_44 = arith.constant 0 : i32
      %dma_start3A_45 = arith.constant 0 : i32
      %dma_start3A_46 = tpu.memref_slice %arg4[%dma_start3A_44, %dma_start3A_45] : memref<10240x16xf32, #tpu.memory_space<hbm>> -> memref<10240x16xf32, #tpu.memory_space<hbm>>
      tpu.enqueue_indirect_dma source(%dma_start3A_46 : memref<10240x16xf32, #tpu.memory_space<hbm>>) target(%dma_start3A_40 : memref<128x16xf32, #tpu.memory_space<vmem>>) offsets(%dma_start3A_43 : memref<128xi32, #tpu.memory_space<vmem>>) semaphore(%arg12 : memref<!tpu.dma_semaphore, #tpu.memory_space<semaphore_mem>>)
      %dma_start3A_47 = arith.constant 1 : i32
      %dma_start3A_48 = arith.constant 0 : i32
      %dma_start3A_49 = arith.constant 0 : i32
      %dma_start3A_50 = tpu.memref_slice %arg10[%dma_start3A_47, %dma_start3A_48, %dma_start3A_49] : memref<2x128x16xf32, #tpu.memory_space<vmem>> -> memref<1x128x16xf32, #tpu.memory_space<vmem>>
      %dma_start3A_51 = tpu.memref_squeeze %dma_start3A_50 : memref<1x128x16xf32, #tpu.memory_space<vmem>> -> memref<128x16xf32, #tpu.memory_space<vmem>>
      %dma_start3A_52 = arith.constant 0 : i32
      %dma_start3A_53 = tpu.memref_slice %arg8[%add3A_14, %dma_start3A_52] : memref<40x128xi32, #tpu.memory_space<vmem>> -> memref<1x128xi32, #tpu.memory_space<vmem>>
      %dma_start3A_54 = tpu.memref_squeeze %dma_start3A_53 : memref<1x128xi32, #tpu.memory_space<vmem>> -> memref<128xi32, #tpu.memory_space<vmem>>
      %dma_start3A_55 = arith.constant 0 : i32
      %dma_start3A_56 = arith.constant 0 : i32
      %dma_start3A_57 = tpu.memref_slice %arg4[%dma_start3A_55, %dma_start3A_56] : memref<10240x16xf32, #tpu.memory_space<hbm>> -> memref<10240x16xf32, #tpu.memory_space<hbm>>
      tpu.enqueue_indirect_dma source(%dma_start3A_57 : memref<10240x16xf32, #tpu.memory_space<hbm>>) target(%dma_start3A_51 : memref<128x16xf32, #tpu.memory_space<vmem>>) offsets(%dma_start3A_54 : memref<128xi32, #tpu.memory_space<vmem>>) semaphore(%arg12 : memref<!tpu.dma_semaphore, #tpu.memory_space<semaphore_mem>>)
      %dma_wait3A = arith.constant 0 : i32
      %dma_wait3A_58 = arith.constant 0 : i32
      %dma_wait3A_59 = arith.constant 0 : i32
      %dma_wait3A_60 = tpu.memref_slice %arg9[%dma_wait3A, %dma_wait3A_58, %dma_wait3A_59] : memref<2x128x16xf32, #tpu.memory_space<vmem>> -> memref<1x128x16xf32, #tpu.memory_space<vmem>>
      %dma_wait3A_61 = tpu.memref_squeeze %dma_wait3A_60 : memref<1x128x16xf32, #tpu.memory_space<vmem>> -> memref<128x16xf32, #tpu.memory_space<vmem>>
      %dma_wait3A_62 = arith.constant 0 : i32
      %dma_wait3A_63 = tpu.memref_slice %arg7[%mul3A_10, %dma_wait3A_62] : memref<40x128xi32, #tpu.memory_space<vmem>> -> memref<1x128xi32, #tpu.memory_space<vmem>>
      %dma_wait3A_64 = tpu.memref_squeeze %dma_wait3A_63 : memref<1x128xi32, #tpu.memory_space<vmem>> -> memref<128xi32, #tpu.memory_space<vmem>>
      %dma_wait3A_65 = arith.constant 0 : i32
      %dma_wait3A_66 = arith.constant 0 : i32
      %dma_wait3A_67 = tpu.memref_slice %arg4[%dma_wait3A_65, %dma_wait3A_66] : memref<10240x16xf32, #tpu.memory_space<hbm>> -> memref<10240x16xf32, #tpu.memory_space<hbm>>
      tpu.wait_indirect_dma semaphore(%arg11 : memref<!tpu.dma_semaphore, #tpu.memory_space<semaphore_mem>>) src(%dma_wait3A_67 : memref<10240x16xf32, #tpu.memory_space<hbm>>) dst(%dma_wait3A_61 : memref<128x16xf32, #tpu.memory_space<vmem>>)
      %dma_wait3A_68 = arith.constant 0 : i32
      %dma_wait3A_69 = arith.constant 0 : i32
      %dma_wait3A_70 = arith.constant 0 : i32
      %dma_wait3A_71 = tpu.memref_slice %arg10[%dma_wait3A_68, %dma_wait3A_69, %dma_wait3A_70] : memref<2x128x16xf32, #tpu.memory_space<vmem>> -> memref<1x128x16xf32, #tpu.memory_space<vmem>>
      %dma_wait3A_72 = tpu.memref_squeeze %dma_wait3A_71 : memref<1x128x16xf32, #tpu.memory_space<vmem>> -> memref<128x16xf32, #tpu.memory_space<vmem>>
      %dma_wait3A_73 = arith.constant 0 : i32
      %dma_wait3A_74 = tpu.memref_slice %arg8[%mul3A_10, %dma_wait3A_73] : memref<40x128xi32, #tpu.memory_space<vmem>> -> memref<1x128xi32, #tpu.memory_space<vmem>>
      %dma_wait3A_75 = tpu.memref_squeeze %dma_wait3A_74 : memref<1x128xi32, #tpu.memory_space<vmem>> -> memref<128xi32, #tpu.memory_space<vmem>>
      %dma_wait3A_76 = arith.constant 0 : i32
      %dma_wait3A_77 = arith.constant 0 : i32
      %dma_wait3A_78 = tpu.memref_slice %arg4[%dma_wait3A_76, %dma_wait3A_77] : memref<10240x16xf32, #tpu.memory_space<hbm>> -> memref<10240x16xf32, #tpu.memory_space<hbm>>
      tpu.wait_indirect_dma semaphore(%arg11 : memref<!tpu.dma_semaphore, #tpu.memory_space<semaphore_mem>>) src(%dma_wait3A_78 : memref<10240x16xf32, #tpu.memory_space<hbm>>) dst(%dma_wait3A_72 : memref<128x16xf32, #tpu.memory_space<vmem>>)
      %mul3A_79 = arith.constant 128 : i32
      %mul3A_80 = arith.muli %mul3A_10, %mul3A_79 : i32
      %add3A_81 = arith.addi %mul3A_2, %mul3A_80 : i32
      %dma_start3A_82 = arith.constant 0 : i32
      %dma_start3A_83 = arith.constant 0 : i32
      %dma_start3A_84 = arith.constant 0 : i32
      %dma_start3A_85 = tpu.memref_slice %arg9[%dma_start3A_82, %dma_start3A_83, %dma_start3A_84] : memref<2x128x16xf32, #tpu.memory_space<vmem>> -> memref<1x128x16xf32, #tpu.memory_space<vmem>>
      %dma_start3A_86 = tpu.memref_squeeze %dma_start3A_85 : memref<1x128x16xf32, #tpu.memory_space<vmem>> -> memref<128x16xf32, #tpu.memory_space<vmem>>
      %dma_start3A_87 = arith.constant 0 : i32
      %dma_start3A_88 = tpu.memref_slice %arg5[%add3A_81, %dma_start3A_87] : memref<163840x16xf32, #tpu.memory_space<hbm>> -> memref<128x16xf32, #tpu.memory_space<hbm>>
      %dma_start3A_89 = arith.constant 0 : i32
      %dma_start3A_90 = tpu.memref_slice %arg5[%add3A_81, %dma_start3A_89] : memref<163840x16xf32, #tpu.memory_space<hbm>> -> memref<128x16xf32, #tpu.memory_space<hbm>>
      %dma_start3A_91 = arith.constant 0 : i32
      %dma_start3A_92 = arith.constant 0 : i32
      %dma_start3A_93 = tpu.memref_slice %arg9[%dma_start3A_82, %dma_start3A_91, %dma_start3A_92] : memref<2x128x16xf32, #tpu.memory_space<vmem>> -> memref<1x128x16xf32, #tpu.memory_space<vmem>>
      %dma_start3A_94 = tpu.memref_squeeze %dma_start3A_93 : memref<1x128x16xf32, #tpu.memory_space<vmem>> -> memref<128x16xf32, #tpu.memory_space<vmem>>
      tpu.enqueue_dma source(%dma_start3A_94 : memref<128x16xf32, #tpu.memory_space<vmem>>) target(%dma_start3A_90 : memref<128x16xf32, #tpu.memory_space<hbm>>) target_semaphore(%arg13 : memref<!tpu.dma_semaphore, #tpu.memory_space<semaphore_mem>>)
      %dma_start3A_95 = arith.constant 0 : i32
      %dma_start3A_96 = arith.constant 0 : i32
      %dma_start3A_97 = arith.constant 0 : i32
      %dma_start3A_98 = tpu.memref_slice %arg10[%dma_start3A_95, %dma_start3A_96, %dma_start3A_97] : memref<2x128x16xf32, #tpu.memory_space<vmem>> -> memref<1x128x16xf32, #tpu.memory_space<vmem>>
      %dma_start3A_99 = tpu.memref_squeeze %dma_start3A_98 : memref<1x128x16xf32, #tpu.memory_space<vmem>> -> memref<128x16xf32, #tpu.memory_space<vmem>>
      %dma_start3A_100 = arith.constant 0 : i32
      %dma_start3A_101 = tpu.memref_slice %arg6[%add3A_81, %dma_start3A_100] : memref<163840x16xf32, #tpu.memory_space<hbm>> -> memref<128x16xf32, #tpu.memory_space<hbm>>
      %dma_start3A_102 = arith.constant 0 : i32
      %dma_start3A_103 = tpu.memref_slice %arg6[%add3A_81, %dma_start3A_102] : memref<163840x16xf32, #tpu.memory_space<hbm>> -> memref<128x16xf32, #tpu.memory_space<hbm>>
      %dma_start3A_104 = arith.constant 0 : i32
      %dma_start3A_105 = arith.constant 0 : i32
      %dma_start3A_106 = tpu.memref_slice %arg10[%dma_start3A_95, %dma_start3A_104, %dma_start3A_105] : memref<2x128x16xf32, #tpu.memory_space<vmem>> -> memref<1x128x16xf32, #tpu.memory_space<vmem>>
      %dma_start3A_107 = tpu.memref_squeeze %dma_start3A_106 : memref<1x128x16xf32, #tpu.memory_space<vmem>> -> memref<128x16xf32, #tpu.memory_space<vmem>>
      tpu.enqueue_dma source(%dma_start3A_107 : memref<128x16xf32, #tpu.memory_space<vmem>>) target(%dma_start3A_103 : memref<128x16xf32, #tpu.memory_space<hbm>>) target_semaphore(%arg13 : memref<!tpu.dma_semaphore, #tpu.memory_space<semaphore_mem>>)
      %dma_wait3A_108 = arith.constant 1 : i32
      %dma_wait3A_109 = arith.constant 0 : i32
      %dma_wait3A_110 = arith.constant 0 : i32
      %dma_wait3A_111 = tpu.memref_slice %arg9[%dma_wait3A_108, %dma_wait3A_109, %dma_wait3A_110] : memref<2x128x16xf32, #tpu.memory_space<vmem>> -> memref<1x128x16xf32, #tpu.memory_space<vmem>>
      %dma_wait3A_112 = tpu.memref_squeeze %dma_wait3A_111 : memref<1x128x16xf32, #tpu.memory_space<vmem>> -> memref<128x16xf32, #tpu.memory_space<vmem>>
      %dma_wait3A_113 = arith.constant 0 : i32
      %dma_wait3A_114 = tpu.memref_slice %arg7[%add3A_14, %dma_wait3A_113] : memref<40x128xi32, #tpu.memory_space<vmem>> -> memref<1x128xi32, #tpu.memory_space<vmem>>
      %dma_wait3A_115 = tpu.memref_squeeze %dma_wait3A_114 : memref<1x128xi32, #tpu.memory_space<vmem>> -> memref<128xi32, #tpu.memory_space<vmem>>
      %dma_wait3A_116 = arith.constant 0 : i32
      %dma_wait3A_117 = arith.constant 0 : i32
      %dma_wait3A_118 = tpu.memref_slice %arg4[%dma_wait3A_116, %dma_wait3A_117] : memref<10240x16xf32, #tpu.memory_space<hbm>> -> memref<10240x16xf32, #tpu.memory_space<hbm>>
      tpu.wait_indirect_dma semaphore(%arg12 : memref<!tpu.dma_semaphore, #tpu.memory_space<semaphore_mem>>) src(%dma_wait3A_118 : memref<10240x16xf32, #tpu.memory_space<hbm>>) dst(%dma_wait3A_112 : memref<128x16xf32, #tpu.memory_space<vmem>>)
      %dma_wait3A_119 = arith.constant 1 : i32
      %dma_wait3A_120 = arith.constant 0 : i32
      %dma_wait3A_121 = arith.constant 0 : i32
      %dma_wait3A_122 = tpu.memref_slice %arg10[%dma_wait3A_119, %dma_wait3A_120, %dma_wait3A_121] : memref<2x128x16xf32, #tpu.memory_space<vmem>> -> memref<1x128x16xf32, #tpu.memory_space<vmem>>
      %dma_wait3A_123 = tpu.memref_squeeze %dma_wait3A_122 : memref<1x128x16xf32, #tpu.memory_space<vmem>> -> memref<128x16xf32, #tpu.memory_space<vmem>>
      %dma_wait3A_124 = arith.constant 0 : i32
      %dma_wait3A_125 = tpu.memref_slice %arg8[%add3A_14, %dma_wait3A_124] : memref<40x128xi32, #tpu.memory_space<vmem>> -> memref<1x128xi32, #tpu.memory_space<vmem>>
      %dma_wait3A_126 = tpu.memref_squeeze %dma_wait3A_125 : memref<1x128xi32, #tpu.memory_space<vmem>> -> memref<128xi32, #tpu.memory_space<vmem>>
      %dma_wait3A_127 = arith.constant 0 : i32
      %dma_wait3A_128 = arith.constant 0 : i32
      %dma_wait3A_129 = tpu.memref_slice %arg4[%dma_wait3A_127, %dma_wait3A_128] : memref<10240x16xf32, #tpu.memory_space<hbm>> -> memref<10240x16xf32, #tpu.memory_space<hbm>>
      tpu.wait_indirect_dma semaphore(%arg12 : memref<!tpu.dma_semaphore, #tpu.memory_space<semaphore_mem>>) src(%dma_wait3A_129 : memref<10240x16xf32, #tpu.memory_space<hbm>>) dst(%dma_wait3A_123 : memref<128x16xf32, #tpu.memory_space<vmem>>)
      %mul3A_130 = arith.constant 128 : i32
      %mul3A_131 = arith.muli %add3A_14, %mul3A_130 : i32
      %add3A_132 = arith.addi %mul3A_2, %mul3A_131 : i32
      %dma_start3A_133 = arith.constant 1 : i32
      %dma_start3A_134 = arith.constant 0 : i32
      %dma_start3A_135 = arith.constant 0 : i32
      %dma_start3A_136 = tpu.memref_slice %arg9[%dma_start3A_133, %dma_start3A_134, %dma_start3A_135] : memref<2x128x16xf32, #tpu.memory_space<vmem>> -> memref<1x128x16xf32, #tpu.memory_space<vmem>>
      %dma_start3A_137 = tpu.memref_squeeze %dma_start3A_136 : memref<1x128x16xf32, #tpu.memory_space<vmem>> -> memref<128x16xf32, #tpu.memory_space<vmem>>
      %dma_start3A_138 = arith.constant 0 : i32
      %dma_start3A_139 = tpu.memref_slice %arg5[%add3A_132, %dma_start3A_138] : memref<163840x16xf32, #tpu.memory_space<hbm>> -> memref<128x16xf32, #tpu.memory_space<hbm>>
      %dma_start3A_140 = arith.constant 0 : i32
      %dma_start3A_141 = tpu.memref_slice %arg5[%add3A_132, %dma_start3A_140] : memref<163840x16xf32, #tpu.memory_space<hbm>> -> memref<128x16xf32, #tpu.memory_space<hbm>>
      %dma_start3A_142 = arith.constant 0 : i32
      %dma_start3A_143 = arith.constant 0 : i32
      %dma_start3A_144 = tpu.memref_slice %arg9[%dma_start3A_133, %dma_start3A_142, %dma_start3A_143] : memref<2x128x16xf32, #tpu.memory_space<vmem>> -> memref<1x128x16xf32, #tpu.memory_space<vmem>>
      %dma_start3A_145 = tpu.memref_squeeze %dma_start3A_144 : memref<1x128x16xf32, #tpu.memory_space<vmem>> -> memref<128x16xf32, #tpu.memory_space<vmem>>
      tpu.enqueue_dma source(%dma_start3A_145 : memref<128x16xf32, #tpu.memory_space<vmem>>) target(%dma_start3A_141 : memref<128x16xf32, #tpu.memory_space<hbm>>) target_semaphore(%arg13 : memref<!tpu.dma_semaphore, #tpu.memory_space<semaphore_mem>>)
      %dma_start3A_146 = arith.constant 1 : i32
      %dma_start3A_147 = arith.constant 0 : i32
      %dma_start3A_148 = arith.constant 0 : i32
      %dma_start3A_149 = tpu.memref_slice %arg10[%dma_start3A_146, %dma_start3A_147, %dma_start3A_148] : memref<2x128x16xf32, #tpu.memory_space<vmem>> -> memref<1x128x16xf32, #tpu.memory_space<vmem>>
      %dma_start3A_150 = tpu.memref_squeeze %dma_start3A_149 : memref<1x128x16xf32, #tpu.memory_space<vmem>> -> memref<128x16xf32, #tpu.memory_space<vmem>>
      %dma_start3A_151 = arith.constant 0 : i32
      %dma_start3A_152 = tpu.memref_slice %arg6[%add3A_132, %dma_start3A_151] : memref<163840x16xf32, #tpu.memory_space<hbm>> -> memref<128x16xf32, #tpu.memory_space<hbm>>
      %dma_start3A_153 = arith.constant 0 : i32
      %dma_start3A_154 = tpu.memref_slice %arg6[%add3A_132, %dma_start3A_153] : memref<163840x16xf32, #tpu.memory_space<hbm>> -> memref<128x16xf32, #tpu.memory_space<hbm>>
      %dma_start3A_155 = arith.constant 0 : i32
      %dma_start3A_156 = arith.constant 0 : i32
      %dma_start3A_157 = tpu.memref_slice %arg10[%dma_start3A_146, %dma_start3A_155, %dma_start3A_156] : memref<2x128x16xf32, #tpu.memory_space<vmem>> -> memref<1x128x16xf32, #tpu.memory_space<vmem>>
      %dma_start3A_158 = tpu.memref_squeeze %dma_start3A_157 : memref<1x128x16xf32, #tpu.memory_space<vmem>> -> memref<128x16xf32, #tpu.memory_space<vmem>>
      tpu.enqueue_dma source(%dma_start3A_158 : memref<128x16xf32, #tpu.memory_space<vmem>>) target(%dma_start3A_154 : memref<128x16xf32, #tpu.memory_space<hbm>>) target_semaphore(%arg13 : memref<!tpu.dma_semaphore, #tpu.memory_space<semaphore_mem>>)
      %dma_wait3A_159 = arith.constant 0 : i32
      %dma_wait3A_160 = arith.constant 0 : i32
      %dma_wait3A_161 = arith.constant 0 : i32
      %dma_wait3A_162 = tpu.memref_slice %arg9[%dma_wait3A_159, %dma_wait3A_160, %dma_wait3A_161] : memref<2x128x16xf32, #tpu.memory_space<vmem>> -> memref<1x128x16xf32, #tpu.memory_space<vmem>>
      %dma_wait3A_163 = tpu.memref_squeeze %dma_wait3A_162 : memref<1x128x16xf32, #tpu.memory_space<vmem>> -> memref<128x16xf32, #tpu.memory_space<vmem>>
      %dma_wait3A_164 = arith.constant 0 : i32
      %dma_wait3A_165 = tpu.memref_slice %arg5[%add3A_81, %dma_wait3A_164] : memref<163840x16xf32, #tpu.memory_space<hbm>> -> memref<128x16xf32, #tpu.memory_space<hbm>>
      %dma_wait3A_166 = arith.constant 0 : i32
      %dma_wait3A_167 = tpu.memref_slice %arg5[%add3A_81, %dma_wait3A_166] : memref<163840x16xf32, #tpu.memory_space<hbm>> -> memref<128x16xf32, #tpu.memory_space<hbm>>
      %dma_wait3A_168 = arith.constant 0 : i32
      %dma_wait3A_169 = arith.constant 0 : i32
      %dma_wait3A_170 = tpu.memref_slice %arg9[%dma_wait3A_159, %dma_wait3A_168, %dma_wait3A_169] : memref<2x128x16xf32, #tpu.memory_space<vmem>> -> memref<1x128x16xf32, #tpu.memory_space<vmem>>
      %dma_wait3A_171 = tpu.memref_squeeze %dma_wait3A_170 : memref<1x128x16xf32, #tpu.memory_space<vmem>> -> memref<128x16xf32, #tpu.memory_space<vmem>>
      tpu.wait_dma2 semaphore(%arg13 : memref<!tpu.dma_semaphore, #tpu.memory_space<semaphore_mem>>) src(%dma_wait3A_171 : memref<128x16xf32, #tpu.memory_space<vmem>>) dst(%dma_wait3A_167 : memref<128x16xf32, #tpu.memory_space<hbm>>)
      %dma_wait3A_172 = arith.constant 0 : i32
      %dma_wait3A_173 = arith.constant 0 : i32
      %dma_wait3A_174 = arith.constant 0 : i32
      %dma_wait3A_175 = tpu.memref_slice %arg10[%dma_wait3A_172, %dma_wait3A_173, %dma_wait3A_174] : memref<2x128x16xf32, #tpu.memory_space<vmem>> -> memref<1x128x16xf32, #tpu.memory_space<vmem>>
      %dma_wait3A_176 = tpu.memref_squeeze %dma_wait3A_175 : memref<1x128x16xf32, #tpu.memory_space<vmem>> -> memref<128x16xf32, #tpu.memory_space<vmem>>
      %dma_wait3A_177 = arith.constant 0 : i32
      %dma_wait3A_178 = tpu.memref_slice %arg6[%add3A_81, %dma_wait3A_177] : memref<163840x16xf32, #tpu.memory_space<hbm>> -> memref<128x16xf32, #tpu.memory_space<hbm>>
      %dma_wait3A_179 = arith.constant 0 : i32
      %dma_wait3A_180 = tpu.memref_slice %arg6[%add3A_81, %dma_wait3A_179] : memref<163840x16xf32, #tpu.memory_space<hbm>> -> memref<128x16xf32, #tpu.memory_space<hbm>>
      %dma_wait3A_181 = arith.constant 0 : i32
      %dma_wait3A_182 = arith.constant 0 : i32
      %dma_wait3A_183 = tpu.memref_slice %arg10[%dma_wait3A_172, %dma_wait3A_181, %dma_wait3A_182] : memref<2x128x16xf32, #tpu.memory_space<vmem>> -> memref<1x128x16xf32, #tpu.memory_space<vmem>>
      %dma_wait3A_184 = tpu.memref_squeeze %dma_wait3A_183 : memref<1x128x16xf32, #tpu.memory_space<vmem>> -> memref<128x16xf32, #tpu.memory_space<vmem>>
      tpu.wait_dma2 semaphore(%arg13 : memref<!tpu.dma_semaphore, #tpu.memory_space<semaphore_mem>>) src(%dma_wait3A_184 : memref<128x16xf32, #tpu.memory_space<vmem>>) dst(%dma_wait3A_180 : memref<128x16xf32, #tpu.memory_space<hbm>>)
      %dma_wait3A_185 = arith.constant 1 : i32
      %dma_wait3A_186 = arith.constant 0 : i32
      %dma_wait3A_187 = arith.constant 0 : i32
      %dma_wait3A_188 = tpu.memref_slice %arg9[%dma_wait3A_185, %dma_wait3A_186, %dma_wait3A_187] : memref<2x128x16xf32, #tpu.memory_space<vmem>> -> memref<1x128x16xf32, #tpu.memory_space<vmem>>
      %dma_wait3A_189 = tpu.memref_squeeze %dma_wait3A_188 : memref<1x128x16xf32, #tpu.memory_space<vmem>> -> memref<128x16xf32, #tpu.memory_space<vmem>>
      %dma_wait3A_190 = arith.constant 0 : i32
      %dma_wait3A_191 = tpu.memref_slice %arg5[%add3A_132, %dma_wait3A_190] : memref<163840x16xf32, #tpu.memory_space<hbm>> -> memref<128x16xf32, #tpu.memory_space<hbm>>
      %dma_wait3A_192 = arith.constant 0 : i32
      %dma_wait3A_193 = tpu.memref_slice %arg5[%add3A_132, %dma_wait3A_192] : memref<163840x16xf32, #tpu.memory_space<hbm>> -> memref<128x16xf32, #tpu.memory_space<hbm>>
      %dma_wait3A_194 = arith.constant 0 : i32
      %dma_wait3A_195 = arith.constant 0 : i32
      %dma_wait3A_196 = tpu.memref_slice %arg9[%dma_wait3A_185, %dma_wait3A_194, %dma_wait3A_195] : memref<2x128x16xf32, #tpu.memory_space<vmem>> -> memref<1x128x16xf32, #tpu.memory_space<vmem>>
      %dma_wait3A_197 = tpu.memref_squeeze %dma_wait3A_196 : memref<1x128x16xf32, #tpu.memory_space<vmem>> -> memref<128x16xf32, #tpu.memory_space<vmem>>
      tpu.wait_dma2 semaphore(%arg13 : memref<!tpu.dma_semaphore, #tpu.memory_space<semaphore_mem>>) src(%dma_wait3A_197 : memref<128x16xf32, #tpu.memory_space<vmem>>) dst(%dma_wait3A_193 : memref<128x16xf32, #tpu.memory_space<hbm>>)
      %dma_wait3A_198 = arith.constant 1 : i32
      %dma_wait3A_199 = arith.constant 0 : i32
      %dma_wait3A_200 = arith.constant 0 : i32
      %dma_wait3A_201 = tpu.memref_slice %arg10[%dma_wait3A_198, %dma_wait3A_199, %dma_wait3A_200] : memref<2x128x16xf32, #tpu.memory_space<vmem>> -> memref<1x128x16xf32, #tpu.memory_space<vmem>>
      %dma_wait3A_202 = tpu.memref_squeeze %dma_wait3A_201 : memref<1x128x16xf32, #tpu.memory_space<vmem>> -> memref<128x16xf32, #tpu.memory_space<vmem>>
      %dma_wait3A_203 = arith.constant 0 : i32
      %dma_wait3A_204 = tpu.memref_slice %arg6[%add3A_132, %dma_wait3A_203] : memref<163840x16xf32, #tpu.memory_space<hbm>> -> memref<128x16xf32, #tpu.memory_space<hbm>>
      %dma_wait3A_205 = arith.constant 0 : i32
      %dma_wait3A_206 = tpu.memref_slice %arg6[%add3A_132, %dma_wait3A_205] : memref<163840x16xf32, #tpu.memory_space<hbm>> -> memref<128x16xf32, #tpu.memory_space<hbm>>
      %dma_wait3A_207 = arith.constant 0 : i32
      %dma_wait3A_208 = arith.constant 0 : i32
      %dma_wait3A_209 = tpu.memref_slice %arg10[%dma_wait3A_198, %dma_wait3A_207, %dma_wait3A_208] : memref<2x128x16xf32, #tpu.memory_space<vmem>> -> memref<1x128x16xf32, #tpu.memory_space<vmem>>
      %dma_wait3A_210 = tpu.memref_squeeze %dma_wait3A_209 : memref<1x128x16xf32, #tpu.memory_space<vmem>> -> memref<128x16xf32, #tpu.memory_space<vmem>>
      tpu.wait_dma2 semaphore(%arg13 : memref<!tpu.dma_semaphore, #tpu.memory_space<semaphore_mem>>) src(%dma_wait3A_210 : memref<128x16xf32, #tpu.memory_space<vmem>>) dst(%dma_wait3A_206 : memref<128x16xf32, #tpu.memory_space<hbm>>)
    }
    %scan3A_7 = arith.constant 20 : i32
    return
  }
}

#map = affine_map<(d0, d1) -> (0, 0, 0)>
#map1 = affine_map<(d0, d1) -> (0, 0)>
module attributes {stable_mosaic.version = 14 : i64} {
  func.func @k3_16(%arg0: i32, %arg1: i32, %arg2: memref<32x40x128xi32, #tpu.memory_space<hbm>>, %arg3: memref<163840x16xf32, #tpu.memory_space<hbm>>, %arg4: memref<640x16xf32, #tpu.memory_space<hbm>>, %arg5: memref<2x10240x16xf32, #tpu.memory_space<hbm>>, %arg6: memref<40x128xi32, #tpu.memory_space<vmem>>, %arg7: memref<128x16xf32, #tpu.memory_space<vmem>>, %arg8: memref<128x16xf32, #tpu.memory_space<vmem>>, %arg9: memref<10240x16xf32, #tpu.memory_space<vmem_shared>>, %arg10: memref<!tpu.dma_semaphore, #tpu.memory_space<semaphore_mem>>, %arg11: memref<!tpu.dma_semaphore, #tpu.memory_space<semaphore_mem>>) attributes {dimension_semantics = [#tpu.dimension_semantics<core_parallel>, #tpu.dimension_semantics<subcore_parallel>], iteration_bounds = array<i64: 2, 16>, scalar_prefetch = 0 : i64, scratch_operands = 6 : i64, tpu.core_type = #tpu.core_type<sc_vector_subcore>, window_params = [{transform_indices = #map}, {transform_indices = #map1}, {transform_indices = #map1}, {transform_indices = #map}]} {
    %mul3A = arith.constant 2 : i32
    %mul3A_0 = arith.muli %arg1, %mul3A : i32
    %add3A = arith.addi %mul3A_0, %arg0 : i32
    %mul3A_1 = arith.constant 5120 : i32
    %mul3A_2 = arith.muli %add3A, %mul3A_1 : i32
    "tpu.region"() ({
      %run_scoped3A = tpu.sem_alloc : memref<!tpu.dma_semaphore, #tpu.memory_space<semaphore_mem>>
      %dma_start3A = arith.constant 0 : i32
      %dma_start3A_13 = arith.constant 0 : i32
      %dma_start3A_14 = tpu.memref_slice %arg2[%add3A, %dma_start3A, %dma_start3A_13] : memref<32x40x128xi32, #tpu.memory_space<hbm>> -> memref<1x40x128xi32, #tpu.memory_space<hbm>>
      %dma_start3A_15 = tpu.memref_squeeze %dma_start3A_14 : memref<1x40x128xi32, #tpu.memory_space<hbm>> -> memref<40x128xi32, #tpu.memory_space<hbm>>
      %dma_start3A_16 = arith.constant 0 : i32
      %dma_start3A_17 = arith.constant 0 : i32
      %dma_start3A_18 = tpu.memref_slice %arg2[%add3A, %dma_start3A_16, %dma_start3A_17] : memref<32x40x128xi32, #tpu.memory_space<hbm>> -> memref<1x40x128xi32, #tpu.memory_space<hbm>>
      %dma_start3A_19 = tpu.memref_squeeze %dma_start3A_18 : memref<1x40x128xi32, #tpu.memory_space<hbm>> -> memref<40x128xi32, #tpu.memory_space<hbm>>
      tpu.enqueue_dma source(%dma_start3A_19 : memref<40x128xi32, #tpu.memory_space<hbm>>) target(%arg6 : memref<40x128xi32, #tpu.memory_space<vmem>>) target_semaphore(%run_scoped3A : memref<!tpu.dma_semaphore, #tpu.memory_space<semaphore_mem>>)
      %dma_wait3A = arith.constant 0 : i32
      %dma_wait3A_20 = arith.constant 0 : i32
      %dma_wait3A_21 = tpu.memref_slice %arg2[%add3A, %dma_wait3A, %dma_wait3A_20] : memref<32x40x128xi32, #tpu.memory_space<hbm>> -> memref<1x40x128xi32, #tpu.memory_space<hbm>>
      %dma_wait3A_22 = tpu.memref_squeeze %dma_wait3A_21 : memref<1x40x128xi32, #tpu.memory_space<hbm>> -> memref<40x128xi32, #tpu.memory_space<hbm>>
      %dma_wait3A_23 = arith.constant 0 : i32
      %dma_wait3A_24 = arith.constant 0 : i32
      %dma_wait3A_25 = tpu.memref_slice %arg2[%add3A, %dma_wait3A_23, %dma_wait3A_24] : memref<32x40x128xi32, #tpu.memory_space<hbm>> -> memref<1x40x128xi32, #tpu.memory_space<hbm>>
      %dma_wait3A_26 = tpu.memref_squeeze %dma_wait3A_25 : memref<1x40x128xi32, #tpu.memory_space<hbm>> -> memref<40x128xi32, #tpu.memory_space<hbm>>
      tpu.wait_dma2 semaphore(%run_scoped3A : memref<!tpu.dma_semaphore, #tpu.memory_space<semaphore_mem>>) src(%dma_wait3A_26 : memref<40x128xi32, #tpu.memory_space<hbm>>) dst(%arg6 : memref<40x128xi32, #tpu.memory_space<vmem>>)
      tpu.yield
    }) : () -> ()
    %mul3A_3 = arith.constant 640 : i32
    %mul3A_4 = arith.muli %arg1, %mul3A_3 : i32
    "tpu.region"() ({
      %run_scoped3A = tpu.sem_alloc : memref<!tpu.dma_semaphore, #tpu.memory_space<semaphore_mem>>
      %dma_start3A = arith.constant 0 : i32
      %dma_start3A_13 = tpu.memref_slice %arg9[%mul3A_4, %dma_start3A] : memref<10240x16xf32, #tpu.memory_space<vmem_shared>> -> memref<640x16xf32, #tpu.memory_space<vmem_shared>>
      tpu.enqueue_dma source(%arg4 : memref<640x16xf32, #tpu.memory_space<hbm>>) target(%dma_start3A_13 : memref<640x16xf32, #tpu.memory_space<vmem_shared>>) target_semaphore(%run_scoped3A : memref<!tpu.dma_semaphore, #tpu.memory_space<semaphore_mem>>)
      %dma_wait3A = arith.constant 0 : i32
      %dma_wait3A_14 = tpu.memref_slice %arg9[%mul3A_4, %dma_wait3A] : memref<10240x16xf32, #tpu.memory_space<vmem_shared>> -> memref<640x16xf32, #tpu.memory_space<vmem_shared>>
      tpu.wait_dma2 semaphore(%run_scoped3A : memref<!tpu.dma_semaphore, #tpu.memory_space<semaphore_mem>>) src(%arg4 : memref<640x16xf32, #tpu.memory_space<hbm>>) dst(%dma_wait3A_14 : memref<640x16xf32, #tpu.memory_space<vmem_shared>>)
      tpu.yield
    }) : () -> ()
    %barrier3A = arith.constant 0 : index
    tpu.barrier barrier_id(%barrier3A)
    %scan3A = arith.constant 0 : i32
    %scan3A_5 = arith.constant 0 : i32
    %scan3A_6 = arith.constant 20 : i32
    %scan3A_7 = arith.addi %scan3A_5, %scan3A_6 : i32
    %scan3A_8 = arith.constant 1 : i32
    scf.for %scan3A_13 = %scan3A_5 to %scan3A_7 step %scan3A_8  : i32 {
      %mul3A_14 = arith.constant 2 : i32
      %mul3A_15 = arith.muli %mul3A_14, %scan3A_13 : i32
      %mul3A_16 = arith.constant 2 : i32
      %mul3A_17 = arith.muli %mul3A_16, %scan3A_13 : i32
      %add3A_18 = arith.constant 1 : i32
      %add3A_19 = arith.addi %mul3A_17, %add3A_18 : i32
      %mul3A_20 = arith.constant 128 : i32
      %mul3A_21 = arith.muli %mul3A_15, %mul3A_20 : i32
      %add3A_22 = arith.addi %mul3A_2, %mul3A_21 : i32
      %dma_start3A = arith.constant 0 : i32
      %dma_start3A_23 = tpu.memref_slice %arg3[%add3A_22, %dma_start3A] : memref<163840x16xf32, #tpu.memory_space<hbm>> -> memref<128x16xf32, #tpu.memory_space<hbm>>
      %dma_start3A_24 = arith.constant 0 : i32
      %dma_start3A_25 = tpu.memref_slice %arg3[%add3A_22, %dma_start3A_24] : memref<163840x16xf32, #tpu.memory_space<hbm>> -> memref<128x16xf32, #tpu.memory_space<hbm>>
      tpu.enqueue_dma source(%dma_start3A_25 : memref<128x16xf32, #tpu.memory_space<hbm>>) target(%arg7 : memref<128x16xf32, #tpu.memory_space<vmem>>) target_semaphore(%arg10 : memref<!tpu.dma_semaphore, #tpu.memory_space<semaphore_mem>>)
      %mul3A_26 = arith.constant 128 : i32
      %mul3A_27 = arith.muli %add3A_19, %mul3A_26 : i32
      %add3A_28 = arith.addi %mul3A_2, %mul3A_27 : i32
      %dma_start3A_29 = arith.constant 0 : i32
      %dma_start3A_30 = tpu.memref_slice %arg3[%add3A_28, %dma_start3A_29] : memref<163840x16xf32, #tpu.memory_space<hbm>> -> memref<128x16xf32, #tpu.memory_space<hbm>>
      %dma_start3A_31 = arith.constant 0 : i32
      %dma_start3A_32 = tpu.memref_slice %arg3[%add3A_28, %dma_start3A_31] : memref<163840x16xf32, #tpu.memory_space<hbm>> -> memref<128x16xf32, #tpu.memory_space<hbm>>
      tpu.enqueue_dma source(%dma_start3A_32 : memref<128x16xf32, #tpu.memory_space<hbm>>) target(%arg8 : memref<128x16xf32, #tpu.memory_space<vmem>>) target_semaphore(%arg11 : memref<!tpu.dma_semaphore, #tpu.memory_space<semaphore_mem>>)
      %dma_wait3A = arith.constant 0 : i32
      %dma_wait3A_33 = tpu.memref_slice %arg3[%add3A_22, %dma_wait3A] : memref<163840x16xf32, #tpu.memory_space<hbm>> -> memref<128x16xf32, #tpu.memory_space<hbm>>
      %dma_wait3A_34 = arith.constant 0 : i32
      %dma_wait3A_35 = tpu.memref_slice %arg3[%add3A_22, %dma_wait3A_34] : memref<163840x16xf32, #tpu.memory_space<hbm>> -> memref<128x16xf32, #tpu.memory_space<hbm>>
      tpu.wait_dma2 semaphore(%arg10 : memref<!tpu.dma_semaphore, #tpu.memory_space<semaphore_mem>>) src(%dma_wait3A_35 : memref<128x16xf32, #tpu.memory_space<hbm>>) dst(%arg7 : memref<128x16xf32, #tpu.memory_space<vmem>>)
      "tpu.region"() ({
        %run_scoped3A = tpu.sem_alloc : memref<!tpu.dma_semaphore, #tpu.memory_space<semaphore_mem>>
        %dma_start3A_40 = arith.constant 0 : i32
        %dma_start3A_41 = tpu.memref_slice %arg6[%mul3A_15, %dma_start3A_40] : memref<40x128xi32, #tpu.memory_space<vmem>> -> memref<1x128xi32, #tpu.memory_space<vmem>>
        %dma_start3A_42 = tpu.memref_squeeze %dma_start3A_41 : memref<1x128xi32, #tpu.memory_space<vmem>> -> memref<128xi32, #tpu.memory_space<vmem>>
        %dma_start3A_43 = arith.constant 0 : i32
        %dma_start3A_44 = arith.constant 0 : i32
        %dma_start3A_45 = tpu.memref_slice %arg9[%dma_start3A_43, %dma_start3A_44] : memref<10240x16xf32, #tpu.memory_space<vmem_shared>> -> memref<10240x16xf32, #tpu.memory_space<vmem_shared>>
        tpu.enqueue_indirect_dma source(%arg7 : memref<128x16xf32, #tpu.memory_space<vmem>>) target(%dma_start3A_45 : memref<10240x16xf32, #tpu.memory_space<vmem_shared>>) offsets(%dma_start3A_42 : memref<128xi32, #tpu.memory_space<vmem>>) semaphore(%run_scoped3A : memref<!tpu.dma_semaphore, #tpu.memory_space<semaphore_mem>>) {add = true}
        %dma_wait3A_46 = arith.constant 0 : i32
        %dma_wait3A_47 = tpu.memref_slice %arg6[%mul3A_15, %dma_wait3A_46] : memref<40x128xi32, #tpu.memory_space<vmem>> -> memref<1x128xi32, #tpu.memory_space<vmem>>
        %dma_wait3A_48 = tpu.memref_squeeze %dma_wait3A_47 : memref<1x128xi32, #tpu.memory_space<vmem>> -> memref<128xi32, #tpu.memory_space<vmem>>
        %dma_wait3A_49 = arith.constant 0 : i32
        %dma_wait3A_50 = arith.constant 0 : i32
        %dma_wait3A_51 = tpu.memref_slice %arg9[%dma_wait3A_49, %dma_wait3A_50] : memref<10240x16xf32, #tpu.memory_space<vmem_shared>> -> memref<10240x16xf32, #tpu.memory_space<vmem_shared>>
        tpu.wait_indirect_dma semaphore(%run_scoped3A : memref<!tpu.dma_semaphore, #tpu.memory_space<semaphore_mem>>) src(%arg7 : memref<128x16xf32, #tpu.memory_space<vmem>>) dst(%dma_wait3A_51 : memref<10240x16xf32, #tpu.memory_space<vmem_shared>>)
        tpu.yield
      }) : () -> ()
      %dma_wait3A_36 = arith.constant 0 : i32
      %dma_wait3A_37 = tpu.memref_slice %arg3[%add3A_28, %dma_wait3A_36] : memref<163840x16xf32, #tpu.memory_space<hbm>> -> memref<128x16xf32, #tpu.memory_space<hbm>>
      %dma_wait3A_38 = arith.constant 0 : i32
      %dma_wait3A_39 = tpu.memref_slice %arg3[%add3A_28, %dma_wait3A_38] : memref<163840x16xf32, #tpu.memory_space<hbm>> -> memref<128x16xf32, #tpu.memory_space<hbm>>
      tpu.wait_dma2 semaphore(%arg11 : memref<!tpu.dma_semaphore, #tpu.memory_space<semaphore_mem>>) src(%dma_wait3A_39 : memref<128x16xf32, #tpu.memory_space<hbm>>) dst(%arg8 : memref<128x16xf32, #tpu.memory_space<vmem>>)
      "tpu.region"() ({
        %run_scoped3A = tpu.sem_alloc : memref<!tpu.dma_semaphore, #tpu.memory_space<semaphore_mem>>
        %dma_start3A_40 = arith.constant 0 : i32
        %dma_start3A_41 = tpu.memref_slice %arg6[%add3A_19, %dma_start3A_40] : memref<40x128xi32, #tpu.memory_space<vmem>> -> memref<1x128xi32, #tpu.memory_space<vmem>>
        %dma_start3A_42 = tpu.memref_squeeze %dma_start3A_41 : memref<1x128xi32, #tpu.memory_space<vmem>> -> memref<128xi32, #tpu.memory_space<vmem>>
        %dma_start3A_43 = arith.constant 0 : i32
        %dma_start3A_44 = arith.constant 0 : i32
        %dma_start3A_45 = tpu.memref_slice %arg9[%dma_start3A_43, %dma_start3A_44] : memref<10240x16xf32, #tpu.memory_space<vmem_shared>> -> memref<10240x16xf32, #tpu.memory_space<vmem_shared>>
        tpu.enqueue_indirect_dma source(%arg8 : memref<128x16xf32, #tpu.memory_space<vmem>>) target(%dma_start3A_45 : memref<10240x16xf32, #tpu.memory_space<vmem_shared>>) offsets(%dma_start3A_42 : memref<128xi32, #tpu.memory_space<vmem>>) semaphore(%run_scoped3A : memref<!tpu.dma_semaphore, #tpu.memory_space<semaphore_mem>>) {add = true}
        %dma_wait3A_46 = arith.constant 0 : i32
        %dma_wait3A_47 = tpu.memref_slice %arg6[%add3A_19, %dma_wait3A_46] : memref<40x128xi32, #tpu.memory_space<vmem>> -> memref<1x128xi32, #tpu.memory_space<vmem>>
        %dma_wait3A_48 = tpu.memref_squeeze %dma_wait3A_47 : memref<1x128xi32, #tpu.memory_space<vmem>> -> memref<128xi32, #tpu.memory_space<vmem>>
        %dma_wait3A_49 = arith.constant 0 : i32
        %dma_wait3A_50 = arith.constant 0 : i32
        %dma_wait3A_51 = tpu.memref_slice %arg9[%dma_wait3A_49, %dma_wait3A_50] : memref<10240x16xf32, #tpu.memory_space<vmem_shared>> -> memref<10240x16xf32, #tpu.memory_space<vmem_shared>>
        tpu.wait_indirect_dma semaphore(%run_scoped3A : memref<!tpu.dma_semaphore, #tpu.memory_space<semaphore_mem>>) src(%arg8 : memref<128x16xf32, #tpu.memory_space<vmem>>) dst(%dma_wait3A_51 : memref<10240x16xf32, #tpu.memory_space<vmem_shared>>)
        tpu.yield
      }) : () -> ()
    }
    %scan3A_9 = arith.constant 20 : i32
    %barrier3A_10 = arith.constant 0 : index
    tpu.barrier barrier_id(%barrier3A_10)
    %mul3A_11 = arith.constant 640 : i32
    %mul3A_12 = arith.muli %arg1, %mul3A_11 : i32
    "tpu.region"() ({
      %run_scoped3A = tpu.sem_alloc : memref<!tpu.dma_semaphore, #tpu.memory_space<semaphore_mem>>
      %dma_start3A = arith.constant 0 : i32
      %dma_start3A_13 = tpu.memref_slice %arg5[%arg0, %mul3A_12, %dma_start3A] : memref<2x10240x16xf32, #tpu.memory_space<hbm>> -> memref<1x640x16xf32, #tpu.memory_space<hbm>>
      %dma_start3A_14 = tpu.memref_squeeze %dma_start3A_13 : memref<1x640x16xf32, #tpu.memory_space<hbm>> -> memref<640x16xf32, #tpu.memory_space<hbm>>
      %dma_start3A_15 = arith.constant 0 : i32
      %dma_start3A_16 = tpu.memref_slice %arg9[%mul3A_12, %dma_start3A_15] : memref<10240x16xf32, #tpu.memory_space<vmem_shared>> -> memref<640x16xf32, #tpu.memory_space<vmem_shared>>
      tpu.enqueue_dma source(%dma_start3A_16 : memref<640x16xf32, #tpu.memory_space<vmem_shared>>) target(%dma_start3A_14 : memref<640x16xf32, #tpu.memory_space<hbm>>) target_semaphore(%run_scoped3A : memref<!tpu.dma_semaphore, #tpu.memory_space<semaphore_mem>>)
      %dma_wait3A = arith.constant 0 : i32
      %dma_wait3A_17 = tpu.memref_slice %arg5[%arg0, %mul3A_12, %dma_wait3A] : memref<2x10240x16xf32, #tpu.memory_space<hbm>> -> memref<1x640x16xf32, #tpu.memory_space<hbm>>
      %dma_wait3A_18 = tpu.memref_squeeze %dma_wait3A_17 : memref<1x640x16xf32, #tpu.memory_space<hbm>> -> memref<640x16xf32, #tpu.memory_space<hbm>>
      %dma_wait3A_19 = arith.constant 0 : i32
      %dma_wait3A_20 = tpu.memref_slice %arg9[%mul3A_12, %dma_wait3A_19] : memref<10240x16xf32, #tpu.memory_space<vmem_shared>> -> memref<640x16xf32, #tpu.memory_space<vmem_shared>>
      tpu.wait_dma2 semaphore(%run_scoped3A : memref<!tpu.dma_semaphore, #tpu.memory_space<semaphore_mem>>) src(%dma_wait3A_20 : memref<640x16xf32, #tpu.memory_space<vmem_shared>>) dst(%dma_wait3A_18 : memref<640x16xf32, #tpu.memory_space<hbm>>)
      tpu.yield
    }) : () -> ()
    return
  }
}

#map = affine_map<(d0, d1) -> (0, 0, 0)>
#map1 = affine_map<(d0, d1) -> (0, 0)>
module attributes {stable_mosaic.version = 14 : i64} {
  func.func @k3_16(%arg0: i32, %arg1: i32, %arg2: memref<32x40x128xi32, #tpu.memory_space<hbm>>, %arg3: memref<163840x16xf32, #tpu.memory_space<hbm>>, %arg4: memref<640x16xf32, #tpu.memory_space<hbm>>, %arg5: memref<2x10240x16xf32, #tpu.memory_space<hbm>>, %arg6: memref<40x128xi32, #tpu.memory_space<vmem>>, %arg7: memref<128x16xf32, #tpu.memory_space<vmem>>, %arg8: memref<128x16xf32, #tpu.memory_space<vmem>>, %arg9: memref<10240x16xf32, #tpu.memory_space<vmem_shared>>, %arg10: memref<!tpu.dma_semaphore, #tpu.memory_space<semaphore_mem>>, %arg11: memref<!tpu.dma_semaphore, #tpu.memory_space<semaphore_mem>>) attributes {dimension_semantics = [#tpu.dimension_semantics<core_parallel>, #tpu.dimension_semantics<subcore_parallel>], iteration_bounds = array<i64: 2, 16>, scalar_prefetch = 0 : i64, scratch_operands = 6 : i64, tpu.core_type = #tpu.core_type<sc_vector_subcore>, window_params = [{transform_indices = #map}, {transform_indices = #map1}, {transform_indices = #map1}, {transform_indices = #map}]} {
    %mul3A = arith.constant 2 : i32
    %mul3A_0 = arith.muli %arg1, %mul3A : i32
    %add3A = arith.addi %mul3A_0, %arg0 : i32
    %mul3A_1 = arith.constant 5120 : i32
    %mul3A_2 = arith.muli %add3A, %mul3A_1 : i32
    "tpu.region"() ({
      %run_scoped3A = tpu.sem_alloc : memref<!tpu.dma_semaphore, #tpu.memory_space<semaphore_mem>>
      %dma_start3A = arith.constant 0 : i32
      %dma_start3A_13 = arith.constant 0 : i32
      %dma_start3A_14 = tpu.memref_slice %arg2[%add3A, %dma_start3A, %dma_start3A_13] : memref<32x40x128xi32, #tpu.memory_space<hbm>> -> memref<1x40x128xi32, #tpu.memory_space<hbm>>
      %dma_start3A_15 = tpu.memref_squeeze %dma_start3A_14 : memref<1x40x128xi32, #tpu.memory_space<hbm>> -> memref<40x128xi32, #tpu.memory_space<hbm>>
      %dma_start3A_16 = arith.constant 0 : i32
      %dma_start3A_17 = arith.constant 0 : i32
      %dma_start3A_18 = tpu.memref_slice %arg2[%add3A, %dma_start3A_16, %dma_start3A_17] : memref<32x40x128xi32, #tpu.memory_space<hbm>> -> memref<1x40x128xi32, #tpu.memory_space<hbm>>
      %dma_start3A_19 = tpu.memref_squeeze %dma_start3A_18 : memref<1x40x128xi32, #tpu.memory_space<hbm>> -> memref<40x128xi32, #tpu.memory_space<hbm>>
      tpu.enqueue_dma source(%dma_start3A_19 : memref<40x128xi32, #tpu.memory_space<hbm>>) target(%arg6 : memref<40x128xi32, #tpu.memory_space<vmem>>) target_semaphore(%run_scoped3A : memref<!tpu.dma_semaphore, #tpu.memory_space<semaphore_mem>>)
      %dma_wait3A = arith.constant 0 : i32
      %dma_wait3A_20 = arith.constant 0 : i32
      %dma_wait3A_21 = tpu.memref_slice %arg2[%add3A, %dma_wait3A, %dma_wait3A_20] : memref<32x40x128xi32, #tpu.memory_space<hbm>> -> memref<1x40x128xi32, #tpu.memory_space<hbm>>
      %dma_wait3A_22 = tpu.memref_squeeze %dma_wait3A_21 : memref<1x40x128xi32, #tpu.memory_space<hbm>> -> memref<40x128xi32, #tpu.memory_space<hbm>>
      %dma_wait3A_23 = arith.constant 0 : i32
      %dma_wait3A_24 = arith.constant 0 : i32
      %dma_wait3A_25 = tpu.memref_slice %arg2[%add3A, %dma_wait3A_23, %dma_wait3A_24] : memref<32x40x128xi32, #tpu.memory_space<hbm>> -> memref<1x40x128xi32, #tpu.memory_space<hbm>>
      %dma_wait3A_26 = tpu.memref_squeeze %dma_wait3A_25 : memref<1x40x128xi32, #tpu.memory_space<hbm>> -> memref<40x128xi32, #tpu.memory_space<hbm>>
      tpu.wait_dma2 semaphore(%run_scoped3A : memref<!tpu.dma_semaphore, #tpu.memory_space<semaphore_mem>>) src(%dma_wait3A_26 : memref<40x128xi32, #tpu.memory_space<hbm>>) dst(%arg6 : memref<40x128xi32, #tpu.memory_space<vmem>>)
      tpu.yield
    }) : () -> ()
    %mul3A_3 = arith.constant 640 : i32
    %mul3A_4 = arith.muli %arg1, %mul3A_3 : i32
    "tpu.region"() ({
      %run_scoped3A = tpu.sem_alloc : memref<!tpu.dma_semaphore, #tpu.memory_space<semaphore_mem>>
      %dma_start3A = arith.constant 0 : i32
      %dma_start3A_13 = tpu.memref_slice %arg9[%mul3A_4, %dma_start3A] : memref<10240x16xf32, #tpu.memory_space<vmem_shared>> -> memref<640x16xf32, #tpu.memory_space<vmem_shared>>
      tpu.enqueue_dma source(%arg4 : memref<640x16xf32, #tpu.memory_space<hbm>>) target(%dma_start3A_13 : memref<640x16xf32, #tpu.memory_space<vmem_shared>>) target_semaphore(%run_scoped3A : memref<!tpu.dma_semaphore, #tpu.memory_space<semaphore_mem>>)
      %dma_wait3A = arith.constant 0 : i32
      %dma_wait3A_14 = tpu.memref_slice %arg9[%mul3A_4, %dma_wait3A] : memref<10240x16xf32, #tpu.memory_space<vmem_shared>> -> memref<640x16xf32, #tpu.memory_space<vmem_shared>>
      tpu.wait_dma2 semaphore(%run_scoped3A : memref<!tpu.dma_semaphore, #tpu.memory_space<semaphore_mem>>) src(%arg4 : memref<640x16xf32, #tpu.memory_space<hbm>>) dst(%dma_wait3A_14 : memref<640x16xf32, #tpu.memory_space<vmem_shared>>)
      tpu.yield
    }) : () -> ()
    %barrier3A = arith.constant 0 : index
    tpu.barrier barrier_id(%barrier3A)
    %scan3A = arith.constant 0 : i32
    %scan3A_5 = arith.constant 0 : i32
    %scan3A_6 = arith.constant 20 : i32
    %scan3A_7 = arith.addi %scan3A_5, %scan3A_6 : i32
    %scan3A_8 = arith.constant 1 : i32
    scf.for %scan3A_13 = %scan3A_5 to %scan3A_7 step %scan3A_8  : i32 {
      %mul3A_14 = arith.constant 2 : i32
      %mul3A_15 = arith.muli %mul3A_14, %scan3A_13 : i32
      %mul3A_16 = arith.constant 2 : i32
      %mul3A_17 = arith.muli %mul3A_16, %scan3A_13 : i32
      %add3A_18 = arith.constant 1 : i32
      %add3A_19 = arith.addi %mul3A_17, %add3A_18 : i32
      %mul3A_20 = arith.constant 128 : i32
      %mul3A_21 = arith.muli %mul3A_15, %mul3A_20 : i32
      %add3A_22 = arith.addi %mul3A_2, %mul3A_21 : i32
      %dma_start3A = arith.constant 0 : i32
      %dma_start3A_23 = tpu.memref_slice %arg3[%add3A_22, %dma_start3A] : memref<163840x16xf32, #tpu.memory_space<hbm>> -> memref<128x16xf32, #tpu.memory_space<hbm>>
      %dma_start3A_24 = arith.constant 0 : i32
      %dma_start3A_25 = tpu.memref_slice %arg3[%add3A_22, %dma_start3A_24] : memref<163840x16xf32, #tpu.memory_space<hbm>> -> memref<128x16xf32, #tpu.memory_space<hbm>>
      tpu.enqueue_dma source(%dma_start3A_25 : memref<128x16xf32, #tpu.memory_space<hbm>>) target(%arg7 : memref<128x16xf32, #tpu.memory_space<vmem>>) target_semaphore(%arg10 : memref<!tpu.dma_semaphore, #tpu.memory_space<semaphore_mem>>)
      %mul3A_26 = arith.constant 128 : i32
      %mul3A_27 = arith.muli %add3A_19, %mul3A_26 : i32
      %add3A_28 = arith.addi %mul3A_2, %mul3A_27 : i32
      %dma_start3A_29 = arith.constant 0 : i32
      %dma_start3A_30 = tpu.memref_slice %arg3[%add3A_28, %dma_start3A_29] : memref<163840x16xf32, #tpu.memory_space<hbm>> -> memref<128x16xf32, #tpu.memory_space<hbm>>
      %dma_start3A_31 = arith.constant 0 : i32
      %dma_start3A_32 = tpu.memref_slice %arg3[%add3A_28, %dma_start3A_31] : memref<163840x16xf32, #tpu.memory_space<hbm>> -> memref<128x16xf32, #tpu.memory_space<hbm>>
      tpu.enqueue_dma source(%dma_start3A_32 : memref<128x16xf32, #tpu.memory_space<hbm>>) target(%arg8 : memref<128x16xf32, #tpu.memory_space<vmem>>) target_semaphore(%arg11 : memref<!tpu.dma_semaphore, #tpu.memory_space<semaphore_mem>>)
      %dma_wait3A = arith.constant 0 : i32
      %dma_wait3A_33 = tpu.memref_slice %arg3[%add3A_22, %dma_wait3A] : memref<163840x16xf32, #tpu.memory_space<hbm>> -> memref<128x16xf32, #tpu.memory_space<hbm>>
      %dma_wait3A_34 = arith.constant 0 : i32
      %dma_wait3A_35 = tpu.memref_slice %arg3[%add3A_22, %dma_wait3A_34] : memref<163840x16xf32, #tpu.memory_space<hbm>> -> memref<128x16xf32, #tpu.memory_space<hbm>>
      tpu.wait_dma2 semaphore(%arg10 : memref<!tpu.dma_semaphore, #tpu.memory_space<semaphore_mem>>) src(%dma_wait3A_35 : memref<128x16xf32, #tpu.memory_space<hbm>>) dst(%arg7 : memref<128x16xf32, #tpu.memory_space<vmem>>)
      "tpu.region"() ({
        %run_scoped3A = tpu.sem_alloc : memref<!tpu.dma_semaphore, #tpu.memory_space<semaphore_mem>>
        %dma_start3A_40 = arith.constant 0 : i32
        %dma_start3A_41 = tpu.memref_slice %arg6[%mul3A_15, %dma_start3A_40] : memref<40x128xi32, #tpu.memory_space<vmem>> -> memref<1x128xi32, #tpu.memory_space<vmem>>
        %dma_start3A_42 = tpu.memref_squeeze %dma_start3A_41 : memref<1x128xi32, #tpu.memory_space<vmem>> -> memref<128xi32, #tpu.memory_space<vmem>>
        %dma_start3A_43 = arith.constant 0 : i32
        %dma_start3A_44 = arith.constant 0 : i32
        %dma_start3A_45 = tpu.memref_slice %arg9[%dma_start3A_43, %dma_start3A_44] : memref<10240x16xf32, #tpu.memory_space<vmem_shared>> -> memref<10240x16xf32, #tpu.memory_space<vmem_shared>>
        tpu.enqueue_indirect_dma source(%arg7 : memref<128x16xf32, #tpu.memory_space<vmem>>) target(%dma_start3A_45 : memref<10240x16xf32, #tpu.memory_space<vmem_shared>>) offsets(%dma_start3A_42 : memref<128xi32, #tpu.memory_space<vmem>>) semaphore(%run_scoped3A : memref<!tpu.dma_semaphore, #tpu.memory_space<semaphore_mem>>) {add = true}
        %dma_wait3A_46 = arith.constant 0 : i32
        %dma_wait3A_47 = tpu.memref_slice %arg6[%mul3A_15, %dma_wait3A_46] : memref<40x128xi32, #tpu.memory_space<vmem>> -> memref<1x128xi32, #tpu.memory_space<vmem>>
        %dma_wait3A_48 = tpu.memref_squeeze %dma_wait3A_47 : memref<1x128xi32, #tpu.memory_space<vmem>> -> memref<128xi32, #tpu.memory_space<vmem>>
        %dma_wait3A_49 = arith.constant 0 : i32
        %dma_wait3A_50 = arith.constant 0 : i32
        %dma_wait3A_51 = tpu.memref_slice %arg9[%dma_wait3A_49, %dma_wait3A_50] : memref<10240x16xf32, #tpu.memory_space<vmem_shared>> -> memref<10240x16xf32, #tpu.memory_space<vmem_shared>>
        tpu.wait_indirect_dma semaphore(%run_scoped3A : memref<!tpu.dma_semaphore, #tpu.memory_space<semaphore_mem>>) src(%arg7 : memref<128x16xf32, #tpu.memory_space<vmem>>) dst(%dma_wait3A_51 : memref<10240x16xf32, #tpu.memory_space<vmem_shared>>)
        tpu.yield
      }) : () -> ()
      %dma_wait3A_36 = arith.constant 0 : i32
      %dma_wait3A_37 = tpu.memref_slice %arg3[%add3A_28, %dma_wait3A_36] : memref<163840x16xf32, #tpu.memory_space<hbm>> -> memref<128x16xf32, #tpu.memory_space<hbm>>
      %dma_wait3A_38 = arith.constant 0 : i32
      %dma_wait3A_39 = tpu.memref_slice %arg3[%add3A_28, %dma_wait3A_38] : memref<163840x16xf32, #tpu.memory_space<hbm>> -> memref<128x16xf32, #tpu.memory_space<hbm>>
      tpu.wait_dma2 semaphore(%arg11 : memref<!tpu.dma_semaphore, #tpu.memory_space<semaphore_mem>>) src(%dma_wait3A_39 : memref<128x16xf32, #tpu.memory_space<hbm>>) dst(%arg8 : memref<128x16xf32, #tpu.memory_space<vmem>>)
      "tpu.region"() ({
        %run_scoped3A = tpu.sem_alloc : memref<!tpu.dma_semaphore, #tpu.memory_space<semaphore_mem>>
        %dma_start3A_40 = arith.constant 0 : i32
        %dma_start3A_41 = tpu.memref_slice %arg6[%add3A_19, %dma_start3A_40] : memref<40x128xi32, #tpu.memory_space<vmem>> -> memref<1x128xi32, #tpu.memory_space<vmem>>
        %dma_start3A_42 = tpu.memref_squeeze %dma_start3A_41 : memref<1x128xi32, #tpu.memory_space<vmem>> -> memref<128xi32, #tpu.memory_space<vmem>>
        %dma_start3A_43 = arith.constant 0 : i32
        %dma_start3A_44 = arith.constant 0 : i32
        %dma_start3A_45 = tpu.memref_slice %arg9[%dma_start3A_43, %dma_start3A_44] : memref<10240x16xf32, #tpu.memory_space<vmem_shared>> -> memref<10240x16xf32, #tpu.memory_space<vmem_shared>>
        tpu.enqueue_indirect_dma source(%arg8 : memref<128x16xf32, #tpu.memory_space<vmem>>) target(%dma_start3A_45 : memref<10240x16xf32, #tpu.memory_space<vmem_shared>>) offsets(%dma_start3A_42 : memref<128xi32, #tpu.memory_space<vmem>>) semaphore(%run_scoped3A : memref<!tpu.dma_semaphore, #tpu.memory_space<semaphore_mem>>) {add = true}
        %dma_wait3A_46 = arith.constant 0 : i32
        %dma_wait3A_47 = tpu.memref_slice %arg6[%add3A_19, %dma_wait3A_46] : memref<40x128xi32, #tpu.memory_space<vmem>> -> memref<1x128xi32, #tpu.memory_space<vmem>>
        %dma_wait3A_48 = tpu.memref_squeeze %dma_wait3A_47 : memref<1x128xi32, #tpu.memory_space<vmem>> -> memref<128xi32, #tpu.memory_space<vmem>>
        %dma_wait3A_49 = arith.constant 0 : i32
        %dma_wait3A_50 = arith.constant 0 : i32
        %dma_wait3A_51 = tpu.memref_slice %arg9[%dma_wait3A_49, %dma_wait3A_50] : memref<10240x16xf32, #tpu.memory_space<vmem_shared>> -> memref<10240x16xf32, #tpu.memory_space<vmem_shared>>
        tpu.wait_indirect_dma semaphore(%run_scoped3A : memref<!tpu.dma_semaphore, #tpu.memory_space<semaphore_mem>>) src(%arg8 : memref<128x16xf32, #tpu.memory_space<vmem>>) dst(%dma_wait3A_51 : memref<10240x16xf32, #tpu.memory_space<vmem_shared>>)
        tpu.yield
      }) : () -> ()
    }
    %scan3A_9 = arith.constant 20 : i32
    %barrier3A_10 = arith.constant 0 : index
    tpu.barrier barrier_id(%barrier3A_10)
    %mul3A_11 = arith.constant 640 : i32
    %mul3A_12 = arith.muli %arg1, %mul3A_11 : i32
    "tpu.region"() ({
      %run_scoped3A = tpu.sem_alloc : memref<!tpu.dma_semaphore, #tpu.memory_space<semaphore_mem>>
      %dma_start3A = arith.constant 0 : i32
      %dma_start3A_13 = tpu.memref_slice %arg5[%arg0, %mul3A_12, %dma_start3A] : memref<2x10240x16xf32, #tpu.memory_space<hbm>> -> memref<1x640x16xf32, #tpu.memory_space<hbm>>
      %dma_start3A_14 = tpu.memref_squeeze %dma_start3A_13 : memref<1x640x16xf32, #tpu.memory_space<hbm>> -> memref<640x16xf32, #tpu.memory_space<hbm>>
      %dma_start3A_15 = arith.constant 0 : i32
      %dma_start3A_16 = tpu.memref_slice %arg9[%mul3A_12, %dma_start3A_15] : memref<10240x16xf32, #tpu.memory_space<vmem_shared>> -> memref<640x16xf32, #tpu.memory_space<vmem_shared>>
      tpu.enqueue_dma source(%dma_start3A_16 : memref<640x16xf32, #tpu.memory_space<vmem_shared>>) target(%dma_start3A_14 : memref<640x16xf32, #tpu.memory_space<hbm>>) target_semaphore(%run_scoped3A : memref<!tpu.dma_semaphore, #tpu.memory_space<semaphore_mem>>)
      %dma_wait3A = arith.constant 0 : i32
      %dma_wait3A_17 = tpu.memref_slice %arg5[%arg0, %mul3A_12, %dma_wait3A] : memref<2x10240x16xf32, #tpu.memory_space<hbm>> -> memref<1x640x16xf32, #tpu.memory_space<hbm>>
      %dma_wait3A_18 = tpu.memref_squeeze %dma_wait3A_17 : memref<1x640x16xf32, #tpu.memory_space<hbm>> -> memref<640x16xf32, #tpu.memory_space<hbm>>
      %dma_wait3A_19 = arith.constant 0 : i32
      %dma_wait3A_20 = tpu.memref_slice %arg9[%mul3A_12, %dma_wait3A_19] : memref<10240x16xf32, #tpu.memory_space<vmem_shared>> -> memref<640x16xf32, #tpu.memory_space<vmem_shared>>
      tpu.wait_dma2 semaphore(%run_scoped3A : memref<!tpu.dma_semaphore, #tpu.memory_space<semaphore_mem>>) src(%dma_wait3A_20 : memref<640x16xf32, #tpu.memory_space<vmem_shared>>) dst(%dma_wait3A_18 : memref<640x16xf32, #tpu.memory_space<hbm>>)
      tpu.yield
    }) : () -> ()
    return
  }
}

#map = affine_map<(d0, d1) -> (0, 0, 0)>
#map1 = affine_map<(d0, d1) -> (0, 0)>
module attributes {stable_mosaic.version = 14 : i64} {
  func.func @k3_128(%arg0: i32, %arg1: i32, %arg2: memref<32x40x128xi32, #tpu.memory_space<hbm>>, %arg3: memref<163840x128xf32, #tpu.memory_space<hbm>>, %arg4: memref<640x128xf32, #tpu.memory_space<hbm>>, %arg5: memref<2x10240x128xf32, #tpu.memory_space<hbm>>, %arg6: memref<40x128xi32, #tpu.memory_space<vmem>>, %arg7: memref<128x128xf32, #tpu.memory_space<vmem>>, %arg8: memref<128x128xf32, #tpu.memory_space<vmem>>, %arg9: memref<10240x128xf32, #tpu.memory_space<vmem_shared>>, %arg10: memref<!tpu.dma_semaphore, #tpu.memory_space<semaphore_mem>>, %arg11: memref<!tpu.dma_semaphore, #tpu.memory_space<semaphore_mem>>) attributes {dimension_semantics = [#tpu.dimension_semantics<core_parallel>, #tpu.dimension_semantics<subcore_parallel>], iteration_bounds = array<i64: 2, 16>, scalar_prefetch = 0 : i64, scratch_operands = 6 : i64, tpu.core_type = #tpu.core_type<sc_vector_subcore>, window_params = [{transform_indices = #map}, {transform_indices = #map1}, {transform_indices = #map1}, {transform_indices = #map}]} {
    %mul3A = arith.constant 2 : i32
    %mul3A_0 = arith.muli %arg1, %mul3A : i32
    %add3A = arith.addi %mul3A_0, %arg0 : i32
    %mul3A_1 = arith.constant 5120 : i32
    %mul3A_2 = arith.muli %add3A, %mul3A_1 : i32
    "tpu.region"() ({
      %run_scoped3A = tpu.sem_alloc : memref<!tpu.dma_semaphore, #tpu.memory_space<semaphore_mem>>
      %dma_start3A = arith.constant 0 : i32
      %dma_start3A_13 = arith.constant 0 : i32
      %dma_start3A_14 = tpu.memref_slice %arg2[%add3A, %dma_start3A, %dma_start3A_13] : memref<32x40x128xi32, #tpu.memory_space<hbm>> -> memref<1x40x128xi32, #tpu.memory_space<hbm>>
      %dma_start3A_15 = tpu.memref_squeeze %dma_start3A_14 : memref<1x40x128xi32, #tpu.memory_space<hbm>> -> memref<40x128xi32, #tpu.memory_space<hbm>>
      %dma_start3A_16 = arith.constant 0 : i32
      %dma_start3A_17 = arith.constant 0 : i32
      %dma_start3A_18 = tpu.memref_slice %arg2[%add3A, %dma_start3A_16, %dma_start3A_17] : memref<32x40x128xi32, #tpu.memory_space<hbm>> -> memref<1x40x128xi32, #tpu.memory_space<hbm>>
      %dma_start3A_19 = tpu.memref_squeeze %dma_start3A_18 : memref<1x40x128xi32, #tpu.memory_space<hbm>> -> memref<40x128xi32, #tpu.memory_space<hbm>>
      tpu.enqueue_dma source(%dma_start3A_19 : memref<40x128xi32, #tpu.memory_space<hbm>>) target(%arg6 : memref<40x128xi32, #tpu.memory_space<vmem>>) target_semaphore(%run_scoped3A : memref<!tpu.dma_semaphore, #tpu.memory_space<semaphore_mem>>)
      %dma_wait3A = arith.constant 0 : i32
      %dma_wait3A_20 = arith.constant 0 : i32
      %dma_wait3A_21 = tpu.memref_slice %arg2[%add3A, %dma_wait3A, %dma_wait3A_20] : memref<32x40x128xi32, #tpu.memory_space<hbm>> -> memref<1x40x128xi32, #tpu.memory_space<hbm>>
      %dma_wait3A_22 = tpu.memref_squeeze %dma_wait3A_21 : memref<1x40x128xi32, #tpu.memory_space<hbm>> -> memref<40x128xi32, #tpu.memory_space<hbm>>
      %dma_wait3A_23 = arith.constant 0 : i32
      %dma_wait3A_24 = arith.constant 0 : i32
      %dma_wait3A_25 = tpu.memref_slice %arg2[%add3A, %dma_wait3A_23, %dma_wait3A_24] : memref<32x40x128xi32, #tpu.memory_space<hbm>> -> memref<1x40x128xi32, #tpu.memory_space<hbm>>
      %dma_wait3A_26 = tpu.memref_squeeze %dma_wait3A_25 : memref<1x40x128xi32, #tpu.memory_space<hbm>> -> memref<40x128xi32, #tpu.memory_space<hbm>>
      tpu.wait_dma2 semaphore(%run_scoped3A : memref<!tpu.dma_semaphore, #tpu.memory_space<semaphore_mem>>) src(%dma_wait3A_26 : memref<40x128xi32, #tpu.memory_space<hbm>>) dst(%arg6 : memref<40x128xi32, #tpu.memory_space<vmem>>)
      tpu.yield
    }) : () -> ()
    %mul3A_3 = arith.constant 640 : i32
    %mul3A_4 = arith.muli %arg1, %mul3A_3 : i32
    "tpu.region"() ({
      %run_scoped3A = tpu.sem_alloc : memref<!tpu.dma_semaphore, #tpu.memory_space<semaphore_mem>>
      %dma_start3A = arith.constant 0 : i32
      %dma_start3A_13 = tpu.memref_slice %arg9[%mul3A_4, %dma_start3A] : memref<10240x128xf32, #tpu.memory_space<vmem_shared>> -> memref<640x128xf32, #tpu.memory_space<vmem_shared>>
      tpu.enqueue_dma source(%arg4 : memref<640x128xf32, #tpu.memory_space<hbm>>) target(%dma_start3A_13 : memref<640x128xf32, #tpu.memory_space<vmem_shared>>) target_semaphore(%run_scoped3A : memref<!tpu.dma_semaphore, #tpu.memory_space<semaphore_mem>>)
      %dma_wait3A = arith.constant 0 : i32
      %dma_wait3A_14 = tpu.memref_slice %arg9[%mul3A_4, %dma_wait3A] : memref<10240x128xf32, #tpu.memory_space<vmem_shared>> -> memref<640x128xf32, #tpu.memory_space<vmem_shared>>
      tpu.wait_dma2 semaphore(%run_scoped3A : memref<!tpu.dma_semaphore, #tpu.memory_space<semaphore_mem>>) src(%arg4 : memref<640x128xf32, #tpu.memory_space<hbm>>) dst(%dma_wait3A_14 : memref<640x128xf32, #tpu.memory_space<vmem_shared>>)
      tpu.yield
    }) : () -> ()
    %barrier3A = arith.constant 0 : index
    tpu.barrier barrier_id(%barrier3A)
    %scan3A = arith.constant 0 : i32
    %scan3A_5 = arith.constant 0 : i32
    %scan3A_6 = arith.constant 20 : i32
    %scan3A_7 = arith.addi %scan3A_5, %scan3A_6 : i32
    %scan3A_8 = arith.constant 1 : i32
    scf.for %scan3A_13 = %scan3A_5 to %scan3A_7 step %scan3A_8  : i32 {
      %mul3A_14 = arith.constant 2 : i32
      %mul3A_15 = arith.muli %mul3A_14, %scan3A_13 : i32
      %mul3A_16 = arith.constant 2 : i32
      %mul3A_17 = arith.muli %mul3A_16, %scan3A_13 : i32
      %add3A_18 = arith.constant 1 : i32
      %add3A_19 = arith.addi %mul3A_17, %add3A_18 : i32
      %mul3A_20 = arith.constant 128 : i32
      %mul3A_21 = arith.muli %mul3A_15, %mul3A_20 : i32
      %add3A_22 = arith.addi %mul3A_2, %mul3A_21 : i32
      %dma_start3A = arith.constant 0 : i32
      %dma_start3A_23 = tpu.memref_slice %arg3[%add3A_22, %dma_start3A] : memref<163840x128xf32, #tpu.memory_space<hbm>> -> memref<128x128xf32, #tpu.memory_space<hbm>>
      %dma_start3A_24 = arith.constant 0 : i32
      %dma_start3A_25 = tpu.memref_slice %arg3[%add3A_22, %dma_start3A_24] : memref<163840x128xf32, #tpu.memory_space<hbm>> -> memref<128x128xf32, #tpu.memory_space<hbm>>
      tpu.enqueue_dma source(%dma_start3A_25 : memref<128x128xf32, #tpu.memory_space<hbm>>) target(%arg7 : memref<128x128xf32, #tpu.memory_space<vmem>>) target_semaphore(%arg10 : memref<!tpu.dma_semaphore, #tpu.memory_space<semaphore_mem>>)
      %mul3A_26 = arith.constant 128 : i32
      %mul3A_27 = arith.muli %add3A_19, %mul3A_26 : i32
      %add3A_28 = arith.addi %mul3A_2, %mul3A_27 : i32
      %dma_start3A_29 = arith.constant 0 : i32
      %dma_start3A_30 = tpu.memref_slice %arg3[%add3A_28, %dma_start3A_29] : memref<163840x128xf32, #tpu.memory_space<hbm>> -> memref<128x128xf32, #tpu.memory_space<hbm>>
      %dma_start3A_31 = arith.constant 0 : i32
      %dma_start3A_32 = tpu.memref_slice %arg3[%add3A_28, %dma_start3A_31] : memref<163840x128xf32, #tpu.memory_space<hbm>> -> memref<128x128xf32, #tpu.memory_space<hbm>>
      tpu.enqueue_dma source(%dma_start3A_32 : memref<128x128xf32, #tpu.memory_space<hbm>>) target(%arg8 : memref<128x128xf32, #tpu.memory_space<vmem>>) target_semaphore(%arg11 : memref<!tpu.dma_semaphore, #tpu.memory_space<semaphore_mem>>)
      %dma_wait3A = arith.constant 0 : i32
      %dma_wait3A_33 = tpu.memref_slice %arg3[%add3A_22, %dma_wait3A] : memref<163840x128xf32, #tpu.memory_space<hbm>> -> memref<128x128xf32, #tpu.memory_space<hbm>>
      %dma_wait3A_34 = arith.constant 0 : i32
      %dma_wait3A_35 = tpu.memref_slice %arg3[%add3A_22, %dma_wait3A_34] : memref<163840x128xf32, #tpu.memory_space<hbm>> -> memref<128x128xf32, #tpu.memory_space<hbm>>
      tpu.wait_dma2 semaphore(%arg10 : memref<!tpu.dma_semaphore, #tpu.memory_space<semaphore_mem>>) src(%dma_wait3A_35 : memref<128x128xf32, #tpu.memory_space<hbm>>) dst(%arg7 : memref<128x128xf32, #tpu.memory_space<vmem>>)
      "tpu.region"() ({
        %run_scoped3A = tpu.sem_alloc : memref<!tpu.dma_semaphore, #tpu.memory_space<semaphore_mem>>
        %dma_start3A_40 = arith.constant 0 : i32
        %dma_start3A_41 = tpu.memref_slice %arg6[%mul3A_15, %dma_start3A_40] : memref<40x128xi32, #tpu.memory_space<vmem>> -> memref<1x128xi32, #tpu.memory_space<vmem>>
        %dma_start3A_42 = tpu.memref_squeeze %dma_start3A_41 : memref<1x128xi32, #tpu.memory_space<vmem>> -> memref<128xi32, #tpu.memory_space<vmem>>
        %dma_start3A_43 = arith.constant 0 : i32
        %dma_start3A_44 = arith.constant 0 : i32
        %dma_start3A_45 = tpu.memref_slice %arg9[%dma_start3A_43, %dma_start3A_44] : memref<10240x128xf32, #tpu.memory_space<vmem_shared>> -> memref<10240x128xf32, #tpu.memory_space<vmem_shared>>
        tpu.enqueue_indirect_dma source(%arg7 : memref<128x128xf32, #tpu.memory_space<vmem>>) target(%dma_start3A_45 : memref<10240x128xf32, #tpu.memory_space<vmem_shared>>) offsets(%dma_start3A_42 : memref<128xi32, #tpu.memory_space<vmem>>) semaphore(%run_scoped3A : memref<!tpu.dma_semaphore, #tpu.memory_space<semaphore_mem>>) {add = true}
        %dma_wait3A_46 = arith.constant 0 : i32
        %dma_wait3A_47 = tpu.memref_slice %arg6[%mul3A_15, %dma_wait3A_46] : memref<40x128xi32, #tpu.memory_space<vmem>> -> memref<1x128xi32, #tpu.memory_space<vmem>>
        %dma_wait3A_48 = tpu.memref_squeeze %dma_wait3A_47 : memref<1x128xi32, #tpu.memory_space<vmem>> -> memref<128xi32, #tpu.memory_space<vmem>>
        %dma_wait3A_49 = arith.constant 0 : i32
        %dma_wait3A_50 = arith.constant 0 : i32
        %dma_wait3A_51 = tpu.memref_slice %arg9[%dma_wait3A_49, %dma_wait3A_50] : memref<10240x128xf32, #tpu.memory_space<vmem_shared>> -> memref<10240x128xf32, #tpu.memory_space<vmem_shared>>
        tpu.wait_indirect_dma semaphore(%run_scoped3A : memref<!tpu.dma_semaphore, #tpu.memory_space<semaphore_mem>>) src(%arg7 : memref<128x128xf32, #tpu.memory_space<vmem>>) dst(%dma_wait3A_51 : memref<10240x128xf32, #tpu.memory_space<vmem_shared>>)
        tpu.yield
      }) : () -> ()
      %dma_wait3A_36 = arith.constant 0 : i32
      %dma_wait3A_37 = tpu.memref_slice %arg3[%add3A_28, %dma_wait3A_36] : memref<163840x128xf32, #tpu.memory_space<hbm>> -> memref<128x128xf32, #tpu.memory_space<hbm>>
      %dma_wait3A_38 = arith.constant 0 : i32
      %dma_wait3A_39 = tpu.memref_slice %arg3[%add3A_28, %dma_wait3A_38] : memref<163840x128xf32, #tpu.memory_space<hbm>> -> memref<128x128xf32, #tpu.memory_space<hbm>>
      tpu.wait_dma2 semaphore(%arg11 : memref<!tpu.dma_semaphore, #tpu.memory_space<semaphore_mem>>) src(%dma_wait3A_39 : memref<128x128xf32, #tpu.memory_space<hbm>>) dst(%arg8 : memref<128x128xf32, #tpu.memory_space<vmem>>)
      "tpu.region"() ({
        %run_scoped3A = tpu.sem_alloc : memref<!tpu.dma_semaphore, #tpu.memory_space<semaphore_mem>>
        %dma_start3A_40 = arith.constant 0 : i32
        %dma_start3A_41 = tpu.memref_slice %arg6[%add3A_19, %dma_start3A_40] : memref<40x128xi32, #tpu.memory_space<vmem>> -> memref<1x128xi32, #tpu.memory_space<vmem>>
        %dma_start3A_42 = tpu.memref_squeeze %dma_start3A_41 : memref<1x128xi32, #tpu.memory_space<vmem>> -> memref<128xi32, #tpu.memory_space<vmem>>
        %dma_start3A_43 = arith.constant 0 : i32
        %dma_start3A_44 = arith.constant 0 : i32
        %dma_start3A_45 = tpu.memref_slice %arg9[%dma_start3A_43, %dma_start3A_44] : memref<10240x128xf32, #tpu.memory_space<vmem_shared>> -> memref<10240x128xf32, #tpu.memory_space<vmem_shared>>
        tpu.enqueue_indirect_dma source(%arg8 : memref<128x128xf32, #tpu.memory_space<vmem>>) target(%dma_start3A_45 : memref<10240x128xf32, #tpu.memory_space<vmem_shared>>) offsets(%dma_start3A_42 : memref<128xi32, #tpu.memory_space<vmem>>) semaphore(%run_scoped3A : memref<!tpu.dma_semaphore, #tpu.memory_space<semaphore_mem>>) {add = true}
        %dma_wait3A_46 = arith.constant 0 : i32
        %dma_wait3A_47 = tpu.memref_slice %arg6[%add3A_19, %dma_wait3A_46] : memref<40x128xi32, #tpu.memory_space<vmem>> -> memref<1x128xi32, #tpu.memory_space<vmem>>
        %dma_wait3A_48 = tpu.memref_squeeze %dma_wait3A_47 : memref<1x128xi32, #tpu.memory_space<vmem>> -> memref<128xi32, #tpu.memory_space<vmem>>
        %dma_wait3A_49 = arith.constant 0 : i32
        %dma_wait3A_50 = arith.constant 0 : i32
        %dma_wait3A_51 = tpu.memref_slice %arg9[%dma_wait3A_49, %dma_wait3A_50] : memref<10240x128xf32, #tpu.memory_space<vmem_shared>> -> memref<10240x128xf32, #tpu.memory_space<vmem_shared>>
        tpu.wait_indirect_dma semaphore(%run_scoped3A : memref<!tpu.dma_semaphore, #tpu.memory_space<semaphore_mem>>) src(%arg8 : memref<128x128xf32, #tpu.memory_space<vmem>>) dst(%dma_wait3A_51 : memref<10240x128xf32, #tpu.memory_space<vmem_shared>>)
        tpu.yield
      }) : () -> ()
    }
    %scan3A_9 = arith.constant 20 : i32
    %barrier3A_10 = arith.constant 0 : index
    tpu.barrier barrier_id(%barrier3A_10)
    %mul3A_11 = arith.constant 640 : i32
    %mul3A_12 = arith.muli %arg1, %mul3A_11 : i32
    "tpu.region"() ({
      %run_scoped3A = tpu.sem_alloc : memref<!tpu.dma_semaphore, #tpu.memory_space<semaphore_mem>>
      %dma_start3A = arith.constant 0 : i32
      %dma_start3A_13 = tpu.memref_slice %arg5[%arg0, %mul3A_12, %dma_start3A] : memref<2x10240x128xf32, #tpu.memory_space<hbm>> -> memref<1x640x128xf32, #tpu.memory_space<hbm>>
      %dma_start3A_14 = tpu.memref_squeeze %dma_start3A_13 : memref<1x640x128xf32, #tpu.memory_space<hbm>> -> memref<640x128xf32, #tpu.memory_space<hbm>>
      %dma_start3A_15 = arith.constant 0 : i32
      %dma_start3A_16 = tpu.memref_slice %arg9[%mul3A_12, %dma_start3A_15] : memref<10240x128xf32, #tpu.memory_space<vmem_shared>> -> memref<640x128xf32, #tpu.memory_space<vmem_shared>>
      tpu.enqueue_dma source(%dma_start3A_16 : memref<640x128xf32, #tpu.memory_space<vmem_shared>>) target(%dma_start3A_14 : memref<640x128xf32, #tpu.memory_space<hbm>>) target_semaphore(%run_scoped3A : memref<!tpu.dma_semaphore, #tpu.memory_space<semaphore_mem>>)
      %dma_wait3A = arith.constant 0 : i32
      %dma_wait3A_17 = tpu.memref_slice %arg5[%arg0, %mul3A_12, %dma_wait3A] : memref<2x10240x128xf32, #tpu.memory_space<hbm>> -> memref<1x640x128xf32, #tpu.memory_space<hbm>>
      %dma_wait3A_18 = tpu.memref_squeeze %dma_wait3A_17 : memref<1x640x128xf32, #tpu.memory_space<hbm>> -> memref<640x128xf32, #tpu.memory_space<hbm>>
      %dma_wait3A_19 = arith.constant 0 : i32
      %dma_wait3A_20 = tpu.memref_slice %arg9[%mul3A_12, %dma_wait3A_19] : memref<10240x128xf32, #tpu.memory_space<vmem_shared>> -> memref<640x128xf32, #tpu.memory_space<vmem_shared>>
      tpu.wait_dma2 semaphore(%run_scoped3A : memref<!tpu.dma_semaphore, #tpu.memory_space<semaphore_mem>>) src(%dma_wait3A_20 : memref<640x128xf32, #tpu.memory_space<vmem_shared>>) dst(%dma_wait3A_18 : memref<640x128xf32, #tpu.memory_space<hbm>>)
      tpu.yield
    }) : () -> ()
    return
  }
}

#map = affine_map<(d0, d1) -> (0, 0, 0)>
#map1 = affine_map<(d0, d1) -> (0, 0)>
module attributes {stable_mosaic.version = 14 : i64} {
  func.func @k3_128(%arg0: i32, %arg1: i32, %arg2: memref<32x40x128xi32, #tpu.memory_space<hbm>>, %arg3: memref<163840x128xf32, #tpu.memory_space<hbm>>, %arg4: memref<640x128xf32, #tpu.memory_space<hbm>>, %arg5: memref<2x10240x128xf32, #tpu.memory_space<hbm>>, %arg6: memref<40x128xi32, #tpu.memory_space<vmem>>, %arg7: memref<128x128xf32, #tpu.memory_space<vmem>>, %arg8: memref<128x128xf32, #tpu.memory_space<vmem>>, %arg9: memref<10240x128xf32, #tpu.memory_space<vmem_shared>>, %arg10: memref<!tpu.dma_semaphore, #tpu.memory_space<semaphore_mem>>, %arg11: memref<!tpu.dma_semaphore, #tpu.memory_space<semaphore_mem>>) attributes {dimension_semantics = [#tpu.dimension_semantics<core_parallel>, #tpu.dimension_semantics<subcore_parallel>], iteration_bounds = array<i64: 2, 16>, scalar_prefetch = 0 : i64, scratch_operands = 6 : i64, tpu.core_type = #tpu.core_type<sc_vector_subcore>, window_params = [{transform_indices = #map}, {transform_indices = #map1}, {transform_indices = #map1}, {transform_indices = #map}]} {
    %mul3A = arith.constant 2 : i32
    %mul3A_0 = arith.muli %arg1, %mul3A : i32
    %add3A = arith.addi %mul3A_0, %arg0 : i32
    %mul3A_1 = arith.constant 5120 : i32
    %mul3A_2 = arith.muli %add3A, %mul3A_1 : i32
    "tpu.region"() ({
      %run_scoped3A = tpu.sem_alloc : memref<!tpu.dma_semaphore, #tpu.memory_space<semaphore_mem>>
      %dma_start3A = arith.constant 0 : i32
      %dma_start3A_13 = arith.constant 0 : i32
      %dma_start3A_14 = tpu.memref_slice %arg2[%add3A, %dma_start3A, %dma_start3A_13] : memref<32x40x128xi32, #tpu.memory_space<hbm>> -> memref<1x40x128xi32, #tpu.memory_space<hbm>>
      %dma_start3A_15 = tpu.memref_squeeze %dma_start3A_14 : memref<1x40x128xi32, #tpu.memory_space<hbm>> -> memref<40x128xi32, #tpu.memory_space<hbm>>
      %dma_start3A_16 = arith.constant 0 : i32
      %dma_start3A_17 = arith.constant 0 : i32
      %dma_start3A_18 = tpu.memref_slice %arg2[%add3A, %dma_start3A_16, %dma_start3A_17] : memref<32x40x128xi32, #tpu.memory_space<hbm>> -> memref<1x40x128xi32, #tpu.memory_space<hbm>>
      %dma_start3A_19 = tpu.memref_squeeze %dma_start3A_18 : memref<1x40x128xi32, #tpu.memory_space<hbm>> -> memref<40x128xi32, #tpu.memory_space<hbm>>
      tpu.enqueue_dma source(%dma_start3A_19 : memref<40x128xi32, #tpu.memory_space<hbm>>) target(%arg6 : memref<40x128xi32, #tpu.memory_space<vmem>>) target_semaphore(%run_scoped3A : memref<!tpu.dma_semaphore, #tpu.memory_space<semaphore_mem>>)
      %dma_wait3A = arith.constant 0 : i32
      %dma_wait3A_20 = arith.constant 0 : i32
      %dma_wait3A_21 = tpu.memref_slice %arg2[%add3A, %dma_wait3A, %dma_wait3A_20] : memref<32x40x128xi32, #tpu.memory_space<hbm>> -> memref<1x40x128xi32, #tpu.memory_space<hbm>>
      %dma_wait3A_22 = tpu.memref_squeeze %dma_wait3A_21 : memref<1x40x128xi32, #tpu.memory_space<hbm>> -> memref<40x128xi32, #tpu.memory_space<hbm>>
      %dma_wait3A_23 = arith.constant 0 : i32
      %dma_wait3A_24 = arith.constant 0 : i32
      %dma_wait3A_25 = tpu.memref_slice %arg2[%add3A, %dma_wait3A_23, %dma_wait3A_24] : memref<32x40x128xi32, #tpu.memory_space<hbm>> -> memref<1x40x128xi32, #tpu.memory_space<hbm>>
      %dma_wait3A_26 = tpu.memref_squeeze %dma_wait3A_25 : memref<1x40x128xi32, #tpu.memory_space<hbm>> -> memref<40x128xi32, #tpu.memory_space<hbm>>
      tpu.wait_dma2 semaphore(%run_scoped3A : memref<!tpu.dma_semaphore, #tpu.memory_space<semaphore_mem>>) src(%dma_wait3A_26 : memref<40x128xi32, #tpu.memory_space<hbm>>) dst(%arg6 : memref<40x128xi32, #tpu.memory_space<vmem>>)
      tpu.yield
    }) : () -> ()
    %mul3A_3 = arith.constant 640 : i32
    %mul3A_4 = arith.muli %arg1, %mul3A_3 : i32
    "tpu.region"() ({
      %run_scoped3A = tpu.sem_alloc : memref<!tpu.dma_semaphore, #tpu.memory_space<semaphore_mem>>
      %dma_start3A = arith.constant 0 : i32
      %dma_start3A_13 = tpu.memref_slice %arg9[%mul3A_4, %dma_start3A] : memref<10240x128xf32, #tpu.memory_space<vmem_shared>> -> memref<640x128xf32, #tpu.memory_space<vmem_shared>>
      tpu.enqueue_dma source(%arg4 : memref<640x128xf32, #tpu.memory_space<hbm>>) target(%dma_start3A_13 : memref<640x128xf32, #tpu.memory_space<vmem_shared>>) target_semaphore(%run_scoped3A : memref<!tpu.dma_semaphore, #tpu.memory_space<semaphore_mem>>)
      %dma_wait3A = arith.constant 0 : i32
      %dma_wait3A_14 = tpu.memref_slice %arg9[%mul3A_4, %dma_wait3A] : memref<10240x128xf32, #tpu.memory_space<vmem_shared>> -> memref<640x128xf32, #tpu.memory_space<vmem_shared>>
      tpu.wait_dma2 semaphore(%run_scoped3A : memref<!tpu.dma_semaphore, #tpu.memory_space<semaphore_mem>>) src(%arg4 : memref<640x128xf32, #tpu.memory_space<hbm>>) dst(%dma_wait3A_14 : memref<640x128xf32, #tpu.memory_space<vmem_shared>>)
      tpu.yield
    }) : () -> ()
    %barrier3A = arith.constant 0 : index
    tpu.barrier barrier_id(%barrier3A)
    %scan3A = arith.constant 0 : i32
    %scan3A_5 = arith.constant 0 : i32
    %scan3A_6 = arith.constant 20 : i32
    %scan3A_7 = arith.addi %scan3A_5, %scan3A_6 : i32
    %scan3A_8 = arith.constant 1 : i32
    scf.for %scan3A_13 = %scan3A_5 to %scan3A_7 step %scan3A_8  : i32 {
      %mul3A_14 = arith.constant 2 : i32
      %mul3A_15 = arith.muli %mul3A_14, %scan3A_13 : i32
      %mul3A_16 = arith.constant 2 : i32
      %mul3A_17 = arith.muli %mul3A_16, %scan3A_13 : i32
      %add3A_18 = arith.constant 1 : i32
      %add3A_19 = arith.addi %mul3A_17, %add3A_18 : i32
      %mul3A_20 = arith.constant 128 : i32
      %mul3A_21 = arith.muli %mul3A_15, %mul3A_20 : i32
      %add3A_22 = arith.addi %mul3A_2, %mul3A_21 : i32
      %dma_start3A = arith.constant 0 : i32
      %dma_start3A_23 = tpu.memref_slice %arg3[%add3A_22, %dma_start3A] : memref<163840x128xf32, #tpu.memory_space<hbm>> -> memref<128x128xf32, #tpu.memory_space<hbm>>
      %dma_start3A_24 = arith.constant 0 : i32
      %dma_start3A_25 = tpu.memref_slice %arg3[%add3A_22, %dma_start3A_24] : memref<163840x128xf32, #tpu.memory_space<hbm>> -> memref<128x128xf32, #tpu.memory_space<hbm>>
      tpu.enqueue_dma source(%dma_start3A_25 : memref<128x128xf32, #tpu.memory_space<hbm>>) target(%arg7 : memref<128x128xf32, #tpu.memory_space<vmem>>) target_semaphore(%arg10 : memref<!tpu.dma_semaphore, #tpu.memory_space<semaphore_mem>>)
      %mul3A_26 = arith.constant 128 : i32
      %mul3A_27 = arith.muli %add3A_19, %mul3A_26 : i32
      %add3A_28 = arith.addi %mul3A_2, %mul3A_27 : i32
      %dma_start3A_29 = arith.constant 0 : i32
      %dma_start3A_30 = tpu.memref_slice %arg3[%add3A_28, %dma_start3A_29] : memref<163840x128xf32, #tpu.memory_space<hbm>> -> memref<128x128xf32, #tpu.memory_space<hbm>>
      %dma_start3A_31 = arith.constant 0 : i32
      %dma_start3A_32 = tpu.memref_slice %arg3[%add3A_28, %dma_start3A_31] : memref<163840x128xf32, #tpu.memory_space<hbm>> -> memref<128x128xf32, #tpu.memory_space<hbm>>
      tpu.enqueue_dma source(%dma_start3A_32 : memref<128x128xf32, #tpu.memory_space<hbm>>) target(%arg8 : memref<128x128xf32, #tpu.memory_space<vmem>>) target_semaphore(%arg11 : memref<!tpu.dma_semaphore, #tpu.memory_space<semaphore_mem>>)
      %dma_wait3A = arith.constant 0 : i32
      %dma_wait3A_33 = tpu.memref_slice %arg3[%add3A_22, %dma_wait3A] : memref<163840x128xf32, #tpu.memory_space<hbm>> -> memref<128x128xf32, #tpu.memory_space<hbm>>
      %dma_wait3A_34 = arith.constant 0 : i32
      %dma_wait3A_35 = tpu.memref_slice %arg3[%add3A_22, %dma_wait3A_34] : memref<163840x128xf32, #tpu.memory_space<hbm>> -> memref<128x128xf32, #tpu.memory_space<hbm>>
      tpu.wait_dma2 semaphore(%arg10 : memref<!tpu.dma_semaphore, #tpu.memory_space<semaphore_mem>>) src(%dma_wait3A_35 : memref<128x128xf32, #tpu.memory_space<hbm>>) dst(%arg7 : memref<128x128xf32, #tpu.memory_space<vmem>>)
      "tpu.region"() ({
        %run_scoped3A = tpu.sem_alloc : memref<!tpu.dma_semaphore, #tpu.memory_space<semaphore_mem>>
        %dma_start3A_40 = arith.constant 0 : i32
        %dma_start3A_41 = tpu.memref_slice %arg6[%mul3A_15, %dma_start3A_40] : memref<40x128xi32, #tpu.memory_space<vmem>> -> memref<1x128xi32, #tpu.memory_space<vmem>>
        %dma_start3A_42 = tpu.memref_squeeze %dma_start3A_41 : memref<1x128xi32, #tpu.memory_space<vmem>> -> memref<128xi32, #tpu.memory_space<vmem>>
        %dma_start3A_43 = arith.constant 0 : i32
        %dma_start3A_44 = arith.constant 0 : i32
        %dma_start3A_45 = tpu.memref_slice %arg9[%dma_start3A_43, %dma_start3A_44] : memref<10240x128xf32, #tpu.memory_space<vmem_shared>> -> memref<10240x128xf32, #tpu.memory_space<vmem_shared>>
        tpu.enqueue_indirect_dma source(%arg7 : memref<128x128xf32, #tpu.memory_space<vmem>>) target(%dma_start3A_45 : memref<10240x128xf32, #tpu.memory_space<vmem_shared>>) offsets(%dma_start3A_42 : memref<128xi32, #tpu.memory_space<vmem>>) semaphore(%run_scoped3A : memref<!tpu.dma_semaphore, #tpu.memory_space<semaphore_mem>>) {add = true}
        %dma_wait3A_46 = arith.constant 0 : i32
        %dma_wait3A_47 = tpu.memref_slice %arg6[%mul3A_15, %dma_wait3A_46] : memref<40x128xi32, #tpu.memory_space<vmem>> -> memref<1x128xi32, #tpu.memory_space<vmem>>
        %dma_wait3A_48 = tpu.memref_squeeze %dma_wait3A_47 : memref<1x128xi32, #tpu.memory_space<vmem>> -> memref<128xi32, #tpu.memory_space<vmem>>
        %dma_wait3A_49 = arith.constant 0 : i32
        %dma_wait3A_50 = arith.constant 0 : i32
        %dma_wait3A_51 = tpu.memref_slice %arg9[%dma_wait3A_49, %dma_wait3A_50] : memref<10240x128xf32, #tpu.memory_space<vmem_shared>> -> memref<10240x128xf32, #tpu.memory_space<vmem_shared>>
        tpu.wait_indirect_dma semaphore(%run_scoped3A : memref<!tpu.dma_semaphore, #tpu.memory_space<semaphore_mem>>) src(%arg7 : memref<128x128xf32, #tpu.memory_space<vmem>>) dst(%dma_wait3A_51 : memref<10240x128xf32, #tpu.memory_space<vmem_shared>>)
        tpu.yield
      }) : () -> ()
      %dma_wait3A_36 = arith.constant 0 : i32
      %dma_wait3A_37 = tpu.memref_slice %arg3[%add3A_28, %dma_wait3A_36] : memref<163840x128xf32, #tpu.memory_space<hbm>> -> memref<128x128xf32, #tpu.memory_space<hbm>>
      %dma_wait3A_38 = arith.constant 0 : i32
      %dma_wait3A_39 = tpu.memref_slice %arg3[%add3A_28, %dma_wait3A_38] : memref<163840x128xf32, #tpu.memory_space<hbm>> -> memref<128x128xf32, #tpu.memory_space<hbm>>
      tpu.wait_dma2 semaphore(%arg11 : memref<!tpu.dma_semaphore, #tpu.memory_space<semaphore_mem>>) src(%dma_wait3A_39 : memref<128x128xf32, #tpu.memory_space<hbm>>) dst(%arg8 : memref<128x128xf32, #tpu.memory_space<vmem>>)
      "tpu.region"() ({
        %run_scoped3A = tpu.sem_alloc : memref<!tpu.dma_semaphore, #tpu.memory_space<semaphore_mem>>
        %dma_start3A_40 = arith.constant 0 : i32
        %dma_start3A_41 = tpu.memref_slice %arg6[%add3A_19, %dma_start3A_40] : memref<40x128xi32, #tpu.memory_space<vmem>> -> memref<1x128xi32, #tpu.memory_space<vmem>>
        %dma_start3A_42 = tpu.memref_squeeze %dma_start3A_41 : memref<1x128xi32, #tpu.memory_space<vmem>> -> memref<128xi32, #tpu.memory_space<vmem>>
        %dma_start3A_43 = arith.constant 0 : i32
        %dma_start3A_44 = arith.constant 0 : i32
        %dma_start3A_45 = tpu.memref_slice %arg9[%dma_start3A_43, %dma_start3A_44] : memref<10240x128xf32, #tpu.memory_space<vmem_shared>> -> memref<10240x128xf32, #tpu.memory_space<vmem_shared>>
        tpu.enqueue_indirect_dma source(%arg8 : memref<128x128xf32, #tpu.memory_space<vmem>>) target(%dma_start3A_45 : memref<10240x128xf32, #tpu.memory_space<vmem_shared>>) offsets(%dma_start3A_42 : memref<128xi32, #tpu.memory_space<vmem>>) semaphore(%run_scoped3A : memref<!tpu.dma_semaphore, #tpu.memory_space<semaphore_mem>>) {add = true}
        %dma_wait3A_46 = arith.constant 0 : i32
        %dma_wait3A_47 = tpu.memref_slice %arg6[%add3A_19, %dma_wait3A_46] : memref<40x128xi32, #tpu.memory_space<vmem>> -> memref<1x128xi32, #tpu.memory_space<vmem>>
        %dma_wait3A_48 = tpu.memref_squeeze %dma_wait3A_47 : memref<1x128xi32, #tpu.memory_space<vmem>> -> memref<128xi32, #tpu.memory_space<vmem>>
        %dma_wait3A_49 = arith.constant 0 : i32
        %dma_wait3A_50 = arith.constant 0 : i32
        %dma_wait3A_51 = tpu.memref_slice %arg9[%dma_wait3A_49, %dma_wait3A_50] : memref<10240x128xf32, #tpu.memory_space<vmem_shared>> -> memref<10240x128xf32, #tpu.memory_space<vmem_shared>>
        tpu.wait_indirect_dma semaphore(%run_scoped3A : memref<!tpu.dma_semaphore, #tpu.memory_space<semaphore_mem>>) src(%arg8 : memref<128x128xf32, #tpu.memory_space<vmem>>) dst(%dma_wait3A_51 : memref<10240x128xf32, #tpu.memory_space<vmem_shared>>)
        tpu.yield
      }) : () -> ()
    }
    %scan3A_9 = arith.constant 20 : i32
    %barrier3A_10 = arith.constant 0 : index
    tpu.barrier barrier_id(%barrier3A_10)
    %mul3A_11 = arith.constant 640 : i32
    %mul3A_12 = arith.muli %arg1, %mul3A_11 : i32
    "tpu.region"() ({
      %run_scoped3A = tpu.sem_alloc : memref<!tpu.dma_semaphore, #tpu.memory_space<semaphore_mem>>
      %dma_start3A = arith.constant 0 : i32
      %dma_start3A_13 = tpu.memref_slice %arg5[%arg0, %mul3A_12, %dma_start3A] : memref<2x10240x128xf32, #tpu.memory_space<hbm>> -> memref<1x640x128xf32, #tpu.memory_space<hbm>>
      %dma_start3A_14 = tpu.memref_squeeze %dma_start3A_13 : memref<1x640x128xf32, #tpu.memory_space<hbm>> -> memref<640x128xf32, #tpu.memory_space<hbm>>
      %dma_start3A_15 = arith.constant 0 : i32
      %dma_start3A_16 = tpu.memref_slice %arg9[%mul3A_12, %dma_start3A_15] : memref<10240x128xf32, #tpu.memory_space<vmem_shared>> -> memref<640x128xf32, #tpu.memory_space<vmem_shared>>
      tpu.enqueue_dma source(%dma_start3A_16 : memref<640x128xf32, #tpu.memory_space<vmem_shared>>) target(%dma_start3A_14 : memref<640x128xf32, #tpu.memory_space<hbm>>) target_semaphore(%run_scoped3A : memref<!tpu.dma_semaphore, #tpu.memory_space<semaphore_mem>>)
      %dma_wait3A = arith.constant 0 : i32
      %dma_wait3A_17 = tpu.memref_slice %arg5[%arg0, %mul3A_12, %dma_wait3A] : memref<2x10240x128xf32, #tpu.memory_space<hbm>> -> memref<1x640x128xf32, #tpu.memory_space<hbm>>
      %dma_wait3A_18 = tpu.memref_squeeze %dma_wait3A_17 : memref<1x640x128xf32, #tpu.memory_space<hbm>> -> memref<640x128xf32, #tpu.memory_space<hbm>>
      %dma_wait3A_19 = arith.constant 0 : i32
      %dma_wait3A_20 = tpu.memref_slice %arg9[%mul3A_12, %dma_wait3A_19] : memref<10240x128xf32, #tpu.memory_space<vmem_shared>> -> memref<640x128xf32, #tpu.memory_space<vmem_shared>>
      tpu.wait_dma2 semaphore(%run_scoped3A : memref<!tpu.dma_semaphore, #tpu.memory_space<semaphore_mem>>) src(%dma_wait3A_20 : memref<640x128xf32, #tpu.memory_space<vmem_shared>>) dst(%dma_wait3A_18 : memref<640x128xf32, #tpu.memory_space<hbm>>)
      tpu.yield
    }) : () -> ()
    return
  }
}

module attributes {stable_mosaic.version = 14 : i64} {
  func.func @_k0_body(%arg0: i32, %arg1: memref<512x128xf32, #tpu.memory_space<vmem>>, %arg2: memref<128x128xf32, #tpu.memory_space<vmem>>, %arg3: memref<128x128xf32, #tpu.memory_space<vmem>>, %arg4: memref<1x128xf32, #tpu.memory_space<vmem>>, %arg5: memref<512x128xf32, #tpu.memory_space<vmem>>, %arg6: memref<512x128xf32, #tpu.memory_space<vmem>>) attributes {dimension_semantics = [#tpu.dimension_semantics<arbitrary>], iteration_bounds = array<i64: 20>, scalar_prefetch = 0 : i64, scratch_operands = 0 : i64, tpu.core_type = #tpu.core_type<tc>, window_params = [{transform_indices = @transform_0, window_bounds = array<i64: 512, 128>}, {pipeline_mode = #tpu.pipeline_mode<synchronous>, transform_indices = @transform_1, window_bounds = array<i64: 128, 128>}, {pipeline_mode = #tpu.pipeline_mode<synchronous>, transform_indices = @transform_2, window_bounds = array<i64: 128, 128>}, {pipeline_mode = #tpu.pipeline_mode<synchronous>, transform_indices = @transform_3, window_bounds = array<i64: 1, 128>}, {transform_indices = @transform_4, window_bounds = array<i64: 512, 128>}, {transform_indices = @transform_5, window_bounds = array<i64: 512, 128>}]} {
    %get3A = arith.constant 0 : index
    %get3A_0 = arith.constant 0 : index
    %get3A_1 = vector.load %arg1[%get3A, %get3A_0] : memref<512x128xf32, #tpu.memory_space<vmem>>, vector<512x128xf32>
    %get3A_2 = arith.constant 0 : index
    %get3A_3 = arith.constant 0 : index
    %get3A_4 = vector.load %arg2[%get3A_2, %get3A_3] : memref<128x128xf32, #tpu.memory_space<vmem>>, vector<128x128xf32>
    %dot_general3A = arith.constant dense<0.000000e+00> : vector<512x128xf32>
    %dot_general3A_5 = tpu.matmul %get3A_1, %get3A_4, %dot_general3A {dimension_numbers = #tpu.dot_dimension_numbers<[1], [0], [0], [1], [0, 0, 1, 1], [], []>, transpose_lhs_hint = false} : vector<512x128xf32>, vector<128x128xf32>, vector<512x128xf32> -> vector<512x128xf32>
    %swap3A = arith.constant 0 : index
    %swap3A_6 = arith.constant 0 : index
    %swap3A_7 = vector.load %arg5[%swap3A, %swap3A_6] : memref<512x128xf32, #tpu.memory_space<vmem>>, vector<512x128xf32>
    tpu.vector_store %arg5[%swap3A, %swap3A_6], %dot_general3A_5 {strides = array<i32>} : memref<512x128xf32, #tpu.memory_space<vmem>>, vector<512x128xf32>,
    %get3A_8 = arith.constant 0 : index
    %get3A_9 = arith.constant 0 : index
    %get3A_10 = vector.load %arg3[%get3A_8, %get3A_9] : memref<128x128xf32, #tpu.memory_space<vmem>>, vector<128x128xf32>
    %dot_general3A_11 = arith.constant dense<0.000000e+00> : vector<512x128xf32>
    %dot_general3A_12 = tpu.matmul %get3A_1, %get3A_10, %dot_general3A_11 {dimension_numbers = #tpu.dot_dimension_numbers<[1], [0], [0], [1], [0, 0, 1, 1], [], []>, transpose_lhs_hint = false} : vector<512x128xf32>, vector<128x128xf32>, vector<512x128xf32> -> vector<512x128xf32>
    %get3A_13 = arith.constant 0 : index
    %get3A_14 = arith.constant 0 : index
    %get3A_15 = vector.load %arg4[%get3A_13, %get3A_14] : memref<1x128xf32, #tpu.memory_space<vmem>>, vector<1x128xf32>
    %add3A = vector.broadcast %get3A_15 : vector<1x128xf32> to vector<512x128xf32>
    %add3A_16 = arith.addf %dot_general3A_12, %add3A : vector<512x128xf32>
    %swap3A_17 = arith.constant 0 : index
    %swap3A_18 = arith.constant 0 : index
    %swap3A_19 = vector.load %arg6[%swap3A_17, %swap3A_18] : memref<512x128xf32, #tpu.memory_space<vmem>>, vector<512x128xf32>
    tpu.vector_store %arg6[%swap3A_17, %swap3A_18], %add3A_16 {strides = array<i32>} : memref<512x128xf32, #tpu.memory_space<vmem>>, vector<512x128xf32>,
    return
  }
  func.func @transform_0(%arg0: i32) -> (i32, i32) {
    %c0_i32 = arith.constant 0 : i32
    %c0_i32_0 = arith.constant 0 : i32
    return %arg0, %c0_i32 : i32, i32
  }
  func.func @transform_1(%arg0: i32) -> (i32, i32) {
    %c0_i32 = arith.constant 0 : i32
    %c0_i32_0 = arith.constant 0 : i32
    %c0_i32_1 = arith.constant 0 : i32
    return %c0_i32, %c0_i32_0 : i32, i32
  }
  func.func @transform_2(%arg0: i32) -> (i32, i32) {
    %c0_i32 = arith.constant 0 : i32
    %c0_i32_0 = arith.constant 0 : i32
    %c0_i32_1 = arith.constant 0 : i32
    return %c0_i32, %c0_i32_0 : i32, i32
  }
  func.func @transform_3(%arg0: i32) -> (i32, i32) {
    %c0_i32 = arith.constant 0 : i32
    %c0_i32_0 = arith.constant 0 : i32
    %c0_i32_1 = arith.constant 0 : i32
    return %c0_i32, %c0_i32_0 : i32, i32
  }
  func.func @transform_4(%arg0: i32) -> (i32, i32) {
    %c0_i32 = arith.constant 0 : i32
    %c0_i32_0 = arith.constant 0 : i32
    return %arg0, %c0_i32 : i32, i32
  }
  func.func @transform_5(%arg0: i32) -> (i32, i32) {
    %c0_i32 = arith.constant 0 : i32
    %c0_i32_0 = arith.constant 0 : i32
    return %arg0, %c0_i32 : i32, i32
  }
}

module attributes {stable_mosaic.version = 14 : i64} {
  func.func @_k2_body(%arg0: i32, %arg1: memref<2048x128xf32, #tpu.memory_space<vmem>>, %arg2: memref<2048x128xf32, #tpu.memory_space<vmem>>, %arg3: memref<2048x16xf32, #tpu.memory_space<vmem>>, %arg4: memref<2048x16xf32, #tpu.memory_space<vmem>>, %arg5: memref<2048x16xf32, #tpu.memory_space<vmem>>, %arg6: memref<32x128xf32, #tpu.memory_space<vmem>>, %arg7: memref<128x128xbf16, #tpu.memory_space<vmem>>, %arg8: memref<1x128xf32, #tpu.memory_space<vmem>>, %arg9: memref<128x128xbf16, #tpu.memory_space<vmem>>, %arg10: memref<1x128xf32, #tpu.memory_space<vmem>>, %arg11: memref<128x16xbf16, #tpu.memory_space<vmem>>, %arg12: memref<1x16xf32, #tpu.memory_space<vmem>>, %arg13: memref<16x32xf32, #tpu.memory_space<vmem>>, %arg14: memref<16x32xf32, #tpu.memory_space<vmem>>, %arg15: memref<32x16xf32, #tpu.memory_space<vmem>>, %arg16: memref<16x32xf32, #tpu.memory_space<vmem>>, %arg17: memref<16x32xf32, #tpu.memory_space<vmem>>, %arg18: memref<32x16xf32, #tpu.memory_space<vmem>>, %arg19: memref<1x16xf32, #tpu.memory_space<vmem>>, %arg20: memref<2048x128xf32, #tpu.memory_space<vmem>>, %arg21: memref<2048x16xf32, #tpu.memory_space<vmem>>) attributes {dimension_semantics = [#tpu.dimension_semantics<arbitrary>], iteration_bounds = array<i64: 80>, scalar_prefetch = 0 : i64, scratch_operands = 0 : i64, tpu.core_type = #tpu.core_type<tc>, window_params = [{transform_indices = @transform_0, window_bounds = array<i64: 2048, 128>}, {transform_indices = @transform_1, window_bounds = array<i64: 2048, 128>}, {transform_indices = @transform_2, window_bounds = array<i64: 2048, 16>}, {transform_indices = @transform_3, window_bounds = array<i64: 2048, 16>}, {transform_indices = @transform_4, window_bounds = array<i64: 2048, 16>}, {pipeline_mode = #tpu.pipeline_mode<synchronous>, transform_indices = @transform_5, window_bounds = array<i64: 32, 128>}, {pipeline_mode = #tpu.pipeline_mode<synchronous>, transform_indices = @transform_6, window_bounds = array<i64: 128, 128>}, {pipeline_mode = #tpu.pipeline_mode<synchronous>, transform_indices = @transform_7, window_bounds = array<i64: 1, 128>}, {pipeline_mode = #tpu.pipeline_mode<synchronous>, transform_indices = @transform_8, window_bounds = array<i64: 128, 128>}, {pipeline_mode = #tpu.pipeline_mode<synchronous>, transform_indices = @transform_9, window_bounds = array<i64: 1, 128>}, {pipeline_mode = #tpu.pipeline_mode<synchronous>, transform_indices = @transform_10, window_bounds = array<i64: 128, 16>}, {pipeline_mode = #tpu.pipeline_mode<synchronous>, transform_indices = @transform_11, window_bounds = array<i64: 1, 16>}, {pipeline_mode = #tpu.pipeline_mode<synchronous>, transform_indices = @transform_12, window_bounds = array<i64: 16, 32>}, {pipeline_mode = #tpu.pipeline_mode<synchronous>, transform_indices = @transform_13, window_bounds = array<i64: 16, 32>}, {pipeline_mode = #tpu.pipeline_mode<synchronous>, transform_indices = @transform_14, window_bounds = array<i64: 32, 16>}, {pipeline_mode = #tpu.pipeline_mode<synchronous>, transform_indices = @transform_15, window_bounds = array<i64: 16, 32>}, {pipeline_mode = #tpu.pipeline_mode<synchronous>, transform_indices = @transform_16, window_bounds = array<i64: 16, 32>}, {pipeline_mode = #tpu.pipeline_mode<synchronous>, transform_indices = @transform_17, window_bounds = array<i64: 32, 16>}, {pipeline_mode = #tpu.pipeline_mode<synchronous>, transform_indices = @transform_18, window_bounds = array<i64: 1, 16>}, {transform_indices = @transform_19, window_bounds = array<i64: 2048, 128>}, {transform_indices = @transform_20, window_bounds = array<i64: 2048, 16>}]} {
    %get3A = arith.constant 0 : index
    %get3A_0 = arith.constant 0 : index
    %get3A_1 = vector.load %arg3[%get3A, %get3A_0] : memref<2048x16xf32, #tpu.memory_space<vmem>>, vector<2048x16xf32>
    %get3A_2 = arith.constant 0 : index
    %get3A_3 = arith.constant 0 : index
    %get3A_4 = vector.load %arg4[%get3A_2, %get3A_3] : memref<2048x16xf32, #tpu.memory_space<vmem>>, vector<2048x16xf32>
    %get3A_5 = arith.constant 0 : index
    %get3A_6 = arith.constant 0 : index
    %get3A_7 = vector.load %arg13[%get3A_5, %get3A_6] : memref<16x32xf32, #tpu.memory_space<vmem>>, vector<16x32xf32>
    %dot_general3A = arith.constant dense<0.000000e+00> : vector<2048x32xf32>
    %dot_general3A_8 = tpu.matmul %get3A_4, %get3A_7, %dot_general3A {dimension_numbers = #tpu.dot_dimension_numbers<[1], [0], [0], [1], [0, 0, 1, 1], [], []>, transpose_lhs_hint = false} : vector<2048x16xf32>, vector<16x32xf32>, vector<2048x32xf32> -> vector<2048x32xf32>
    %get3A_9 = arith.constant 0 : index
    %get3A_10 = arith.constant 0 : index
    %get3A_11 = vector.load %arg14[%get3A_9, %get3A_10] : memref<16x32xf32, #tpu.memory_space<vmem>>, vector<16x32xf32>
    %dot_general3A_12 = arith.constant dense<0.000000e+00> : vector<2048x32xf32>
    %dot_general3A_13 = tpu.matmul %get3A_1, %get3A_11, %dot_general3A_12 {dimension_numbers = #tpu.dot_dimension_numbers<[1], [0], [0], [1], [0, 0, 1, 1], [], []>, transpose_lhs_hint = false} : vector<2048x16xf32>, vector<16x32xf32>, vector<2048x32xf32> -> vector<2048x32xf32>
    %mul3A = arith.mulf %dot_general3A_8, %dot_general3A_13 : vector<2048x32xf32>
    %get3A_14 = arith.constant 0 : index
    %get3A_15 = arith.constant 0 : index
    %get3A_16 = vector.load %arg15[%get3A_14, %get3A_15] : memref<32x16xf32, #tpu.memory_space<vmem>>, vector<32x16xf32>
    %dot_general3A_17 = arith.constant dense<0.000000e+00> : vector<2048x16xf32>
    %dot_general3A_18 = tpu.matmul %mul3A, %get3A_16, %dot_general3A_17 {dimension_numbers = #tpu.dot_dimension_numbers<[1], [0], [0], [1], [0, 0, 1, 1], [], []>, transpose_lhs_hint = false} : vector<2048x32xf32>, vector<32x16xf32>, vector<2048x16xf32> -> vector<2048x16xf32>
    %mul3A_19 = arith.mulf %dot_general3A_18, %dot_general3A_18 : vector<2048x16xf32>
    %reduce_sum3A = arith.constant dense<0.000000e+00> : vector<2048xf32>
    %reduce_sum3A_20 = vector.multi_reduction <add>, %mul3A_19, %reduce_sum3A [1] : vector<2048x16xf32> to vector<2048xf32>
    %broadcast_in_dim3A = vector.shape_cast %reduce_sum3A_20 : vector<2048xf32> to vector<2048x1xf32>
    %sqrt3A = math.sqrt %broadcast_in_dim3A : vector<2048x1xf32>
    %max3A = arith.constant 9.99999996E-13 : f32
    %max3A_21 = vector.broadcast %max3A : f32 to vector<2048x1xf32>
    %max3A_22 = arith.maximumf %sqrt3A, %max3A_21 : vector<2048x1xf32>
    %div3A = arith.constant 1.000000e+00 : f32
    %div3A_23 = vector.broadcast %div3A : f32 to vector<2048x1xf32>
    %div3A_24 = arith.divf %div3A_23, %max3A_22 : vector<2048x1xf32>
    %mul3A_25 = vector.broadcast %div3A_24 : vector<2048x1xf32> to vector<2048x16xf32>
    %mul3A_26 = arith.mulf %dot_general3A_18, %mul3A_25 : vector<2048x16xf32>
    %get3A_27 = arith.constant 0 : index
    %get3A_28 = arith.constant 0 : index
    %get3A_29 = vector.load %arg5[%get3A_27, %get3A_28] : memref<2048x16xf32, #tpu.memory_space<vmem>>, vector<2048x16xf32>
    %concatenate3A = tpu.concatenate %mul3A_26, %get3A_29 in 1 : vector<2048x16xf32>, vector<2048x16xf32> -> vector<2048x32xf32>
    %get3A_30 = arith.constant 0 : index
    %get3A_31 = arith.constant 0 : index
    %get3A_32 = vector.load %arg1[%get3A_30, %get3A_31] : memref<2048x128xf32, #tpu.memory_space<vmem>>, vector<2048x128xf32>
    %get3A_33 = arith.constant 0 : index
    %get3A_34 = arith.constant 0 : index
    %get3A_35 = vector.load %arg2[%get3A_33, %get3A_34] : memref<2048x128xf32, #tpu.memory_space<vmem>>, vector<2048x128xf32>
    %add3A = arith.addf %get3A_32, %get3A_35 : vector<2048x128xf32>
    %get3A_36 = arith.constant 0 : index
    %get3A_37 = arith.constant 0 : index
    %get3A_38 = vector.load %arg6[%get3A_36, %get3A_37] : memref<32x128xf32, #tpu.memory_space<vmem>>, vector<32x128xf32>
    %dot_general3A_39 = arith.constant dense<0.000000e+00> : vector<2048x128xf32>
    %dot_general3A_40 = tpu.matmul %concatenate3A, %get3A_38, %dot_general3A_39 {dimension_numbers = #tpu.dot_dimension_numbers<[1], [0], [0], [1], [0, 0, 1, 1], [], []>, transpose_lhs_hint = false} : vector<2048x32xf32>, vector<32x128xf32>, vector<2048x128xf32> -> vector<2048x128xf32>
    %add3A_41 = arith.addf %add3A, %dot_general3A_40 : vector<2048x128xf32>
    %logistic3A = arith.negf %add3A_41 : vector<2048x128xf32>
    %logistic3A_42 = math.exp %logistic3A : vector<2048x128xf32>
    %logistic3A_43 = arith.constant 1.000000e+00 : f32
    %logistic3A_44 = vector.broadcast %logistic3A_43 : f32 to vector<2048x128xf32>
    %logistic3A_45 = arith.addf %logistic3A_44, %logistic3A_42 : vector<2048x128xf32>
    %logistic3A_46 = arith.divf %logistic3A_44, %logistic3A_45 : vector<2048x128xf32>
    %mul3A_47 = arith.mulf %add3A_41, %logistic3A_46 : vector<2048x128xf32>
    %convert_element_type3A = arith.truncf %mul3A_47 : vector<2048x128xf32> to vector<2048x128xbf16>
    %get3A_48 = arith.constant 0 : index
    %get3A_49 = arith.constant 0 : index
    %get3A_50 = vector.load %arg7[%get3A_48, %get3A_49] : memref<128x128xbf16, #tpu.memory_space<vmem>>, vector<128x128xbf16>
    %dot_general3A_51 = arith.constant dense<0.000000e+00> : vector<2048x128xf32>
    %dot_general3A_52 = tpu.matmul %convert_element_type3A, %get3A_50, %dot_general3A_51 {dimension_numbers = #tpu.dot_dimension_numbers<[1], [0], [0], [1], [0, 0, 1, 1], [], []>, transpose_lhs_hint = false} : vector<2048x128xbf16>, vector<128x128xbf16>, vector<2048x128xf32> -> vector<2048x128xf32>
    %get3A_53 = arith.constant 0 : index
    %get3A_54 = arith.constant 0 : index
    %get3A_55 = vector.load %arg8[%get3A_53, %get3A_54] : memref<1x128xf32, #tpu.memory_space<vmem>>, vector<1x128xf32>
    %add3A_56 = vector.broadcast %get3A_55 : vector<1x128xf32> to vector<2048x128xf32>
    %add3A_57 = arith.addf %dot_general3A_52, %add3A_56 : vector<2048x128xf32>
    %logistic3A_58 = arith.negf %add3A_57 : vector<2048x128xf32>
    %logistic3A_59 = math.exp %logistic3A_58 : vector<2048x128xf32>
    %logistic3A_60 = arith.constant 1.000000e+00 : f32
    %logistic3A_61 = vector.broadcast %logistic3A_60 : f32 to vector<2048x128xf32>
    %logistic3A_62 = arith.addf %logistic3A_61, %logistic3A_59 : vector<2048x128xf32>
    %logistic3A_63 = arith.divf %logistic3A_61, %logistic3A_62 : vector<2048x128xf32>
    %mul3A_64 = arith.mulf %add3A_57, %logistic3A_63 : vector<2048x128xf32>
    %convert_element_type3A_65 = arith.truncf %mul3A_64 : vector<2048x128xf32> to vector<2048x128xbf16>
    %get3A_66 = arith.constant 0 : index
    %get3A_67 = arith.constant 0 : index
    %get3A_68 = vector.load %arg9[%get3A_66, %get3A_67] : memref<128x128xbf16, #tpu.memory_space<vmem>>, vector<128x128xbf16>
    %dot_general3A_69 = arith.constant dense<0.000000e+00> : vector<2048x128xf32>
    %dot_general3A_70 = tpu.matmul %convert_element_type3A_65, %get3A_68, %dot_general3A_69 {dimension_numbers = #tpu.dot_dimension_numbers<[1], [0], [0], [1], [0, 0, 1, 1], [], []>, transpose_lhs_hint = false} : vector<2048x128xbf16>, vector<128x128xbf16>, vector<2048x128xf32> -> vector<2048x128xf32>
    %get3A_71 = arith.constant 0 : index
    %get3A_72 = arith.constant 0 : index
    %get3A_73 = vector.load %arg10[%get3A_71, %get3A_72] : memref<1x128xf32, #tpu.memory_space<vmem>>, vector<1x128xf32>
    %add3A_74 = vector.broadcast %get3A_73 : vector<1x128xf32> to vector<2048x128xf32>
    %add3A_75 = arith.addf %dot_general3A_70, %add3A_74 : vector<2048x128xf32>
    %logistic3A_76 = arith.negf %add3A_75 : vector<2048x128xf32>
    %logistic3A_77 = math.exp %logistic3A_76 : vector<2048x128xf32>
    %logistic3A_78 = arith.constant 1.000000e+00 : f32
    %logistic3A_79 = vector.broadcast %logistic3A_78 : f32 to vector<2048x128xf32>
    %logistic3A_80 = arith.addf %logistic3A_79, %logistic3A_77 : vector<2048x128xf32>
    %logistic3A_81 = arith.divf %logistic3A_79, %logistic3A_80 : vector<2048x128xf32>
    %mul3A_82 = arith.mulf %add3A_75, %logistic3A_81 : vector<2048x128xf32>
    %convert_element_type3A_83 = arith.truncf %mul3A_82 : vector<2048x128xf32> to vector<2048x128xbf16>
    %get3A_84 = arith.constant 0 : index
    %get3A_85 = arith.constant 0 : index
    %get3A_86 = vector.load %arg11[%get3A_84, %get3A_85] : memref<128x16xbf16, #tpu.memory_space<vmem>>, vector<128x16xbf16>
    %dot_general3A_87 = arith.constant dense<0.000000e+00> : vector<2048x16xf32>
    %dot_general3A_88 = tpu.matmul %convert_element_type3A_83, %get3A_86, %dot_general3A_87 {dimension_numbers = #tpu.dot_dimension_numbers<[1], [0], [0], [1], [0, 0, 1, 1], [], []>, transpose_lhs_hint = false} : vector<2048x128xbf16>, vector<128x16xbf16>, vector<2048x16xf32> -> vector<2048x16xf32>
    %get3A_89 = arith.constant 0 : index
    %get3A_90 = arith.constant 0 : index
    %get3A_91 = vector.load %arg12[%get3A_89, %get3A_90] : memref<1x16xf32, #tpu.memory_space<vmem>>, vector<1x16xf32>
    %add3A_92 = vector.broadcast %get3A_91 : vector<1x16xf32> to vector<2048x16xf32>
    %add3A_93 = arith.addf %dot_general3A_88, %add3A_92 : vector<2048x16xf32>
    %get3A_94 = arith.constant 0 : index
    %get3A_95 = arith.constant 0 : index
    %get3A_96 = vector.load %arg16[%get3A_94, %get3A_95] : memref<16x32xf32, #tpu.memory_space<vmem>>, vector<16x32xf32>
    %dot_general3A_97 = arith.constant dense<0.000000e+00> : vector<2048x32xf32>
    %dot_general3A_98 = tpu.matmul %get3A_4, %get3A_96, %dot_general3A_97 {dimension_numbers = #tpu.dot_dimension_numbers<[1], [0], [0], [1], [0, 0, 1, 1], [], []>, transpose_lhs_hint = false} : vector<2048x16xf32>, vector<16x32xf32>, vector<2048x32xf32> -> vector<2048x32xf32>
    %get3A_99 = arith.constant 0 : index
    %get3A_100 = arith.constant 0 : index
    %get3A_101 = vector.load %arg17[%get3A_99, %get3A_100] : memref<16x32xf32, #tpu.memory_space<vmem>>, vector<16x32xf32>
    %dot_general3A_102 = arith.constant dense<0.000000e+00> : vector<2048x32xf32>
    %dot_general3A_103 = tpu.matmul %add3A_93, %get3A_101, %dot_general3A_102 {dimension_numbers = #tpu.dot_dimension_numbers<[1], [0], [0], [1], [0, 0, 1, 1], [], []>, transpose_lhs_hint = false} : vector<2048x16xf32>, vector<16x32xf32>, vector<2048x32xf32> -> vector<2048x32xf32>
    %mul3A_104 = arith.mulf %dot_general3A_98, %dot_general3A_103 : vector<2048x32xf32>
    %get3A_105 = arith.constant 0 : index
    %get3A_106 = arith.constant 0 : index
    %get3A_107 = vector.load %arg18[%get3A_105, %get3A_106] : memref<32x16xf32, #tpu.memory_space<vmem>>, vector<32x16xf32>
    %dot_general3A_108 = arith.constant dense<0.000000e+00> : vector<2048x16xf32>
    %dot_general3A_109 = tpu.matmul %mul3A_104, %get3A_107, %dot_general3A_108 {dimension_numbers = #tpu.dot_dimension_numbers<[1], [0], [0], [1], [0, 0, 1, 1], [], []>, transpose_lhs_hint = false} : vector<2048x32xf32>, vector<32x16xf32>, vector<2048x16xf32> -> vector<2048x16xf32>
    %swap3A = arith.constant 0 : index
    %swap3A_110 = arith.constant 0 : index
    %swap3A_111 = vector.load %arg20[%swap3A, %swap3A_110] : memref<2048x128xf32, #tpu.memory_space<vmem>>, vector<2048x128xf32>
    tpu.vector_store %arg20[%swap3A, %swap3A_110], %mul3A_64 {strides = array<i32>} : memref<2048x128xf32, #tpu.memory_space<vmem>>, vector<2048x128xf32>,
    %get3A_112 = arith.constant 0 : index
    %get3A_113 = arith.constant 0 : index
    %get3A_114 = vector.load %arg19[%get3A_112, %get3A_113] : memref<1x16xf32, #tpu.memory_space<vmem>>, vector<1x16xf32>
    %add3A_115 = vector.broadcast %get3A_114 : vector<1x16xf32> to vector<2048x16xf32>
    %add3A_116 = arith.addf %dot_general3A_109, %add3A_115 : vector<2048x16xf32>
    %swap3A_117 = arith.constant 0 : index
    %swap3A_118 = arith.constant 0 : index
    %swap3A_119 = vector.load %arg21[%swap3A_117, %swap3A_118] : memref<2048x16xf32, #tpu.memory_space<vmem>>, vector<2048x16xf32>
    tpu.vector_store %arg21[%swap3A_117, %swap3A_118], %add3A_116 {strides = array<i32>} : memref<2048x16xf32, #tpu.memory_space<vmem>>, vector<2048x16xf32>,
    return
  }
  func.func @transform_0(%arg0: i32) -> (i32, i32) {
    %c0_i32 = arith.constant 0 : i32
    %c0_i32_0 = arith.constant 0 : i32
    return %arg0, %c0_i32 : i32, i32
  }
  func.func @transform_1(%arg0: i32) -> (i32, i32) {
    %c0_i32 = arith.constant 0 : i32
    %c0_i32_0 = arith.constant 0 : i32
    return %arg0, %c0_i32 : i32, i32
  }
  func.func @transform_2(%arg0: i32) -> (i32, i32) {
    %c0_i32 = arith.constant 0 : i32
    %c0_i32_0 = arith.constant 0 : i32
    return %arg0, %c0_i32 : i32, i32
  }
  func.func @transform_3(%arg0: i32) -> (i32, i32) {
    %c0_i32 = arith.constant 0 : i32
    %c0_i32_0 = arith.constant 0 : i32
    return %arg0, %c0_i32 : i32, i32
  }
  func.func @transform_4(%arg0: i32) -> (i32, i32) {
    %add3A = arith.constant 80 : i32
    %add3A_0 = arith.addi %arg0, %add3A : i32
    %c0_i32 = arith.constant 0 : i32
    %c0_i32_1 = arith.constant 0 : i32
    return %add3A_0, %c0_i32 : i32, i32
  }
  func.func @transform_5(%arg0: i32) -> (i32, i32) {
    %c0_i32 = arith.constant 0 : i32
    %c0_i32_0 = arith.constant 0 : i32
    %c0_i32_1 = arith.constant 0 : i32
    return %c0_i32, %c0_i32_0 : i32, i32
  }
  func.func @transform_6(%arg0: i32) -> (i32, i32) {
    %c0_i32 = arith.constant 0 : i32
    %c0_i32_0 = arith.constant 0 : i32
    %c0_i32_1 = arith.constant 0 : i32
    return %c0_i32, %c0_i32_0 : i32, i32
  }
  func.func @transform_7(%arg0: i32) -> (i32, i32) {
    %c0_i32 = arith.constant 0 : i32
    %c0_i32_0 = arith.constant 0 : i32
    %c0_i32_1 = arith.constant 0 : i32
    return %c0_i32, %c0_i32_0 : i32, i32
  }
  func.func @transform_8(%arg0: i32) -> (i32, i32) {
    %c0_i32 = arith.constant 0 : i32
    %c0_i32_0 = arith.constant 0 : i32
    %c0_i32_1 = arith.constant 0 : i32
    return %c0_i32, %c0_i32_0 : i32, i32
  }
  func.func @transform_9(%arg0: i32) -> (i32, i32) {
    %c0_i32 = arith.constant 0 : i32
    %c0_i32_0 = arith.constant 0 : i32
    %c0_i32_1 = arith.constant 0 : i32
    return %c0_i32, %c0_i32_0 : i32, i32
  }
  func.func @transform_10(%arg0: i32) -> (i32, i32) {
    %c0_i32 = arith.constant 0 : i32
    %c0_i32_0 = arith.constant 0 : i32
    %c0_i32_1 = arith.constant 0 : i32
    return %c0_i32, %c0_i32_0 : i32, i32
  }
  func.func @transform_11(%arg0: i32) -> (i32, i32) {
    %c0_i32 = arith.constant 0 : i32
    %c0_i32_0 = arith.constant 0 : i32
    %c0_i32_1 = arith.constant 0 : i32
    return %c0_i32, %c0_i32_0 : i32, i32
  }
  func.func @transform_12(%arg0: i32) -> (i32, i32) {
    %c0_i32 = arith.constant 0 : i32
    %c0_i32_0 = arith.constant 0 : i32
    %c0_i32_1 = arith.constant 0 : i32
    return %c0_i32, %c0_i32_0 : i32, i32
  }
  func.func @transform_13(%arg0: i32) -> (i32, i32) {
    %c0_i32 = arith.constant 0 : i32
    %c0_i32_0 = arith.constant 0 : i32
    %c0_i32_1 = arith.constant 0 : i32
    return %c0_i32, %c0_i32_0 : i32, i32
  }
  func.func @transform_14(%arg0: i32) -> (i32, i32) {
    %c0_i32 = arith.constant 0 : i32
    %c0_i32_0 = arith.constant 0 : i32
    %c0_i32_1 = arith.constant 0 : i32
    return %c0_i32, %c0_i32_0 : i32, i32
  }
  func.func @transform_15(%arg0: i32) -> (i32, i32) {
    %c0_i32 = arith.constant 0 : i32
    %c0_i32_0 = arith.constant 0 : i32
    %c0_i32_1 = arith.constant 0 : i32
    return %c0_i32, %c0_i32_0 : i32, i32
  }
  func.func @transform_16(%arg0: i32) -> (i32, i32) {
    %c0_i32 = arith.constant 0 : i32
    %c0_i32_0 = arith.constant 0 : i32
    %c0_i32_1 = arith.constant 0 : i32
    return %c0_i32, %c0_i32_0 : i32, i32
  }
  func.func @transform_17(%arg0: i32) -> (i32, i32) {
    %c0_i32 = arith.constant 0 : i32
    %c0_i32_0 = arith.constant 0 : i32
    %c0_i32_1 = arith.constant 0 : i32
    return %c0_i32, %c0_i32_0 : i32, i32
  }
  func.func @transform_18(%arg0: i32) -> (i32, i32) {
    %c0_i32 = arith.constant 0 : i32
    %c0_i32_0 = arith.constant 0 : i32
    %c0_i32_1 = arith.constant 0 : i32
    return %c0_i32, %c0_i32_0 : i32, i32
  }
  func.func @transform_19(%arg0: i32) -> (i32, i32) {
    %c0_i32 = arith.constant 0 : i32
    %c0_i32_0 = arith.constant 0 : i32
    return %arg0, %c0_i32 : i32, i32
  }
  func.func @transform_20(%arg0: i32) -> (i32, i32) {
    %c0_i32 = arith.constant 0 : i32
    %c0_i32_0 = arith.constant 0 : i32
    return %arg0, %c0_i32 : i32, i32
  }
}

module attributes {stable_mosaic.version = 14 : i64} {
  func.func @_k2_body(%arg0: i32, %arg1: memref<2048x128xf32, #tpu.memory_space<vmem>>, %arg2: memref<2048x128xf32, #tpu.memory_space<vmem>>, %arg3: memref<2048x16xf32, #tpu.memory_space<vmem>>, %arg4: memref<2048x16xf32, #tpu.memory_space<vmem>>, %arg5: memref<2048x16xf32, #tpu.memory_space<vmem>>, %arg6: memref<32x128xf32, #tpu.memory_space<vmem>>, %arg7: memref<128x128xbf16, #tpu.memory_space<vmem>>, %arg8: memref<1x128xf32, #tpu.memory_space<vmem>>, %arg9: memref<128x128xbf16, #tpu.memory_space<vmem>>, %arg10: memref<1x128xf32, #tpu.memory_space<vmem>>, %arg11: memref<128x16xbf16, #tpu.memory_space<vmem>>, %arg12: memref<1x16xf32, #tpu.memory_space<vmem>>, %arg13: memref<16x32xf32, #tpu.memory_space<vmem>>, %arg14: memref<16x32xf32, #tpu.memory_space<vmem>>, %arg15: memref<32x16xf32, #tpu.memory_space<vmem>>, %arg16: memref<16x32xf32, #tpu.memory_space<vmem>>, %arg17: memref<16x32xf32, #tpu.memory_space<vmem>>, %arg18: memref<32x16xf32, #tpu.memory_space<vmem>>, %arg19: memref<1x16xf32, #tpu.memory_space<vmem>>, %arg20: memref<2048x128xf32, #tpu.memory_space<vmem>>, %arg21: memref<2048x16xf32, #tpu.memory_space<vmem>>) attributes {dimension_semantics = [#tpu.dimension_semantics<arbitrary>], iteration_bounds = array<i64: 80>, scalar_prefetch = 0 : i64, scratch_operands = 0 : i64, tpu.core_type = #tpu.core_type<tc>, window_params = [{transform_indices = @transform_0, window_bounds = array<i64: 2048, 128>}, {transform_indices = @transform_1, window_bounds = array<i64: 2048, 128>}, {transform_indices = @transform_2, window_bounds = array<i64: 2048, 16>}, {transform_indices = @transform_3, window_bounds = array<i64: 2048, 16>}, {transform_indices = @transform_4, window_bounds = array<i64: 2048, 16>}, {pipeline_mode = #tpu.pipeline_mode<synchronous>, transform_indices = @transform_5, window_bounds = array<i64: 32, 128>}, {pipeline_mode = #tpu.pipeline_mode<synchronous>, transform_indices = @transform_6, window_bounds = array<i64: 128, 128>}, {pipeline_mode = #tpu.pipeline_mode<synchronous>, transform_indices = @transform_7, window_bounds = array<i64: 1, 128>}, {pipeline_mode = #tpu.pipeline_mode<synchronous>, transform_indices = @transform_8, window_bounds = array<i64: 128, 128>}, {pipeline_mode = #tpu.pipeline_mode<synchronous>, transform_indices = @transform_9, window_bounds = array<i64: 1, 128>}, {pipeline_mode = #tpu.pipeline_mode<synchronous>, transform_indices = @transform_10, window_bounds = array<i64: 128, 16>}, {pipeline_mode = #tpu.pipeline_mode<synchronous>, transform_indices = @transform_11, window_bounds = array<i64: 1, 16>}, {pipeline_mode = #tpu.pipeline_mode<synchronous>, transform_indices = @transform_12, window_bounds = array<i64: 16, 32>}, {pipeline_mode = #tpu.pipeline_mode<synchronous>, transform_indices = @transform_13, window_bounds = array<i64: 16, 32>}, {pipeline_mode = #tpu.pipeline_mode<synchronous>, transform_indices = @transform_14, window_bounds = array<i64: 32, 16>}, {pipeline_mode = #tpu.pipeline_mode<synchronous>, transform_indices = @transform_15, window_bounds = array<i64: 16, 32>}, {pipeline_mode = #tpu.pipeline_mode<synchronous>, transform_indices = @transform_16, window_bounds = array<i64: 16, 32>}, {pipeline_mode = #tpu.pipeline_mode<synchronous>, transform_indices = @transform_17, window_bounds = array<i64: 32, 16>}, {pipeline_mode = #tpu.pipeline_mode<synchronous>, transform_indices = @transform_18, window_bounds = array<i64: 1, 16>}, {transform_indices = @transform_19, window_bounds = array<i64: 2048, 128>}, {transform_indices = @transform_20, window_bounds = array<i64: 2048, 16>}]} {
    %get3A = arith.constant 0 : index
    %get3A_0 = arith.constant 0 : index
    %get3A_1 = vector.load %arg3[%get3A, %get3A_0] : memref<2048x16xf32, #tpu.memory_space<vmem>>, vector<2048x16xf32>
    %get3A_2 = arith.constant 0 : index
    %get3A_3 = arith.constant 0 : index
    %get3A_4 = vector.load %arg4[%get3A_2, %get3A_3] : memref<2048x16xf32, #tpu.memory_space<vmem>>, vector<2048x16xf32>
    %get3A_5 = arith.constant 0 : index
    %get3A_6 = arith.constant 0 : index
    %get3A_7 = vector.load %arg13[%get3A_5, %get3A_6] : memref<16x32xf32, #tpu.memory_space<vmem>>, vector<16x32xf32>
    %dot_general3A = arith.constant dense<0.000000e+00> : vector<2048x32xf32>
    %dot_general3A_8 = tpu.matmul %get3A_4, %get3A_7, %dot_general3A {dimension_numbers = #tpu.dot_dimension_numbers<[1], [0], [0], [1], [0, 0, 1, 1], [], []>, transpose_lhs_hint = false} : vector<2048x16xf32>, vector<16x32xf32>, vector<2048x32xf32> -> vector<2048x32xf32>
    %get3A_9 = arith.constant 0 : index
    %get3A_10 = arith.constant 0 : index
    %get3A_11 = vector.load %arg14[%get3A_9, %get3A_10] : memref<16x32xf32, #tpu.memory_space<vmem>>, vector<16x32xf32>
    %dot_general3A_12 = arith.constant dense<0.000000e+00> : vector<2048x32xf32>
    %dot_general3A_13 = tpu.matmul %get3A_1, %get3A_11, %dot_general3A_12 {dimension_numbers = #tpu.dot_dimension_numbers<[1], [0], [0], [1], [0, 0, 1, 1], [], []>, transpose_lhs_hint = false} : vector<2048x16xf32>, vector<16x32xf32>, vector<2048x32xf32> -> vector<2048x32xf32>
    %mul3A = arith.mulf %dot_general3A_8, %dot_general3A_13 : vector<2048x32xf32>
    %get3A_14 = arith.constant 0 : index
    %get3A_15 = arith.constant 0 : index
    %get3A_16 = vector.load %arg15[%get3A_14, %get3A_15] : memref<32x16xf32, #tpu.memory_space<vmem>>, vector<32x16xf32>
    %dot_general3A_17 = arith.constant dense<0.000000e+00> : vector<2048x16xf32>
    %dot_general3A_18 = tpu.matmul %mul3A, %get3A_16, %dot_general3A_17 {dimension_numbers = #tpu.dot_dimension_numbers<[1], [0], [0], [1], [0, 0, 1, 1], [], []>, transpose_lhs_hint = false} : vector<2048x32xf32>, vector<32x16xf32>, vector<2048x16xf32> -> vector<2048x16xf32>
    %mul3A_19 = arith.mulf %dot_general3A_18, %dot_general3A_18 : vector<2048x16xf32>
    %reduce_sum3A = arith.constant dense<0.000000e+00> : vector<2048xf32>
    %reduce_sum3A_20 = vector.multi_reduction <add>, %mul3A_19, %reduce_sum3A [1] : vector<2048x16xf32> to vector<2048xf32>
    %broadcast_in_dim3A = vector.shape_cast %reduce_sum3A_20 : vector<2048xf32> to vector<2048x1xf32>
    %sqrt3A = math.sqrt %broadcast_in_dim3A : vector<2048x1xf32>
    %max3A = arith.constant 9.99999996E-13 : f32
    %max3A_21 = vector.broadcast %max3A : f32 to vector<2048x1xf32>
    %max3A_22 = arith.maximumf %sqrt3A, %max3A_21 : vector<2048x1xf32>
    %div3A = arith.constant 1.000000e+00 : f32
    %div3A_23 = vector.broadcast %div3A : f32 to vector<2048x1xf32>
    %div3A_24 = arith.divf %div3A_23, %max3A_22 : vector<2048x1xf32>
    %mul3A_25 = vector.broadcast %div3A_24 : vector<2048x1xf32> to vector<2048x16xf32>
    %mul3A_26 = arith.mulf %dot_general3A_18, %mul3A_25 : vector<2048x16xf32>
    %get3A_27 = arith.constant 0 : index
    %get3A_28 = arith.constant 0 : index
    %get3A_29 = vector.load %arg5[%get3A_27, %get3A_28] : memref<2048x16xf32, #tpu.memory_space<vmem>>, vector<2048x16xf32>
    %concatenate3A = tpu.concatenate %mul3A_26, %get3A_29 in 1 : vector<2048x16xf32>, vector<2048x16xf32> -> vector<2048x32xf32>
    %get3A_30 = arith.constant 0 : index
    %get3A_31 = arith.constant 0 : index
    %get3A_32 = vector.load %arg1[%get3A_30, %get3A_31] : memref<2048x128xf32, #tpu.memory_space<vmem>>, vector<2048x128xf32>
    %get3A_33 = arith.constant 0 : index
    %get3A_34 = arith.constant 0 : index
    %get3A_35 = vector.load %arg2[%get3A_33, %get3A_34] : memref<2048x128xf32, #tpu.memory_space<vmem>>, vector<2048x128xf32>
    %add3A = arith.addf %get3A_32, %get3A_35 : vector<2048x128xf32>
    %get3A_36 = arith.constant 0 : index
    %get3A_37 = arith.constant 0 : index
    %get3A_38 = vector.load %arg6[%get3A_36, %get3A_37] : memref<32x128xf32, #tpu.memory_space<vmem>>, vector<32x128xf32>
    %dot_general3A_39 = arith.constant dense<0.000000e+00> : vector<2048x128xf32>
    %dot_general3A_40 = tpu.matmul %concatenate3A, %get3A_38, %dot_general3A_39 {dimension_numbers = #tpu.dot_dimension_numbers<[1], [0], [0], [1], [0, 0, 1, 1], [], []>, transpose_lhs_hint = false} : vector<2048x32xf32>, vector<32x128xf32>, vector<2048x128xf32> -> vector<2048x128xf32>
    %add3A_41 = arith.addf %add3A, %dot_general3A_40 : vector<2048x128xf32>
    %logistic3A = arith.negf %add3A_41 : vector<2048x128xf32>
    %logistic3A_42 = math.exp %logistic3A : vector<2048x128xf32>
    %logistic3A_43 = arith.constant 1.000000e+00 : f32
    %logistic3A_44 = vector.broadcast %logistic3A_43 : f32 to vector<2048x128xf32>
    %logistic3A_45 = arith.addf %logistic3A_44, %logistic3A_42 : vector<2048x128xf32>
    %logistic3A_46 = arith.divf %logistic3A_44, %logistic3A_45 : vector<2048x128xf32>
    %mul3A_47 = arith.mulf %add3A_41, %logistic3A_46 : vector<2048x128xf32>
    %convert_element_type3A = arith.truncf %mul3A_47 : vector<2048x128xf32> to vector<2048x128xbf16>
    %get3A_48 = arith.constant 0 : index
    %get3A_49 = arith.constant 0 : index
    %get3A_50 = vector.load %arg7[%get3A_48, %get3A_49] : memref<128x128xbf16, #tpu.memory_space<vmem>>, vector<128x128xbf16>
    %dot_general3A_51 = arith.constant dense<0.000000e+00> : vector<2048x128xf32>
    %dot_general3A_52 = tpu.matmul %convert_element_type3A, %get3A_50, %dot_general3A_51 {dimension_numbers = #tpu.dot_dimension_numbers<[1], [0], [0], [1], [0, 0, 1, 1], [], []>, transpose_lhs_hint = false} : vector<2048x128xbf16>, vector<128x128xbf16>, vector<2048x128xf32> -> vector<2048x128xf32>
    %get3A_53 = arith.constant 0 : index
    %get3A_54 = arith.constant 0 : index
    %get3A_55 = vector.load %arg8[%get3A_53, %get3A_54] : memref<1x128xf32, #tpu.memory_space<vmem>>, vector<1x128xf32>
    %add3A_56 = vector.broadcast %get3A_55 : vector<1x128xf32> to vector<2048x128xf32>
    %add3A_57 = arith.addf %dot_general3A_52, %add3A_56 : vector<2048x128xf32>
    %logistic3A_58 = arith.negf %add3A_57 : vector<2048x128xf32>
    %logistic3A_59 = math.exp %logistic3A_58 : vector<2048x128xf32>
    %logistic3A_60 = arith.constant 1.000000e+00 : f32
    %logistic3A_61 = vector.broadcast %logistic3A_60 : f32 to vector<2048x128xf32>
    %logistic3A_62 = arith.addf %logistic3A_61, %logistic3A_59 : vector<2048x128xf32>
    %logistic3A_63 = arith.divf %logistic3A_61, %logistic3A_62 : vector<2048x128xf32>
    %mul3A_64 = arith.mulf %add3A_57, %logistic3A_63 : vector<2048x128xf32>
    %convert_element_type3A_65 = arith.truncf %mul3A_64 : vector<2048x128xf32> to vector<2048x128xbf16>
    %get3A_66 = arith.constant 0 : index
    %get3A_67 = arith.constant 0 : index
    %get3A_68 = vector.load %arg9[%get3A_66, %get3A_67] : memref<128x128xbf16, #tpu.memory_space<vmem>>, vector<128x128xbf16>
    %dot_general3A_69 = arith.constant dense<0.000000e+00> : vector<2048x128xf32>
    %dot_general3A_70 = tpu.matmul %convert_element_type3A_65, %get3A_68, %dot_general3A_69 {dimension_numbers = #tpu.dot_dimension_numbers<[1], [0], [0], [1], [0, 0, 1, 1], [], []>, transpose_lhs_hint = false} : vector<2048x128xbf16>, vector<128x128xbf16>, vector<2048x128xf32> -> vector<2048x128xf32>
    %get3A_71 = arith.constant 0 : index
    %get3A_72 = arith.constant 0 : index
    %get3A_73 = vector.load %arg10[%get3A_71, %get3A_72] : memref<1x128xf32, #tpu.memory_space<vmem>>, vector<1x128xf32>
    %add3A_74 = vector.broadcast %get3A_73 : vector<1x128xf32> to vector<2048x128xf32>
    %add3A_75 = arith.addf %dot_general3A_70, %add3A_74 : vector<2048x128xf32>
    %logistic3A_76 = arith.negf %add3A_75 : vector<2048x128xf32>
    %logistic3A_77 = math.exp %logistic3A_76 : vector<2048x128xf32>
    %logistic3A_78 = arith.constant 1.000000e+00 : f32
    %logistic3A_79 = vector.broadcast %logistic3A_78 : f32 to vector<2048x128xf32>
    %logistic3A_80 = arith.addf %logistic3A_79, %logistic3A_77 : vector<2048x128xf32>
    %logistic3A_81 = arith.divf %logistic3A_79, %logistic3A_80 : vector<2048x128xf32>
    %mul3A_82 = arith.mulf %add3A_75, %logistic3A_81 : vector<2048x128xf32>
    %convert_element_type3A_83 = arith.truncf %mul3A_82 : vector<2048x128xf32> to vector<2048x128xbf16>
    %get3A_84 = arith.constant 0 : index
    %get3A_85 = arith.constant 0 : index
    %get3A_86 = vector.load %arg11[%get3A_84, %get3A_85] : memref<128x16xbf16, #tpu.memory_space<vmem>>, vector<128x16xbf16>
    %dot_general3A_87 = arith.constant dense<0.000000e+00> : vector<2048x16xf32>
    %dot_general3A_88 = tpu.matmul %convert_element_type3A_83, %get3A_86, %dot_general3A_87 {dimension_numbers = #tpu.dot_dimension_numbers<[1], [0], [0], [1], [0, 0, 1, 1], [], []>, transpose_lhs_hint = false} : vector<2048x128xbf16>, vector<128x16xbf16>, vector<2048x16xf32> -> vector<2048x16xf32>
    %get3A_89 = arith.constant 0 : index
    %get3A_90 = arith.constant 0 : index
    %get3A_91 = vector.load %arg12[%get3A_89, %get3A_90] : memref<1x16xf32, #tpu.memory_space<vmem>>, vector<1x16xf32>
    %add3A_92 = vector.broadcast %get3A_91 : vector<1x16xf32> to vector<2048x16xf32>
    %add3A_93 = arith.addf %dot_general3A_88, %add3A_92 : vector<2048x16xf32>
    %get3A_94 = arith.constant 0 : index
    %get3A_95 = arith.constant 0 : index
    %get3A_96 = vector.load %arg16[%get3A_94, %get3A_95] : memref<16x32xf32, #tpu.memory_space<vmem>>, vector<16x32xf32>
    %dot_general3A_97 = arith.constant dense<0.000000e+00> : vector<2048x32xf32>
    %dot_general3A_98 = tpu.matmul %get3A_4, %get3A_96, %dot_general3A_97 {dimension_numbers = #tpu.dot_dimension_numbers<[1], [0], [0], [1], [0, 0, 1, 1], [], []>, transpose_lhs_hint = false} : vector<2048x16xf32>, vector<16x32xf32>, vector<2048x32xf32> -> vector<2048x32xf32>
    %get3A_99 = arith.constant 0 : index
    %get3A_100 = arith.constant 0 : index
    %get3A_101 = vector.load %arg17[%get3A_99, %get3A_100] : memref<16x32xf32, #tpu.memory_space<vmem>>, vector<16x32xf32>
    %dot_general3A_102 = arith.constant dense<0.000000e+00> : vector<2048x32xf32>
    %dot_general3A_103 = tpu.matmul %add3A_93, %get3A_101, %dot_general3A_102 {dimension_numbers = #tpu.dot_dimension_numbers<[1], [0], [0], [1], [0, 0, 1, 1], [], []>, transpose_lhs_hint = false} : vector<2048x16xf32>, vector<16x32xf32>, vector<2048x32xf32> -> vector<2048x32xf32>
    %mul3A_104 = arith.mulf %dot_general3A_98, %dot_general3A_103 : vector<2048x32xf32>
    %get3A_105 = arith.constant 0 : index
    %get3A_106 = arith.constant 0 : index
    %get3A_107 = vector.load %arg18[%get3A_105, %get3A_106] : memref<32x16xf32, #tpu.memory_space<vmem>>, vector<32x16xf32>
    %dot_general3A_108 = arith.constant dense<0.000000e+00> : vector<2048x16xf32>
    %dot_general3A_109 = tpu.matmul %mul3A_104, %get3A_107, %dot_general3A_108 {dimension_numbers = #tpu.dot_dimension_numbers<[1], [0], [0], [1], [0, 0, 1, 1], [], []>, transpose_lhs_hint = false} : vector<2048x32xf32>, vector<32x16xf32>, vector<2048x16xf32> -> vector<2048x16xf32>
    %swap3A = arith.constant 0 : index
    %swap3A_110 = arith.constant 0 : index
    %swap3A_111 = vector.load %arg20[%swap3A, %swap3A_110] : memref<2048x128xf32, #tpu.memory_space<vmem>>, vector<2048x128xf32>
    tpu.vector_store %arg20[%swap3A, %swap3A_110], %mul3A_64 {strides = array<i32>} : memref<2048x128xf32, #tpu.memory_space<vmem>>, vector<2048x128xf32>,
    %get3A_112 = arith.constant 0 : index
    %get3A_113 = arith.constant 0 : index
    %get3A_114 = vector.load %arg19[%get3A_112, %get3A_113] : memref<1x16xf32, #tpu.memory_space<vmem>>, vector<1x16xf32>
    %add3A_115 = vector.broadcast %get3A_114 : vector<1x16xf32> to vector<2048x16xf32>
    %add3A_116 = arith.addf %dot_general3A_109, %add3A_115 : vector<2048x16xf32>
    %swap3A_117 = arith.constant 0 : index
    %swap3A_118 = arith.constant 0 : index
    %swap3A_119 = vector.load %arg21[%swap3A_117, %swap3A_118] : memref<2048x16xf32, #tpu.memory_space<vmem>>, vector<2048x16xf32>
    tpu.vector_store %arg21[%swap3A_117, %swap3A_118], %add3A_116 {strides = array<i32>} : memref<2048x16xf32, #tpu.memory_space<vmem>>, vector<2048x16xf32>,
    return
  }
  func.func @transform_0(%arg0: i32) -> (i32, i32) {
    %c0_i32 = arith.constant 0 : i32
    %c0_i32_0 = arith.constant 0 : i32
    return %arg0, %c0_i32 : i32, i32
  }
  func.func @transform_1(%arg0: i32) -> (i32, i32) {
    %c0_i32 = arith.constant 0 : i32
    %c0_i32_0 = arith.constant 0 : i32
    return %arg0, %c0_i32 : i32, i32
  }
  func.func @transform_2(%arg0: i32) -> (i32, i32) {
    %c0_i32 = arith.constant 0 : i32
    %c0_i32_0 = arith.constant 0 : i32
    return %arg0, %c0_i32 : i32, i32
  }
  func.func @transform_3(%arg0: i32) -> (i32, i32) {
    %c0_i32 = arith.constant 0 : i32
    %c0_i32_0 = arith.constant 0 : i32
    return %arg0, %c0_i32 : i32, i32
  }
  func.func @transform_4(%arg0: i32) -> (i32, i32) {
    %add3A = arith.constant 0 : i32
    %add3A_0 = arith.addi %arg0, %add3A : i32
    %c0_i32 = arith.constant 0 : i32
    %c0_i32_1 = arith.constant 0 : i32
    return %add3A_0, %c0_i32 : i32, i32
  }
  func.func @transform_5(%arg0: i32) -> (i32, i32) {
    %c0_i32 = arith.constant 0 : i32
    %c0_i32_0 = arith.constant 0 : i32
    %c0_i32_1 = arith.constant 0 : i32
    return %c0_i32, %c0_i32_0 : i32, i32
  }
  func.func @transform_6(%arg0: i32) -> (i32, i32) {
    %c0_i32 = arith.constant 0 : i32
    %c0_i32_0 = arith.constant 0 : i32
    %c0_i32_1 = arith.constant 0 : i32
    return %c0_i32, %c0_i32_0 : i32, i32
  }
  func.func @transform_7(%arg0: i32) -> (i32, i32) {
    %c0_i32 = arith.constant 0 : i32
    %c0_i32_0 = arith.constant 0 : i32
    %c0_i32_1 = arith.constant 0 : i32
    return %c0_i32, %c0_i32_0 : i32, i32
  }
  func.func @transform_8(%arg0: i32) -> (i32, i32) {
    %c0_i32 = arith.constant 0 : i32
    %c0_i32_0 = arith.constant 0 : i32
    %c0_i32_1 = arith.constant 0 : i32
    return %c0_i32, %c0_i32_0 : i32, i32
  }
  func.func @transform_9(%arg0: i32) -> (i32, i32) {
    %c0_i32 = arith.constant 0 : i32
    %c0_i32_0 = arith.constant 0 : i32
    %c0_i32_1 = arith.constant 0 : i32
    return %c0_i32, %c0_i32_0 : i32, i32
  }
  func.func @transform_10(%arg0: i32) -> (i32, i32) {
    %c0_i32 = arith.constant 0 : i32
    %c0_i32_0 = arith.constant 0 : i32
    %c0_i32_1 = arith.constant 0 : i32
    return %c0_i32, %c0_i32_0 : i32, i32
  }
  func.func @transform_11(%arg0: i32) -> (i32, i32) {
    %c0_i32 = arith.constant 0 : i32
    %c0_i32_0 = arith.constant 0 : i32
    %c0_i32_1 = arith.constant 0 : i32
    return %c0_i32, %c0_i32_0 : i32, i32
  }
  func.func @transform_12(%arg0: i32) -> (i32, i32) {
    %c0_i32 = arith.constant 0 : i32
    %c0_i32_0 = arith.constant 0 : i32
    %c0_i32_1 = arith.constant 0 : i32
    return %c0_i32, %c0_i32_0 : i32, i32
  }
  func.func @transform_13(%arg0: i32) -> (i32, i32) {
    %c0_i32 = arith.constant 0 : i32
    %c0_i32_0 = arith.constant 0 : i32
    %c0_i32_1 = arith.constant 0 : i32
    return %c0_i32, %c0_i32_0 : i32, i32
  }
  func.func @transform_14(%arg0: i32) -> (i32, i32) {
    %c0_i32 = arith.constant 0 : i32
    %c0_i32_0 = arith.constant 0 : i32
    %c0_i32_1 = arith.constant 0 : i32
    return %c0_i32, %c0_i32_0 : i32, i32
  }
  func.func @transform_15(%arg0: i32) -> (i32, i32) {
    %c0_i32 = arith.constant 0 : i32
    %c0_i32_0 = arith.constant 0 : i32
    %c0_i32_1 = arith.constant 0 : i32
    return %c0_i32, %c0_i32_0 : i32, i32
  }
  func.func @transform_16(%arg0: i32) -> (i32, i32) {
    %c0_i32 = arith.constant 0 : i32
    %c0_i32_0 = arith.constant 0 : i32
    %c0_i32_1 = arith.constant 0 : i32
    return %c0_i32, %c0_i32_0 : i32, i32
  }
  func.func @transform_17(%arg0: i32) -> (i32, i32) {
    %c0_i32 = arith.constant 0 : i32
    %c0_i32_0 = arith.constant 0 : i32
    %c0_i32_1 = arith.constant 0 : i32
    return %c0_i32, %c0_i32_0 : i32, i32
  }
  func.func @transform_18(%arg0: i32) -> (i32, i32) {
    %c0_i32 = arith.constant 0 : i32
    %c0_i32_0 = arith.constant 0 : i32
    %c0_i32_1 = arith.constant 0 : i32
    return %c0_i32, %c0_i32_0 : i32, i32
  }
  func.func @transform_19(%arg0: i32) -> (i32, i32) {
    %c0_i32 = arith.constant 0 : i32
    %c0_i32_0 = arith.constant 0 : i32
    return %arg0, %c0_i32 : i32, i32
  }
  func.func @transform_20(%arg0: i32) -> (i32, i32) {
    %c0_i32 = arith.constant 0 : i32
    %c0_i32_0 = arith.constant 0 : i32
    return %arg0, %c0_i32 : i32, i32
  }
}

module attributes {stable_mosaic.version = 14 : i64} {
  func.func @_k4_body(%arg0: i32, %arg1: memref<512x128xf32, #tpu.memory_space<vmem>>, %arg2: memref<2x512x128xf32, #tpu.memory_space<vmem>>, %arg3: memref<2x512x128xf32, #tpu.memory_space<vmem>>, %arg4: memref<2x512x16xf32, #tpu.memory_space<vmem>>, %arg5: memref<2x512x16xf32, #tpu.memory_space<vmem>>, %arg6: memref<512x16xf32, #tpu.memory_space<vmem>>, %arg7: memref<128x128xf32, #tpu.memory_space<vmem>>, %arg8: memref<128x128xf32, #tpu.memory_space<vmem>>, %arg9: memref<1x128xf32, #tpu.memory_space<vmem>>, %arg10: memref<128x128xf32, #tpu.memory_space<vmem>>, %arg11: memref<1x128xf32, #tpu.memory_space<vmem>>, %arg12: memref<512x128xf32, #tpu.memory_space<vmem>>, %arg13: memref<512x16xf32, #tpu.memory_space<vmem>>) attributes {dimension_semantics = [#tpu.dimension_semantics<arbitrary>], iteration_bounds = array<i64: 20>, scalar_prefetch = 0 : i64, scratch_operands = 0 : i64, tpu.core_type = #tpu.core_type<tc>, window_params = [{transform_indices = @transform_0, window_bounds = array<i64: 512, 128>}, {transform_indices = @transform_1, window_bounds = array<i64: 2, 512, 128>}, {transform_indices = @transform_2, window_bounds = array<i64: 2, 512, 128>}, {transform_indices = @transform_3, window_bounds = array<i64: 2, 512, 16>}, {transform_indices = @transform_4, window_bounds = array<i64: 2, 512, 16>}, {transform_indices = @transform_5, window_bounds = array<i64: 512, 16>}, {pipeline_mode = #tpu.pipeline_mode<synchronous>, transform_indices = @transform_6, window_bounds = array<i64: 128, 128>}, {pipeline_mode = #tpu.pipeline_mode<synchronous>, transform_indices = @transform_7, window_bounds = array<i64: 128, 128>}, {pipeline_mode = #tpu.pipeline_mode<synchronous>, transform_indices = @transform_8, window_bounds = array<i64: 1, 128>}, {pipeline_mode = #tpu.pipeline_mode<synchronous>, transform_indices = @transform_9, window_bounds = array<i64: 128, 128>}, {pipeline_mode = #tpu.pipeline_mode<synchronous>, transform_indices = @transform_10, window_bounds = array<i64: 1, 128>}, {transform_indices = @transform_11, window_bounds = array<i64: 512, 128>}, {transform_indices = @transform_12, window_bounds = array<i64: 512, 16>}]} {
    %get3A = arith.constant 0 : index
    %get3A_0 = arith.constant 0 : index
    %get3A_1 = vector.load %arg1[%get3A, %get3A_0] : memref<512x128xf32, #tpu.memory_space<vmem>>, vector<512x128xf32>
    %get3A_2 = arith.constant 0 : index
    %get3A_3 = arith.constant 0 : index
    %get3A_4 = arith.constant 0 : index
    %get3A_5 = vector.load %arg2[%get3A_2, %get3A_3, %get3A_4] : memref<2x512x128xf32, #tpu.memory_space<vmem>>, vector<1x512x128xf32>
    %get3A_6 = vector.shape_cast %get3A_5 : vector<1x512x128xf32> to vector<512x128xf32>
    %get3A_7 = arith.constant 1 : index
    %get3A_8 = arith.constant 0 : index
    %get3A_9 = arith.constant 0 : index
    %get3A_10 = vector.load %arg2[%get3A_7, %get3A_8, %get3A_9] : memref<2x512x128xf32, #tpu.memory_space<vmem>>, vector<1x512x128xf32>
    %get3A_11 = vector.shape_cast %get3A_10 : vector<1x512x128xf32> to vector<512x128xf32>
    %add3A = arith.addf %get3A_6, %get3A_11 : vector<512x128xf32>
    %get3A_12 = arith.constant 0 : index
    %get3A_13 = arith.constant 0 : index
    %get3A_14 = arith.constant 0 : index
    %get3A_15 = vector.load %arg3[%get3A_12, %get3A_13, %get3A_14] : memref<2x512x128xf32, #tpu.memory_space<vmem>>, vector<1x512x128xf32>
    %get3A_16 = vector.shape_cast %get3A_15 : vector<1x512x128xf32> to vector<512x128xf32>
    %add3A_17 = arith.addf %add3A, %get3A_16 : vector<512x128xf32>
    %get3A_18 = arith.constant 1 : index
    %get3A_19 = arith.constant 0 : index
    %get3A_20 = arith.constant 0 : index
    %get3A_21 = vector.load %arg3[%get3A_18, %get3A_19, %get3A_20] : memref<2x512x128xf32, #tpu.memory_space<vmem>>, vector<1x512x128xf32>
    %get3A_22 = vector.shape_cast %get3A_21 : vector<1x512x128xf32> to vector<512x128xf32>
    %add3A_23 = arith.addf %add3A_17, %get3A_22 : vector<512x128xf32>
    %get3A_24 = arith.constant 0 : index
    %get3A_25 = arith.constant 0 : index
    %get3A_26 = arith.constant 0 : index
    %get3A_27 = vector.load %arg4[%get3A_24, %get3A_25, %get3A_26] : memref<2x512x16xf32, #tpu.memory_space<vmem>>, vector<1x512x16xf32>
    %get3A_28 = vector.shape_cast %get3A_27 : vector<1x512x16xf32> to vector<512x16xf32>
    %get3A_29 = arith.constant 1 : index
    %get3A_30 = arith.constant 0 : index
    %get3A_31 = arith.constant 0 : index
    %get3A_32 = vector.load %arg4[%get3A_29, %get3A_30, %get3A_31] : memref<2x512x16xf32, #tpu.memory_space<vmem>>, vector<1x512x16xf32>
    %get3A_33 = vector.shape_cast %get3A_32 : vector<1x512x16xf32> to vector<512x16xf32>
    %add3A_34 = arith.addf %get3A_28, %get3A_33 : vector<512x16xf32>
    %get3A_35 = arith.constant 0 : index
    %get3A_36 = arith.constant 0 : index
    %get3A_37 = arith.constant 0 : index
    %get3A_38 = vector.load %arg5[%get3A_35, %get3A_36, %get3A_37] : memref<2x512x16xf32, #tpu.memory_space<vmem>>, vector<1x512x16xf32>
    %get3A_39 = vector.shape_cast %get3A_38 : vector<1x512x16xf32> to vector<512x16xf32>
    %add3A_40 = arith.addf %add3A_34, %get3A_39 : vector<512x16xf32>
    %get3A_41 = arith.constant 1 : index
    %get3A_42 = arith.constant 0 : index
    %get3A_43 = arith.constant 0 : index
    %get3A_44 = vector.load %arg5[%get3A_41, %get3A_42, %get3A_43] : memref<2x512x16xf32, #tpu.memory_space<vmem>>, vector<1x512x16xf32>
    %get3A_45 = vector.shape_cast %get3A_44 : vector<1x512x16xf32> to vector<512x16xf32>
    %add3A_46 = arith.addf %add3A_40, %get3A_45 : vector<512x16xf32>
    %slice3A = vector.extract_strided_slice %add3A_46 {offsets = [0, 9], sizes = [512, 1], strides = [1, 1]} : vector<512x16xf32> to vector<512x1xf32>
    %max3A = arith.constant 1.000000e+00 : f32
    %max3A_47 = vector.broadcast %max3A : f32 to vector<512x1xf32>
    %max3A_48 = arith.maximumf %slice3A, %max3A_47 : vector<512x1xf32>
    %div3A = arith.constant 1.000000e+00 : f32
    %div3A_49 = vector.broadcast %div3A : f32 to vector<512x1xf32>
    %div3A_50 = arith.divf %div3A_49, %max3A_48 : vector<512x1xf32>
    %mul3A = vector.broadcast %div3A_50 : vector<512x1xf32> to vector<512x16xf32>
    %mul3A_51 = arith.mulf %add3A_46, %mul3A : vector<512x16xf32>
    %get3A_52 = arith.constant 0 : index
    %get3A_53 = arith.constant 0 : index
    %get3A_54 = vector.load %arg6[%get3A_52, %get3A_53] : memref<512x16xf32, #tpu.memory_space<vmem>>, vector<512x16xf32>
    %add3A_55 = arith.addf %mul3A_51, %get3A_54 : vector<512x16xf32>
    %swap3A = arith.constant 0 : index
    %swap3A_56 = arith.constant 0 : index
    %swap3A_57 = vector.load %arg13[%swap3A, %swap3A_56] : memref<512x16xf32, #tpu.memory_space<vmem>>, vector<512x16xf32>
    tpu.vector_store %arg13[%swap3A, %swap3A_56], %add3A_55 {strides = array<i32>} : memref<512x16xf32, #tpu.memory_space<vmem>>, vector<512x16xf32>,
    %get3A_58 = arith.constant 0 : index
    %get3A_59 = arith.constant 0 : index
    %get3A_60 = vector.load %arg7[%get3A_58, %get3A_59] : memref<128x128xf32, #tpu.memory_space<vmem>>, vector<128x128xf32>
    %dot_general3A = arith.constant dense<0.000000e+00> : vector<512x128xf32>
    %dot_general3A_61 = tpu.matmul %get3A_1, %get3A_60, %dot_general3A {dimension_numbers = #tpu.dot_dimension_numbers<[1], [0], [0], [1], [0, 0, 1, 1], [], []>, transpose_lhs_hint = false} : vector<512x128xf32>, vector<128x128xf32>, vector<512x128xf32> -> vector<512x128xf32>
    %get3A_62 = arith.constant 0 : index
    %get3A_63 = arith.constant 0 : index
    %get3A_64 = vector.load %arg8[%get3A_62, %get3A_63] : memref<128x128xf32, #tpu.memory_space<vmem>>, vector<128x128xf32>
    %dot_general3A_65 = arith.constant dense<0.000000e+00> : vector<512x128xf32>
    %dot_general3A_66 = tpu.matmul %add3A_23, %get3A_64, %dot_general3A_65 {dimension_numbers = #tpu.dot_dimension_numbers<[1], [0], [0], [1], [0, 0, 1, 1], [], []>, transpose_lhs_hint = false} : vector<512x128xf32>, vector<128x128xf32>, vector<512x128xf32> -> vector<512x128xf32>
    %add3A_67 = arith.addf %dot_general3A_61, %dot_general3A_66 : vector<512x128xf32>
    %get3A_68 = arith.constant 0 : index
    %get3A_69 = arith.constant 0 : index
    %get3A_70 = vector.load %arg9[%get3A_68, %get3A_69] : memref<1x128xf32, #tpu.memory_space<vmem>>, vector<1x128xf32>
    %add3A_71 = vector.broadcast %get3A_70 : vector<1x128xf32> to vector<512x128xf32>
    %add3A_72 = arith.addf %add3A_67, %add3A_71 : vector<512x128xf32>
    %logistic3A = arith.negf %add3A_72 : vector<512x128xf32>
    %logistic3A_73 = math.exp %logistic3A : vector<512x128xf32>
    %logistic3A_74 = arith.constant 1.000000e+00 : f32
    %logistic3A_75 = vector.broadcast %logistic3A_74 : f32 to vector<512x128xf32>
    %logistic3A_76 = arith.addf %logistic3A_75, %logistic3A_73 : vector<512x128xf32>
    %logistic3A_77 = arith.divf %logistic3A_75, %logistic3A_76 : vector<512x128xf32>
    %mul3A_78 = arith.mulf %add3A_72, %logistic3A_77 : vector<512x128xf32>
    %get3A_79 = arith.constant 0 : index
    %get3A_80 = arith.constant 0 : index
    %get3A_81 = vector.load %arg10[%get3A_79, %get3A_80] : memref<128x128xf32, #tpu.memory_space<vmem>>, vector<128x128xf32>
    %dot_general3A_82 = arith.constant dense<0.000000e+00> : vector<512x128xf32>
    %dot_general3A_83 = tpu.matmul %mul3A_78, %get3A_81, %dot_general3A_82 {dimension_numbers = #tpu.dot_dimension_numbers<[1], [0], [0], [1], [0, 0, 1, 1], [], []>, transpose_lhs_hint = false} : vector<512x128xf32>, vector<128x128xf32>, vector<512x128xf32> -> vector<512x128xf32>
    %get3A_84 = arith.constant 0 : index
    %get3A_85 = arith.constant 0 : index
    %get3A_86 = vector.load %arg11[%get3A_84, %get3A_85] : memref<1x128xf32, #tpu.memory_space<vmem>>, vector<1x128xf32>
    %add3A_87 = vector.broadcast %get3A_86 : vector<1x128xf32> to vector<512x128xf32>
    %add3A_88 = arith.addf %dot_general3A_83, %add3A_87 : vector<512x128xf32>
    %add3A_89 = arith.addf %add3A_88, %get3A_1 : vector<512x128xf32>
    %swap3A_90 = arith.constant 0 : index
    %swap3A_91 = arith.constant 0 : index
    %swap3A_92 = vector.load %arg12[%swap3A_90, %swap3A_91] : memref<512x128xf32, #tpu.memory_space<vmem>>, vector<512x128xf32>
    tpu.vector_store %arg12[%swap3A_90, %swap3A_91], %add3A_89 {strides = array<i32>} : memref<512x128xf32, #tpu.memory_space<vmem>>, vector<512x128xf32>,
    return
  }
  func.func @transform_0(%arg0: i32) -> (i32, i32) {
    %c0_i32 = arith.constant 0 : i32
    %c0_i32_0 = arith.constant 0 : i32
    return %arg0, %c0_i32 : i32, i32
  }
  func.func @transform_1(%arg0: i32) -> (i32, i32, i32) {
    %c0_i32 = arith.constant 0 : i32
    %c0_i32_0 = arith.constant 0 : i32
    %c0_i32_1 = arith.constant 0 : i32
    return %c0_i32, %arg0, %c0_i32_0 : i32, i32, i32
  }
  func.func @transform_2(%arg0: i32) -> (i32, i32, i32) {
    %c0_i32 = arith.constant 0 : i32
    %c0_i32_0 = arith.constant 0 : i32
    %c0_i32_1 = arith.constant 0 : i32
    return %c0_i32, %arg0, %c0_i32_0 : i32, i32, i32
  }
  func.func @transform_3(%arg0: i32) -> (i32, i32, i32) {
    %c0_i32 = arith.constant 0 : i32
    %c0_i32_0 = arith.constant 0 : i32
    %c0_i32_1 = arith.constant 0 : i32
    return %c0_i32, %arg0, %c0_i32_0 : i32, i32, i32
  }
  func.func @transform_4(%arg0: i32) -> (i32, i32, i32) {
    %c0_i32 = arith.constant 0 : i32
    %c0_i32_0 = arith.constant 0 : i32
    %c0_i32_1 = arith.constant 0 : i32
    return %c0_i32, %arg0, %c0_i32_0 : i32, i32, i32
  }
  func.func @transform_5(%arg0: i32) -> (i32, i32) {
    %c0_i32 = arith.constant 0 : i32
    %c0_i32_0 = arith.constant 0 : i32
    return %arg0, %c0_i32 : i32, i32
  }
  func.func @transform_6(%arg0: i32) -> (i32, i32) {
    %c0_i32 = arith.constant 0 : i32
    %c0_i32_0 = arith.constant 0 : i32
    %c0_i32_1 = arith.constant 0 : i32
    return %c0_i32, %c0_i32_0 : i32, i32
  }
  func.func @transform_7(%arg0: i32) -> (i32, i32) {
    %c0_i32 = arith.constant 0 : i32
    %c0_i32_0 = arith.constant 0 : i32
    %c0_i32_1 = arith.constant 0 : i32
    return %c0_i32, %c0_i32_0 : i32, i32
  }
  func.func @transform_8(%arg0: i32) -> (i32, i32) {
    %c0_i32 = arith.constant 0 : i32
    %c0_i32_0 = arith.constant 0 : i32
    %c0_i32_1 = arith.constant 0 : i32
    return %c0_i32, %c0_i32_0 : i32, i32
  }
  func.func @transform_9(%arg0: i32) -> (i32, i32) {
    %c0_i32 = arith.constant 0 : i32
    %c0_i32_0 = arith.constant 0 : i32
    %c0_i32_1 = arith.constant 0 : i32
    return %c0_i32, %c0_i32_0 : i32, i32
  }
  func.func @transform_10(%arg0: i32) -> (i32, i32) {
    %c0_i32 = arith.constant 0 : i32
    %c0_i32_0 = arith.constant 0 : i32
    %c0_i32_1 = arith.constant 0 : i32
    return %c0_i32, %c0_i32_0 : i32, i32
  }
  func.func @transform_11(%arg0: i32) -> (i32, i32) {
    %c0_i32 = arith.constant 0 : i32
    %c0_i32_0 = arith.constant 0 : i32
    return %arg0, %c0_i32 : i32, i32
  }
  func.func @transform_12(%arg0: i32) -> (i32, i32) {
    %c0_i32 = arith.constant 0 : i32
    %c0_i32_0 = arith.constant 0 : i32
    return %arg0, %c0_i32 : i32, i32
  }
}

</mosaic_0001>

<sc_bundles>
// kernel: k3_128.4.cloned.1.call-start
scs
__scs_entry_jumppad:
0x0: {  	(pc) =	sbr.rel $0x88, $3  }
0x1: {  	(tag) =	ssettag $0x0;
	lr =	simm.s32 $0x1  }
0x2: {  	[smem:$0x3F91] =	sst lr;
	_ =	strace $0xD0000000  }
0x3: {  	_ = 	snop  }
0x4: {  	_ = 	snop  }
0x5: {  	_ = 	snop  }
0x6: {  	_ = 	snop  }
0x7: {  	_ = 	snop  }
__scs_overlays_trampoline_lowered:
0x8: {  	[smem:$0x3FA0] =	sst s0  }
0x9: {  	[smem:$0x3FA1] =	sst s1  }
0xa: {  	[smem:$0x3FA2] =	sst s2  }
0xb: {  	[smem:$0x3FA3] =	sst s3  }
0xc: {  	[smem:$0x3FA4] =	sst s4  }
0xd: {  	[smem:$0x3FA5] =	sst s5  }
0xe: {  	[smem:$0x3FA6] =	sst s6  }
0xf: {  	[smem:$0x3FA7] =	sst s7  }
0x10: {  	[smem:$0x3FA8] =	sst s8  }
0x11: {  	[smem:$0x3FA9] =	sst s9;
	s0 =	simm.s32 @!p0 $0x0  }
0x12: {  	s1 =	sld [smem:$0x3F8F];
	s0 =	simm.s32 @p0 $0x1  }
0x13: {  	[smem:$0x3FAA] =	sst s0;
	s0 =	simm.s32 @!p1 $0x0  }
0x14: {  	s2 =	sld [smem:$0x3F8E];
	s0 =	simm.s32 @p1 $0x1  }
0x15: {  	[smem:$0x3FAB] =	sst s0;
	s0 =	simm.s32 @!p2 $0x0  }
0x16: {  	s3 =	sld [smem:$0x3FDB];
	s0 =	simm.s32 @p2 $0x1  }
0x17: {  	s4 =	simm.s32 $0x1BF5;
	[smem:$0x3FAD] =	sst s0  }
0x18: {  	s0 =	sld [smem:$0x3F90];
	_ =	swait.ge [sflag:s4], $0x0  }
0x19: {  	s7 =	sld [smem:$0x3F91]  }
0x1a: {  	s8 =	sadd.s32 $0xFFFFE003, lr  }
0x1b: {  	s9 =	sadd.s32 $0xFFFFFEF7, lr;
	s5 =	simm.s32 $0xFFFFFFFF;
	p2 =	slt.u32 s8, $0xFFFFF086  }
0x1c: {  	p1 =	slt.u32 s9, $0xF7A;
	s5 =	simm.s32 @!p2 $0x0  }
0x1d: {  	s5 =	simm.s32 @p1 $0x1;
	p0 =	seq.s32 s7, s2  }
0x1e: {  	s7 =	smul.u32 @!p0 $0xF7A, s2;
	p2 =	seq.s32 @!p0 s5, $0x0  }
0x1f: {  	s9 =	smul.u32 $0xF7A, s1;
	s8 =	simm.s32 @!p0 $0x1BF5;
	p2 =	por !p2, p0  }
0x20: {  	[sflag:s8] =	ssyncset.s32 @!p0 $0xFFFFF086;
	s6 =	sadd.s32 @!p0 s3, s7;
	s7 =	simm.s32 @!p0 $0x108  }
0x21: {  	s3 =	sadd.s32 s3, s9;
	s6 =	sadd.s32 @!p0 $0x88, s6;
	s7 =	simm.s32 @p2 $0x1082  }
0x22: {  	[simem:s7], [sflag:s8] =	dma.local @!p0 [hbm:s6], $0xF7A  }
0x23: {  	s9 =	sor.u32 $0xD0000000, s2;
	s6 =	simm.s32 $0x108;
	_ =	swait.ge @!p0 [sflag:s8], $0x0  }
0x24: {  	s3 =	sadd.s32 $0x88, s3;
	s6 =	simm.s32 @!p1 $0x1082;
	[sflag:s4] =	ssyncset.s32 $0xFFFFF086  }
0x25: {  	[simem:s6], [sflag:s4] =	dma.local [hbm:s3], $0xF7A  }
0x26: {  	[smem:$0x3F91] =	sst s1;
	(tag) =	ssettag s2;
	_ =	strace s9  }
0x27: {  	s1 =	sld [smem:$0x3FA1]  }
0x28: {  	s2 =	sld [smem:$0x3FA2]  }
0x29: {  	s4 =	sld [smem:$0x3FA4]  }
0x2a: {  	p0 =	seq.s32 s5, $0x0;
	s5 =	sld [smem:$0x3FA5]  }
0x2b: {  	s6 =	sld [smem:$0x3FA6]  }
0x2c: {  	s7 =	sld [smem:$0x3FA7]  }
0x2d: {  	s3 =	simm.s32 $0x108;
	s8 =	sld [smem:$0x3FA8]  }
0x2e: {  	s3 =	simm.s32 @!p0 $0x1082;
	s9 =	sld [smem:$0x3FA9]  }
0x2f: {  	lr =	sadd.s32 s0, s3;
	s0 =	sld [smem:$0x3FA0]  }
0x30: {  	s3 =	sld [smem:$0x3FA3]  }
0x31: {  	[smem:$0x3FAC] =	sst s10  }
0x32: {  	s10 =	sld [smem:$0x3FAA];
	_ =	sdelay $0x3  }
0x33: {  	p0 =	seq.s32 s10, $0x1;
	s10 =	sld [smem:$0x3FAC];
	_ =	sdelay $0x3  }
0x34: {  	[smem:$0x3FAC] =	sst s10  }
0x35: {  	s10 =	sld [smem:$0x3FAB];
	_ =	sdelay $0x3  }
0x36: {  	p1 =	seq.s32 s10, $0x1;
	s10 =	sld [smem:$0x3FAC];
	_ =	sdelay $0x3  }
0x37: {  	[smem:$0x3FAC] =	sst s10  }
0x38: {  	s10 =	sld [smem:$0x3FAD]  }
0x39: {  	_ = 	snop;
	(pc) =	sbr.ind lr, $3  }
0x3a: {  	_ = 	snop  }
0x3b: {  	_ = 	snop  }
0x3c: {  	p2 =	seq.s32 s10, $0x1;
	s10 =	sld [smem:$0x3FAC]  }
0x3d: {  	_ =	shalt  }
0x3e: {  	_ =	shalt  }
0x3f: {  	_ =	shalt  }
0x40: {  	_ =	shalt  }
0x41: {  	_ =	shalt  }
0x42: {  	_ =	shalt  }
0x43: {  	_ =	shalt  }
0x44: {  	_ =	shalt  }
0x45: {  	_ =	shalt  }
0x46: {  	_ =	shalt  }
0x47: {  	_ =	shalt  }
0x48: {  	_ =	shalt  }
0x49: {  	_ =	shalt  }
0x4a: {  	_ =	shalt  }
0x4b: {  	_ =	shalt  }
0x4c: {  	_ =	shalt  }
0x4d: {  	_ =	shalt  }
0x4e: {  	_ =	shalt  }
0x4f: {  	_ =	shalt  }
0x50: {  	_ =	shalt  }
0x51: {  	_ =	shalt  }
0x52: {  	_ =	shalt  }
0x53: {  	_ =	shalt  }
0x54: {  	_ =	shalt  }
0x55: {  	_ =	shalt  }
0x56: {  	_ =	shalt  }
0x57: {  	_ =	shalt  }
0x58: {  	_ =	shalt  }
0x59: {  	_ =	shalt  }
0x5a: {  	_ =	shalt  }
0x5b: {  	_ =	shalt  }
0x5c: {  	_ =	shalt  }
0x5d: {  	_ =	shalt  }
0x5e: {  	_ =	shalt  }
0x5f: {  	_ =	shalt  }
0x60: {  	_ =	shalt  }
0x61: {  	_ =	shalt  }
0x62: {  	_ =	shalt  }
0x63: {  	_ =	shalt  }
0x64: {  	_ =	shalt  }
0x65: {  	_ =	shalt  }
0x66: {  	_ =	shalt  }
0x67: {  	_ =	shalt  }
0x68: {  	_ =	shalt  }
0x69: {  	_ =	shalt  }
0x6a: {  	_ =	shalt  }
0x6b: {  	_ =	shalt  }
0x6c: {  	_ =	shalt  }
0x6d: {  	_ =	shalt  }
0x6e: {  	_ =	shalt  }
0x6f: {  	_ =	shalt  }
0x70: {  	_ =	shalt  }
0x71: {  	_ =	shalt  }
0x72: {  	_ =	shalt  }
0x73: {  	_ =	shalt  }
0x74: {  	_ =	shalt  }
0x75: {  	_ =	shalt  }
0x76: {  	_ =	shalt  }
0x77: {  	_ =	shalt  }
0x78: {  	_ =	shalt  }
0x79: {  	_ =	shalt  }
0x7a: {  	_ =	shalt  }
0x7b: {  	_ =	shalt  }
0x7c: {  	_ =	shalt  }
0x7d: {  	_ =	shalt  }
0x7e: {  	_ =	shalt  }
0x7f: {  	_ =	shalt  }
0x80: {  	_ =	shalt  }
0x81: {  	_ =	shalt  }
0x82: {  	_ =	shalt  }
0x83: {  	_ =	shalt  }
0x84: {  	_ =	shalt  }
0x85: {  	_ =	shalt  }
0x86: {  	_ =	shalt  }
0x87: {  	_ =	shalt  }
.Lfunc_end0:
.L_simem_size_0:
called_computation.2_lowered:
.L_overlay_start_0:
0x88: {  	s2 =	sld [smem:$0x3FD9]  }
0x89: {  	s3 =	sld [smem:$0x3FFE];
	_ =	sdelay $0x1  }
0x8a: {  	s1 =	srdreg.scid  }
0x8b: {  	s0 =	sand.u32 $0x1, s1  }
0x8c: {  	s15 =	sshll.u32 s0, $0xA;
	s2 =	sadd.s32 s3, s2  }
0x8d: {  	s2 =	sadd.s32 s2, s15  }
0x8e: {  	[smem:$0x3FB8] =	sst s2  }
0x8f: {  	_ = 	snop  }
0x90: {  	s2 =	sld [smem:$0x3FD0];
	_ =	sdelay $0x2  }
0x91: {  	s16 =	simm.s32 $0xD;
	s4 =	simm.s32 $0x10  }
0x92: {  	[smem:s4], [sflag:s16] =	dma.local [hbm:s2], $0x1  }
0x93: {  	_ =	swait.eq [sflag:s16], $0x1  }
0x94: {  	[sflag:s16] =	ssyncset.done $0x0  }
0x95: {  	[sflag:s16] =	ssyncadd.s32 $0xFFFFFFFF  }
0x96: {  	s17 =	sld [smem:$0x10];
	(tm) =	ssettm $0x1  }
0x97: {  	s18 =	sld [smem:$0x3FFB];
	_ =	sdelay $0x3  }
0x98: {  	_ =	strace s18  }
0x99: {  	s2 =	sld [smem:$0x3FFC];
	_ =	sdelay $0x3  }
0x9a: {  	_ =	strace s2  }
0x9b: {  	s2 =	sld [smem:$0x3FFD];
	_ =	sdelay $0x3  }
0x9c: {  	_ =	strace s2  }
0x9d: {  	_ =	strace $0x8FFFFFFF  }
0x9e: {  	s19 =	sld [smem:$0x3FDB];
	_ =	sdelay $0x1  }
0x9f: {  	s20 =	simm.s32 $_scs_section_size  }
0xa0: {  	s5 =	simm.s32 $_size__tile_overlayer_lowered;
	s6 =	simm.s32 $_tile_overlayer_lowered  }
0xa1: {  	s7 =	simm.s32 $0x1BFF;
	s21 =	sshll.u32 s6, $0x1;
	s4 =	sadd.s32 s20, s19  }
0xa2: {  	s22 =	simm.s32 $0x0;
	s5 =	sshll.u32 s5, $0x1;
	s6 =	sadd.s32 s21, s4  }
0xa3: {  	[timem:s22], [sflag:s7] =	dma.local [hbm:s6], s5  }
0xa4: {  	_ =	swait.ge [sflag:s7], s5  }
0xa5: {  	s5 =	ssub.s32 $0x0, s5;
	[sflag:s7] =	ssyncset.done $0x0  }
0xa6: {  	[sflag:s7] =	ssyncadd.s32 s5;
	_ =	sdelay $0x1  }
0xa7: {  	s23 =	simm.s32 $0x1B8B  }
0xa8: {  	_ =	swait.ge [sflag:s23], $0x1  }
0xa9: {  	[sflag:s23] =	ssyncset.done $0x0  }
0xaa: {  	[sflag:s23] =	ssyncadd.s32 $0xFFFFFFFF  }
0xab: {  	s5 =	sld [smem:$0x0]  }
0xac: {  	s6 =	sand.u32 $0xFFFFFFFE, s1  }
0xad: {  	p0 =	sne.s32 s1, s6  }
0xae: {  	s6 =	sshll.u32 @p0 s6, $0xE  }
0xaf: {  	s6 =	sadd.s32 @p0 $0x11B8D, s6;
	s7 =	sshll.u32 @p0 s5, $0x11  }
0xb0: {  	s6 =	sor.u32 @p0 s7, s6  }
0xb1: {  	[sflag:s6] =	ssyncadd.remote.s32 @p0 $0x1;
	_ =	sdelay $0x1  }
0xb2: {  	s6 =	simm.s32 @p0 $0x1B8D  }
0xb3: {  	_ =	swait.eq @p0 [sflag:s6], $0x1  }
0xb4: {  	[sflag:s6] =	ssyncadd.s32 @p0 $0xFFFFFFFF  }
0xb5: {  	s7 =	sshll.u32 @!p0 s1, $0xE  }
0xb6: {  	s7 =	sor.u32 @!p0 $0x4000, s7;
	s6 =	simm.s32 @!p0 $0x1B8D  }
0xb7: {  	s5 =	sshll.u32 @!p0 s5, $0x11;
	s7 =	sadd.s32 @!p0 $0x11B8D, s7;
	_ =	swait.eq @!p0 [sflag:s6], $0x1  }
0xb8: {  	s5 =	sor.u32 @!p0 s5, s7;
	[sflag:s6] =	ssyncadd.s32 @!p0 $0xFFFFFFFF  }
0xb9: {  	s25 =	simm.s32 $0x1B8E;
	s24 =	sld [smem:$0x3FFE];
	[sflag:s5] =	ssyncadd.remote.s32 @!p0 $0x1  }
0xba: {  	s26 =	simm.s32 $execute0_lowered;
	[smem:$0x3FD2] =	sst s25  }
0xbb: {  	s6 =	sshll.u32 s26, $0x1;
	_ =	strace $0x8000005B;
	[dreg:$0x1] =	wrdreg $0xFFFFFFFF  }
0xbc: {  	s28 =	simm.s32 $_size_execute0_lowered;
	s4 =	sadd.s32 s4, s6;
	[dreg:$0x0] =	wrdreg $0x0  }
0xbd: {  	s6 =	sshll.u32 s28, $0x1;
	[dreg:$0x2] =	wrdreg s4  }
0xbe: {  	[dreg:$0x3] =	wrdreg s6  }
0xbf: {  	[dreg:$0x4] =	wrdreg $0xC0  }
0xc0: {  	_ =	task [dreg:s22], $0x5FFFF  }
0xc1: {  	[dreg:$0x1] =	wrdreg $0xFFFFFFFF  }
0xc2: {  	[dreg:$0x0] =	wrdreg $0x60  }
0xc3: {  	[dreg:$0x2] =	wrdreg s24  }
0xc4: {  	[dreg:$0x3] =	wrdreg s17  }
0xc5: {  	[dreg:$0x4] =	wrdreg $0x94000  }
0xc6: {  	[dreg:$0x5] =	wrdreg $0xA  }
0xc7: {  	_ =	task.clear_ibuf [dreg:s22], $0x6FFFF;
	_ =	strace $0x9000005B  }
0xc8: {  	s29 =	simm.s32 $0xA;
	_ =	strace $0x8000005D  }
0xc9: {  	_ =	swait.ge [sflag:s29], $0x1  }
0xca: {  	[sflag:s29] =	ssyncadd.s32 $0xFFFFFFFF  }
0xcb: {  	_ =	strace $0x9000005D  }
0xcc: {  	_ =	sfence  }
0xcd: {  	s30 =	sld [smem:$0x0];
	_ =	sdelay $0x2  }
0xce: {  	s31 =	sshll.u32 s1, $0xD;
	s1 =	sshrl.u32 s1, $0x2  }
0xcf: {  	s4 =	sand.u32 $0x4000, s31;
	s1 =	sadd.s32 s1, s30  }
0xd0: {  	s0 =	sor.u32 s4, s0;
	s1 =	sshll.u32 s1, $0x11  }
0xd1: {  	s0 =	sor.u32 s1, s0  }
0xd2: {  	s0 =	sadd.s32 $0x8F2B, s0  }
0xd3: {  	[sflag:s0] =	ssyncadd.remote.s32 $0x1  }
0xd4: {  	_ =	sfence.sel $0xFFFF  }
0xd5: {  	[dreg:$0x0] =	wrdreg $0xFFFFFFFF;
	(pc) =	sbr.abs _section_cstart, $3  }
0xd6: {  	[dreg:$0x1] =	wrdreg $0xFFFFFFFF  }
0xd7: {  	_ =	task.clear_ibuf [dreg:s22], $0x2FFFF;
	_ =	strace $0x9FFFFFFF  }
0xd8: {  	(tm) =	ssettm $0x7FFFFFFF  }
0xd9: {  	_ =	shalt  }
tec
execute0_lowered:
.L_overlay_start_1:
0x0: {  	(tag) =	ssettag $0x1  }
0x1: {  	s1 =	srdreg.scid  }
0x2: {  	s0 =	stileid.u32;
	s5 =	rddreg [dreg:$0x0]  }
0x3: {  	s2 =	rddreg [dreg:$0x1];
	s9 =	smul.u32 $0x14000, s0  }
0x4: {  	s3 =	rddreg [dreg:$0x2];
	s4 =	simm.s32 $0x0;
	s25 =	smul.u32 $0x50000, s0  }
0x5: {  	s16 =	simm.s32 $0x80;
	s17 =	simm.s32 $0x2;
	s12 =	smul.u32 $0x140000, s0  }
0x6: {  	s18 =	simm.s32 $0x0;
	s6 =	sand.u32 $0x1, s1;
	s14 =	smul.u32 $0x28000, s0  }
0x7: {  	s24 =	sshll.u32 s0, $0x1;
	[smem:$0x7FF] =	sst s4;
	s8 =	smul.u32 $0x140000, s6  }
0x8: {  	s10 =	sadd.s32 $0x15E8800, s5;
	s31 =	sshll.u32 s0, $0x6;
	s13 =	smul.u32 $0xA0000, s6  }
0x9: {  	s1 =	sor.u32 s6, s24;
	s11 =	ssub.s32 $0x2, s6;
	s28 =	smul.u32 $0x14000, s6  }
0xa: {  	s7 =	smul.u32 $0x1400, s1;
	s1 =	rddreg [dreg:$0x3];
	_ =	strace $0x8000005C  }
0xb: {  	s26 =	sshrl.u32 s11, $0x1;
	s30 =	sadd.s32 s14, s10;
	s14 =	simm.s32 $0x5400  }
0xc: {  	s8 =	sadd.s32 s9, s8;
	s11 =	ssub.s32 s11, s26;
	s9 =	sshrl.u32 s25, $0x2  }
0xd: {  	s29 =	sadd.s32 s13, s12;
	s13 =	simm.s32 $0x1400;
	s7 =	sshrl.u32 s7, $0x3  }
0xe: {  	s8 =	sshrl.u32 s8, $0x3;
	s15 =	sadd.s32 s9, s3;
	s9 =	sadd.s32 s28, s30  }
0xf: {  	s7 =	sadd.s32 s7, s5;
	s8 =	sadd.s32 s8, s5;
	s9 =	sadd.s32 $0x800, s9  }
0x10: {  	s12 =	sshrl.u32 s15, $0x3;
	s15 =	simm.s32 $0x1;
	s5 =	sadd.s32 $0x661800, s7  }
0x11: {  	s6 =	sadd.s32 $0x1908800, s8;
	s7 =	smax.u32 s11, $0x1;
	s8 =	sshrl.u32 s29, $0x3  }
0x12: {  	s11 =	sor.u32 $0x1C03, s31;
	s8 =	sadd.s32 s8, s10;
	s10 =	simm.s32 $0x3  }
.LBB2_1:
0x13: {  	[tilespmem:s4], [sflag:$0x3] =	stream.linear.gather [hbm4b:s5+s4], $0x1400, $0x38;
	[tilespmem:$0x1D400] =	vst v63  }
0x14: {  	_ =	swait.ge [sflag:s10], $0x1400  }
0x15: {  	[sflag:s10] =	ssyncset.done $0x0  }
0x16: {  	[sflag:s10] =	ssyncadd.s32 $0xFFFFEC00  }
0x17: {  	[spmem:s12], [sflag:s11] =	dma.local [hbm:s2], $0x2800  }
0x18: {  	_ =	swait.ge [sflag:s10], $0x2800  }
0x19: {  	[sflag:s10] =	ssyncset.done $0x0  }
0x1a: {  	[sflag:s10] =	ssyncadd.s32 $0xFFFFD800  }
0x1b: {  	s19 =	sadd.s32 $0x0, s8;
	[bflag:$0x0] =	sbarrier.arrive $0xFFFF  }
0x1c: {  	[tilespmem:s13], [sflag:$0x1] =	stream.linear.gather [hbm4b:s19+s4], $0x4000, $0x38;
	[tilespmem:$0x1D400] =	vst v63  }
0x1d: {  	s30 =	sadd.s32 $0x0, s9  }
0x1e: {  	[tilespmem:s14], [sflag:$0x2] =	stream.linear.gather [hbm4b:s30+s4], $0x4000, $0x38;
	[tilespmem:$0x1D400] =	vst v63  }
0x1f: {  	_ =	swait.ge [sflag:s15], $0x4000  }
0x20: {  	[sflag:s15] =	ssyncset.done $0x0  }
0x21: {  	[sflag:s15] =	ssyncadd.s32 $0xFFFFC000  }
0x22: {  	[spmem:s3] =	stream.indirect.scatter.add.f32 [tilespmem:s13], [sflag:$0x3], $0x80, s4, s16, $0xb8;
	[tilespmem:$0x1D400] =	vst v63  }
0x23: {  	_ =	swait.ge [sflag:s10], $0x4000  }
0x24: {  	[sflag:s10] =	ssyncset.done $0x0  }
0x25: {  	[sflag:s10] =	ssyncadd.s32 $0xFFFFC000  }
0x26: {  	_ =	swait.ge [sflag:s17], $0x4000  }
0x27: {  	[sflag:s17] =	ssyncset.done $0x0  }
0x28: {  	s31 =	simm.s32 $0x80;
	[sflag:s17] =	ssyncadd.s32 $0xFFFFC000  }
0x29: {  	[spmem:s3] =	stream.indirect.scatter.add.f32 [tilespmem:s14], [sflag:$0x3], $0x80, s31, s16, $0xb8;
	[tilespmem:$0x1D400] =	vst v63  }
0x2a: {  	s20 =	simm.s32 $0x1000;
	_ =	swait.ge [sflag:s10], $0x4000  }
0x2b: {  	s21 =	simm.s32 $0x2000;
	s19 =	simm.s32 $0x100;
	[sflag:s10] =	ssyncset.done $0x0  }
.LBB2_2:
0x2c: {  	s22 =	sadd.s32 s20, s8  }
0x2d: {  	[sflag:s10] =	ssyncadd.s32 $0xFFFFC000;
	s23 =	smov.u32 s21;
	s24 =	sadd.s32 $0x1000, s21  }
0x2e: {  	[tilespmem:s13], [sflag:$0x1] =	stream.linear.gather [hbm4b:s22+s4], $0x4000, $0x38;
	[tilespmem:$0x1D400] =	vst v63  }
0x2f: {  	p0 =	sne.s32 s21, $0x13000;
	s21 =	sadd.s32 s20, s9;
	s20 =	smov.u32 s23  }
0x30: {  	[tilespmem:s14], [sflag:$0x2] =	stream.linear.gather [hbm4b:s21+s4], $0x4000, $0x38;
	[tilespmem:$0x1D400] =	vst v63  }
0x31: {  	_ =	swait.ge [sflag:s15], $0x4000  }
0x32: {  	[sflag:s15] =	ssyncset.done $0x0  }
0x33: {  	[sflag:s15] =	ssyncadd.s32 $0xFFFFC000  }
0x34: {  	[spmem:s3] =	stream.indirect.scatter.add.f32 [tilespmem:s13], [sflag:$0x3], $0x80, s19, s16, $0xb8;
	[tilespmem:$0x1D400] =	vst v63  }
0x35: {  	_ =	swait.ge [sflag:s10], $0x4000  }
0x36: {  	[sflag:s10] =	ssyncset.done $0x0  }
0x37: {  	[sflag:s10] =	ssyncadd.s32 $0xFFFFC000  }
0x38: {  	_ =	swait.ge [sflag:s17], $0x4000  }
.Ltmp0:
0x39: {  	[sflag:s17] =	ssyncset.done $0x0;
	(pc) =	sbr.rel @p0 .LBB2_2-.Ltmp0, $4  }
0x3a: {  	s21 =	sadd.s32 $0x80, s19;
	[sflag:s17] =	ssyncadd.s32 $0xFFFFC000  }
0x3b: {  	[spmem:s3] =	stream.indirect.scatter.add.f32 [tilespmem:s14], [sflag:$0x3], $0x80, s21, s16, $0xb8;
	[tilespmem:$0x1D400] =	vst v63  }
0x3c: {  	_ =	swait.ge [sflag:s10], $0x4000  }
0x3d: {  	s19 =	sadd.s32 $0x100, s19;
	s21 =	smov.u32 s24;
	[sflag:s10] =	ssyncset.done $0x0  }
0x3e: {  	s21 =	sadd.s32 s20, s8;
	[sflag:s10] =	ssyncadd.s32 $0xFFFFC000  }
0x3f: {  	[tilespmem:s13], [sflag:$0x1] =	stream.linear.gather [hbm4b:s21+s4], $0x4000, $0x38;
	[tilespmem:$0x1D400] =	vst v63  }
0x40: {  	s30 =	sadd.s32 s20, s9  }
0x41: {  	[tilespmem:s14], [sflag:$0x2] =	stream.linear.gather [hbm4b:s30+s4], $0x4000, $0x38;
	[tilespmem:$0x1D400] =	vst v63  }
0x42: {  	_ =	swait.ge [sflag:s15], $0x4000  }
0x43: {  	[sflag:s15] =	ssyncset.done $0x0  }
0x44: {  	[sflag:s15] =	ssyncadd.s32 $0xFFFFC000  }
0x45: {  	[spmem:s3] =	stream.indirect.scatter.add.f32 [tilespmem:s13], [sflag:$0x3], $0x80, s19, s16, $0xb8;
	[tilespmem:$0x1D400] =	vst v63  }
0x46: {  	_ =	swait.ge [sflag:s10], $0x4000  }
0x47: {  	[sflag:s10] =	ssyncset.done $0x0  }
0x48: {  	[sflag:s10] =	ssyncadd.s32 $0xFFFFC000  }
0x49: {  	_ =	swait.ge [sflag:s17], $0x4000  }
0x4a: {  	[sflag:s17] =	ssyncset.done $0x0  }
0x4b: {  	s31 =	sadd.s32 $0x80, s19;
	[sflag:s17] =	ssyncadd.s32 $0xFFFFC000  }
0x4c: {  	[spmem:s3] =	stream.indirect.scatter.add.f32 [tilespmem:s14], [sflag:$0x3], $0x80, s31, s16, $0xb8;
	[tilespmem:$0x1D400] =	vst v63  }
0x4d: {  	_ =	swait.ge [sflag:s10], $0x4000  }
0x4e: {  	s18 =	sadd.s32 $0x1, s18;
	[sflag:s10] =	ssyncset.done $0x0  }
0x4f: {  	p0 =	sne.s32 s18, s7;
	[sflag:s10] =	ssyncadd.s32 $0xFFFFC000  }
.Ltmp1:
0x50: {  	[bflag:$0x0] =	sbarrier.arrive $0xFFFF;
	(pc) =	sbr.rel @p0 .LBB2_1-.Ltmp1, $4  }
0x51: {  	[hbm:s6], [sflag:s11] =	dma.local [spmem:s12], $0x2800  }
0x52: {  	_ =	swait.ge [sflag:s10], $0x2800  }
0x53: {  	[sflag:s10] =	ssyncset.done $0x0  }
0x54: {  	[sflag:s10] =	ssyncadd.s32 $0xFFFFD800  }
0x55: {  	_ =	sfence.sel $0x180000  }
0x56: {  	[bflag:$0x0] =	sbarrier.arrive $0xFFFF  }
0x57: {  	p0 =	sne.s32 s0, $0x0;
	_ =	strace $0x9000005C  }
0x58: {  	s0 =	sadd.s32 @!p0 $0x100000, s1;
	[bflag:$0x2] =	sbarrier.arrive $0xFFFF  }
0x59: {  	[sflag:s0] =	ssyncadd.tile.s32 @!p0 $0x1;
	_ =	shalt  }
.Lfunc_end2:
_tile_overlayer_lowered:
.L_overlay_start_2:
0x5a: {  	(tag) =	ssettag $0x2  }
0x5b: {  	s0 =	rddreg [dreg:$0x0];
	s2 =	stileid.u32  }
0x5c: {  	s1 =	rddreg [dreg:$0x1];
	p0 =	sne.s32 s2, $0x0  }
0x5d: {  	s3 =	rddreg [dreg:$0x2];
	[bflag:$0x3] =	sbarrier.arrive $0xFFFF;
	s2 =	simm.s32 @!p0 $0x1C03  }
0x5e: {  	[timem:s3], [sflag:s2] =	dma.local @!p0 [hbm:s0], s1  }
0x5f: {  	s0 =	simm.s32 @!p0 $0x3  }
0x60: {  	_ =	swait.ge @!p0 [sflag:s0], s1  }
0x61: {  	s1 =	ssub.s32 @!p0 $0x0, s1;
	[sflag:s0] =	ssyncset.done @!p0 $0x0  }
0x62: {  	[sflag:s0] =	ssyncadd.s32 @!p0 s1  }
0x63: {  	[bflag:$0x3] =	sbarrier.arrive $0xFFFF  }
0x64: {  	_ =	shalt  }

// kernel: k3_128.7.cloned.1.call-start
scs
__scs_entry_jumppad:
0x0: {  	(pc) =	sbr.rel $0x88, $3  }
0x1: {  	(tag) =	ssettag $0x0;
	lr =	simm.s32 $0x1  }
0x2: {  	[smem:$0x3F91] =	sst lr;
	_ =	strace $0xD0000000  }
0x3: {  	_ = 	snop  }
0x4: {  	_ = 	snop  }
0x5: {  	_ = 	snop  }
0x6: {  	_ = 	snop  }
0x7: {  	_ = 	snop  }
__scs_overlays_trampoline_lowered:
0x8: {  	[smem:$0x3FA0] =	sst s0  }
0x9: {  	[smem:$0x3FA1] =	sst s1  }
0xa: {  	[smem:$0x3FA2] =	sst s2  }
0xb: {  	[smem:$0x3FA3] =	sst s3  }
0xc: {  	[smem:$0x3FA4] =	sst s4  }
0xd: {  	[smem:$0x3FA5] =	sst s5  }
0xe: {  	[smem:$0x3FA6] =	sst s6  }
0xf: {  	[smem:$0x3FA7] =	sst s7  }
0x10: {  	[smem:$0x3FA8] =	sst s8  }
0x11: {  	[smem:$0x3FA9] =	sst s9;
	s0 =	simm.s32 @!p0 $0x0  }
0x12: {  	s1 =	sld [smem:$0x3F8F];
	s0 =	simm.s32 @p0 $0x1  }
0x13: {  	[smem:$0x3FAA] =	sst s0;
	s0 =	simm.s32 @!p1 $0x0  }
0x14: {  	s2 =	sld [smem:$0x3F8E];
	s0 =	simm.s32 @p1 $0x1  }
0x15: {  	[smem:$0x3FAB] =	sst s0;
	s0 =	simm.s32 @!p2 $0x0  }
0x16: {  	s3 =	sld [smem:$0x3FDB];
	s0 =	simm.s32 @p2 $0x1  }
0x17: {  	s4 =	simm.s32 $0x1BF5;
	[smem:$0x3FAD] =	sst s0  }
0x18: {  	s0 =	sld [smem:$0x3F90];
	_ =	swait.ge [sflag:s4], $0x0  }
0x19: {  	s7 =	sld [smem:$0x3F91]  }
0x1a: {  	s8 =	sadd.s32 $0xFFFFE003, lr  }
0x1b: {  	s9 =	sadd.s32 $0xFFFFFEF7, lr;
	s5 =	simm.s32 $0xFFFFFFFF;
	p2 =	slt.u32 s8, $0xFFFFF086  }
0x1c: {  	p1 =	slt.u32 s9, $0xF7A;
	s5 =	simm.s32 @!p2 $0x0  }
0x1d: {  	s5 =	simm.s32 @p1 $0x1;
	p0 =	seq.s32 s7, s2  }
0x1e: {  	s7 =	smul.u32 @!p0 $0xF7A, s2;
	p2 =	seq.s32 @!p0 s5, $0x0  }
0x1f: {  	s9 =	smul.u32 $0xF7A, s1;
	s8 =	simm.s32 @!p0 $0x1BF5;
	p2 =	por !p2, p0  }
0x20: {  	[sflag:s8] =	ssyncset.s32 @!p0 $0xFFFFF086;
	s6 =	sadd.s32 @!p0 s3, s7;
	s7 =	simm.s32 @!p0 $0x108  }
0x21: {  	s3 =	sadd.s32 s3, s9;
	s6 =	sadd.s32 @!p0 $0x88, s6;
	s7 =	simm.s32 @p2 $0x1082  }
0x22: {  	[simem:s7], [sflag:s8] =	dma.local @!p0 [hbm:s6], $0xF7A  }
0x23: {  	s9 =	sor.u32 $0xD0000000, s2;
	s6 =	simm.s32 $0x108;
	_ =	swait.ge @!p0 [sflag:s8], $0x0  }
0x24: {  	s3 =	sadd.s32 $0x88, s3;
	s6 =	simm.s32 @!p1 $0x1082;
	[sflag:s4] =	ssyncset.s32 $0xFFFFF086  }
0x25: {  	[simem:s6], [sflag:s4] =	dma.local [hbm:s3], $0xF7A  }
0x26: {  	[smem:$0x3F91] =	sst s1;
	(tag) =	ssettag s2;
	_ =	strace s9  }
0x27: {  	s1 =	sld [smem:$0x3FA1]  }
0x28: {  	s2 =	sld [smem:$0x3FA2]  }
0x29: {  	s4 =	sld [smem:$0x3FA4]  }
0x2a: {  	p0 =	seq.s32 s5, $0x0;
	s5 =	sld [smem:$0x3FA5]  }
0x2b: {  	s6 =	sld [smem:$0x3FA6]  }
0x2c: {  	s7 =	sld [smem:$0x3FA7]  }
0x2d: {  	s3 =	simm.s32 $0x108;
	s8 =	sld [smem:$0x3FA8]  }
0x2e: {  	s3 =	simm.s32 @!p0 $0x1082;
	s9 =	sld [smem:$0x3FA9]  }
0x2f: {  	lr =	sadd.s32 s0, s3;
	s0 =	sld [smem:$0x3FA0]  }
0x30: {  	s3 =	sld [smem:$0x3FA3]  }
0x31: {  	[smem:$0x3FAC] =	sst s10  }
0x32: {  	s10 =	sld [smem:$0x3FAA];
	_ =	sdelay $0x3  }
0x33: {  	p0 =	seq.s32 s10, $0x1;
	s10 =	sld [smem:$0x3FAC];
	_ =	sdelay $0x3  }
0x34: {  	[smem:$0x3FAC] =	sst s10  }
0x35: {  	s10 =	sld [smem:$0x3FAB];
	_ =	sdelay $0x3  }
0x36: {  	p1 =	seq.s32 s10, $0x1;
	s10 =	sld [smem:$0x3FAC];
	_ =	sdelay $0x3  }
0x37: {  	[smem:$0x3FAC] =	sst s10  }
0x38: {  	s10 =	sld [smem:$0x3FAD]  }
0x39: {  	_ = 	snop;
	(pc) =	sbr.ind lr, $3  }
0x3a: {  	_ = 	snop  }
0x3b: {  	_ = 	snop  }
0x3c: {  	p2 =	seq.s32 s10, $0x1;
	s10 =	sld [smem:$0x3FAC]  }
0x3d: {  	_ =	shalt  }
0x3e: {  	_ =	shalt  }
0x3f: {  	_ =	shalt  }
0x40: {  	_ =	shalt  }
0x41: {  	_ =	shalt  }
0x42: {  	_ =	shalt  }
0x43: {  	_ =	shalt  }
0x44: {  	_ =	shalt  }
0x45: {  	_ =	shalt  }
0x46: {  	_ =	shalt  }
0x47: {  	_ =	shalt  }
0x48: {  	_ =	shalt  }
0x49: {  	_ =	shalt  }
0x4a: {  	_ =	shalt  }
0x4b: {  	_ =	shalt  }
0x4c: {  	_ =	shalt  }
0x4d: {  	_ =	shalt  }
0x4e: {  	_ =	shalt  }
0x4f: {  	_ =	shalt  }
0x50: {  	_ =	shalt  }
0x51: {  	_ =	shalt  }
0x52: {  	_ =	shalt  }
0x53: {  	_ =	shalt  }
0x54: {  	_ =	shalt  }
0x55: {  	_ =	shalt  }
0x56: {  	_ =	shalt  }
0x57: {  	_ =	shalt  }
0x58: {  	_ =	shalt  }
0x59: {  	_ =	shalt  }
0x5a: {  	_ =	shalt  }
0x5b: {  	_ =	shalt  }
0x5c: {  	_ =	shalt  }
0x5d: {  	_ =	shalt  }
0x5e: {  	_ =	shalt  }
0x5f: {  	_ =	shalt  }
0x60: {  	_ =	shalt  }
0x61: {  	_ =	shalt  }
0x62: {  	_ =	shalt  }
0x63: {  	_ =	shalt  }
0x64: {  	_ =	shalt  }
0x65: {  	_ =	shalt  }
0x66: {  	_ =	shalt  }
0x67: {  	_ =	shalt  }
0x68: {  	_ =	shalt  }
0x69: {  	_ =	shalt  }
0x6a: {  	_ =	shalt  }
0x6b: {  	_ =	shalt  }
0x6c: {  	_ =	shalt  }
0x6d: {  	_ =	shalt  }
0x6e: {  	_ =	shalt  }
0x6f: {  	_ =	shalt  }
0x70: {  	_ =	shalt  }
0x71: {  	_ =	shalt  }
0x72: {  	_ =	shalt  }
0x73: {  	_ =	shalt  }
0x74: {  	_ =	shalt  }
0x75: {  	_ =	shalt  }
0x76: {  	_ =	shalt  }
0x77: {  	_ =	shalt  }
0x78: {  	_ =	shalt  }
0x79: {  	_ =	shalt  }
0x7a: {  	_ =	shalt  }
0x7b: {  	_ =	shalt  }
0x7c: {  	_ =	shalt  }
0x7d: {  	_ =	shalt  }
0x7e: {  	_ =	shalt  }
0x7f: {  	_ =	shalt  }
0x80: {  	_ =	shalt  }
0x81: {  	_ =	shalt  }
0x82: {  	_ =	shalt  }
0x83: {  	_ =	shalt  }
0x84: {  	_ =	shalt  }
0x85: {  	_ =	shalt  }
0x86: {  	_ =	shalt  }
0x87: {  	_ =	shalt  }
.Lfunc_end0:
.L_simem_size_0:
called_computation.6_lowered:
.L_overlay_start_0:
0x88: {  	s2 =	sld [smem:$0x3FD9]  }
0x89: {  	s3 =	sld [smem:$0x3FFE];
	_ =	sdelay $0x1  }
0x8a: {  	s1 =	srdreg.scid  }
0x8b: {  	s0 =	sand.u32 $0x1, s1  }
0x8c: {  	s15 =	sshll.u32 s0, $0xA;
	s2 =	sadd.s32 s3, s2  }
0x8d: {  	s2 =	sadd.s32 s2, s15  }
0x8e: {  	[smem:$0x3FB8] =	sst s2  }
0x8f: {  	_ = 	snop  }
0x90: {  	s2 =	sld [smem:$0x3FD0];
	_ =	sdelay $0x2  }
0x91: {  	s16 =	simm.s32 $0xD;
	s4 =	simm.s32 $0x10  }
0x92: {  	[smem:s4], [sflag:s16] =	dma.local [hbm:s2], $0x1  }
0x93: {  	_ =	swait.eq [sflag:s16], $0x1  }
0x94: {  	[sflag:s16] =	ssyncset.done $0x0  }
0x95: {  	[sflag:s16] =	ssyncadd.s32 $0xFFFFFFFF  }
0x96: {  	s17 =	sld [smem:$0x10];
	(tm) =	ssettm $0x1  }
0x97: {  	s18 =	sld [smem:$0x3FFB];
	_ =	sdelay $0x3  }
0x98: {  	_ =	strace s18  }
0x99: {  	s2 =	sld [smem:$0x3FFC];
	_ =	sdelay $0x3  }
0x9a: {  	_ =	strace s2  }
0x9b: {  	s2 =	sld [smem:$0x3FFD];
	_ =	sdelay $0x3  }
0x9c: {  	_ =	strace s2  }
0x9d: {  	_ =	strace $0x8FFFFFFF  }
0x9e: {  	s19 =	sld [smem:$0x3FDB];
	_ =	sdelay $0x1  }
0x9f: {  	s20 =	simm.s32 $_scs_section_size  }
0xa0: {  	s5 =	simm.s32 $_size__tile_overlayer_lowered;
	s6 =	simm.s32 $_tile_overlayer_lowered  }
0xa1: {  	s7 =	simm.s32 $0x1BFF;
	s21 =	sshll.u32 s6, $0x1;
	s4 =	sadd.s32 s20, s19  }
0xa2: {  	s22 =	simm.s32 $0x0;
	s5 =	sshll.u32 s5, $0x1;
	s6 =	sadd.s32 s21, s4  }
0xa3: {  	[timem:s22], [sflag:s7] =	dma.local [hbm:s6], s5  }
0xa4: {  	_ =	swait.ge [sflag:s7], s5  }
0xa5: {  	s5 =	ssub.s32 $0x0, s5;
	[sflag:s7] =	ssyncset.done $0x0  }
0xa6: {  	[sflag:s7] =	ssyncadd.s32 s5;
	_ =	sdelay $0x1  }
0xa7: {  	s23 =	simm.s32 $0x1B8B  }
0xa8: {  	_ =	swait.ge [sflag:s23], $0x1  }
0xa9: {  	[sflag:s23] =	ssyncset.done $0x0  }
0xaa: {  	[sflag:s23] =	ssyncadd.s32 $0xFFFFFFFF  }
0xab: {  	s5 =	sld [smem:$0x0]  }
0xac: {  	s6 =	sand.u32 $0xFFFFFFFE, s1  }
0xad: {  	p0 =	sne.s32 s1, s6  }
0xae: {  	s6 =	sshll.u32 @p0 s6, $0xE  }
0xaf: {  	s6 =	sadd.s32 @p0 $0x11B8D, s6;
	s7 =	sshll.u32 @p0 s5, $0x11  }
0xb0: {  	s6 =	sor.u32 @p0 s7, s6  }
0xb1: {  	[sflag:s6] =	ssyncadd.remote.s32 @p0 $0x1;
	_ =	sdelay $0x1  }
0xb2: {  	s6 =	simm.s32 @p0 $0x1B8D  }
0xb3: {  	_ =	swait.eq @p0 [sflag:s6], $0x1  }
0xb4: {  	[sflag:s6] =	ssyncadd.s32 @p0 $0xFFFFFFFF  }
0xb5: {  	s7 =	sshll.u32 @!p0 s1, $0xE  }
0xb6: {  	s7 =	sor.u32 @!p0 $0x4000, s7;
	s6 =	simm.s32 @!p0 $0x1B8D  }
0xb7: {  	s5 =	sshll.u32 @!p0 s5, $0x11;
	s7 =	sadd.s32 @!p0 $0x11B8D, s7;
	_ =	swait.eq @!p0 [sflag:s6], $0x1  }
0xb8: {  	s5 =	sor.u32 @!p0 s5, s7;
	[sflag:s6] =	ssyncadd.s32 @!p0 $0xFFFFFFFF  }
0xb9: {  	s25 =	simm.s32 $0x1B8E;
	s24 =	sld [smem:$0x3FFE];
	[sflag:s5] =	ssyncadd.remote.s32 @!p0 $0x1  }
0xba: {  	s26 =	simm.s32 $execute0_lowered;
	[smem:$0x3FD2] =	sst s25  }
0xbb: {  	s6 =	sshll.u32 s26, $0x1;
	_ =	strace $0x80000058;
	[dreg:$0x1] =	wrdreg $0xFFFFFFFF  }
0xbc: {  	s28 =	simm.s32 $_size_execute0_lowered;
	s4 =	sadd.s32 s4, s6;
	[dreg:$0x0] =	wrdreg $0x0  }
0xbd: {  	s6 =	sshll.u32 s28, $0x1;
	[dreg:$0x2] =	wrdreg s4  }
0xbe: {  	[dreg:$0x3] =	wrdreg s6  }
0xbf: {  	[dreg:$0x4] =	wrdreg $0xC0  }
0xc0: {  	_ =	task [dreg:s22], $0x5FFFF  }
0xc1: {  	[dreg:$0x1] =	wrdreg $0xFFFFFFFF  }
0xc2: {  	[dreg:$0x0] =	wrdreg $0x60  }
0xc3: {  	[dreg:$0x2] =	wrdreg s24  }
0xc4: {  	[dreg:$0x3] =	wrdreg s17  }
0xc5: {  	[dreg:$0x4] =	wrdreg $0x94000  }
0xc6: {  	[dreg:$0x5] =	wrdreg $0xC  }
0xc7: {  	_ =	task.clear_ibuf [dreg:s22], $0x6FFFF;
	_ =	strace $0x90000058  }
0xc8: {  	s29 =	simm.s32 $0xC;
	_ =	strace $0x8000005A  }
0xc9: {  	_ =	swait.ge [sflag:s29], $0x1  }
0xca: {  	[sflag:s29] =	ssyncadd.s32 $0xFFFFFFFF  }
0xcb: {  	_ =	strace $0x9000005A  }
0xcc: {  	_ =	sfence  }
0xcd: {  	s30 =	sld [smem:$0x0];
	_ =	sdelay $0x2  }
0xce: {  	s31 =	sshll.u32 s1, $0xD;
	s1 =	sshrl.u32 s1, $0x2  }
0xcf: {  	s4 =	sand.u32 $0x4000, s31;
	s1 =	sadd.s32 s1, s30  }
0xd0: {  	s0 =	sor.u32 s4, s0;
	s1 =	sshll.u32 s1, $0x11  }
0xd1: {  	s0 =	sor.u32 s1, s0  }
0xd2: {  	s0 =	sadd.s32 $0x8F2B, s0  }
0xd3: {  	[sflag:s0] =	ssyncadd.remote.s32 $0x1  }
0xd4: {  	_ =	sfence.sel $0xFFFF  }
0xd5: {  	[dreg:$0x0] =	wrdreg $0xFFFFFFFF;
	(pc) =	sbr.abs _section_cstart, $3  }
0xd6: {  	[dreg:$0x1] =	wrdreg $0xFFFFFFFF  }
0xd7: {  	_ =	task.clear_ibuf [dreg:s22], $0x2FFFF;
	_ =	strace $0x9FFFFFFF  }
0xd8: {  	(tm) =	ssettm $0x7FFFFFFF  }
0xd9: {  	_ =	shalt  }
tec
execute0_lowered:
.L_overlay_start_1:
0x0: {  	(tag) =	ssettag $0x1  }
0x1: {  	s1 =	srdreg.scid  }
0x2: {  	s0 =	stileid.u32;
	s5 =	rddreg [dreg:$0x0]  }
0x3: {  	s2 =	rddreg [dreg:$0x1];
	s9 =	smul.u32 $0x14000, s0  }
0x4: {  	s3 =	rddreg [dreg:$0x2];
	s4 =	simm.s32 $0x0;
	s25 =	smul.u32 $0x50000, s0  }
0x5: {  	s16 =	simm.s32 $0x80;
	s17 =	simm.s32 $0x2;
	s12 =	smul.u32 $0x140000, s0  }
0x6: {  	s18 =	simm.s32 $0x0;
	s6 =	sand.u32 $0x1, s1;
	s14 =	smul.u32 $0x28000, s0  }
0x7: {  	s24 =	sshll.u32 s0, $0x1;
	[smem:$0x7FF] =	sst s4;
	s8 =	smul.u32 $0x140000, s6  }
0x8: {  	s10 =	sadd.s32 $0x1AE8800, s5;
	s31 =	sshll.u32 s0, $0x6;
	s13 =	smul.u32 $0xA0000, s6  }
0x9: {  	s1 =	sor.u32 s6, s24;
	s11 =	ssub.s32 $0x2, s6;
	s28 =	smul.u32 $0x14000, s6  }
0xa: {  	s7 =	smul.u32 $0x1400, s1;
	s1 =	rddreg [dreg:$0x3];
	_ =	strace $0x80000059  }
0xb: {  	s26 =	sshrl.u32 s11, $0x1;
	s30 =	sadd.s32 s14, s10;
	s14 =	simm.s32 $0x5400  }
0xc: {  	s8 =	sadd.s32 s9, s8;
	s11 =	ssub.s32 s11, s26;
	s9 =	sshrl.u32 s25, $0x2  }
0xd: {  	s29 =	sadd.s32 s13, s12;
	s13 =	simm.s32 $0x1400;
	s7 =	sshrl.u32 s7, $0x3  }
0xe: {  	s8 =	sshrl.u32 s8, $0x3;
	s15 =	sadd.s32 s9, s3;
	s9 =	sadd.s32 s28, s30  }
0xf: {  	s7 =	sadd.s32 s7, s5;
	s8 =	sadd.s32 s8, s5;
	s9 =	sadd.s32 $0x800, s9  }
0x10: {  	s12 =	sshrl.u32 s15, $0x3;
	s15 =	simm.s32 $0x1;
	s5 =	sadd.s32 $0x44800, s7  }
0x11: {  	s6 =	sadd.s32 $0x18B8800, s8;
	s7 =	smax.u32 s11, $0x1;
	s8 =	sshrl.u32 s29, $0x3  }
0x12: {  	s11 =	sor.u32 $0x1C03, s31;
	s8 =	sadd.s32 s8, s10;
	s10 =	simm.s32 $0x3  }
.LBB2_1:
0x13: {  	[tilespmem:s4], [sflag:$0x3] =	stream.linear.gather [hbm4b:s5+s4], $0x1400, $0x38;
	[tilespmem:$0x1D400] =	vst v63  }
0x14: {  	_ =	swait.ge [sflag:s10], $0x1400  }
0x15: {  	[sflag:s10] =	ssyncset.done $0x0  }
0x16: {  	[sflag:s10] =	ssyncadd.s32 $0xFFFFEC00  }
0x17: {  	[spmem:s12], [sflag:s11] =	dma.local [hbm:s2], $0x2800  }
0x18: {  	_ =	swait.ge [sflag:s10], $0x2800  }
0x19: {  	[sflag:s10] =	ssyncset.done $0x0  }
0x1a: {  	[sflag:s10] =	ssyncadd.s32 $0xFFFFD800  }
0x1b: {  	s19 =	sadd.s32 $0x0, s8;
	[bflag:$0x0] =	sbarrier.arrive $0xFFFF  }
0x1c: {  	[tilespmem:s13], [sflag:$0x1] =	stream.linear.gather [hbm4b:s19+s4], $0x4000, $0x38;
	[tilespmem:$0x1D400] =	vst v63  }
0x1d: {  	s30 =	sadd.s32 $0x0, s9  }
0x1e: {  	[tilespmem:s14], [sflag:$0x2] =	stream.linear.gather [hbm4b:s30+s4], $0x4000, $0x38;
	[tilespmem:$0x1D400] =	vst v63  }
0x1f: {  	_ =	swait.ge [sflag:s15], $0x4000  }
0x20: {  	[sflag:s15] =	ssyncset.done $0x0  }
0x21: {  	[sflag:s15] =	ssyncadd.s32 $0xFFFFC000  }
0x22: {  	[spmem:s3] =	stream.indirect.scatter.add.f32 [tilespmem:s13], [sflag:$0x3], $0x80, s4, s16, $0xb8;
	[tilespmem:$0x1D400] =	vst v63  }
0x23: {  	_ =	swait.ge [sflag:s10], $0x4000  }
0x24: {  	[sflag:s10] =	ssyncset.done $0x0  }
0x25: {  	[sflag:s10] =	ssyncadd.s32 $0xFFFFC000  }
0x26: {  	_ =	swait.ge [sflag:s17], $0x4000  }
0x27: {  	[sflag:s17] =	ssyncset.done $0x0  }
0x28: {  	s31 =	simm.s32 $0x80;
	[sflag:s17] =	ssyncadd.s32 $0xFFFFC000  }
0x29: {  	[spmem:s3] =	stream.indirect.scatter.add.f32 [tilespmem:s14], [sflag:$0x3], $0x80, s31, s16, $0xb8;
	[tilespmem:$0x1D400] =	vst v63  }
0x2a: {  	s20 =	simm.s32 $0x1000;
	_ =	swait.ge [sflag:s10], $0x4000  }
0x2b: {  	s21 =	simm.s32 $0x2000;
	s19 =	simm.s32 $0x100;
	[sflag:s10] =	ssyncset.done $0x0  }
.LBB2_2:
0x2c: {  	s22 =	sadd.s32 s20, s8  }
0x2d: {  	[sflag:s10] =	ssyncadd.s32 $0xFFFFC000;
	s23 =	smov.u32 s21;
	s24 =	sadd.s32 $0x1000, s21  }
0x2e: {  	[tilespmem:s13], [sflag:$0x1] =	stream.linear.gather [hbm4b:s22+s4], $0x4000, $0x38;
	[tilespmem:$0x1D400] =	vst v63  }
0x2f: {  	p0 =	sne.s32 s21, $0x13000;
	s21 =	sadd.s32 s20, s9;
	s20 =	smov.u32 s23  }
0x30: {  	[tilespmem:s14], [sflag:$0x2] =	stream.linear.gather [hbm4b:s21+s4], $0x4000, $0x38;
	[tilespmem:$0x1D400] =	vst v63  }
0x31: {  	_ =	swait.ge [sflag:s15], $0x4000  }
0x32: {  	[sflag:s15] =	ssyncset.done $0x0  }
0x33: {  	[sflag:s15] =	ssyncadd.s32 $0xFFFFC000  }
0x34: {  	[spmem:s3] =	stream.indirect.scatter.add.f32 [tilespmem:s13], [sflag:$0x3], $0x80, s19, s16, $0xb8;
	[tilespmem:$0x1D400] =	vst v63  }
0x35: {  	_ =	swait.ge [sflag:s10], $0x4000  }
0x36: {  	[sflag:s10] =	ssyncset.done $0x0  }
0x37: {  	[sflag:s10] =	ssyncadd.s32 $0xFFFFC000  }
0x38: {  	_ =	swait.ge [sflag:s17], $0x4000  }
.Ltmp0:
0x39: {  	[sflag:s17] =	ssyncset.done $0x0;
	(pc) =	sbr.rel @p0 .LBB2_2-.Ltmp0, $4  }
0x3a: {  	s21 =	sadd.s32 $0x80, s19;
	[sflag:s17] =	ssyncadd.s32 $0xFFFFC000  }
0x3b: {  	[spmem:s3] =	stream.indirect.scatter.add.f32 [tilespmem:s14], [sflag:$0x3], $0x80, s21, s16, $0xb8;
	[tilespmem:$0x1D400] =	vst v63  }
0x3c: {  	_ =	swait.ge [sflag:s10], $0x4000  }
0x3d: {  	s19 =	sadd.s32 $0x100, s19;
	s21 =	smov.u32 s24;
	[sflag:s10] =	ssyncset.done $0x0  }
0x3e: {  	s21 =	sadd.s32 s20, s8;
	[sflag:s10] =	ssyncadd.s32 $0xFFFFC000  }
0x3f: {  	[tilespmem:s13], [sflag:$0x1] =	stream.linear.gather [hbm4b:s21+s4], $0x4000, $0x38;
	[tilespmem:$0x1D400] =	vst v63  }
0x40: {  	s30 =	sadd.s32 s20, s9  }
0x41: {  	[tilespmem:s14], [sflag:$0x2] =	stream.linear.gather [hbm4b:s30+s4], $0x4000, $0x38;
	[tilespmem:$0x1D400] =	vst v63  }
0x42: {  	_ =	swait.ge [sflag:s15], $0x4000  }
0x43: {  	[sflag:s15] =	ssyncset.done $0x0  }
0x44: {  	[sflag:s15] =	ssyncadd.s32 $0xFFFFC000  }
0x45: {  	[spmem:s3] =	stream.indirect.scatter.add.f32 [tilespmem:s13], [sflag:$0x3], $0x80, s19, s16, $0xb8;
	[tilespmem:$0x1D400] =	vst v63  }
0x46: {  	_ =	swait.ge [sflag:s10], $0x4000  }
0x47: {  	[sflag:s10] =	ssyncset.done $0x0  }
0x48: {  	[sflag:s10] =	ssyncadd.s32 $0xFFFFC000  }
0x49: {  	_ =	swait.ge [sflag:s17], $0x4000  }
0x4a: {  	[sflag:s17] =	ssyncset.done $0x0  }
0x4b: {  	s31 =	sadd.s32 $0x80, s19;
	[sflag:s17] =	ssyncadd.s32 $0xFFFFC000  }
0x4c: {  	[spmem:s3] =	stream.indirect.scatter.add.f32 [tilespmem:s14], [sflag:$0x3], $0x80, s31, s16, $0xb8;
	[tilespmem:$0x1D400] =	vst v63  }
0x4d: {  	_ =	swait.ge [sflag:s10], $0x4000  }
0x4e: {  	s18 =	sadd.s32 $0x1, s18;
	[sflag:s10] =	ssyncset.done $0x0  }
0x4f: {  	p0 =	sne.s32 s18, s7;
	[sflag:s10] =	ssyncadd.s32 $0xFFFFC000  }
.Ltmp1:
0x50: {  	[bflag:$0x0] =	sbarrier.arrive $0xFFFF;
	(pc) =	sbr.rel @p0 .LBB2_1-.Ltmp1, $4  }
0x51: {  	[hbm:s6], [sflag:s11] =	dma.local [spmem:s12], $0x2800  }
0x52: {  	_ =	swait.ge [sflag:s10], $0x2800  }
0x53: {  	[sflag:s10] =	ssyncset.done $0x0  }
0x54: {  	[sflag:s10] =	ssyncadd.s32 $0xFFFFD800  }
0x55: {  	_ =	sfence.sel $0x180000  }
0x56: {  	[bflag:$0x0] =	sbarrier.arrive $0xFFFF  }
0x57: {  	p0 =	sne.s32 s0, $0x0;
	_ =	strace $0x90000059  }
0x58: {  	s0 =	sadd.s32 @!p0 $0x100000, s1;
	[bflag:$0x2] =	sbarrier.arrive $0xFFFF  }
0x59: {  	[sflag:s0] =	ssyncadd.tile.s32 @!p0 $0x1;
	_ =	shalt  }
.Lfunc_end2:
_tile_overlayer_lowered:
.L_overlay_start_2:
0x5a: {  	(tag) =	ssettag $0x2  }
0x5b: {  	s0 =	rddreg [dreg:$0x0];
	s2 =	stileid.u32  }
0x5c: {  	s1 =	rddreg [dreg:$0x1];
	p0 =	sne.s32 s2, $0x0  }
0x5d: {  	s3 =	rddreg [dreg:$0x2];
	[bflag:$0x3] =	sbarrier.arrive $0xFFFF;
	s2 =	simm.s32 @!p0 $0x1C03  }
0x5e: {  	[timem:s3], [sflag:s2] =	dma.local @!p0 [hbm:s0], s1  }
0x5f: {  	s0 =	simm.s32 @!p0 $0x3  }
0x60: {  	_ =	swait.ge @!p0 [sflag:s0], s1  }
0x61: {  	s1 =	ssub.s32 @!p0 $0x0, s1;
	[sflag:s0] =	ssyncset.done @!p0 $0x0  }
0x62: {  	[sflag:s0] =	ssyncadd.s32 @!p0 s1  }
0x63: {  	[bflag:$0x3] =	sbarrier.arrive $0xFFFF  }
0x64: {  	_ =	shalt  }

// kernel: k3_16.4.cloned.1.call-start
scs
__scs_entry_jumppad:
0x0: {  	(pc) =	sbr.rel $0x88, $3  }
0x1: {  	(tag) =	ssettag $0x0;
	lr =	simm.s32 $0x1  }
0x2: {  	[smem:$0x3F91] =	sst lr;
	_ =	strace $0xD0000000  }
0x3: {  	_ = 	snop  }
0x4: {  	_ = 	snop  }
0x5: {  	_ = 	snop  }
0x6: {  	_ = 	snop  }
0x7: {  	_ = 	snop  }
__scs_overlays_trampoline_lowered:
0x8: {  	[smem:$0x3FA0] =	sst s0  }
0x9: {  	[smem:$0x3FA1] =	sst s1  }
0xa: {  	[smem:$0x3FA2] =	sst s2  }
0xb: {  	[smem:$0x3FA3] =	sst s3  }
0xc: {  	[smem:$0x3FA4] =	sst s4  }
0xd: {  	[smem:$0x3FA5] =	sst s5  }
0xe: {  	[smem:$0x3FA6] =	sst s6  }
0xf: {  	[smem:$0x3FA7] =	sst s7  }
0x10: {  	[smem:$0x3FA8] =	sst s8  }
0x11: {  	[smem:$0x3FA9] =	sst s9;
	s0 =	simm.s32 @!p0 $0x0  }
0x12: {  	s1 =	sld [smem:$0x3F8F];
	s0 =	simm.s32 @p0 $0x1  }
0x13: {  	[smem:$0x3FAA] =	sst s0;
	s0 =	simm.s32 @!p1 $0x0  }
0x14: {  	s2 =	sld [smem:$0x3F8E];
	s0 =	simm.s32 @p1 $0x1  }
0x15: {  	[smem:$0x3FAB] =	sst s0;
	s0 =	simm.s32 @!p2 $0x0  }
0x16: {  	s3 =	sld [smem:$0x3FDB];
	s0 =	simm.s32 @p2 $0x1  }
0x17: {  	s4 =	simm.s32 $0x1BF5;
	[smem:$0x3FAD] =	sst s0  }
0x18: {  	s0 =	sld [smem:$0x3F90];
	_ =	swait.ge [sflag:s4], $0x0  }
0x19: {  	s7 =	sld [smem:$0x3F91]  }
0x1a: {  	s8 =	sadd.s32 $0xFFFFE003, lr  }
0x1b: {  	s9 =	sadd.s32 $0xFFFFFEF7, lr;
	s5 =	simm.s32 $0xFFFFFFFF;
	p2 =	slt.u32 s8, $0xFFFFF086  }
0x1c: {  	p1 =	slt.u32 s9, $0xF7A;
	s5 =	simm.s32 @!p2 $0x0  }
0x1d: {  	s5 =	simm.s32 @p1 $0x1;
	p0 =	seq.s32 s7, s2  }
0x1e: {  	s7 =	smul.u32 @!p0 $0xF7A, s2;
	p2 =	seq.s32 @!p0 s5, $0x0  }
0x1f: {  	s9 =	smul.u32 $0xF7A, s1;
	s8 =	simm.s32 @!p0 $0x1BF5;
	p2 =	por !p2, p0  }
0x20: {  	[sflag:s8] =	ssyncset.s32 @!p0 $0xFFFFF086;
	s6 =	sadd.s32 @!p0 s3, s7;
	s7 =	simm.s32 @!p0 $0x108  }
0x21: {  	s3 =	sadd.s32 s3, s9;
	s6 =	sadd.s32 @!p0 $0x88, s6;
	s7 =	simm.s32 @p2 $0x1082  }
0x22: {  	[simem:s7], [sflag:s8] =	dma.local @!p0 [hbm:s6], $0xF7A  }
0x23: {  	s9 =	sor.u32 $0xD0000000, s2;
	s6 =	simm.s32 $0x108;
	_ =	swait.ge @!p0 [sflag:s8], $0x0  }
0x24: {  	s3 =	sadd.s32 $0x88, s3;
	s6 =	simm.s32 @!p1 $0x1082;
	[sflag:s4] =	ssyncset.s32 $0xFFFFF086  }
0x25: {  	[simem:s6], [sflag:s4] =	dma.local [hbm:s3], $0xF7A  }
0x26: {  	[smem:$0x3F91] =	sst s1;
	(tag) =	ssettag s2;
	_ =	strace s9  }
0x27: {  	s1 =	sld [smem:$0x3FA1]  }
0x28: {  	s2 =	sld [smem:$0x3FA2]  }
0x29: {  	s4 =	sld [smem:$0x3FA4]  }
0x2a: {  	p0 =	seq.s32 s5, $0x0;
	s5 =	sld [smem:$0x3FA5]  }
0x2b: {  	s6 =	sld [smem:$0x3FA6]  }
0x2c: {  	s7 =	sld [smem:$0x3FA7]  }
0x2d: {  	s3 =	simm.s32 $0x108;
	s8 =	sld [smem:$0x3FA8]  }
0x2e: {  	s3 =	simm.s32 @!p0 $0x1082;
	s9 =	sld [smem:$0x3FA9]  }
0x2f: {  	lr =	sadd.s32 s0, s3;
	s0 =	sld [smem:$0x3FA0]  }
0x30: {  	s3 =	sld [smem:$0x3FA3]  }
0x31: {  	[smem:$0x3FAC] =	sst s10  }
0x32: {  	s10 =	sld [smem:$0x3FAA];
	_ =	sdelay $0x3  }
0x33: {  	p0 =	seq.s32 s10, $0x1;
	s10 =	sld [smem:$0x3FAC];
	_ =	sdelay $0x3  }
0x34: {  	[smem:$0x3FAC] =	sst s10  }
0x35: {  	s10 =	sld [smem:$0x3FAB];
	_ =	sdelay $0x3  }
0x36: {  	p1 =	seq.s32 s10, $0x1;
	s10 =	sld [smem:$0x3FAC];
	_ =	sdelay $0x3  }
0x37: {  	[smem:$0x3FAC] =	sst s10  }
0x38: {  	s10 =	sld [smem:$0x3FAD]  }
0x39: {  	_ = 	snop;
	(pc) =	sbr.ind lr, $3  }
0x3a: {  	_ = 	snop  }
0x3b: {  	_ = 	snop  }
0x3c: {  	p2 =	seq.s32 s10, $0x1;
	s10 =	sld [smem:$0x3FAC]  }
0x3d: {  	_ =	shalt  }
0x3e: {  	_ =	shalt  }
0x3f: {  	_ =	shalt  }
0x40: {  	_ =	shalt  }
0x41: {  	_ =	shalt  }
0x42: {  	_ =	shalt  }
0x43: {  	_ =	shalt  }
0x44: {  	_ =	shalt  }
0x45: {  	_ =	shalt  }
0x46: {  	_ =	shalt  }
0x47: {  	_ =	shalt  }
0x48: {  	_ =	shalt  }
0x49: {  	_ =	shalt  }
0x4a: {  	_ =	shalt  }
0x4b: {  	_ =	shalt  }
0x4c: {  	_ =	shalt  }
0x4d: {  	_ =	shalt  }
0x4e: {  	_ =	shalt  }
0x4f: {  	_ =	shalt  }
0x50: {  	_ =	shalt  }
0x51: {  	_ =	shalt  }
0x52: {  	_ =	shalt  }
0x53: {  	_ =	shalt  }
0x54: {  	_ =	shalt  }
0x55: {  	_ =	shalt  }
0x56: {  	_ =	shalt  }
0x57: {  	_ =	shalt  }
0x58: {  	_ =	shalt  }
0x59: {  	_ =	shalt  }
0x5a: {  	_ =	shalt  }
0x5b: {  	_ =	shalt  }
0x5c: {  	_ =	shalt  }
0x5d: {  	_ =	shalt  }
0x5e: {  	_ =	shalt  }
0x5f: {  	_ =	shalt  }
0x60: {  	_ =	shalt  }
0x61: {  	_ =	shalt  }
0x62: {  	_ =	shalt  }
0x63: {  	_ =	shalt  }
0x64: {  	_ =	shalt  }
0x65: {  	_ =	shalt  }
0x66: {  	_ =	shalt  }
0x67: {  	_ =	shalt  }
0x68: {  	_ =	shalt  }
0x69: {  	_ =	shalt  }
0x6a: {  	_ =	shalt  }
0x6b: {  	_ =	shalt  }
0x6c: {  	_ =	shalt  }
0x6d: {  	_ =	shalt  }
0x6e: {  	_ =	shalt  }
0x6f: {  	_ =	shalt  }
0x70: {  	_ =	shalt  }
0x71: {  	_ =	shalt  }
0x72: {  	_ =	shalt  }
0x73: {  	_ =	shalt  }
0x74: {  	_ =	shalt  }
0x75: {  	_ =	shalt  }
0x76: {  	_ =	shalt  }
0x77: {  	_ =	shalt  }
0x78: {  	_ =	shalt  }
0x79: {  	_ =	shalt  }
0x7a: {  	_ =	shalt  }
0x7b: {  	_ =	shalt  }
0x7c: {  	_ =	shalt  }
0x7d: {  	_ =	shalt  }
0x7e: {  	_ =	shalt  }
0x7f: {  	_ =	shalt  }
0x80: {  	_ =	shalt  }
0x81: {  	_ =	shalt  }
0x82: {  	_ =	shalt  }
0x83: {  	_ =	shalt  }
0x84: {  	_ =	shalt  }
0x85: {  	_ =	shalt  }
0x86: {  	_ =	shalt  }
0x87: {  	_ =	shalt  }
.Lfunc_end0:
.L_simem_size_0:
called_computation.3_lowered:
.L_overlay_start_0:
0x88: {  	s2 =	sld [smem:$0x3FD9]  }
0x89: {  	s3 =	sld [smem:$0x3FFE];
	_ =	sdelay $0x1  }
0x8a: {  	s1 =	srdreg.scid  }
0x8b: {  	s0 =	sand.u32 $0x1, s1  }
0x8c: {  	s15 =	sshll.u32 s0, $0xA;
	s2 =	sadd.s32 s3, s2  }
0x8d: {  	s2 =	sadd.s32 s2, s15  }
0x8e: {  	[smem:$0x3FB8] =	sst s2  }
0x8f: {  	_ = 	snop  }
0x90: {  	s2 =	sld [smem:$0x3FD0];
	_ =	sdelay $0x2  }
0x91: {  	s16 =	simm.s32 $0xD;
	s4 =	simm.s32 $0x10  }
0x92: {  	[smem:s4], [sflag:s16] =	dma.local [hbm:s2], $0x1  }
0x93: {  	_ =	swait.eq [sflag:s16], $0x1  }
0x94: {  	[sflag:s16] =	ssyncset.done $0x0  }
0x95: {  	[sflag:s16] =	ssyncadd.s32 $0xFFFFFFFF  }
0x96: {  	s17 =	sld [smem:$0x11];
	(tm) =	ssettm $0x1  }
0x97: {  	s18 =	sld [smem:$0x3FFB];
	_ =	sdelay $0x3  }
0x98: {  	_ =	strace s18  }
0x99: {  	s2 =	sld [smem:$0x3FFC];
	_ =	sdelay $0x3  }
0x9a: {  	_ =	strace s2  }
0x9b: {  	s2 =	sld [smem:$0x3FFD];
	_ =	sdelay $0x3  }
0x9c: {  	_ =	strace s2  }
0x9d: {  	_ =	strace $0x8FFFFFFF  }
0x9e: {  	s19 =	sld [smem:$0x3FDB];
	_ =	sdelay $0x1  }
0x9f: {  	s20 =	simm.s32 $_scs_section_size  }
0xa0: {  	s5 =	simm.s32 $_size__tile_overlayer_lowered;
	s6 =	simm.s32 $_tile_overlayer_lowered  }
0xa1: {  	s7 =	simm.s32 $0x1BFF;
	s21 =	sshll.u32 s6, $0x1;
	s4 =	sadd.s32 s20, s19  }
0xa2: {  	s22 =	simm.s32 $0x0;
	s5 =	sshll.u32 s5, $0x1;
	s6 =	sadd.s32 s21, s4  }
0xa3: {  	[timem:s22], [sflag:s7] =	dma.local [hbm:s6], s5  }
0xa4: {  	_ =	swait.ge [sflag:s7], s5  }
0xa5: {  	s5 =	ssub.s32 $0x0, s5;
	[sflag:s7] =	ssyncset.done $0x0  }
0xa6: {  	[sflag:s7] =	ssyncadd.s32 s5;
	_ =	sdelay $0x1  }
0xa7: {  	s23 =	simm.s32 $0x1B8B  }
0xa8: {  	_ =	swait.ge [sflag:s23], $0x1  }
0xa9: {  	[sflag:s23] =	ssyncset.done $0x0  }
0xaa: {  	[sflag:s23] =	ssyncadd.s32 $0xFFFFFFFF  }
0xab: {  	s5 =	sld [smem:$0x0]  }
0xac: {  	s6 =	sand.u32 $0xFFFFFFFE, s1  }
0xad: {  	p0 =	sne.s32 s1, s6  }
0xae: {  	s6 =	sshll.u32 @p0 s6, $0xE  }
0xaf: {  	s6 =	sadd.s32 @p0 $0x11B8D, s6;
	s7 =	sshll.u32 @p0 s5, $0x11  }
0xb0: {  	s6 =	sor.u32 @p0 s7, s6  }
0xb1: {  	[sflag:s6] =	ssyncadd.remote.s32 @p0 $0x1;
	_ =	sdelay $0x1  }
0xb2: {  	s6 =	simm.s32 @p0 $0x1B8D  }
0xb3: {  	_ =	swait.eq @p0 [sflag:s6], $0x1  }
0xb4: {  	[sflag:s6] =	ssyncadd.s32 @p0 $0xFFFFFFFF  }
0xb5: {  	s7 =	sshll.u32 @!p0 s1, $0xE  }
0xb6: {  	s7 =	sor.u32 @!p0 $0x4000, s7;
	s6 =	simm.s32 @!p0 $0x1B8D  }
0xb7: {  	s5 =	sshll.u32 @!p0 s5, $0x11;
	s7 =	sadd.s32 @!p0 $0x11B8D, s7;
	_ =	swait.eq @!p0 [sflag:s6], $0x1  }
0xb8: {  	s5 =	sor.u32 @!p0 s5, s7;
	[sflag:s6] =	ssyncadd.s32 @!p0 $0xFFFFFFFF  }
0xb9: {  	s25 =	simm.s32 $0x1B8E;
	s24 =	sld [smem:$0x3FFE];
	[sflag:s5] =	ssyncadd.remote.s32 @!p0 $0x1  }
0xba: {  	s26 =	simm.s32 $execute0_lowered;
	[smem:$0x3FD2] =	sst s25  }
0xbb: {  	s6 =	sshll.u32 s26, $0x1;
	_ =	strace $0x80000055;
	[dreg:$0x1] =	wrdreg $0xFFFFFFFF  }
0xbc: {  	s28 =	simm.s32 $_size_execute0_lowered;
	s4 =	sadd.s32 s4, s6;
	[dreg:$0x0] =	wrdreg $0x0  }
0xbd: {  	s6 =	sshll.u32 s28, $0x1;
	[dreg:$0x2] =	wrdreg s4  }
0xbe: {  	[dreg:$0x3] =	wrdreg s6  }
0xbf: {  	[dreg:$0x4] =	wrdreg $0xC0  }
0xc0: {  	_ =	task [dreg:s22], $0x5FFFF  }
0xc1: {  	[dreg:$0x1] =	wrdreg $0xFFFFFFFF  }
0xc2: {  	[dreg:$0x0] =	wrdreg $0x60  }
0xc3: {  	[dreg:$0x2] =	wrdreg s24  }
0xc4: {  	[dreg:$0x3] =	wrdreg s17  }
0xc5: {  	[dreg:$0x4] =	wrdreg $0x24000  }
0xc6: {  	[dreg:$0x5] =	wrdreg $0xB  }
0xc7: {  	_ =	task.clear_ibuf [dreg:s22], $0x6FFFF;
	_ =	strace $0x90000055  }
0xc8: {  	s29 =	simm.s32 $0xB;
	_ =	strace $0x80000057  }
0xc9: {  	_ =	swait.ge [sflag:s29], $0x1  }
0xca: {  	[sflag:s29] =	ssyncadd.s32 $0xFFFFFFFF  }
0xcb: {  	_ =	strace $0x90000057  }
0xcc: {  	_ =	sfence  }
0xcd: {  	s30 =	sld [smem:$0x0];
	_ =	sdelay $0x2  }
0xce: {  	s31 =	sshll.u32 s1, $0xD;
	s1 =	sshrl.u32 s1, $0x2  }
0xcf: {  	s4 =	sand.u32 $0x4000, s31;
	s1 =	sadd.s32 s1, s30  }
0xd0: {  	s0 =	sor.u32 s4, s0;
	s1 =	sshll.u32 s1, $0x11  }
0xd1: {  	s0 =	sor.u32 s1, s0  }
0xd2: {  	s0 =	sadd.s32 $0x8F2B, s0  }
0xd3: {  	[sflag:s0] =	ssyncadd.remote.s32 $0x1  }
0xd4: {  	_ =	sfence.sel $0xFFFF  }
0xd5: {  	[dreg:$0x0] =	wrdreg $0xFFFFFFFF;
	(pc) =	sbr.abs _section_cstart, $3  }
0xd6: {  	[dreg:$0x1] =	wrdreg $0xFFFFFFFF  }
0xd7: {  	_ =	task.clear_ibuf [dreg:s22], $0x2FFFF;
	_ =	strace $0x9FFFFFFF  }
0xd8: {  	(tm) =	ssettm $0x7FFFFFFF  }
0xd9: {  	_ =	shalt  }
tec
execute0_lowered:
.L_overlay_start_1:
0x0: {  	(tag) =	ssettag $0x1  }
0x1: {  	s4 =	rddreg [dreg:$0x0]  }
0x2: {  	s1 =	srdreg.scid;
	s6 =	rddreg [dreg:$0x1]  }
0x3: {  	s0 =	stileid.u32;
	s2 =	rddreg [dreg:$0x2];
	s3 =	simm.s32 $0x0  }
0x4: {  	s15 =	simm.s32 $0x1;
	s16 =	simm.s32 $0x80;
	s17 =	simm.s32 $0x2  }
0x5: {  	s18 =	simm.s32 $0x0;
	s7 =	sand.u32 $0x1, s1;
	s8 =	smul.u32 $0x2800, s0  }
0x6: {  	s25 =	sshll.u32 s0, $0x1;
	s1 =	rddreg [dreg:$0x3];
	s13 =	smul.u32 $0x28000, s0  }
0x7: {  	[smem:$0x7FF] =	sst s3;
	s11 =	sadd.s32 $0x1868800, s4;
	s10 =	smul.u32 $0x28000, s7  }
0x8: {  	s31 =	sshll.u32 s0, $0x6;
	s5 =	sor.u32 s7, s25;
	s26 =	smul.u32 $0x1400, s7  }
0x9: {  	_ =	strace $0x80000056;
	s9 =	ssub.s32 $0x2, s7;
	s7 =	smul.u32 $0x14000, s7  }
0xa: {  	s5 =	smul.u32 $0x1400, s5;
	s12 =	sshrl.u32 s9, $0x1;
	s14 =	sadd.s32 s8, s2  }
0xb: {  	s9 =	ssub.s32 s9, s12;
	s10 =	sadd.s32 s8, s10;
	s8 =	sadd.s32 s26, s8  }
0xc: {  	s28 =	sadd.s32 s7, s13;
	s12 =	sshrl.u32 s14, $0x3;
	s13 =	simm.s32 $0x1400  }
0xd: {  	s14 =	simm.s32 $0x1C00;
	s5 =	sshrl.u32 s5, $0x3;
	s10 =	sshrl.u32 s10, $0x3  }
0xe: {  	s8 =	sshll.u32 s8, $0x1;
	s7 =	smax.u32 s9, $0x1;
	s29 =	sshrl.u32 s28, $0x3  }
0xf: {  	s5 =	sadd.s32 s5, s4;
	s4 =	sadd.s32 $0x35800, s4;
	s6 =	sadd.s32 s6, s10  }
0x10: {  	s30 =	sadd.s32 s8, s11;
	s8 =	sadd.s32 s29, s11;
	s10 =	simm.s32 $0x3  }
0x11: {  	s11 =	sor.u32 $0x1C03, s31;
	s5 =	sadd.s32 $0x661800, s5;
	s9 =	sadd.s32 $0x100, s30  }
.LBB2_1:
0x12: {  	[tilespmem:s3], [sflag:$0x3] =	stream.linear.gather [hbm4b:s5+s3], $0x1400, $0x38;
	[tilespmem:$0x4C00] =	vst v63  }
0x13: {  	_ =	swait.ge [sflag:s10], $0x1400  }
0x14: {  	[sflag:s10] =	ssyncset.done $0x0  }
0x15: {  	[sflag:s10] =	ssyncadd.s32 $0xFFFFEC00  }
0x16: {  	[spmem:s12], [sflag:s11] =	dma.local [hbm:s4], $0x500  }
0x17: {  	_ =	swait.ge [sflag:s10], $0x500  }
0x18: {  	[sflag:s10] =	ssyncset.done $0x0  }
0x19: {  	[sflag:s10] =	ssyncadd.s32 $0xFFFFFB00  }
0x1a: {  	s19 =	sadd.s32 $0x0, s8;
	[bflag:$0x0] =	sbarrier.arrive $0xFFFF  }
0x1b: {  	[tilespmem:s13], [sflag:$0x1] =	stream.linear.gather [hbm4b:s19+s3], $0x800, $0x38;
	[tilespmem:$0x4C00] =	vst v63  }
0x1c: {  	s30 =	sadd.s32 $0x0, s9  }
0x1d: {  	[tilespmem:s14], [sflag:$0x2] =	stream.linear.gather [hbm4b:s30+s3], $0x800, $0x38;
	[tilespmem:$0x4C00] =	vst v63  }
0x1e: {  	_ =	swait.ge [sflag:s15], $0x800  }
0x1f: {  	[sflag:s15] =	ssyncset.done $0x0  }
0x20: {  	[sflag:s15] =	ssyncadd.s32 $0xFFFFF800  }
0x21: {  	[spmem:s2] =	stream.indirect.scatter.add.f32 [tilespmem:s13], [sflag:$0x3], $0x10, s3, s16, $0xb8;
	[tilespmem:$0x4C00] =	vst v63  }
0x22: {  	_ =	swait.ge [sflag:s10], $0x800  }
0x23: {  	[sflag:s10] =	ssyncset.done $0x0  }
0x24: {  	[sflag:s10] =	ssyncadd.s32 $0xFFFFF800  }
0x25: {  	_ =	swait.ge [sflag:s17], $0x800  }
0x26: {  	[sflag:s17] =	ssyncset.done $0x0  }
0x27: {  	s31 =	simm.s32 $0x80;
	[sflag:s17] =	ssyncadd.s32 $0xFFFFF800  }
0x28: {  	[spmem:s2] =	stream.indirect.scatter.add.f32 [tilespmem:s14], [sflag:$0x3], $0x10, s31, s16, $0xb8;
	[tilespmem:$0x4C00] =	vst v63  }
0x29: {  	s20 =	simm.s32 $0x200;
	_ =	swait.ge [sflag:s10], $0x800  }
0x2a: {  	s21 =	simm.s32 $0x400;
	s19 =	simm.s32 $0x100;
	[sflag:s10] =	ssyncset.done $0x0  }
.LBB2_2:
0x2b: {  	s22 =	sadd.s32 s20, s8  }
0x2c: {  	[sflag:s10] =	ssyncadd.s32 $0xFFFFF800;
	s23 =	smov.u32 s21;
	s24 =	sadd.s32 $0x200, s21  }
0x2d: {  	[tilespmem:s13], [sflag:$0x1] =	stream.linear.gather [hbm4b:s22+s3], $0x800, $0x38;
	[tilespmem:$0x4C00] =	vst v63  }
0x2e: {  	p0 =	sne.s32 s21, $0x2600;
	s21 =	sadd.s32 s20, s9;
	s20 =	smov.u32 s23  }
0x2f: {  	[tilespmem:s14], [sflag:$0x2] =	stream.linear.gather [hbm4b:s21+s3], $0x800, $0x38;
	[tilespmem:$0x4C00] =	vst v63  }
0x30: {  	_ =	swait.ge [sflag:s15], $0x800  }
0x31: {  	[sflag:s15] =	ssyncset.done $0x0  }
0x32: {  	[sflag:s15] =	ssyncadd.s32 $0xFFFFF800  }
0x33: {  	[spmem:s2] =	stream.indirect.scatter.add.f32 [tilespmem:s13], [sflag:$0x3], $0x10, s19, s16, $0xb8;
	[tilespmem:$0x4C00] =	vst v63  }
0x34: {  	_ =	swait.ge [sflag:s10], $0x800  }
0x35: {  	[sflag:s10] =	ssyncset.done $0x0  }
0x36: {  	[sflag:s10] =	ssyncadd.s32 $0xFFFFF800  }
0x37: {  	_ =	swait.ge [sflag:s17], $0x800  }
.Ltmp0:
0x38: {  	[sflag:s17] =	ssyncset.done $0x0;
	(pc) =	sbr.rel @p0 .LBB2_2-.Ltmp0, $4  }
0x39: {  	s21 =	sadd.s32 $0x80, s19;
	[sflag:s17] =	ssyncadd.s32 $0xFFFFF800  }
0x3a: {  	[spmem:s2] =	stream.indirect.scatter.add.f32 [tilespmem:s14], [sflag:$0x3], $0x10, s21, s16, $0xb8;
	[tilespmem:$0x4C00] =	vst v63  }
0x3b: {  	_ =	swait.ge [sflag:s10], $0x800  }
0x3c: {  	s19 =	sadd.s32 $0x100, s19;
	s21 =	smov.u32 s24;
	[sflag:s10] =	ssyncset.done $0x0  }
0x3d: {  	s21 =	sadd.s32 s20, s8;
	[sflag:s10] =	ssyncadd.s32 $0xFFFFF800  }
0x3e: {  	[tilespmem:s13], [sflag:$0x1] =	stream.linear.gather [hbm4b:s21+s3], $0x800, $0x38;
	[tilespmem:$0x4C00] =	vst v63  }
0x3f: {  	s30 =	sadd.s32 s20, s9  }
0x40: {  	[tilespmem:s14], [sflag:$0x2] =	stream.linear.gather [hbm4b:s30+s3], $0x800, $0x38;
	[tilespmem:$0x4C00] =	vst v63  }
0x41: {  	_ =	swait.ge [sflag:s15], $0x800  }
0x42: {  	[sflag:s15] =	ssyncset.done $0x0  }
0x43: {  	[sflag:s15] =	ssyncadd.s32 $0xFFFFF800  }
0x44: {  	[spmem:s2] =	stream.indirect.scatter.add.f32 [tilespmem:s13], [sflag:$0x3], $0x10, s19, s16, $0xb8;
	[tilespmem:$0x4C00] =	vst v63  }
0x45: {  	_ =	swait.ge [sflag:s10], $0x800  }
0x46: {  	[sflag:s10] =	ssyncset.done $0x0  }
0x47: {  	[sflag:s10] =	ssyncadd.s32 $0xFFFFF800  }
0x48: {  	_ =	swait.ge [sflag:s17], $0x800  }
0x49: {  	[sflag:s17] =	ssyncset.done $0x0  }
0x4a: {  	s31 =	sadd.s32 $0x80, s19;
	[sflag:s17] =	ssyncadd.s32 $0xFFFFF800  }
0x4b: {  	[spmem:s2] =	stream.indirect.scatter.add.f32 [tilespmem:s14], [sflag:$0x3], $0x10, s31, s16, $0xb8;
	[tilespmem:$0x4C00] =	vst v63  }
0x4c: {  	_ =	swait.ge [sflag:s10], $0x800  }
0x4d: {  	s18 =	sadd.s32 $0x1, s18;
	[sflag:s10] =	ssyncset.done $0x0  }
0x4e: {  	p0 =	sne.s32 s18, s7;
	[sflag:s10] =	ssyncadd.s32 $0xFFFFF800  }
.Ltmp1:
0x4f: {  	[bflag:$0x0] =	sbarrier.arrive $0xFFFF;
	(pc) =	sbr.rel @p0 .LBB2_1-.Ltmp1, $4  }
0x50: {  	[hbm:s6], [sflag:s11] =	dma.local [spmem:s12], $0x500  }
0x51: {  	_ =	swait.ge [sflag:s10], $0x500  }
0x52: {  	[sflag:s10] =	ssyncset.done $0x0  }
0x53: {  	[sflag:s10] =	ssyncadd.s32 $0xFFFFFB00  }
0x54: {  	_ =	sfence.sel $0x180000  }
0x55: {  	[bflag:$0x0] =	sbarrier.arrive $0xFFFF  }
0x56: {  	p0 =	sne.s32 s0, $0x0;
	_ =	strace $0x90000056  }
0x57: {  	s0 =	sadd.s32 @!p0 $0x100000, s1;
	[bflag:$0x2] =	sbarrier.arrive $0xFFFF  }
0x58: {  	[sflag:s0] =	ssyncadd.tile.s32 @!p0 $0x1;
	_ =	shalt  }
.Lfunc_end2:
_tile_overlayer_lowered:
.L_overlay_start_2:
0x59: {  	(tag) =	ssettag $0x2  }
0x5a: {  	s0 =	rddreg [dreg:$0x0];
	s2 =	stileid.u32  }
0x5b: {  	s1 =	rddreg [dreg:$0x1];
	p0 =	sne.s32 s2, $0x0  }
0x5c: {  	s3 =	rddreg [dreg:$0x2];
	[bflag:$0x3] =	sbarrier.arrive $0xFFFF;
	s2 =	simm.s32 @!p0 $0x1C03  }
0x5d: {  	[timem:s3], [sflag:s2] =	dma.local @!p0 [hbm:s0], s1  }
0x5e: {  	s0 =	simm.s32 @!p0 $0x3  }
0x5f: {  	_ =	swait.ge @!p0 [sflag:s0], s1  }
0x60: {  	s1 =	ssub.s32 @!p0 $0x0, s1;
	[sflag:s0] =	ssyncset.done @!p0 $0x0  }
0x61: {  	[sflag:s0] =	ssyncadd.s32 @!p0 s1  }
0x62: {  	[bflag:$0x3] =	sbarrier.arrive $0xFFFF  }
0x63: {  	_ =	shalt  }

// kernel: k3_16.7.cloned.1.call-start
scs
__scs_entry_jumppad:
0x0: {  	(pc) =	sbr.rel $0x88, $3  }
0x1: {  	(tag) =	ssettag $0x0;
	lr =	simm.s32 $0x1  }
0x2: {  	[smem:$0x3F91] =	sst lr;
	_ =	strace $0xD0000000  }
0x3: {  	_ = 	snop  }
0x4: {  	_ = 	snop  }
0x5: {  	_ = 	snop  }
0x6: {  	_ = 	snop  }
0x7: {  	_ = 	snop  }
__scs_overlays_trampoline_lowered:
0x8: {  	[smem:$0x3FA0] =	sst s0  }
0x9: {  	[smem:$0x3FA1] =	sst s1  }
0xa: {  	[smem:$0x3FA2] =	sst s2  }
0xb: {  	[smem:$0x3FA3] =	sst s3  }
0xc: {  	[smem:$0x3FA4] =	sst s4  }
0xd: {  	[smem:$0x3FA5] =	sst s5  }
0xe: {  	[smem:$0x3FA6] =	sst s6  }
0xf: {  	[smem:$0x3FA7] =	sst s7  }
0x10: {  	[smem:$0x3FA8] =	sst s8  }
0x11: {  	[smem:$0x3FA9] =	sst s9;
	s0 =	simm.s32 @!p0 $0x0  }
0x12: {  	s1 =	sld [smem:$0x3F8F];
	s0 =	simm.s32 @p0 $0x1  }
0x13: {  	[smem:$0x3FAA] =	sst s0;
	s0 =	simm.s32 @!p1 $0x0  }
0x14: {  	s2 =	sld [smem:$0x3F8E];
	s0 =	simm.s32 @p1 $0x1  }
0x15: {  	[smem:$0x3FAB] =	sst s0;
	s0 =	simm.s32 @!p2 $0x0  }
0x16: {  	s3 =	sld [smem:$0x3FDB];
	s0 =	simm.s32 @p2 $0x1  }
0x17: {  	s4 =	simm.s32 $0x1BF5;
	[smem:$0x3FAD] =	sst s0  }
0x18: {  	s0 =	sld [smem:$0x3F90];
	_ =	swait.ge [sflag:s4], $0x0  }
0x19: {  	s7 =	sld [smem:$0x3F91]  }
0x1a: {  	s8 =	sadd.s32 $0xFFFFE003, lr  }
0x1b: {  	s9 =	sadd.s32 $0xFFFFFEF7, lr;
	s5 =	simm.s32 $0xFFFFFFFF;
	p2 =	slt.u32 s8, $0xFFFFF086  }
0x1c: {  	p1 =	slt.u32 s9, $0xF7A;
	s5 =	simm.s32 @!p2 $0x0  }
0x1d: {  	s5 =	simm.s32 @p1 $0x1;
	p0 =	seq.s32 s7, s2  }
0x1e: {  	s7 =	smul.u32 @!p0 $0xF7A, s2;
	p2 =	seq.s32 @!p0 s5, $0x0  }
0x1f: {  	s9 =	smul.u32 $0xF7A, s1;
	s8 =	simm.s32 @!p0 $0x1BF5;
	p2 =	por !p2, p0  }
0x20: {  	[sflag:s8] =	ssyncset.s32 @!p0 $0xFFFFF086;
	s6 =	sadd.s32 @!p0 s3, s7;
	s7 =	simm.s32 @!p0 $0x108  }
0x21: {  	s3 =	sadd.s32 s3, s9;
	s6 =	sadd.s32 @!p0 $0x88, s6;
	s7 =	simm.s32 @p2 $0x1082  }
0x22: {  	[simem:s7], [sflag:s8] =	dma.local @!p0 [hbm:s6], $0xF7A  }
0x23: {  	s9 =	sor.u32 $0xD0000000, s2;
	s6 =	simm.s32 $0x108;
	_ =	swait.ge @!p0 [sflag:s8], $0x0  }
0x24: {  	s3 =	sadd.s32 $0x88, s3;
	s6 =	simm.s32 @!p1 $0x1082;
	[sflag:s4] =	ssyncset.s32 $0xFFFFF086  }
0x25: {  	[simem:s6], [sflag:s4] =	dma.local [hbm:s3], $0xF7A  }
0x26: {  	[smem:$0x3F91] =	sst s1;
	(tag) =	ssettag s2;
	_ =	strace s9  }
0x27: {  	s1 =	sld [smem:$0x3FA1]  }
0x28: {  	s2 =	sld [smem:$0x3FA2]  }
0x29: {  	s4 =	sld [smem:$0x3FA4]  }
0x2a: {  	p0 =	seq.s32 s5, $0x0;
	s5 =	sld [smem:$0x3FA5]  }
0x2b: {  	s6 =	sld [smem:$0x3FA6]  }
0x2c: {  	s7 =	sld [smem:$0x3FA7]  }
0x2d: {  	s3 =	simm.s32 $0x108;
	s8 =	sld [smem:$0x3FA8]  }
0x2e: {  	s3 =	simm.s32 @!p0 $0x1082;
	s9 =	sld [smem:$0x3FA9]  }
0x2f: {  	lr =	sadd.s32 s0, s3;
	s0 =	sld [smem:$0x3FA0]  }
0x30: {  	s3 =	sld [smem:$0x3FA3]  }
0x31: {  	[smem:$0x3FAC] =	sst s10  }
0x32: {  	s10 =	sld [smem:$0x3FAA];
	_ =	sdelay $0x3  }
0x33: {  	p0 =	seq.s32 s10, $0x1;
	s10 =	sld [smem:$0x3FAC];
	_ =	sdelay $0x3  }
0x34: {  	[smem:$0x3FAC] =	sst s10  }
0x35: {  	s10 =	sld [smem:$0x3FAB];
	_ =	sdelay $0x3  }
0x36: {  	p1 =	seq.s32 s10, $0x1;
	s10 =	sld [smem:$0x3FAC];
	_ =	sdelay $0x3  }
0x37: {  	[smem:$0x3FAC] =	sst s10  }
0x38: {  	s10 =	sld [smem:$0x3FAD]  }
0x39: {  	_ = 	snop;
	(pc) =	sbr.ind lr, $3  }
0x3a: {  	_ = 	snop  }
0x3b: {  	_ = 	snop  }
0x3c: {  	p2 =	seq.s32 s10, $0x1;
	s10 =	sld [smem:$0x3FAC]  }
0x3d: {  	_ =	shalt  }
0x3e: {  	_ =	shalt  }
0x3f: {  	_ =	shalt  }
0x40: {  	_ =	shalt  }
0x41: {  	_ =	shalt  }
0x42: {  	_ =	shalt  }
0x43: {  	_ =	shalt  }
0x44: {  	_ =	shalt  }
0x45: {  	_ =	shalt  }
0x46: {  	_ =	shalt  }
0x47: {  	_ =	shalt  }
0x48: {  	_ =	shalt  }
0x49: {  	_ =	shalt  }
0x4a: {  	_ =	shalt  }
0x4b: {  	_ =	shalt  }
0x4c: {  	_ =	shalt  }
0x4d: {  	_ =	shalt  }
0x4e: {  	_ =	shalt  }
0x4f: {  	_ =	shalt  }
0x50: {  	_ =	shalt  }
0x51: {  	_ =	shalt  }
0x52: {  	_ =	shalt  }
0x53: {  	_ =	shalt  }
0x54: {  	_ =	shalt  }
0x55: {  	_ =	shalt  }
0x56: {  	_ =	shalt  }
0x57: {  	_ =	shalt  }
0x58: {  	_ =	shalt  }
0x59: {  	_ =	shalt  }
0x5a: {  	_ =	shalt  }
0x5b: {  	_ =	shalt  }
0x5c: {  	_ =	shalt  }
0x5d: {  	_ =	shalt  }
0x5e: {  	_ =	shalt  }
0x5f: {  	_ =	shalt  }
0x60: {  	_ =	shalt  }
0x61: {  	_ =	shalt  }
0x62: {  	_ =	shalt  }
0x63: {  	_ =	shalt  }
0x64: {  	_ =	shalt  }
0x65: {  	_ =	shalt  }
0x66: {  	_ =	shalt  }
0x67: {  	_ =	shalt  }
0x68: {  	_ =	shalt  }
0x69: {  	_ =	shalt  }
0x6a: {  	_ =	shalt  }
0x6b: {  	_ =	shalt  }
0x6c: {  	_ =	shalt  }
0x6d: {  	_ =	shalt  }
0x6e: {  	_ =	shalt  }
0x6f: {  	_ =	shalt  }
0x70: {  	_ =	shalt  }
0x71: {  	_ =	shalt  }
0x72: {  	_ =	shalt  }
0x73: {  	_ =	shalt  }
0x74: {  	_ =	shalt  }
0x75: {  	_ =	shalt  }
0x76: {  	_ =	shalt  }
0x77: {  	_ =	shalt  }
0x78: {  	_ =	shalt  }
0x79: {  	_ =	shalt  }
0x7a: {  	_ =	shalt  }
0x7b: {  	_ =	shalt  }
0x7c: {  	_ =	shalt  }
0x7d: {  	_ =	shalt  }
0x7e: {  	_ =	shalt  }
0x7f: {  	_ =	shalt  }
0x80: {  	_ =	shalt  }
0x81: {  	_ =	shalt  }
0x82: {  	_ =	shalt  }
0x83: {  	_ =	shalt  }
0x84: {  	_ =	shalt  }
0x85: {  	_ =	shalt  }
0x86: {  	_ =	shalt  }
0x87: {  	_ =	shalt  }
.Lfunc_end0:
.L_simem_size_0:
called_computation.7_lowered:
.L_overlay_start_0:
0x88: {  	s2 =	sld [smem:$0x3FD9]  }
0x89: {  	s3 =	sld [smem:$0x3FFE];
	_ =	sdelay $0x1  }
0x8a: {  	s1 =	srdreg.scid  }
0x8b: {  	s0 =	sand.u32 $0x1, s1  }
0x8c: {  	s17 =	sshll.u32 s0, $0xA;
	s2 =	sadd.s32 s3, s2  }
0x8d: {  	s2 =	sadd.s32 s2, s17  }
0x8e: {  	[smem:$0x3FB8] =	sst s2  }
0x8f: {  	_ = 	snop  }
0x90: {  	(tm) =	ssettm $0x1  }
0x91: {  	s18 =	sld [smem:$0x3FFB];
	_ =	sdelay $0x3  }
0x92: {  	_ =	strace s18  }
0x93: {  	s2 =	sld [smem:$0x3FFC];
	_ =	sdelay $0x3  }
0x94: {  	_ =	strace s2  }
0x95: {  	s2 =	sld [smem:$0x3FFD];
	_ =	sdelay $0x3  }
0x96: {  	_ =	strace s2  }
0x97: {  	_ =	strace $0x8FFFFFFF  }
0x98: {  	s19 =	sld [smem:$0x3FDB];
	_ =	sdelay $0x1  }
0x99: {  	s20 =	simm.s32 $_scs_section_size  }
0x9a: {  	s4 =	simm.s32 $_size__tile_overlayer_lowered;
	s5 =	simm.s32 $_tile_overlayer_lowered  }
0x9b: {  	s6 =	simm.s32 $0x1BFF;
	s21 =	sshll.u32 s5, $0x1;
	s3 =	sadd.s32 s20, s19  }
0x9c: {  	s22 =	simm.s32 $0x0;
	s4 =	sshll.u32 s4, $0x1;
	s5 =	sadd.s32 s21, s3  }
0x9d: {  	[timem:s22], [sflag:s6] =	dma.local [hbm:s5], s4  }
0x9e: {  	_ =	swait.ge [sflag:s6], s4  }
0x9f: {  	s4 =	ssub.s32 $0x0, s4;
	[sflag:s6] =	ssyncset.done $0x0  }
0xa0: {  	[sflag:s6] =	ssyncadd.s32 s4;
	_ =	sdelay $0x1  }
0xa1: {  	s23 =	simm.s32 $0x1B8B  }
0xa2: {  	_ =	swait.ge [sflag:s23], $0x1  }
0xa3: {  	[sflag:s23] =	ssyncset.done $0x0  }
0xa4: {  	[sflag:s23] =	ssyncadd.s32 $0xFFFFFFFF  }
0xa5: {  	s4 =	sld [smem:$0x0]  }
0xa6: {  	s5 =	sand.u32 $0xFFFFFFFE, s1  }
0xa7: {  	p0 =	sne.s32 s1, s5  }
0xa8: {  	s5 =	sshll.u32 @p0 s5, $0xE  }
0xa9: {  	s5 =	sadd.s32 @p0 $0x11B8D, s5;
	s6 =	sshll.u32 @p0 s4, $0x11  }
0xaa: {  	s5 =	sor.u32 @p0 s6, s5  }
0xab: {  	[sflag:s5] =	ssyncadd.remote.s32 @p0 $0x1;
	_ =	sdelay $0x1  }
0xac: {  	s5 =	simm.s32 @p0 $0x1B8D  }
0xad: {  	_ =	swait.eq @p0 [sflag:s5], $0x1  }
0xae: {  	[sflag:s5] =	ssyncadd.s32 @p0 $0xFFFFFFFF  }
0xaf: {  	s6 =	sshll.u32 @!p0 s1, $0xE  }
0xb0: {  	s6 =	sor.u32 @!p0 $0x4000, s6;
	s5 =	simm.s32 @!p0 $0x1B8D  }
0xb1: {  	s4 =	sshll.u32 @!p0 s4, $0x11;
	s6 =	sadd.s32 @!p0 $0x11B8D, s6;
	_ =	swait.eq @!p0 [sflag:s5], $0x1  }
0xb2: {  	s4 =	sor.u32 @!p0 s4, s6;
	[sflag:s5] =	ssyncadd.s32 @!p0 $0xFFFFFFFF  }
0xb3: {  	s25 =	simm.s32 $0x1B8E;
	s24 =	sld [smem:$0x3FFE];
	[sflag:s4] =	ssyncadd.remote.s32 @!p0 $0x1  }
0xb4: {  	s26 =	simm.s32 $execute0_lowered;
	[smem:$0x3FD2] =	sst s25  }
0xb5: {  	s5 =	sshll.u32 s26, $0x1;
	_ =	strace $0x80000052;
	[dreg:$0x1] =	wrdreg $0xFFFFFFFF  }
0xb6: {  	s28 =	simm.s32 $_size_execute0_lowered;
	s3 =	sadd.s32 s3, s5;
	[dreg:$0x0] =	wrdreg $0x0  }
0xb7: {  	s5 =	sshll.u32 s28, $0x1;
	[dreg:$0x2] =	wrdreg s3  }
0xb8: {  	[dreg:$0x3] =	wrdreg s5  }
0xb9: {  	[dreg:$0x4] =	wrdreg $0xC0  }
0xba: {  	_ =	task [dreg:s22], $0x5FFFF  }
0xbb: {  	[dreg:$0x1] =	wrdreg $0xFFFFFFFF  }
0xbc: {  	[dreg:$0x0] =	wrdreg $0x60  }
0xbd: {  	[dreg:$0x2] =	wrdreg s24  }
0xbe: {  	[dreg:$0x3] =	wrdreg $0x24000  }
0xbf: {  	[dreg:$0x4] =	wrdreg $0x9  }
0xc0: {  	_ =	task.clear_ibuf [dreg:s22], $0x5FFFF;
	_ =	strace $0x90000052  }
0xc1: {  	s29 =	simm.s32 $0x9;
	_ =	strace $0x80000054  }
0xc2: {  	_ =	swait.ge [sflag:s29], $0x1  }
0xc3: {  	[sflag:s29] =	ssyncadd.s32 $0xFFFFFFFF  }
0xc4: {  	_ =	strace $0x90000054  }
0xc5: {  	_ =	sfence  }
0xc6: {  	s30 =	sld [smem:$0x0];
	_ =	sdelay $0x2  }
0xc7: {  	s31 =	sshll.u32 s1, $0xD;
	s1 =	sshrl.u32 s1, $0x2  }
0xc8: {  	s4 =	sand.u32 $0x4000, s31;
	s1 =	sadd.s32 s1, s30  }
0xc9: {  	s0 =	sor.u32 s4, s0;
	s1 =	sshll.u32 s1, $0x11  }
0xca: {  	s0 =	sor.u32 s1, s0  }
0xcb: {  	s0 =	sadd.s32 $0x8F2B, s0  }
0xcc: {  	[sflag:s0] =	ssyncadd.remote.s32 $0x1  }
0xcd: {  	_ =	sfence.sel $0xFFFF  }
0xce: {  	[dreg:$0x0] =	wrdreg $0xFFFFFFFF;
	(pc) =	sbr.abs _section_cstart, $3  }
0xcf: {  	[dreg:$0x1] =	wrdreg $0xFFFFFFFF  }
0xd0: {  	_ =	task.clear_ibuf [dreg:s22], $0x2FFFF;
	_ =	strace $0x9FFFFFFF  }
0xd1: {  	(tm) =	ssettm $0x7FFFFFFF  }
tec
execute0_lowered:
.L_overlay_start_1:
0x0: {  	(tag) =	ssettag $0x1  }
0x1: {  	s1 =	srdreg.scid  }
0x2: {  	s0 =	stileid.u32;
	s5 =	rddreg [dreg:$0x0]  }
0x3: {  	s2 =	rddreg [dreg:$0x1];
	s3 =	simm.s32 $0x0;
	s16 =	simm.s32 $0x80  }
0x4: {  	s17 =	simm.s32 $0x2;
	s18 =	simm.s32 $0x0;
	s7 =	smul.u32 $0x2800, s0  }
0x5: {  	s6 =	sand.u32 $0x1, s1;
	s1 =	rddreg [dreg:$0x2];
	s12 =	smul.u32 $0x28000, s0  }
0x6: {  	s26 =	sshll.u32 s0, $0x1;
	[smem:$0x7FF] =	sst s3;
	s8 =	smul.u32 $0x28000, s6  }
0x7: {  	s10 =	sadd.s32 $0x49800, s5;
	s31 =	sshll.u32 s0, $0x6;
	s14 =	smul.u32 $0x1400, s6  }
0x8: {  	s4 =	sor.u32 s6, s26;
	s11 =	ssub.s32 $0x2, s6;
	s28 =	smul.u32 $0x14000, s6  }
0x9: {  	_ =	strace $0x80000053;
	s4 =	smul.u32 $0x1400, s4;
	s13 =	sshrl.u32 s11, $0x1  }
0xa: {  	s15 =	sadd.s32 s7, s2;
	s8 =	sadd.s32 s7, s8;
	s11 =	ssub.s32 s11, s13  }
0xb: {  	s7 =	sadd.s32 s14, s7;
	s29 =	sadd.s32 s28, s12;
	s12 =	sshrl.u32 s15, $0x3  }
0xc: {  	s13 =	simm.s32 $0x1400;
	s14 =	simm.s32 $0x1C00;
	s15 =	simm.s32 $0x1  }
0xd: {  	s4 =	sshrl.u32 s4, $0x3;
	s8 =	sshrl.u32 s8, $0x3;
	s30 =	sshll.u32 s7, $0x1  }
0xe: {  	s7 =	smax.u32 s11, $0x1;
	s11 =	sor.u32 $0x1C03, s31;
	s9 =	sadd.s32 s4, s5  }
0xf: {  	s4 =	sadd.s32 $0x35800, s5;
	s8 =	sadd.s32 s8, s5;
	s5 =	sadd.s32 $0x3F800, s9  }
0x10: {  	s6 =	sadd.s32 $0x99800, s8;
	s8 =	sshrl.u32 s29, $0x3;
	s9 =	sadd.s32 s30, s10  }
0x11: {  	s8 =	sadd.s32 s8, s10;
	s9 =	sadd.s32 $0x100, s9;
	s10 =	simm.s32 $0x3  }
.LBB2_1:
0x12: {  	[tilespmem:s3], [sflag:$0x3] =	stream.linear.gather [hbm4b:s5+s3], $0x1400, $0x38;
	[tilespmem:$0x4C00] =	vst v63  }
0x13: {  	_ =	swait.ge [sflag:s10], $0x1400  }
0x14: {  	[sflag:s10] =	ssyncset.done $0x0  }
0x15: {  	[sflag:s10] =	ssyncadd.s32 $0xFFFFEC00  }
0x16: {  	[spmem:s12], [sflag:s11] =	dma.local [hbm:s4], $0x500  }
0x17: {  	_ =	swait.ge [sflag:s10], $0x500  }
0x18: {  	[sflag:s10] =	ssyncset.done $0x0  }
0x19: {  	[sflag:s10] =	ssyncadd.s32 $0xFFFFFB00  }
0x1a: {  	s19 =	sadd.s32 $0x0, s8;
	[bflag:$0x0] =	sbarrier.arrive $0xFFFF  }
0x1b: {  	[tilespmem:s13], [sflag:$0x1] =	stream.linear.gather [hbm4b:s19+s3], $0x800, $0x38;
	[tilespmem:$0x4C00] =	vst v63  }
0x1c: {  	s30 =	sadd.s32 $0x0, s9  }
0x1d: {  	[tilespmem:s14], [sflag:$0x2] =	stream.linear.gather [hbm4b:s30+s3], $0x800, $0x38;
	[tilespmem:$0x4C00] =	vst v63  }
0x1e: {  	_ =	swait.ge [sflag:s15], $0x800  }
0x1f: {  	[sflag:s15] =	ssyncset.done $0x0  }
0x20: {  	[sflag:s15] =	ssyncadd.s32 $0xFFFFF800  }
0x21: {  	[spmem:s2] =	stream.indirect.scatter.add.f32 [tilespmem:s13], [sflag:$0x3], $0x10, s3, s16, $0xb8;
	[tilespmem:$0x4C00] =	vst v63  }
0x22: {  	_ =	swait.ge [sflag:s10], $0x800  }
0x23: {  	[sflag:s10] =	ssyncset.done $0x0  }
0x24: {  	[sflag:s10] =	ssyncadd.s32 $0xFFFFF800  }
0x25: {  	_ =	swait.ge [sflag:s17], $0x800  }
0x26: {  	[sflag:s17] =	ssyncset.done $0x0  }
0x27: {  	s31 =	simm.s32 $0x80;
	[sflag:s17] =	ssyncadd.s32 $0xFFFFF800  }
0x28: {  	[spmem:s2] =	stream.indirect.scatter.add.f32 [tilespmem:s14], [sflag:$0x3], $0x10, s31, s16, $0xb8;
	[tilespmem:$0x4C00] =	vst v63  }
0x29: {  	s20 =	simm.s32 $0x200;
	_ =	swait.ge [sflag:s10], $0x800  }
0x2a: {  	s21 =	simm.s32 $0x400;
	s19 =	simm.s32 $0x100;
	[sflag:s10] =	ssyncset.done $0x0  }
.LBB2_2:
0x2b: {  	s22 =	sadd.s32 s20, s8  }
0x2c: {  	[sflag:s10] =	ssyncadd.s32 $0xFFFFF800;
	s23 =	smov.u32 s21;
	s24 =	sadd.s32 $0x200, s21  }
0x2d: {  	[tilespmem:s13], [sflag:$0x1] =	stream.linear.gather [hbm4b:s22+s3], $0x800, $0x38;
	[tilespmem:$0x4C00] =	vst v63  }
0x2e: {  	p0 =	sne.s32 s21, $0x2600;
	s21 =	sadd.s32 s20, s9;
	s20 =	smov.u32 s23  }
0x2f: {  	[tilespmem:s14], [sflag:$0x2] =	stream.linear.gather [hbm4b:s21+s3], $0x800, $0x38;
	[tilespmem:$0x4C00] =	vst v63  }
0x30: {  	_ =	swait.ge [sflag:s15], $0x800  }
0x31: {  	[sflag:s15] =	ssyncset.done $0x0  }
0x32: {  	[sflag:s15] =	ssyncadd.s32 $0xFFFFF800  }
0x33: {  	[spmem:s2] =	stream.indirect.scatter.add.f32 [tilespmem:s13], [sflag:$0x3], $0x10, s19, s16, $0xb8;
	[tilespmem:$0x4C00] =	vst v63  }
0x34: {  	_ =	swait.ge [sflag:s10], $0x800  }
0x35: {  	[sflag:s10] =	ssyncset.done $0x0  }
0x36: {  	[sflag:s10] =	ssyncadd.s32 $0xFFFFF800  }
0x37: {  	_ =	swait.ge [sflag:s17], $0x800  }
.Ltmp0:
0x38: {  	[sflag:s17] =	ssyncset.done $0x0;
	(pc) =	sbr.rel @p0 .LBB2_2-.Ltmp0, $4  }
0x39: {  	s21 =	sadd.s32 $0x80, s19;
	[sflag:s17] =	ssyncadd.s32 $0xFFFFF800  }
0x3a: {  	[spmem:s2] =	stream.indirect.scatter.add.f32 [tilespmem:s14], [sflag:$0x3], $0x10, s21, s16, $0xb8;
	[tilespmem:$0x4C00] =	vst v63  }
0x3b: {  	_ =	swait.ge [sflag:s10], $0x800  }
0x3c: {  	s19 =	sadd.s32 $0x100, s19;
	s21 =	smov.u32 s24;
	[sflag:s10] =	ssyncset.done $0x0  }
0x3d: {  	s21 =	sadd.s32 s20, s8;
	[sflag:s10] =	ssyncadd.s32 $0xFFFFF800  }
0x3e: {  	[tilespmem:s13], [sflag:$0x1] =	stream.linear.gather [hbm4b:s21+s3], $0x800, $0x38;
	[tilespmem:$0x4C00] =	vst v63  }
0x3f: {  	s30 =	sadd.s32 s20, s9  }
0x40: {  	[tilespmem:s14], [sflag:$0x2] =	stream.linear.gather [hbm4b:s30+s3], $0x800, $0x38;
	[tilespmem:$0x4C00] =	vst v63  }
0x41: {  	_ =	swait.ge [sflag:s15], $0x800  }
0x42: {  	[sflag:s15] =	ssyncset.done $0x0  }
0x43: {  	[sflag:s15] =	ssyncadd.s32 $0xFFFFF800  }
0x44: {  	[spmem:s2] =	stream.indirect.scatter.add.f32 [tilespmem:s13], [sflag:$0x3], $0x10, s19, s16, $0xb8;
	[tilespmem:$0x4C00] =	vst v63  }
0x45: {  	_ =	swait.ge [sflag:s10], $0x800  }
0x46: {  	[sflag:s10] =	ssyncset.done $0x0  }
0x47: {  	[sflag:s10] =	ssyncadd.s32 $0xFFFFF800  }
0x48: {  	_ =	swait.ge [sflag:s17], $0x800  }
0x49: {  	[sflag:s17] =	ssyncset.done $0x0  }
0x4a: {  	s31 =	sadd.s32 $0x80, s19;
	[sflag:s17] =	ssyncadd.s32 $0xFFFFF800  }
0x4b: {  	[spmem:s2] =	stream.indirect.scatter.add.f32 [tilespmem:s14], [sflag:$0x3], $0x10, s31, s16, $0xb8;
	[tilespmem:$0x4C00] =	vst v63  }
0x4c: {  	_ =	swait.ge [sflag:s10], $0x800  }
0x4d: {  	s18 =	sadd.s32 $0x1, s18;
	[sflag:s10] =	ssyncset.done $0x0  }
0x4e: {  	p0 =	sne.s32 s18, s7;
	[sflag:s10] =	ssyncadd.s32 $0xFFFFF800  }
.Ltmp1:
0x4f: {  	[bflag:$0x0] =	sbarrier.arrive $0xFFFF;
	(pc) =	sbr.rel @p0 .LBB2_1-.Ltmp1, $4  }
0x50: {  	[hbm:s6], [sflag:s11] =	dma.local [spmem:s12], $0x500  }
0x51: {  	_ =	swait.ge [sflag:s10], $0x500  }
0x52: {  	[sflag:s10] =	ssyncset.done $0x0  }
0x53: {  	[sflag:s10] =	ssyncadd.s32 $0xFFFFFB00  }
0x54: {  	_ =	sfence.sel $0x180000  }
0x55: {  	[bflag:$0x0] =	sbarrier.arrive $0xFFFF  }
0x56: {  	p0 =	sne.s32 s0, $0x0;
	_ =	strace $0x90000053  }
0x57: {  	s0 =	sadd.s32 @!p0 $0x100000, s1;
	[bflag:$0x2] =	sbarrier.arrive $0xFFFF  }
0x58: {  	[sflag:s0] =	ssyncadd.tile.s32 @!p0 $0x1;
	_ =	shalt  }
.Lfunc_end2:
_tile_overlayer_lowered:
.L_overlay_start_2:
0x59: {  	(tag) =	ssettag $0x2  }
0x5a: {  	s0 =	rddreg [dreg:$0x0];
	s2 =	stileid.u32  }
0x5b: {  	s1 =	rddreg [dreg:$0x1];
	p0 =	sne.s32 s2, $0x0  }
0x5c: {  	s3 =	rddreg [dreg:$0x2];
	[bflag:$0x3] =	sbarrier.arrive $0xFFFF;
	s2 =	simm.s32 @!p0 $0x1C03  }
0x5d: {  	[timem:s3], [sflag:s2] =	dma.local @!p0 [hbm:s0], s1  }
0x5e: {  	s0 =	simm.s32 @!p0 $0x3  }
0x5f: {  	_ =	swait.ge @!p0 [sflag:s0], s1  }
0x60: {  	s1 =	ssub.s32 @!p0 $0x0, s1;
	[sflag:s0] =	ssyncset.done @!p0 $0x0  }
0x61: {  	[sflag:s0] =	ssyncadd.s32 @!p0 s1  }
0x62: {  	[bflag:$0x3] =	sbarrier.arrive $0xFFFF  }
0x63: {  	_ =	shalt  }

// kernel: kernel.10.cloned.1.call-start
scs
__scs_entry_jumppad:
0x0: {  	(pc) =	sbr.rel $0x88, $3  }
0x1: {  	(tag) =	ssettag $0x0;
	lr =	simm.s32 $0x1  }
0x2: {  	[smem:$0x3F91] =	sst lr;
	_ =	strace $0xD0000000  }
0x3: {  	_ = 	snop  }
0x4: {  	_ = 	snop  }
0x5: {  	_ = 	snop  }
0x6: {  	_ = 	snop  }
0x7: {  	_ = 	snop  }
__scs_overlays_trampoline_lowered:
0x8: {  	[smem:$0x3FA0] =	sst s0  }
0x9: {  	[smem:$0x3FA1] =	sst s1  }
0xa: {  	[smem:$0x3FA2] =	sst s2  }
0xb: {  	[smem:$0x3FA3] =	sst s3  }
0xc: {  	[smem:$0x3FA4] =	sst s4  }
0xd: {  	[smem:$0x3FA5] =	sst s5  }
0xe: {  	[smem:$0x3FA6] =	sst s6  }
0xf: {  	[smem:$0x3FA7] =	sst s7  }
0x10: {  	[smem:$0x3FA8] =	sst s8  }
0x11: {  	[smem:$0x3FA9] =	sst s9;
	s0 =	simm.s32 @!p0 $0x0  }
0x12: {  	s1 =	sld [smem:$0x3F8F];
	s0 =	simm.s32 @p0 $0x1  }
0x13: {  	[smem:$0x3FAA] =	sst s0;
	s0 =	simm.s32 @!p1 $0x0  }
0x14: {  	s2 =	sld [smem:$0x3F8E];
	s0 =	simm.s32 @p1 $0x1  }
0x15: {  	[smem:$0x3FAB] =	sst s0;
	s0 =	simm.s32 @!p2 $0x0  }
0x16: {  	s3 =	sld [smem:$0x3FDB];
	s0 =	simm.s32 @p2 $0x1  }
0x17: {  	s4 =	simm.s32 $0x1BF5;
	[smem:$0x3FAD] =	sst s0  }
0x18: {  	s0 =	sld [smem:$0x3F90];
	_ =	swait.ge [sflag:s4], $0x0  }
0x19: {  	s7 =	sld [smem:$0x3F91]  }
0x1a: {  	s8 =	sadd.s32 $0xFFFFE003, lr  }
0x1b: {  	s9 =	sadd.s32 $0xFFFFFEF7, lr;
	s5 =	simm.s32 $0xFFFFFFFF;
	p2 =	slt.u32 s8, $0xFFFFF086  }
0x1c: {  	p1 =	slt.u32 s9, $0xF7A;
	s5 =	simm.s32 @!p2 $0x0  }
0x1d: {  	s5 =	simm.s32 @p1 $0x1;
	p0 =	seq.s32 s7, s2  }
0x1e: {  	s7 =	smul.u32 @!p0 $0xF7A, s2;
	p2 =	seq.s32 @!p0 s5, $0x0  }
0x1f: {  	s9 =	smul.u32 $0xF7A, s1;
	s8 =	simm.s32 @!p0 $0x1BF5;
	p2 =	por !p2, p0  }
0x20: {  	[sflag:s8] =	ssyncset.s32 @!p0 $0xFFFFF086;
	s6 =	sadd.s32 @!p0 s3, s7;
	s7 =	simm.s32 @!p0 $0x108  }
0x21: {  	s3 =	sadd.s32 s3, s9;
	s6 =	sadd.s32 @!p0 $0x88, s6;
	s7 =	simm.s32 @p2 $0x1082  }
0x22: {  	[simem:s7], [sflag:s8] =	dma.local @!p0 [hbm:s6], $0xF7A  }
0x23: {  	s9 =	sor.u32 $0xD0000000, s2;
	s6 =	simm.s32 $0x108;
	_ =	swait.ge @!p0 [sflag:s8], $0x0  }
0x24: {  	s3 =	sadd.s32 $0x88, s3;
	s6 =	simm.s32 @!p1 $0x1082;
	[sflag:s4] =	ssyncset.s32 $0xFFFFF086  }
0x25: {  	[simem:s6], [sflag:s4] =	dma.local [hbm:s3], $0xF7A  }
0x26: {  	[smem:$0x3F91] =	sst s1;
	(tag) =	ssettag s2;
	_ =	strace s9  }
0x27: {  	s1 =	sld [smem:$0x3FA1]  }
0x28: {  	s2 =	sld [smem:$0x3FA2]  }
0x29: {  	s4 =	sld [smem:$0x3FA4]  }
0x2a: {  	p0 =	seq.s32 s5, $0x0;
	s5 =	sld [smem:$0x3FA5]  }
0x2b: {  	s6 =	sld [smem:$0x3FA6]  }
0x2c: {  	s7 =	sld [smem:$0x3FA7]  }
0x2d: {  	s3 =	simm.s32 $0x108;
	s8 =	sld [smem:$0x3FA8]  }
0x2e: {  	s3 =	simm.s32 @!p0 $0x1082;
	s9 =	sld [smem:$0x3FA9]  }
0x2f: {  	lr =	sadd.s32 s0, s3;
	s0 =	sld [smem:$0x3FA0]  }
0x30: {  	s3 =	sld [smem:$0x3FA3]  }
0x31: {  	[smem:$0x3FAC] =	sst s10  }
0x32: {  	s10 =	sld [smem:$0x3FAA];
	_ =	sdelay $0x3  }
0x33: {  	p0 =	seq.s32 s10, $0x1;
	s10 =	sld [smem:$0x3FAC];
	_ =	sdelay $0x3  }
0x34: {  	[smem:$0x3FAC] =	sst s10  }
0x35: {  	s10 =	sld [smem:$0x3FAB];
	_ =	sdelay $0x3  }
0x36: {  	p1 =	seq.s32 s10, $0x1;
	s10 =	sld [smem:$0x3FAC];
	_ =	sdelay $0x3  }
0x37: {  	[smem:$0x3FAC] =	sst s10  }
0x38: {  	s10 =	sld [smem:$0x3FAD]  }
0x39: {  	_ = 	snop;
	(pc) =	sbr.ind lr, $3  }
0x3a: {  	_ = 	snop  }
0x3b: {  	_ = 	snop  }
0x3c: {  	p2 =	seq.s32 s10, $0x1;
	s10 =	sld [smem:$0x3FAC]  }
0x3d: {  	_ =	shalt  }
0x3e: {  	_ =	shalt  }
0x3f: {  	_ =	shalt  }
0x40: {  	_ =	shalt  }
0x41: {  	_ =	shalt  }
0x42: {  	_ =	shalt  }
0x43: {  	_ =	shalt  }
0x44: {  	_ =	shalt  }
0x45: {  	_ =	shalt  }
0x46: {  	_ =	shalt  }
0x47: {  	_ =	shalt  }
0x48: {  	_ =	shalt  }
0x49: {  	_ =	shalt  }
0x4a: {  	_ =	shalt  }
0x4b: {  	_ =	shalt  }
0x4c: {  	_ =	shalt  }
0x4d: {  	_ =	shalt  }
0x4e: {  	_ =	shalt  }
0x4f: {  	_ =	shalt  }
0x50: {  	_ =	shalt  }
0x51: {  	_ =	shalt  }
0x52: {  	_ =	shalt  }
0x53: {  	_ =	shalt  }
0x54: {  	_ =	shalt  }
0x55: {  	_ =	shalt  }
0x56: {  	_ =	shalt  }
0x57: {  	_ =	shalt  }
0x58: {  	_ =	shalt  }
0x59: {  	_ =	shalt  }
0x5a: {  	_ =	shalt  }
0x5b: {  	_ =	shalt  }
0x5c: {  	_ =	shalt  }
0x5d: {  	_ =	shalt  }
0x5e: {  	_ =	shalt  }
0x5f: {  	_ =	shalt  }
0x60: {  	_ =	shalt  }
0x61: {  	_ =	shalt  }
0x62: {  	_ =	shalt  }
0x63: {  	_ =	shalt  }
0x64: {  	_ =	shalt  }
0x65: {  	_ =	shalt  }
0x66: {  	_ =	shalt  }
0x67: {  	_ =	shalt  }
0x68: {  	_ =	shalt  }
0x69: {  	_ =	shalt  }
0x6a: {  	_ =	shalt  }
0x6b: {  	_ =	shalt  }
0x6c: {  	_ =	shalt  }
0x6d: {  	_ =	shalt  }
0x6e: {  	_ =	shalt  }
0x6f: {  	_ =	shalt  }
0x70: {  	_ =	shalt  }
0x71: {  	_ =	shalt  }
0x72: {  	_ =	shalt  }
0x73: {  	_ =	shalt  }
0x74: {  	_ =	shalt  }
0x75: {  	_ =	shalt  }
0x76: {  	_ =	shalt  }
0x77: {  	_ =	shalt  }
0x78: {  	_ =	shalt  }
0x79: {  	_ =	shalt  }
0x7a: {  	_ =	shalt  }
0x7b: {  	_ =	shalt  }
0x7c: {  	_ =	shalt  }
0x7d: {  	_ =	shalt  }
0x7e: {  	_ =	shalt  }
0x7f: {  	_ =	shalt  }
0x80: {  	_ =	shalt  }
0x81: {  	_ =	shalt  }
0x82: {  	_ =	shalt  }
0x83: {  	_ =	shalt  }
0x84: {  	_ =	shalt  }
0x85: {  	_ =	shalt  }
0x86: {  	_ =	shalt  }
0x87: {  	_ =	shalt  }
.Lfunc_end0:
.L_simem_size_0:
called_computation_lowered:
.L_overlay_start_0:
0x88: {  	s2 =	sld [smem:$0x3FD9]  }
0x89: {  	s3 =	sld [smem:$0x3FFE];
	_ =	sdelay $0x1  }
0x8a: {  	s1 =	srdreg.scid  }
0x8b: {  	s0 =	sand.u32 $0x1, s1  }
0x8c: {  	s15 =	sshll.u32 s0, $0xA;
	s2 =	sadd.s32 s3, s2  }
0x8d: {  	s2 =	sadd.s32 s2, s15  }
0x8e: {  	[smem:$0x3FB8] =	sst s2  }
0x8f: {  	_ = 	snop  }
0x90: {  	s2 =	sld [smem:$0x3FD0];
	_ =	sdelay $0x2  }
0x91: {  	s16 =	simm.s32 $0xD;
	s4 =	simm.s32 $0x10  }
0x92: {  	[smem:s4], [sflag:s16] =	dma.local [hbm:s2], $0x1  }
0x93: {  	_ =	swait.eq [sflag:s16], $0x1  }
0x94: {  	[sflag:s16] =	ssyncset.done $0x0  }
0x95: {  	[sflag:s16] =	ssyncadd.s32 $0xFFFFFFFF  }
0x96: {  	s17 =	sld [smem:$0x11];
	(tm) =	ssettm $0x1  }
0x97: {  	s18 =	sld [smem:$0x3FFB];
	_ =	sdelay $0x3  }
0x98: {  	_ =	strace s18  }
0x99: {  	s2 =	sld [smem:$0x3FFC];
	_ =	sdelay $0x3  }
0x9a: {  	_ =	strace s2  }
0x9b: {  	s2 =	sld [smem:$0x3FFD];
	_ =	sdelay $0x3  }
0x9c: {  	_ =	strace s2  }
0x9d: {  	_ =	strace $0x8FFFFFFF  }
0x9e: {  	s19 =	sld [smem:$0x3FDB];
	_ =	sdelay $0x1  }
0x9f: {  	s20 =	simm.s32 $_scs_section_size  }
0xa0: {  	s5 =	simm.s32 $_size__tile_overlayer_lowered;
	s6 =	simm.s32 $_tile_overlayer_lowered  }
0xa1: {  	s7 =	simm.s32 $0x1BFF;
	s21 =	sshll.u32 s6, $0x1;
	s4 =	sadd.s32 s20, s19  }
0xa2: {  	s22 =	simm.s32 $0x0;
	s5 =	sshll.u32 s5, $0x1;
	s6 =	sadd.s32 s21, s4  }
0xa3: {  	[timem:s22], [sflag:s7] =	dma.local [hbm:s6], s5  }
0xa4: {  	_ =	swait.ge [sflag:s7], s5  }
0xa5: {  	s5 =	ssub.s32 $0x0, s5;
	[sflag:s7] =	ssyncset.done $0x0  }
0xa6: {  	[sflag:s7] =	ssyncadd.s32 s5;
	_ =	sdelay $0x1  }
0xa7: {  	s23 =	simm.s32 $0x1B8B  }
0xa8: {  	_ =	swait.ge [sflag:s23], $0x1  }
0xa9: {  	[sflag:s23] =	ssyncset.done $0x0  }
0xaa: {  	[sflag:s23] =	ssyncadd.s32 $0xFFFFFFFF  }
0xab: {  	s5 =	sld [smem:$0x0]  }
0xac: {  	s6 =	sand.u32 $0xFFFFFFFE, s1  }
0xad: {  	p0 =	sne.s32 s1, s6  }
0xae: {  	s6 =	sshll.u32 @p0 s6, $0xE  }
0xaf: {  	s6 =	sadd.s32 @p0 $0x11B8D, s6;
	s7 =	sshll.u32 @p0 s5, $0x11  }
0xb0: {  	s6 =	sor.u32 @p0 s7, s6  }
0xb1: {  	[sflag:s6] =	ssyncadd.remote.s32 @p0 $0x1;
	_ =	sdelay $0x1  }
0xb2: {  	s6 =	simm.s32 @p0 $0x1B8D  }
0xb3: {  	_ =	swait.eq @p0 [sflag:s6], $0x1  }
0xb4: {  	[sflag:s6] =	ssyncadd.s32 @p0 $0xFFFFFFFF  }
0xb5: {  	s7 =	sshll.u32 @!p0 s1, $0xE  }
0xb6: {  	s7 =	sor.u32 @!p0 $0x4000, s7;
	s6 =	simm.s32 @!p0 $0x1B8D  }
0xb7: {  	s5 =	sshll.u32 @!p0 s5, $0x11;
	s7 =	sadd.s32 @!p0 $0x11B8D, s7;
	_ =	swait.eq @!p0 [sflag:s6], $0x1  }
0xb8: {  	s5 =	sor.u32 @!p0 s5, s7;
	[sflag:s6] =	ssyncadd.s32 @!p0 $0xFFFFFFFF  }
0xb9: {  	s25 =	simm.s32 $0x1B8E;
	s24 =	sld [smem:$0x3FFE];
	[sflag:s5] =	ssyncadd.remote.s32 @!p0 $0x1  }
0xba: {  	s26 =	simm.s32 $execute0_lowered;
	[smem:$0x3FD2] =	sst s25  }
0xbb: {  	s6 =	sshll.u32 s26, $0x1;
	_ =	strace $0x8000004F;
	[dreg:$0x1] =	wrdreg $0xFFFFFFFF  }
0xbc: {  	s28 =	simm.s32 $_size_execute0_lowered;
	s4 =	sadd.s32 s4, s6;
	[dreg:$0x0] =	wrdreg $0x0  }
0xbd: {  	s6 =	sshll.u32 s28, $0x1;
	[dreg:$0x2] =	wrdreg s4  }
0xbe: {  	[dreg:$0x3] =	wrdreg s6  }
0xbf: {  	[dreg:$0x4] =	wrdreg $0xC0  }
0xc0: {  	_ =	task [dreg:s22], $0x5FFFF  }
0xc1: {  	[dreg:$0x1] =	wrdreg $0xFFFFFFFF  }
0xc2: {  	[dreg:$0x0] =	wrdreg $0x60  }
0xc3: {  	[dreg:$0x2] =	wrdreg s24  }
0xc4: {  	[dreg:$0x3] =	wrdreg s17  }
0xc5: {  	[dreg:$0x4] =	wrdreg $0xA  }
0xc6: {  	_ =	task.clear_ibuf [dreg:s22], $0x5FFFF;
	_ =	strace $0x9000004F  }
0xc7: {  	s29 =	simm.s32 $0xA;
	_ =	strace $0x80000051  }
0xc8: {  	_ =	swait.ge [sflag:s29], $0x1  }
0xc9: {  	[sflag:s29] =	ssyncadd.s32 $0xFFFFFFFF  }
0xca: {  	_ =	strace $0x90000051  }
0xcb: {  	_ =	sfence  }
0xcc: {  	s30 =	sld [smem:$0x0];
	_ =	sdelay $0x2  }
0xcd: {  	s31 =	sshll.u32 s1, $0xD;
	s1 =	sshrl.u32 s1, $0x2  }
0xce: {  	s4 =	sand.u32 $0x4000, s31;
	s1 =	sadd.s32 s1, s30  }
0xcf: {  	s0 =	sor.u32 s4, s0;
	s1 =	sshll.u32 s1, $0x11  }
0xd0: {  	s0 =	sor.u32 s1, s0  }
0xd1: {  	s0 =	sadd.s32 $0x8F2B, s0  }
0xd2: {  	[sflag:s0] =	ssyncadd.remote.s32 $0x1  }
0xd3: {  	_ =	sfence.sel $0xFFFF  }
0xd4: {  	[dreg:$0x0] =	wrdreg $0xFFFFFFFF;
	(pc) =	sbr.abs _section_cstart, $3  }
0xd5: {  	[dreg:$0x1] =	wrdreg $0xFFFFFFFF  }
0xd6: {  	_ =	task.clear_ibuf [dreg:s22], $0x2FFFF;
	_ =	strace $0x9FFFFFFF  }
0xd7: {  	(tm) =	ssettm $0x7FFFFFFF  }
tec
execute0_lowered:
.L_overlay_start_1:
0x0: {  	(tag) =	ssettag $0x1  }
0x1: {  	s1 =	srdreg.scid  }
0x2: {  	s0 =	stileid.u32;
	s5 =	rddreg [dreg:$0x0]  }
0x3: {  	s6 =	rddreg [dreg:$0x1];
	s2 =	simm.s32 $0x0;
	s16 =	simm.s32 $0x6800  }
0x4: {  	s17 =	simm.s32 $0xE800;
	s18 =	simm.s32 $0x1;
	s19 =	simm.s32 $0x2  }
0x5: {  	s20 =	simm.s32 $0x3;
	s21 =	simm.s32 $0x0;
	s11 =	smul.u32 $0x140000, s0  }
0x6: {  	s8 =	sand.u32 $0x1, s1;
	s25 =	sshll.u32 s0, $0x1;
	s28 =	smul.u32 $0x28000, s0  }
0x7: {  	[smem:$0x7FF] =	sst s2;
	s4 =	sadd.s32 $0x139800, s5;
	s14 =	smul.u32 $0xA0000, s8  }
0x8: {  	s12 =	sadd.s32 $0x706800, s5;
	s1 =	sor.u32 s8, s25;
	s29 =	smul.u32 $0x14000, s8  }
0x9: {  	s15 =	sadd.s32 $0x986800, s5;
	s10 =	ssub.s32 $0x2, s8;
	s3 =	smul.u32 $0x1400, s1  }
0xa: {  	s1 =	rddreg [dreg:$0x2];
	_ =	strace $0x80000050;
	s13 =	sshrl.u32 s10, $0x1  }
0xb: {  	s30 =	sadd.s32 s28, s12;
	s10 =	ssub.s32 s10, s13;
	s26 =	sadd.s32 s14, s11  }
0xc: {  	s11 =	sadd.s32 s28, s15;
	s31 =	sadd.s32 s29, s30;
	s13 =	simm.s32 $0x80  }
0xd: {  	s14 =	simm.s32 $0x2800;
	s7 =	sshrl.u32 s3, $0x3;
	s3 =	sadd.s32 $0x111800, s5  }
0xe: {  	s11 =	sadd.s32 s29, s11;
	s9 =	sadd.s32 s7, s5;
	s6 =	sadd.s32 s6, s7  }
0xf: {  	s7 =	smax.u32 s10, $0x1;
	s5 =	sadd.s32 $0x661800, s9;
	s9 =	sshrl.u32 s26, $0x3  }
0x10: {  	s10 =	sadd.s32 $0x800, s31;
	s11 =	sadd.s32 $0x800, s11;
	s8 =	sadd.s32 s9, s15  }
0x11: {  	s9 =	sadd.s32 s9, s12;
	s12 =	simm.s32 $0x4;
	s15 =	simm.s32 $0xA800  }
.LBB2_1:
0x12: {  	[tilespmem:s2], [sflag:$0x4] =	stream.linear.gather [hbm4b:s5+s2], $0x1400, $0x38;
	[tilespmem:$0x12800] =	vst v63  }
0x13: {  	_ =	swait.ge [sflag:s12], $0x1400  }
0x14: {  	[sflag:s12] =	ssyncset.done $0x0  }
0x15: {  	s22 =	simm.s32 $0x1400;
	[sflag:s12] =	ssyncadd.s32 $0xFFFFEC00  }
0x16: {  	[tilespmem:s22], [sflag:$0x4] =	stream.linear.gather [hbm4b:s6+s2], $0x1400, $0x38;
	[tilespmem:$0x12800] =	vst v63  }
0x17: {  	_ =	swait.ge [sflag:s12], $0x1400  }
0x18: {  	[sflag:s12] =	ssyncset.done $0x0  }
0x19: {  	[sflag:s12] =	ssyncadd.s32 $0xFFFFEC00  }
0x1a: {  	[tilespmem:s14], [sflag:$0x1] =	stream.indirect.gather [hbm4b:s3+s13], $0x80, s2, s13, $0xb8;
	[tilespmem:$0x12800] =	vst v63  }
0x1b: {  	_ = 	snop  }
0x1c: {  	[tilespmem:s15], [sflag:$0x1] =	stream.indirect.gather [hbm4b:s4+s13], $0x80, s22, s13, $0xb8;
	[tilespmem:$0x12800] =	vst v63  }
0x1d: {  	s23 =	simm.s32 $0x80  }
0x1e: {  	[tilespmem:s16], [sflag:$0x2] =	stream.indirect.gather [hbm4b:s3+s13], $0x80, s23, s13, $0xb8;
	[tilespmem:$0x12800] =	vst v63  }
0x1f: {  	s26 =	simm.s32 $0x1480  }
0x20: {  	[tilespmem:s17], [sflag:$0x2] =	stream.indirect.gather [hbm4b:s4+s13], $0x80, s26, s13, $0xb8;
	[tilespmem:$0x12800] =	vst v63  }
0x21: {  	_ =	swait.ge [sflag:s18], $0x4000  }
0x22: {  	[sflag:s18] =	ssyncset.done $0x0  }
0x23: {  	[sflag:s18] =	ssyncadd.s32 $0xFFFFC000  }
0x24: {  	_ =	swait.ge [sflag:s18], $0x4000  }
0x25: {  	[sflag:s18] =	ssyncset.done $0x0  }
0x26: {  	s28 =	sadd.s32 $0x0, s9;
	[sflag:s18] =	ssyncadd.s32 $0xFFFFC000  }
0x27: {  	[hbm4b:s28+s2] =	stream.linear.scatter [tilespmem:s14], [sflag:$0x3], $0x4000, $0x38;
	[tilespmem:$0x12800] =	vst v63  }
0x28: {  	s29 =	sadd.s32 $0x0, s8  }
0x29: {  	[hbm4b:s29+s2] =	stream.linear.scatter [tilespmem:s15], [sflag:$0x3], $0x4000, $0x38;
	[tilespmem:$0x12800] =	vst v63  }
0x2a: {  	_ =	swait.ge [sflag:s19], $0x4000  }
0x2b: {  	[sflag:s19] =	ssyncset.done $0x0  }
0x2c: {  	[sflag:s19] =	ssyncadd.s32 $0xFFFFC000  }
0x2d: {  	_ =	swait.ge [sflag:s19], $0x4000  }
0x2e: {  	[sflag:s19] =	ssyncset.done $0x0  }
0x2f: {  	s30 =	sadd.s32 $0x0, s10;
	[sflag:s19] =	ssyncadd.s32 $0xFFFFC000  }
0x30: {  	[hbm4b:s30+s2] =	stream.linear.scatter [tilespmem:s16], [sflag:$0x3], $0x4000, $0x38;
	[tilespmem:$0x12800] =	vst v63  }
0x31: {  	s31 =	sadd.s32 $0x0, s11  }
0x32: {  	[hbm4b:s31+s2] =	stream.linear.scatter [tilespmem:s17], [sflag:$0x3], $0x4000, $0x38;
	[tilespmem:$0x12800] =	vst v63  }
0x33: {  	_ =	swait.ge [sflag:s20], $0x4000  }
0x34: {  	[sflag:s20] =	ssyncset.done $0x0  }
0x35: {  	[sflag:s20] =	ssyncadd.s32 $0xFFFFC000  }
0x36: {  	_ =	swait.ge [sflag:s20], $0x4000  }
0x37: {  	[sflag:s20] =	ssyncset.done $0x0  }
0x38: {  	[sflag:s20] =	ssyncadd.s32 $0xFFFFC000  }
0x39: {  	_ =	swait.ge [sflag:s20], $0x4000  }
0x3a: {  	[sflag:s20] =	ssyncset.done $0x0  }
0x3b: {  	[sflag:s20] =	ssyncadd.s32 $0xFFFFC000  }
0x3c: {  	_ =	swait.ge [sflag:s20], $0x4000  }
0x3d: {  	s24 =	simm.s32 $0x0;
	s23 =	simm.s32 $0x1000;
	[sflag:s20] =	ssyncset.done $0x0  }
.LBB2_2:
0x3e: {  	[sflag:s20] =	ssyncadd.s32 $0xFFFFC000;
	s24 =	sadd.s32 $0x100, s24;
	s22 =	sadd.s32 $0x100, s22  }
0x3f: {  	[tilespmem:s14], [sflag:$0x1] =	stream.indirect.gather [hbm4b:s3+s13], $0x80, s24, s13, $0xb8;
	[tilespmem:$0x12800] =	vst v63  }
0x40: {  	p0 =	sne.s32 s23, $0x13000;
	s25 =	smov.u32 s23;
	s23 =	sadd.s32 $0x1000, s23  }
0x41: {  	[tilespmem:s15], [sflag:$0x1] =	stream.indirect.gather [hbm4b:s4+s13], $0x80, s22, s13, $0xb8;
	[tilespmem:$0x12800] =	vst v63  }
0x42: {  	s26 =	sadd.s32 $0x80, s24  }
0x43: {  	[tilespmem:s16], [sflag:$0x2] =	stream.indirect.gather [hbm4b:s3+s13], $0x80, s26, s13, $0xb8;
	[tilespmem:$0x12800] =	vst v63  }
0x44: {  	s26 =	sadd.s32 $0x80, s22  }
0x45: {  	[tilespmem:s17], [sflag:$0x2] =	stream.indirect.gather [hbm4b:s4+s13], $0x80, s26, s13, $0xb8;
	[tilespmem:$0x12800] =	vst v63  }
0x46: {  	_ =	swait.ge [sflag:s18], $0x4000  }
0x47: {  	[sflag:s18] =	ssyncset.done $0x0  }
0x48: {  	[sflag:s18] =	ssyncadd.s32 $0xFFFFC000  }
0x49: {  	_ =	swait.ge [sflag:s18], $0x4000  }
0x4a: {  	[sflag:s18] =	ssyncset.done $0x0  }
0x4b: {  	s26 =	sadd.s32 s25, s9;
	[sflag:s18] =	ssyncadd.s32 $0xFFFFC000  }
0x4c: {  	[hbm4b:s26+s2] =	stream.linear.scatter [tilespmem:s14], [sflag:$0x3], $0x4000, $0x38;
	[tilespmem:$0x12800] =	vst v63  }
0x4d: {  	s26 =	sadd.s32 s25, s8  }
0x4e: {  	[hbm4b:s26+s2] =	stream.linear.scatter [tilespmem:s15], [sflag:$0x3], $0x4000, $0x38;
	[tilespmem:$0x12800] =	vst v63  }
0x4f: {  	_ =	swait.ge [sflag:s19], $0x4000  }
0x50: {  	[sflag:s19] =	ssyncset.done $0x0  }
0x51: {  	[sflag:s19] =	ssyncadd.s32 $0xFFFFC000  }
0x52: {  	_ =	swait.ge [sflag:s19], $0x4000  }
0x53: {  	[sflag:s19] =	ssyncset.done $0x0  }
0x54: {  	s26 =	sadd.s32 s25, s10;
	[sflag:s19] =	ssyncadd.s32 $0xFFFFC000  }
0x55: {  	[hbm4b:s26+s2] =	stream.linear.scatter [tilespmem:s16], [sflag:$0x3], $0x4000, $0x38;
	[tilespmem:$0x12800] =	vst v63  }
0x56: {  	s25 =	sadd.s32 s25, s11  }
0x57: {  	[hbm4b:s25+s2] =	stream.linear.scatter [tilespmem:s17], [sflag:$0x3], $0x4000, $0x38;
	[tilespmem:$0x12800] =	vst v63  }
0x58: {  	_ =	swait.ge [sflag:s20], $0x4000  }
0x59: {  	[sflag:s20] =	ssyncset.done $0x0  }
0x5a: {  	[sflag:s20] =	ssyncadd.s32 $0xFFFFC000  }
0x5b: {  	_ =	swait.ge [sflag:s20], $0x4000  }
0x5c: {  	[sflag:s20] =	ssyncset.done $0x0  }
0x5d: {  	[sflag:s20] =	ssyncadd.s32 $0xFFFFC000  }
.Ltmp0:
0x5e: {  	_ =	swait.ge [sflag:s20], $0x4000;
	(pc) =	sbr.rel @p0 .LBB2_2-.Ltmp0, $4  }
0x5f: {  	[sflag:s20] =	ssyncset.done $0x0  }
0x60: {  	[sflag:s20] =	ssyncadd.s32 $0xFFFFC000  }
0x61: {  	_ =	swait.ge [sflag:s20], $0x4000  }
0x62: {  	[sflag:s20] =	ssyncset.done $0x0  }
0x63: {  	s21 =	sadd.s32 $0x1, s21  }
0x64: {  	p0 =	sne.s32 s21, s7  }
.Ltmp1:
0x65: {  	_ = 	snop;
	(pc) =	sbr.rel @p0 .LBB2_1-.Ltmp1, $2  }
0x66: {  	_ =	sdelay $0x2  }
0x67: {  	[sflag:s20] =	ssyncadd.s32 $0xFFFFC000  }
0x68: {  	_ =	sfence.sel $0x180000  }
0x69: {  	[bflag:$0x0] =	sbarrier.arrive $0xFFFF  }
0x6a: {  	p0 =	sne.s32 s0, $0x0;
	_ =	strace $0x90000050  }
0x6b: {  	s0 =	sadd.s32 @!p0 $0x100000, s1;
	[bflag:$0x2] =	sbarrier.arrive $0xFFFF  }
0x6c: {  	[sflag:s0] =	ssyncadd.tile.s32 @!p0 $0x1;
	_ =	shalt  }
.Lfunc_end2:
_tile_overlayer_lowered:
.L_overlay_start_2:
0x6d: {  	(tag) =	ssettag $0x2  }
0x6e: {  	s0 =	rddreg [dreg:$0x0];
	s2 =	stileid.u32  }
0x6f: {  	s1 =	rddreg [dreg:$0x1];
	p0 =	sne.s32 s2, $0x0  }
0x70: {  	s3 =	rddreg [dreg:$0x2];
	[bflag:$0x3] =	sbarrier.arrive $0xFFFF;
	s2 =	simm.s32 @!p0 $0x1C04  }
0x71: {  	[timem:s3], [sflag:s2] =	dma.local @!p0 [hbm:s0], s1  }
0x72: {  	s0 =	simm.s32 @!p0 $0x4  }
0x73: {  	_ =	swait.ge @!p0 [sflag:s0], s1  }
0x74: {  	s1 =	ssub.s32 @!p0 $0x0, s1;
	[sflag:s0] =	ssyncset.done @!p0 $0x0  }
0x75: {  	[sflag:s0] =	ssyncadd.s32 @!p0 s1  }
0x76: {  	[bflag:$0x3] =	sbarrier.arrive $0xFFFF  }
0x77: {  	_ =	shalt  }

// kernel: kernel.13.cloned.1.call-start
scs
__scs_entry_jumppad:
0x0: {  	(pc) =	sbr.rel $0x88, $3  }
0x1: {  	(tag) =	ssettag $0x0;
	lr =	simm.s32 $0x1  }
0x2: {  	[smem:$0x3F91] =	sst lr;
	_ =	strace $0xD0000000  }
0x3: {  	_ = 	snop  }
0x4: {  	_ = 	snop  }
0x5: {  	_ = 	snop  }
0x6: {  	_ = 	snop  }
0x7: {  	_ = 	snop  }
__scs_overlays_trampoline_lowered:
0x8: {  	[smem:$0x3FA0] =	sst s0  }
0x9: {  	[smem:$0x3FA1] =	sst s1  }
0xa: {  	[smem:$0x3FA2] =	sst s2  }
0xb: {  	[smem:$0x3FA3] =	sst s3  }
0xc: {  	[smem:$0x3FA4] =	sst s4  }
0xd: {  	[smem:$0x3FA5] =	sst s5  }
0xe: {  	[smem:$0x3FA6] =	sst s6  }
0xf: {  	[smem:$0x3FA7] =	sst s7  }
0x10: {  	[smem:$0x3FA8] =	sst s8  }
0x11: {  	[smem:$0x3FA9] =	sst s9;
	s0 =	simm.s32 @!p0 $0x0  }
0x12: {  	s1 =	sld [smem:$0x3F8F];
	s0 =	simm.s32 @p0 $0x1  }
0x13: {  	[smem:$0x3FAA] =	sst s0;
	s0 =	simm.s32 @!p1 $0x0  }
0x14: {  	s2 =	sld [smem:$0x3F8E];
	s0 =	simm.s32 @p1 $0x1  }
0x15: {  	[smem:$0x3FAB] =	sst s0;
	s0 =	simm.s32 @!p2 $0x0  }
0x16: {  	s3 =	sld [smem:$0x3FDB];
	s0 =	simm.s32 @p2 $0x1  }
0x17: {  	s4 =	simm.s32 $0x1BF5;
	[smem:$0x3FAD] =	sst s0  }
0x18: {  	s0 =	sld [smem:$0x3F90];
	_ =	swait.ge [sflag:s4], $0x0  }
0x19: {  	s7 =	sld [smem:$0x3F91]  }
0x1a: {  	s8 =	sadd.s32 $0xFFFFE003, lr  }
0x1b: {  	s9 =	sadd.s32 $0xFFFFFEF7, lr;
	s5 =	simm.s32 $0xFFFFFFFF;
	p2 =	slt.u32 s8, $0xFFFFF086  }
0x1c: {  	p1 =	slt.u32 s9, $0xF7A;
	s5 =	simm.s32 @!p2 $0x0  }
0x1d: {  	s5 =	simm.s32 @p1 $0x1;
	p0 =	seq.s32 s7, s2  }
0x1e: {  	s7 =	smul.u32 @!p0 $0xF7A, s2;
	p2 =	seq.s32 @!p0 s5, $0x0  }
0x1f: {  	s9 =	smul.u32 $0xF7A, s1;
	s8 =	simm.s32 @!p0 $0x1BF5;
	p2 =	por !p2, p0  }
0x20: {  	[sflag:s8] =	ssyncset.s32 @!p0 $0xFFFFF086;
	s6 =	sadd.s32 @!p0 s3, s7;
	s7 =	simm.s32 @!p0 $0x108  }
0x21: {  	s3 =	sadd.s32 s3, s9;
	s6 =	sadd.s32 @!p0 $0x88, s6;
	s7 =	simm.s32 @p2 $0x1082  }
0x22: {  	[simem:s7], [sflag:s8] =	dma.local @!p0 [hbm:s6], $0xF7A  }
0x23: {  	s9 =	sor.u32 $0xD0000000, s2;
	s6 =	simm.s32 $0x108;
	_ =	swait.ge @!p0 [sflag:s8], $0x0  }
0x24: {  	s3 =	sadd.s32 $0x88, s3;
	s6 =	simm.s32 @!p1 $0x1082;
	[sflag:s4] =	ssyncset.s32 $0xFFFFF086  }
0x25: {  	[simem:s6], [sflag:s4] =	dma.local [hbm:s3], $0xF7A  }
0x26: {  	[smem:$0x3F91] =	sst s1;
	(tag) =	ssettag s2;
	_ =	strace s9  }
0x27: {  	s1 =	sld [smem:$0x3FA1]  }
0x28: {  	s2 =	sld [smem:$0x3FA2]  }
0x29: {  	s4 =	sld [smem:$0x3FA4]  }
0x2a: {  	p0 =	seq.s32 s5, $0x0;
	s5 =	sld [smem:$0x3FA5]  }
0x2b: {  	s6 =	sld [smem:$0x3FA6]  }
0x2c: {  	s7 =	sld [smem:$0x3FA7]  }
0x2d: {  	s3 =	simm.s32 $0x108;
	s8 =	sld [smem:$0x3FA8]  }
0x2e: {  	s3 =	simm.s32 @!p0 $0x1082;
	s9 =	sld [smem:$0x3FA9]  }
0x2f: {  	lr =	sadd.s32 s0, s3;
	s0 =	sld [smem:$0x3FA0]  }
0x30: {  	s3 =	sld [smem:$0x3FA3]  }
0x31: {  	[smem:$0x3FAC] =	sst s10  }
0x32: {  	s10 =	sld [smem:$0x3FAA];
	_ =	sdelay $0x3  }
0x33: {  	p0 =	seq.s32 s10, $0x1;
	s10 =	sld [smem:$0x3FAC];
	_ =	sdelay $0x3  }
0x34: {  	[smem:$0x3FAC] =	sst s10  }
0x35: {  	s10 =	sld [smem:$0x3FAB];
	_ =	sdelay $0x3  }
0x36: {  	p1 =	seq.s32 s10, $0x1;
	s10 =	sld [smem:$0x3FAC];
	_ =	sdelay $0x3  }
0x37: {  	[smem:$0x3FAC] =	sst s10  }
0x38: {  	s10 =	sld [smem:$0x3FAD]  }
0x39: {  	_ = 	snop;
	(pc) =	sbr.ind lr, $3  }
0x3a: {  	_ = 	snop  }
0x3b: {  	_ = 	snop  }
0x3c: {  	p2 =	seq.s32 s10, $0x1;
	s10 =	sld [smem:$0x3FAC]  }
0x3d: {  	_ =	shalt  }
0x3e: {  	_ =	shalt  }
0x3f: {  	_ =	shalt  }
0x40: {  	_ =	shalt  }
0x41: {  	_ =	shalt  }
0x42: {  	_ =	shalt  }
0x43: {  	_ =	shalt  }
0x44: {  	_ =	shalt  }
0x45: {  	_ =	shalt  }
0x46: {  	_ =	shalt  }
0x47: {  	_ =	shalt  }
0x48: {  	_ =	shalt  }
0x49: {  	_ =	shalt  }
0x4a: {  	_ =	shalt  }
0x4b: {  	_ =	shalt  }
0x4c: {  	_ =	shalt  }
0x4d: {  	_ =	shalt  }
0x4e: {  	_ =	shalt  }
0x4f: {  	_ =	shalt  }
0x50: {  	_ =	shalt  }
0x51: {  	_ =	shalt  }
0x52: {  	_ =	shalt  }
0x53: {  	_ =	shalt  }
0x54: {  	_ =	shalt  }
0x55: {  	_ =	shalt  }
0x56: {  	_ =	shalt  }
0x57: {  	_ =	shalt  }
0x58: {  	_ =	shalt  }
0x59: {  	_ =	shalt  }
0x5a: {  	_ =	shalt  }
0x5b: {  	_ =	shalt  }
0x5c: {  	_ =	shalt  }
0x5d: {  	_ =	shalt  }
0x5e: {  	_ =	shalt  }
0x5f: {  	_ =	shalt  }
0x60: {  	_ =	shalt  }
0x61: {  	_ =	shalt  }
0x62: {  	_ =	shalt  }
0x63: {  	_ =	shalt  }
0x64: {  	_ =	shalt  }
0x65: {  	_ =	shalt  }
0x66: {  	_ =	shalt  }
0x67: {  	_ =	shalt  }
0x68: {  	_ =	shalt  }
0x69: {  	_ =	shalt  }
0x6a: {  	_ =	shalt  }
0x6b: {  	_ =	shalt  }
0x6c: {  	_ =	shalt  }
0x6d: {  	_ =	shalt  }
0x6e: {  	_ =	shalt  }
0x6f: {  	_ =	shalt  }
0x70: {  	_ =	shalt  }
0x71: {  	_ =	shalt  }
0x72: {  	_ =	shalt  }
0x73: {  	_ =	shalt  }
0x74: {  	_ =	shalt  }
0x75: {  	_ =	shalt  }
0x76: {  	_ =	shalt  }
0x77: {  	_ =	shalt  }
0x78: {  	_ =	shalt  }
0x79: {  	_ =	shalt  }
0x7a: {  	_ =	shalt  }
0x7b: {  	_ =	shalt  }
0x7c: {  	_ =	shalt  }
0x7d: {  	_ =	shalt  }
0x7e: {  	_ =	shalt  }
0x7f: {  	_ =	shalt  }
0x80: {  	_ =	shalt  }
0x81: {  	_ =	shalt  }
0x82: {  	_ =	shalt  }
0x83: {  	_ =	shalt  }
0x84: {  	_ =	shalt  }
0x85: {  	_ =	shalt  }
0x86: {  	_ =	shalt  }
0x87: {  	_ =	shalt  }
.Lfunc_end0:
.L_simem_size_0:
called_computation.1_lowered:
.L_overlay_start_0:
0x88: {  	s2 =	sld [smem:$0x3FD9]  }
0x89: {  	s3 =	sld [smem:$0x3FFE];
	_ =	sdelay $0x1  }
0x8a: {  	s1 =	srdreg.scid  }
0x8b: {  	s0 =	sand.u32 $0x1, s1  }
0x8c: {  	s15 =	sshll.u32 s0, $0xA;
	s2 =	sadd.s32 s3, s2  }
0x8d: {  	s2 =	sadd.s32 s2, s15  }
0x8e: {  	[smem:$0x3FB8] =	sst s2  }
0x8f: {  	_ = 	snop  }
0x90: {  	s2 =	sld [smem:$0x3FD0];
	_ =	sdelay $0x2  }
0x91: {  	s16 =	simm.s32 $0xD;
	s4 =	simm.s32 $0x10  }
0x92: {  	[smem:s4], [sflag:s16] =	dma.local [hbm:s2], $0x1  }
0x93: {  	_ =	swait.eq [sflag:s16], $0x1  }
0x94: {  	[sflag:s16] =	ssyncset.done $0x0  }
0x95: {  	[sflag:s16] =	ssyncadd.s32 $0xFFFFFFFF  }
0x96: {  	s17 =	sld [smem:$0x11];
	(tm) =	ssettm $0x1  }
0x97: {  	s18 =	sld [smem:$0x3FFB];
	_ =	sdelay $0x3  }
0x98: {  	_ =	strace s18  }
0x99: {  	s2 =	sld [smem:$0x3FFC];
	_ =	sdelay $0x3  }
0x9a: {  	_ =	strace s2  }
0x9b: {  	s2 =	sld [smem:$0x3FFD];
	_ =	sdelay $0x3  }
0x9c: {  	_ =	strace s2  }
0x9d: {  	_ =	strace $0x8FFFFFFF  }
0x9e: {  	s19 =	sld [smem:$0x3FDB];
	_ =	sdelay $0x1  }
0x9f: {  	s20 =	simm.s32 $_scs_section_size  }
0xa0: {  	s5 =	simm.s32 $_size__tile_overlayer_lowered;
	s6 =	simm.s32 $_tile_overlayer_lowered  }
0xa1: {  	s7 =	simm.s32 $0x1BFF;
	s21 =	sshll.u32 s6, $0x1;
	s4 =	sadd.s32 s20, s19  }
0xa2: {  	s22 =	simm.s32 $0x0;
	s5 =	sshll.u32 s5, $0x1;
	s6 =	sadd.s32 s21, s4  }
0xa3: {  	[timem:s22], [sflag:s7] =	dma.local [hbm:s6], s5  }
0xa4: {  	_ =	swait.ge [sflag:s7], s5  }
0xa5: {  	s5 =	ssub.s32 $0x0, s5;
	[sflag:s7] =	ssyncset.done $0x0  }
0xa6: {  	[sflag:s7] =	ssyncadd.s32 s5;
	_ =	sdelay $0x1  }
0xa7: {  	s23 =	simm.s32 $0x1B8B  }
0xa8: {  	_ =	swait.ge [sflag:s23], $0x1  }
0xa9: {  	[sflag:s23] =	ssyncset.done $0x0  }
0xaa: {  	[sflag:s23] =	ssyncadd.s32 $0xFFFFFFFF  }
0xab: {  	s5 =	sld [smem:$0x0]  }
0xac: {  	s6 =	sand.u32 $0xFFFFFFFE, s1  }
0xad: {  	p0 =	sne.s32 s1, s6  }
0xae: {  	s6 =	sshll.u32 @p0 s6, $0xE  }
0xaf: {  	s6 =	sadd.s32 @p0 $0x11B8D, s6;
	s7 =	sshll.u32 @p0 s5, $0x11  }
0xb0: {  	s6 =	sor.u32 @p0 s7, s6  }
0xb1: {  	[sflag:s6] =	ssyncadd.remote.s32 @p0 $0x1;
	_ =	sdelay $0x1  }
0xb2: {  	s6 =	simm.s32 @p0 $0x1B8D  }
0xb3: {  	_ =	swait.eq @p0 [sflag:s6], $0x1  }
0xb4: {  	[sflag:s6] =	ssyncadd.s32 @p0 $0xFFFFFFFF  }
0xb5: {  	s7 =	sshll.u32 @!p0 s1, $0xE  }
0xb6: {  	s7 =	sor.u32 @!p0 $0x4000, s7;
	s6 =	simm.s32 @!p0 $0x1B8D  }
0xb7: {  	s5 =	sshll.u32 @!p0 s5, $0x11;
	s7 =	sadd.s32 @!p0 $0x11B8D, s7;
	_ =	swait.eq @!p0 [sflag:s6], $0x1  }
0xb8: {  	s5 =	sor.u32 @!p0 s5, s7;
	[sflag:s6] =	ssyncadd.s32 @!p0 $0xFFFFFFFF  }
0xb9: {  	s25 =	simm.s32 $0x1B8E;
	s24 =	sld [smem:$0x3FFE];
	[sflag:s5] =	ssyncadd.remote.s32 @!p0 $0x1  }
0xba: {  	s26 =	simm.s32 $execute0_lowered;
	[smem:$0x3FD2] =	sst s25  }
0xbb: {  	s6 =	sshll.u32 s26, $0x1;
	_ =	strace $0x8000004C;
	[dreg:$0x1] =	wrdreg $0xFFFFFFFF  }
0xbc: {  	s28 =	simm.s32 $_size_execute0_lowered;
	s4 =	sadd.s32 s4, s6;
	[dreg:$0x0] =	wrdreg $0x0  }
0xbd: {  	s6 =	sshll.u32 s28, $0x1;
	[dreg:$0x2] =	wrdreg s4  }
0xbe: {  	[dreg:$0x3] =	wrdreg s6  }
0xbf: {  	[dreg:$0x4] =	wrdreg $0xC0  }
0xc0: {  	_ =	task [dreg:s22], $0x5FFFF  }
0xc1: {  	[dreg:$0x1] =	wrdreg $0xFFFFFFFF  }
0xc2: {  	[dreg:$0x0] =	wrdreg $0x60  }
0xc3: {  	[dreg:$0x2] =	wrdreg s24  }
0xc4: {  	[dreg:$0x3] =	wrdreg s17  }
0xc5: {  	[dreg:$0x4] =	wrdreg $0xB  }
0xc6: {  	_ =	task.clear_ibuf [dreg:s22], $0x5FFFF;
	_ =	strace $0x9000004C  }
0xc7: {  	s29 =	simm.s32 $0xB;
	_ =	strace $0x8000004E  }
0xc8: {  	_ =	swait.ge [sflag:s29], $0x1  }
0xc9: {  	[sflag:s29] =	ssyncadd.s32 $0xFFFFFFFF  }
0xca: {  	_ =	strace $0x9000004E  }
0xcb: {  	_ =	sfence  }
0xcc: {  	s30 =	sld [smem:$0x0];
	_ =	sdelay $0x2  }
0xcd: {  	s31 =	sshll.u32 s1, $0xD;
	s1 =	sshrl.u32 s1, $0x2  }
0xce: {  	s4 =	sand.u32 $0x4000, s31;
	s1 =	sadd.s32 s1, s30  }
0xcf: {  	s0 =	sor.u32 s4, s0;
	s1 =	sshll.u32 s1, $0x11  }
0xd0: {  	s0 =	sor.u32 s1, s0  }
0xd1: {  	s0 =	sadd.s32 $0x8F2B, s0  }
0xd2: {  	[sflag:s0] =	ssyncadd.remote.s32 $0x1  }
0xd3: {  	_ =	sfence.sel $0xFFFF  }
0xd4: {  	[dreg:$0x0] =	wrdreg $0xFFFFFFFF;
	(pc) =	sbr.abs _section_cstart, $3  }
0xd5: {  	[dreg:$0x1] =	wrdreg $0xFFFFFFFF  }
0xd6: {  	_ =	task.clear_ibuf [dreg:s22], $0x2FFFF;
	_ =	strace $0x9FFFFFFF  }
0xd7: {  	(tm) =	ssettm $0x7FFFFFFF  }
tec
execute0_lowered:
.L_overlay_start_1:
0x0: {  	(tag) =	ssettag $0x1  }
0x1: {  	s1 =	srdreg.scid;
	s5 =	rddreg [dreg:$0x0]  }
0x2: {  	s0 =	stileid.u32;
	s6 =	rddreg [dreg:$0x1]  }
0x3: {  	s2 =	simm.s32 $0x0;
	s17 =	simm.s32 $0x1;
	s18 =	simm.s32 $0x2  }
0x4: {  	s19 =	simm.s32 $0x3;
	s20 =	simm.s32 $0x0;
	s8 =	smul.u32 $0x28000, s0  }
0x5: {  	s4 =	sand.u32 $0x1, s1;
	s26 =	sshll.u32 s0, $0x1;
	s12 =	smul.u32 $0x2800, s0  }
0x6: {  	[smem:$0x7FF] =	sst s2;
	s13 =	sadd.s32 $0x6B6800, s5;
	s10 =	smul.u32 $0x14000, s4  }
0x7: {  	s1 =	sor.u32 s4, s26;
	s11 =	ssub.s32 $0x2, s4;
	s15 =	smul.u32 $0x1400, s4  }
0x8: {  	s16 =	sadd.s32 $0x666800, s5;
	s3 =	smul.u32 $0x1400, s1;
	s14 =	sshrl.u32 s11, $0x1  }
0x9: {  	s1 =	rddreg [dreg:$0x2];
	_ =	strace $0x8000004D;
	s11 =	ssub.s32 s11, s14  }
0xa: {  	s28 =	sadd.s32 s10, s8;
	s29 =	sadd.s32 s15, s12;
	s12 =	simm.s32 $0x80  }
0xb: {  	s14 =	simm.s32 $0x3800;
	s15 =	simm.s32 $0x3000;
	s7 =	sshrl.u32 s3, $0x3  }
0xc: {  	s3 =	sadd.s32 $0x30800, s5;
	s30 =	sshrl.u32 s28, $0x3;
	s31 =	sshll.u32 s29, $0x1  }
0xd: {  	s9 =	sadd.s32 s7, s5;
	s5 =	sadd.s32 s6, s7;
	s6 =	smax.u32 s11, $0x1  }
0xe: {  	s7 =	sadd.s32 s30, s16;
	s8 =	sadd.s32 s30, s13;
	s10 =	sor.u32 $0x100, s31  }
0xf: {  	s11 =	simm.s32 $0x4;
	s4 =	sadd.s32 $0x661800, s9;
	s9 =	sadd.s32 s10, s13  }
0x10: {  	s10 =	sadd.s32 s10, s16;
	s13 =	simm.s32 $0x2800;
	s16 =	simm.s32 $0x4000  }
.LBB2_1:
0x11: {  	[tilespmem:s2], [sflag:$0x4] =	stream.linear.gather [hbm4b:s4+s2], $0x1400, $0x38;
	[tilespmem:$0x4800] =	vst v63  }
0x12: {  	_ =	swait.ge [sflag:s11], $0x1400  }
0x13: {  	[sflag:s11] =	ssyncset.done $0x0  }
0x14: {  	s21 =	simm.s32 $0x1400;
	[sflag:s11] =	ssyncadd.s32 $0xFFFFEC00  }
0x15: {  	[tilespmem:s21], [sflag:$0x4] =	stream.linear.gather [hbm4b:s5+s2], $0x1400, $0x38;
	[tilespmem:$0x4800] =	vst v63  }
0x16: {  	_ =	swait.ge [sflag:s11], $0x1400  }
0x17: {  	[sflag:s11] =	ssyncset.done $0x0  }
0x18: {  	[sflag:s11] =	ssyncadd.s32 $0xFFFFEC00  }
0x19: {  	[tilespmem:s13], [sflag:$0x1] =	stream.indirect.gather [hbm4b:s3+s12], $0x10, s2, s12, $0xb8;
	[tilespmem:$0x4800] =	vst v63  }
0x1a: {  	_ = 	snop  }
0x1b: {  	[tilespmem:s14], [sflag:$0x1] =	stream.indirect.gather [hbm4b:s3+s12], $0x10, s21, s12, $0xb8;
	[tilespmem:$0x4800] =	vst v63  }
0x1c: {  	s22 =	simm.s32 $0x80  }
0x1d: {  	[tilespmem:s15], [sflag:$0x2] =	stream.indirect.gather [hbm4b:s3+s12], $0x10, s22, s12, $0xb8;
	[tilespmem:$0x4800] =	vst v63  }
0x1e: {  	s26 =	simm.s32 $0x1480  }
0x1f: {  	[tilespmem:s16], [sflag:$0x2] =	stream.indirect.gather [hbm4b:s3+s12], $0x10, s26, s12, $0xb8;
	[tilespmem:$0x4800] =	vst v63  }
0x20: {  	_ =	swait.ge [sflag:s17], $0x800  }
0x21: {  	[sflag:s17] =	ssyncset.done $0x0  }
0x22: {  	[sflag:s17] =	ssyncadd.s32 $0xFFFFF800  }
0x23: {  	_ =	swait.ge [sflag:s17], $0x800  }
0x24: {  	[sflag:s17] =	ssyncset.done $0x0  }
0x25: {  	s28 =	sadd.s32 $0x0, s8;
	[sflag:s17] =	ssyncadd.s32 $0xFFFFF800  }
0x26: {  	[hbm4b:s28+s2] =	stream.linear.scatter [tilespmem:s13], [sflag:$0x3], $0x800, $0x38;
	[tilespmem:$0x4800] =	vst v63  }
0x27: {  	s29 =	sadd.s32 $0x0, s7  }
0x28: {  	[hbm4b:s29+s2] =	stream.linear.scatter [tilespmem:s14], [sflag:$0x3], $0x800, $0x38;
	[tilespmem:$0x4800] =	vst v63  }
0x29: {  	_ =	swait.ge [sflag:s18], $0x800  }
0x2a: {  	[sflag:s18] =	ssyncset.done $0x0  }
0x2b: {  	[sflag:s18] =	ssyncadd.s32 $0xFFFFF800  }
0x2c: {  	_ =	swait.ge [sflag:s18], $0x800  }
0x2d: {  	[sflag:s18] =	ssyncset.done $0x0  }
0x2e: {  	s30 =	sadd.s32 $0x0, s9;
	[sflag:s18] =	ssyncadd.s32 $0xFFFFF800  }
0x2f: {  	[hbm4b:s30+s2] =	stream.linear.scatter [tilespmem:s15], [sflag:$0x3], $0x800, $0x38;
	[tilespmem:$0x4800] =	vst v63  }
0x30: {  	s31 =	sadd.s32 $0x0, s10  }
0x31: {  	[hbm4b:s31+s2] =	stream.linear.scatter [tilespmem:s16], [sflag:$0x3], $0x800, $0x38;
	[tilespmem:$0x4800] =	vst v63  }
0x32: {  	_ =	swait.ge [sflag:s19], $0x800  }
0x33: {  	[sflag:s19] =	ssyncset.done $0x0  }
0x34: {  	[sflag:s19] =	ssyncadd.s32 $0xFFFFF800  }
0x35: {  	_ =	swait.ge [sflag:s19], $0x800  }
0x36: {  	[sflag:s19] =	ssyncset.done $0x0  }
0x37: {  	[sflag:s19] =	ssyncadd.s32 $0xFFFFF800  }
0x38: {  	_ =	swait.ge [sflag:s19], $0x800  }
0x39: {  	[sflag:s19] =	ssyncset.done $0x0  }
0x3a: {  	[sflag:s19] =	ssyncadd.s32 $0xFFFFF800  }
0x3b: {  	_ =	swait.ge [sflag:s19], $0x800  }
0x3c: {  	s23 =	simm.s32 $0x0;
	s22 =	simm.s32 $0x200;
	[sflag:s19] =	ssyncset.done $0x0  }
.LBB2_2:
0x3d: {  	[sflag:s19] =	ssyncadd.s32 $0xFFFFF800;
	s23 =	sadd.s32 $0x100, s23;
	s21 =	sadd.s32 $0x100, s21  }
0x3e: {  	[tilespmem:s13], [sflag:$0x1] =	stream.indirect.gather [hbm4b:s3+s12], $0x10, s23, s12, $0xb8;
	[tilespmem:$0x4800] =	vst v63  }
0x3f: {  	p0 =	sne.s32 s22, $0x2600;
	s24 =	smov.u32 s22;
	s22 =	sadd.s32 $0x200, s22  }
0x40: {  	[tilespmem:s14], [sflag:$0x1] =	stream.indirect.gather [hbm4b:s3+s12], $0x10, s21, s12, $0xb8;
	[tilespmem:$0x4800] =	vst v63  }
0x41: {  	s25 =	sadd.s32 $0x80, s23  }
0x42: {  	[tilespmem:s15], [sflag:$0x2] =	stream.indirect.gather [hbm4b:s3+s12], $0x10, s25, s12, $0xb8;
	[tilespmem:$0x4800] =	vst v63  }
0x43: {  	s25 =	sadd.s32 $0x80, s21  }
0x44: {  	[tilespmem:s16], [sflag:$0x2] =	stream.indirect.gather [hbm4b:s3+s12], $0x10, s25, s12, $0xb8;
	[tilespmem:$0x4800] =	vst v63  }
0x45: {  	_ =	swait.ge [sflag:s17], $0x800  }
0x46: {  	[sflag:s17] =	ssyncset.done $0x0  }
0x47: {  	[sflag:s17] =	ssyncadd.s32 $0xFFFFF800  }
0x48: {  	_ =	swait.ge [sflag:s17], $0x800  }
0x49: {  	[sflag:s17] =	ssyncset.done $0x0  }
0x4a: {  	s25 =	sadd.s32 s24, s8;
	[sflag:s17] =	ssyncadd.s32 $0xFFFFF800  }
0x4b: {  	[hbm4b:s25+s2] =	stream.linear.scatter [tilespmem:s13], [sflag:$0x3], $0x800, $0x38;
	[tilespmem:$0x4800] =	vst v63  }
0x4c: {  	s25 =	sadd.s32 s24, s7  }
0x4d: {  	[hbm4b:s25+s2] =	stream.linear.scatter [tilespmem:s14], [sflag:$0x3], $0x800, $0x38;
	[tilespmem:$0x4800] =	vst v63  }
0x4e: {  	_ =	swait.ge [sflag:s18], $0x800  }
0x4f: {  	[sflag:s18] =	ssyncset.done $0x0  }
0x50: {  	[sflag:s18] =	ssyncadd.s32 $0xFFFFF800  }
0x51: {  	_ =	swait.ge [sflag:s18], $0x800  }
0x52: {  	[sflag:s18] =	ssyncset.done $0x0  }
0x53: {  	s25 =	sadd.s32 s24, s9;
	[sflag:s18] =	ssyncadd.s32 $0xFFFFF800  }
0x54: {  	[hbm4b:s25+s2] =	stream.linear.scatter [tilespmem:s15], [sflag:$0x3], $0x800, $0x38;
	[tilespmem:$0x4800] =	vst v63  }
0x55: {  	s24 =	sadd.s32 s24, s10  }
0x56: {  	[hbm4b:s24+s2] =	stream.linear.scatter [tilespmem:s16], [sflag:$0x3], $0x800, $0x38;
	[tilespmem:$0x4800] =	vst v63  }
0x57: {  	_ =	swait.ge [sflag:s19], $0x800  }
0x58: {  	[sflag:s19] =	ssyncset.done $0x0  }
0x59: {  	[sflag:s19] =	ssyncadd.s32 $0xFFFFF800  }
0x5a: {  	_ =	swait.ge [sflag:s19], $0x800  }
0x5b: {  	[sflag:s19] =	ssyncset.done $0x0  }
0x5c: {  	[sflag:s19] =	ssyncadd.s32 $0xFFFFF800  }
.Ltmp0:
0x5d: {  	_ =	swait.ge [sflag:s19], $0x800;
	(pc) =	sbr.rel @p0 .LBB2_2-.Ltmp0, $4  }
0x5e: {  	[sflag:s19] =	ssyncset.done $0x0  }
0x5f: {  	[sflag:s19] =	ssyncadd.s32 $0xFFFFF800  }
0x60: {  	_ =	swait.ge [sflag:s19], $0x800  }
0x61: {  	[sflag:s19] =	ssyncset.done $0x0  }
0x62: {  	s20 =	sadd.s32 $0x1, s20  }
0x63: {  	p0 =	sne.s32 s20, s6  }
.Ltmp1:
0x64: {  	_ = 	snop;
	(pc) =	sbr.rel @p0 .LBB2_1-.Ltmp1, $2  }
0x65: {  	_ =	sdelay $0x2  }
0x66: {  	[sflag:s19] =	ssyncadd.s32 $0xFFFFF800  }
0x67: {  	_ =	sfence.sel $0x180000  }
0x68: {  	[bflag:$0x0] =	sbarrier.arrive $0xFFFF  }
0x69: {  	p0 =	sne.s32 s0, $0x0;
	_ =	strace $0x9000004D  }
0x6a: {  	s0 =	sadd.s32 @!p0 $0x100000, s1;
	[bflag:$0x2] =	sbarrier.arrive $0xFFFF  }
0x6b: {  	[sflag:s0] =	ssyncadd.tile.s32 @!p0 $0x1;
	_ =	shalt  }
.Lfunc_end2:
_tile_overlayer_lowered:
.L_overlay_start_2:
0x6c: {  	(tag) =	ssettag $0x2  }
0x6d: {  	s0 =	rddreg [dreg:$0x0];
	s2 =	stileid.u32  }
0x6e: {  	s1 =	rddreg [dreg:$0x1];
	p0 =	sne.s32 s2, $0x0  }
0x6f: {  	s3 =	rddreg [dreg:$0x2];
	[bflag:$0x3] =	sbarrier.arrive $0xFFFF;
	s2 =	simm.s32 @!p0 $0x1C04  }
0x70: {  	[timem:s3], [sflag:s2] =	dma.local @!p0 [hbm:s0], s1  }
0x71: {  	s0 =	simm.s32 @!p0 $0x4  }
0x72: {  	_ =	swait.ge @!p0 [sflag:s0], s1  }
0x73: {  	s1 =	ssub.s32 @!p0 $0x0, s1;
	[sflag:s0] =	ssyncset.done @!p0 $0x0  }
0x74: {  	[sflag:s0] =	ssyncadd.s32 @!p0 s1  }
0x75: {  	[bflag:$0x3] =	sbarrier.arrive $0xFFFF  }
0x76: {  	_ =	shalt  }

// kernel: kernel.16.cloned.1.call-start
scs
__scs_entry_jumppad:
0x0: {  	(pc) =	sbr.rel $0x88, $3  }
0x1: {  	(tag) =	ssettag $0x0;
	lr =	simm.s32 $0x1  }
0x2: {  	[smem:$0x3F91] =	sst lr;
	_ =	strace $0xD0000000  }
0x3: {  	_ = 	snop  }
0x4: {  	_ = 	snop  }
0x5: {  	_ = 	snop  }
0x6: {  	_ = 	snop  }
0x7: {  	_ = 	snop  }
__scs_overlays_trampoline_lowered:
0x8: {  	[smem:$0x3FA0] =	sst s0  }
0x9: {  	[smem:$0x3FA1] =	sst s1  }
0xa: {  	[smem:$0x3FA2] =	sst s2  }
0xb: {  	[smem:$0x3FA3] =	sst s3  }
0xc: {  	[smem:$0x3FA4] =	sst s4  }
0xd: {  	[smem:$0x3FA5] =	sst s5  }
0xe: {  	[smem:$0x3FA6] =	sst s6  }
0xf: {  	[smem:$0x3FA7] =	sst s7  }
0x10: {  	[smem:$0x3FA8] =	sst s8  }
0x11: {  	[smem:$0x3FA9] =	sst s9;
	s0 =	simm.s32 @!p0 $0x0  }
0x12: {  	s1 =	sld [smem:$0x3F8F];
	s0 =	simm.s32 @p0 $0x1  }
0x13: {  	[smem:$0x3FAA] =	sst s0;
	s0 =	simm.s32 @!p1 $0x0  }
0x14: {  	s2 =	sld [smem:$0x3F8E];
	s0 =	simm.s32 @p1 $0x1  }
0x15: {  	[smem:$0x3FAB] =	sst s0;
	s0 =	simm.s32 @!p2 $0x0  }
0x16: {  	s3 =	sld [smem:$0x3FDB];
	s0 =	simm.s32 @p2 $0x1  }
0x17: {  	s4 =	simm.s32 $0x1BF5;
	[smem:$0x3FAD] =	sst s0  }
0x18: {  	s0 =	sld [smem:$0x3F90];
	_ =	swait.ge [sflag:s4], $0x0  }
0x19: {  	s7 =	sld [smem:$0x3F91]  }
0x1a: {  	s8 =	sadd.s32 $0xFFFFE003, lr  }
0x1b: {  	s9 =	sadd.s32 $0xFFFFFEF7, lr;
	s5 =	simm.s32 $0xFFFFFFFF;
	p2 =	slt.u32 s8, $0xFFFFF086  }
0x1c: {  	p1 =	slt.u32 s9, $0xF7A;
	s5 =	simm.s32 @!p2 $0x0  }
0x1d: {  	s5 =	simm.s32 @p1 $0x1;
	p0 =	seq.s32 s7, s2  }
0x1e: {  	s7 =	smul.u32 @!p0 $0xF7A, s2;
	p2 =	seq.s32 @!p0 s5, $0x0  }
0x1f: {  	s9 =	smul.u32 $0xF7A, s1;
	s8 =	simm.s32 @!p0 $0x1BF5;
	p2 =	por !p2, p0  }
0x20: {  	[sflag:s8] =	ssyncset.s32 @!p0 $0xFFFFF086;
	s6 =	sadd.s32 @!p0 s3, s7;
	s7 =	simm.s32 @!p0 $0x108  }
0x21: {  	s3 =	sadd.s32 s3, s9;
	s6 =	sadd.s32 @!p0 $0x88, s6;
	s7 =	simm.s32 @p2 $0x1082  }
0x22: {  	[simem:s7], [sflag:s8] =	dma.local @!p0 [hbm:s6], $0xF7A  }
0x23: {  	s9 =	sor.u32 $0xD0000000, s2;
	s6 =	simm.s32 $0x108;
	_ =	swait.ge @!p0 [sflag:s8], $0x0  }
0x24: {  	s3 =	sadd.s32 $0x88, s3;
	s6 =	simm.s32 @!p1 $0x1082;
	[sflag:s4] =	ssyncset.s32 $0xFFFFF086  }
0x25: {  	[simem:s6], [sflag:s4] =	dma.local [hbm:s3], $0xF7A  }
0x26: {  	[smem:$0x3F91] =	sst s1;
	(tag) =	ssettag s2;
	_ =	strace s9  }
0x27: {  	s1 =	sld [smem:$0x3FA1]  }
0x28: {  	s2 =	sld [smem:$0x3FA2]  }
0x29: {  	s4 =	sld [smem:$0x3FA4]  }
0x2a: {  	p0 =	seq.s32 s5, $0x0;
	s5 =	sld [smem:$0x3FA5]  }
0x2b: {  	s6 =	sld [smem:$0x3FA6]  }
0x2c: {  	s7 =	sld [smem:$0x3FA7]  }
0x2d: {  	s3 =	simm.s32 $0x108;
	s8 =	sld [smem:$0x3FA8]  }
0x2e: {  	s3 =	simm.s32 @!p0 $0x1082;
	s9 =	sld [smem:$0x3FA9]  }
0x2f: {  	lr =	sadd.s32 s0, s3;
	s0 =	sld [smem:$0x3FA0]  }
0x30: {  	s3 =	sld [smem:$0x3FA3]  }
0x31: {  	[smem:$0x3FAC] =	sst s10  }
0x32: {  	s10 =	sld [smem:$0x3FAA];
	_ =	sdelay $0x3  }
0x33: {  	p0 =	seq.s32 s10, $0x1;
	s10 =	sld [smem:$0x3FAC];
	_ =	sdelay $0x3  }
0x34: {  	[smem:$0x3FAC] =	sst s10  }
0x35: {  	s10 =	sld [smem:$0x3FAB];
	_ =	sdelay $0x3  }
0x36: {  	p1 =	seq.s32 s10, $0x1;
	s10 =	sld [smem:$0x3FAC];
	_ =	sdelay $0x3  }
0x37: {  	[smem:$0x3FAC] =	sst s10  }
0x38: {  	s10 =	sld [smem:$0x3FAD]  }
0x39: {  	_ = 	snop;
	(pc) =	sbr.ind lr, $3  }
0x3a: {  	_ = 	snop  }
0x3b: {  	_ = 	snop  }
0x3c: {  	p2 =	seq.s32 s10, $0x1;
	s10 =	sld [smem:$0x3FAC]  }
0x3d: {  	_ =	shalt  }
0x3e: {  	_ =	shalt  }
0x3f: {  	_ =	shalt  }
0x40: {  	_ =	shalt  }
0x41: {  	_ =	shalt  }
0x42: {  	_ =	shalt  }
0x43: {  	_ =	shalt  }
0x44: {  	_ =	shalt  }
0x45: {  	_ =	shalt  }
0x46: {  	_ =	shalt  }
0x47: {  	_ =	shalt  }
0x48: {  	_ =	shalt  }
0x49: {  	_ =	shalt  }
0x4a: {  	_ =	shalt  }
0x4b: {  	_ =	shalt  }
0x4c: {  	_ =	shalt  }
0x4d: {  	_ =	shalt  }
0x4e: {  	_ =	shalt  }
0x4f: {  	_ =	shalt  }
0x50: {  	_ =	shalt  }
0x51: {  	_ =	shalt  }
0x52: {  	_ =	shalt  }
0x53: {  	_ =	shalt  }
0x54: {  	_ =	shalt  }
0x55: {  	_ =	shalt  }
0x56: {  	_ =	shalt  }
0x57: {  	_ =	shalt  }
0x58: {  	_ =	shalt  }
0x59: {  	_ =	shalt  }
0x5a: {  	_ =	shalt  }
0x5b: {  	_ =	shalt  }
0x5c: {  	_ =	shalt  }
0x5d: {  	_ =	shalt  }
0x5e: {  	_ =	shalt  }
0x5f: {  	_ =	shalt  }
0x60: {  	_ =	shalt  }
0x61: {  	_ =	shalt  }
0x62: {  	_ =	shalt  }
0x63: {  	_ =	shalt  }
0x64: {  	_ =	shalt  }
0x65: {  	_ =	shalt  }
0x66: {  	_ =	shalt  }
0x67: {  	_ =	shalt  }
0x68: {  	_ =	shalt  }
0x69: {  	_ =	shalt  }
0x6a: {  	_ =	shalt  }
0x6b: {  	_ =	shalt  }
0x6c: {  	_ =	shalt  }
0x6d: {  	_ =	shalt  }
0x6e: {  	_ =	shalt  }
0x6f: {  	_ =	shalt  }
0x70: {  	_ =	shalt  }
0x71: {  	_ =	shalt  }
0x72: {  	_ =	shalt  }
0x73: {  	_ =	shalt  }
0x74: {  	_ =	shalt  }
0x75: {  	_ =	shalt  }
0x76: {  	_ =	shalt  }
0x77: {  	_ =	shalt  }
0x78: {  	_ =	shalt  }
0x79: {  	_ =	shalt  }
0x7a: {  	_ =	shalt  }
0x7b: {  	_ =	shalt  }
0x7c: {  	_ =	shalt  }
0x7d: {  	_ =	shalt  }
0x7e: {  	_ =	shalt  }
0x7f: {  	_ =	shalt  }
0x80: {  	_ =	shalt  }
0x81: {  	_ =	shalt  }
0x82: {  	_ =	shalt  }
0x83: {  	_ =	shalt  }
0x84: {  	_ =	shalt  }
0x85: {  	_ =	shalt  }
0x86: {  	_ =	shalt  }
0x87: {  	_ =	shalt  }
.Lfunc_end0:
.L_simem_size_0:
called_computation.4_lowered:
.L_overlay_start_0:
0x88: {  	s2 =	sld [smem:$0x3FD9]  }
0x89: {  	s3 =	sld [smem:$0x3FFE];
	_ =	sdelay $0x1  }
0x8a: {  	s1 =	srdreg.scid  }
0x8b: {  	s0 =	sand.u32 $0x1, s1  }
0x8c: {  	s17 =	sshll.u32 s0, $0xA;
	s2 =	sadd.s32 s3, s2  }
0x8d: {  	s2 =	sadd.s32 s2, s17  }
0x8e: {  	[smem:$0x3FB8] =	sst s2  }
0x8f: {  	_ = 	snop  }
0x90: {  	(tm) =	ssettm $0x1  }
0x91: {  	s18 =	sld [smem:$0x3FFB];
	_ =	sdelay $0x3  }
0x92: {  	_ =	strace s18  }
0x93: {  	s2 =	sld [smem:$0x3FFC];
	_ =	sdelay $0x3  }
0x94: {  	_ =	strace s2  }
0x95: {  	s2 =	sld [smem:$0x3FFD];
	_ =	sdelay $0x3  }
0x96: {  	_ =	strace s2  }
0x97: {  	_ =	strace $0x8FFFFFFF  }
0x98: {  	s19 =	sld [smem:$0x3FDB];
	_ =	sdelay $0x1  }
0x99: {  	s20 =	simm.s32 $_scs_section_size  }
0x9a: {  	s4 =	simm.s32 $_size__tile_overlayer_lowered;
	s5 =	simm.s32 $_tile_overlayer_lowered  }
0x9b: {  	s6 =	simm.s32 $0x1BFF;
	s21 =	sshll.u32 s5, $0x1;
	s3 =	sadd.s32 s20, s19  }
0x9c: {  	s22 =	simm.s32 $0x0;
	s4 =	sshll.u32 s4, $0x1;
	s5 =	sadd.s32 s21, s3  }
0x9d: {  	[timem:s22], [sflag:s6] =	dma.local [hbm:s5], s4  }
0x9e: {  	_ =	swait.ge [sflag:s6], s4  }
0x9f: {  	s4 =	ssub.s32 $0x0, s4;
	[sflag:s6] =	ssyncset.done $0x0  }
0xa0: {  	[sflag:s6] =	ssyncadd.s32 s4;
	_ =	sdelay $0x1  }
0xa1: {  	s23 =	simm.s32 $0x1B8B  }
0xa2: {  	_ =	swait.ge [sflag:s23], $0x1  }
0xa3: {  	[sflag:s23] =	ssyncset.done $0x0  }
0xa4: {  	[sflag:s23] =	ssyncadd.s32 $0xFFFFFFFF  }
0xa5: {  	s4 =	sld [smem:$0x0]  }
0xa6: {  	s5 =	sand.u32 $0xFFFFFFFE, s1  }
0xa7: {  	p0 =	sne.s32 s1, s5  }
0xa8: {  	s5 =	sshll.u32 @p0 s5, $0xE  }
0xa9: {  	s5 =	sadd.s32 @p0 $0x11B8D, s5;
	s6 =	sshll.u32 @p0 s4, $0x11  }
0xaa: {  	s5 =	sor.u32 @p0 s6, s5  }
0xab: {  	[sflag:s5] =	ssyncadd.remote.s32 @p0 $0x1;
	_ =	sdelay $0x1  }
0xac: {  	s5 =	simm.s32 @p0 $0x1B8D  }
0xad: {  	_ =	swait.eq @p0 [sflag:s5], $0x1  }
0xae: {  	[sflag:s5] =	ssyncadd.s32 @p0 $0xFFFFFFFF  }
0xaf: {  	s6 =	sshll.u32 @!p0 s1, $0xE  }
0xb0: {  	s6 =	sor.u32 @!p0 $0x4000, s6;
	s5 =	simm.s32 @!p0 $0x1B8D  }
0xb1: {  	s4 =	sshll.u32 @!p0 s4, $0x11;
	s6 =	sadd.s32 @!p0 $0x11B8D, s6;
	_ =	swait.eq @!p0 [sflag:s5], $0x1  }
0xb2: {  	s4 =	sor.u32 @!p0 s4, s6;
	[sflag:s5] =	ssyncadd.s32 @!p0 $0xFFFFFFFF  }
0xb3: {  	s25 =	simm.s32 $0x1B8E;
	s24 =	sld [smem:$0x3FFE];
	[sflag:s4] =	ssyncadd.remote.s32 @!p0 $0x1  }
0xb4: {  	s26 =	simm.s32 $execute0_lowered;
	[smem:$0x3FD2] =	sst s25  }
0xb5: {  	s5 =	sshll.u32 s26, $0x1;
	_ =	strace $0x80000049;
	[dreg:$0x1] =	wrdreg $0xFFFFFFFF  }
0xb6: {  	s28 =	simm.s32 $_size_execute0_lowered;
	s3 =	sadd.s32 s3, s5;
	[dreg:$0x0] =	wrdreg $0x0  }
0xb7: {  	s5 =	sshll.u32 s28, $0x1;
	[dreg:$0x2] =	wrdreg s3  }
0xb8: {  	[dreg:$0x3] =	wrdreg s5  }
0xb9: {  	[dreg:$0x4] =	wrdreg $0xC0  }
0xba: {  	_ =	task [dreg:s22], $0x5FFFF  }
0xbb: {  	[dreg:$0x1] =	wrdreg $0xFFFFFFFF  }
0xbc: {  	[dreg:$0x0] =	wrdreg $0x60  }
0xbd: {  	[dreg:$0x2] =	wrdreg s24  }
0xbe: {  	[dreg:$0x3] =	wrdreg $0x9  }
0xbf: {  	_ =	task.clear_ibuf [dreg:s22], $0x4FFFF;
	_ =	strace $0x90000049  }
0xc0: {  	s29 =	simm.s32 $0x9;
	_ =	strace $0x8000004B  }
0xc1: {  	_ =	swait.ge [sflag:s29], $0x1  }
0xc2: {  	[sflag:s29] =	ssyncadd.s32 $0xFFFFFFFF  }
0xc3: {  	_ =	strace $0x9000004B  }
0xc4: {  	_ =	sfence  }
0xc5: {  	s30 =	sld [smem:$0x0];
	_ =	sdelay $0x2  }
0xc6: {  	s31 =	sshll.u32 s1, $0xD;
	s1 =	sshrl.u32 s1, $0x2  }
0xc7: {  	s4 =	sand.u32 $0x4000, s31;
	s1 =	sadd.s32 s1, s30  }
0xc8: {  	s0 =	sor.u32 s4, s0;
	s1 =	sshll.u32 s1, $0x11  }
0xc9: {  	s0 =	sor.u32 s1, s0  }
0xca: {  	s0 =	sadd.s32 $0x8F2B, s0  }
0xcb: {  	[sflag:s0] =	ssyncadd.remote.s32 $0x1  }
0xcc: {  	_ =	sfence.sel $0xFFFF  }
0xcd: {  	[dreg:$0x0] =	wrdreg $0xFFFFFFFF;
	(pc) =	sbr.abs _section_cstart, $3  }
0xce: {  	[dreg:$0x1] =	wrdreg $0xFFFFFFFF  }
0xcf: {  	_ =	task.clear_ibuf [dreg:s22], $0x2FFFF;
	_ =	strace $0x9FFFFFFF  }
0xd0: {  	(tm) =	ssettm $0x7FFFFFFF  }
0xd1: {  	_ =	shalt  }
tec
execute0_lowered:
.L_overlay_start_1:
0x0: {  	(tag) =	ssettag $0x1  }
0x1: {  	s1 =	srdreg.scid;
	s0 =	stileid.u32  }
0x2: {  	s5 =	rddreg [dreg:$0x0];
	s2 =	simm.s32 $0x0;
	s15 =	simm.s32 $0xA800  }
0x3: {  	s16 =	simm.s32 $0x6800;
	s17 =	simm.s32 $0xE800;
	s18 =	simm.s32 $0x1  }
0x4: {  	s19 =	simm.s32 $0x2;
	s20 =	simm.s32 $0x3;
	s21 =	simm.s32 $0x0  }
0x5: {  	s8 =	sand.u32 $0x1, s1;
	s4 =	sadd.s32 $0x139800, s5;
	s9 =	smul.u32 $0x140000, s0  }
0x6: {  	s28 =	sshll.u32 s0, $0x1;
	s10 =	sadd.s32 $0x161800, s5;
	s29 =	smul.u32 $0x28000, s0  }
0x7: {  	[smem:$0x7FF] =	sst s2;
	s13 =	sadd.s32 $0x3E1800, s5;
	s12 =	smul.u32 $0xA0000, s8  }
0x8: {  	s1 =	sor.u32 s8, s28;
	s7 =	ssub.s32 $0x2, s8;
	s30 =	smul.u32 $0x14000, s8  }
0x9: {  	s3 =	smul.u32 $0x1400, s1;
	s1 =	rddreg [dreg:$0x1];
	s11 =	sshrl.u32 s7, $0x1  }
0xa: {  	_ =	strace $0x8000004A;
	s14 =	sadd.s32 s29, s10;
	s7 =	ssub.s32 s7, s11  }
0xb: {  	s9 =	sadd.s32 s12, s9;
	s11 =	sadd.s32 s29, s13;
	s31 =	sadd.s32 s30, s14  }
0xc: {  	s12 =	simm.s32 $0x4;
	s14 =	simm.s32 $0x2800;
	s3 =	sshrl.u32 s3, $0x3  }
0xd: {  	s7 =	smax.u32 s7, $0x1;
	s9 =	sshrl.u32 s9, $0x3;
	s11 =	sadd.s32 s30, s11  }
0xe: {  	s6 =	sadd.s32 s3, s5;
	s3 =	sadd.s32 $0x111800, s5;
	s8 =	sadd.s32 s9, s13  }
0xf: {  	s9 =	sadd.s32 s9, s10;
	s10 =	sadd.s32 $0x800, s31;
	s11 =	sadd.s32 $0x800, s11  }
0x10: {  	s13 =	simm.s32 $0x80;
	s5 =	sadd.s32 $0x44800, s6;
	s6 =	sadd.s32 $0x3A800, s6  }
.LBB2_1:
0x11: {  	[tilespmem:s2], [sflag:$0x4] =	stream.linear.gather [hbm4b:s5+s2], $0x1400, $0x38;
	[tilespmem:$0x12800] =	vst v63  }
0x12: {  	_ =	swait.ge [sflag:s12], $0x1400  }
0x13: {  	[sflag:s12] =	ssyncset.done $0x0  }
0x14: {  	s22 =	simm.s32 $0x1400;
	[sflag:s12] =	ssyncadd.s32 $0xFFFFEC00  }
0x15: {  	[tilespmem:s22], [sflag:$0x4] =	stream.linear.gather [hbm4b:s6+s2], $0x1400, $0x38;
	[tilespmem:$0x12800] =	vst v63  }
0x16: {  	_ =	swait.ge [sflag:s12], $0x1400  }
0x17: {  	[sflag:s12] =	ssyncset.done $0x0  }
0x18: {  	[sflag:s12] =	ssyncadd.s32 $0xFFFFEC00  }
0x19: {  	[tilespmem:s14], [sflag:$0x1] =	stream.indirect.gather [hbm4b:s3+s13], $0x80, s2, s13, $0xb8;
	[tilespmem:$0x12800] =	vst v63  }
0x1a: {  	_ = 	snop  }
0x1b: {  	[tilespmem:s15], [sflag:$0x1] =	stream.indirect.gather [hbm4b:s4+s13], $0x80, s22, s13, $0xb8;
	[tilespmem:$0x12800] =	vst v63  }
0x1c: {  	s23 =	simm.s32 $0x80  }
0x1d: {  	[tilespmem:s16], [sflag:$0x2] =	stream.indirect.gather [hbm4b:s3+s13], $0x80, s23, s13, $0xb8;
	[tilespmem:$0x12800] =	vst v63  }
0x1e: {  	s26 =	simm.s32 $0x1480  }
0x1f: {  	[tilespmem:s17], [sflag:$0x2] =	stream.indirect.gather [hbm4b:s4+s13], $0x80, s26, s13, $0xb8;
	[tilespmem:$0x12800] =	vst v63  }
0x20: {  	_ =	swait.ge [sflag:s18], $0x4000  }
0x21: {  	[sflag:s18] =	ssyncset.done $0x0  }
0x22: {  	[sflag:s18] =	ssyncadd.s32 $0xFFFFC000  }
0x23: {  	_ =	swait.ge [sflag:s18], $0x4000  }
0x24: {  	[sflag:s18] =	ssyncset.done $0x0  }
0x25: {  	s28 =	sadd.s32 $0x0, s9;
	[sflag:s18] =	ssyncadd.s32 $0xFFFFC000  }
0x26: {  	[hbm4b:s28+s2] =	stream.linear.scatter [tilespmem:s14], [sflag:$0x3], $0x4000, $0x38;
	[tilespmem:$0x12800] =	vst v63  }
0x27: {  	s29 =	sadd.s32 $0x0, s8  }
0x28: {  	[hbm4b:s29+s2] =	stream.linear.scatter [tilespmem:s15], [sflag:$0x3], $0x4000, $0x38;
	[tilespmem:$0x12800] =	vst v63  }
0x29: {  	_ =	swait.ge [sflag:s19], $0x4000  }
0x2a: {  	[sflag:s19] =	ssyncset.done $0x0  }
0x2b: {  	[sflag:s19] =	ssyncadd.s32 $0xFFFFC000  }
0x2c: {  	_ =	swait.ge [sflag:s19], $0x4000  }
0x2d: {  	[sflag:s19] =	ssyncset.done $0x0  }
0x2e: {  	s30 =	sadd.s32 $0x0, s10;
	[sflag:s19] =	ssyncadd.s32 $0xFFFFC000  }
0x2f: {  	[hbm4b:s30+s2] =	stream.linear.scatter [tilespmem:s16], [sflag:$0x3], $0x4000, $0x38;
	[tilespmem:$0x12800] =	vst v63  }
0x30: {  	s31 =	sadd.s32 $0x0, s11  }
0x31: {  	[hbm4b:s31+s2] =	stream.linear.scatter [tilespmem:s17], [sflag:$0x3], $0x4000, $0x38;
	[tilespmem:$0x12800] =	vst v63  }
0x32: {  	_ =	swait.ge [sflag:s20], $0x4000  }
0x33: {  	[sflag:s20] =	ssyncset.done $0x0  }
0x34: {  	[sflag:s20] =	ssyncadd.s32 $0xFFFFC000  }
0x35: {  	_ =	swait.ge [sflag:s20], $0x4000  }
0x36: {  	[sflag:s20] =	ssyncset.done $0x0  }
0x37: {  	[sflag:s20] =	ssyncadd.s32 $0xFFFFC000  }
0x38: {  	_ =	swait.ge [sflag:s20], $0x4000  }
0x39: {  	[sflag:s20] =	ssyncset.done $0x0  }
0x3a: {  	[sflag:s20] =	ssyncadd.s32 $0xFFFFC000  }
0x3b: {  	_ =	swait.ge [sflag:s20], $0x4000  }
0x3c: {  	s24 =	simm.s32 $0x0;
	s23 =	simm.s32 $0x1000;
	[sflag:s20] =	ssyncset.done $0x0  }
.LBB2_2:
0x3d: {  	[sflag:s20] =	ssyncadd.s32 $0xFFFFC000;
	s24 =	sadd.s32 $0x100, s24;
	s22 =	sadd.s32 $0x100, s22  }
0x3e: {  	[tilespmem:s14], [sflag:$0x1] =	stream.indirect.gather [hbm4b:s3+s13], $0x80, s24, s13, $0xb8;
	[tilespmem:$0x12800] =	vst v63  }
0x3f: {  	p0 =	sne.s32 s23, $0x13000;
	s25 =	smov.u32 s23;
	s23 =	sadd.s32 $0x1000, s23  }
0x40: {  	[tilespmem:s15], [sflag:$0x1] =	stream.indirect.gather [hbm4b:s4+s13], $0x80, s22, s13, $0xb8;
	[tilespmem:$0x12800] =	vst v63  }
0x41: {  	s26 =	sadd.s32 $0x80, s24  }
0x42: {  	[tilespmem:s16], [sflag:$0x2] =	stream.indirect.gather [hbm4b:s3+s13], $0x80, s26, s13, $0xb8;
	[tilespmem:$0x12800] =	vst v63  }
0x43: {  	s26 =	sadd.s32 $0x80, s22  }
0x44: {  	[tilespmem:s17], [sflag:$0x2] =	stream.indirect.gather [hbm4b:s4+s13], $0x80, s26, s13, $0xb8;
	[tilespmem:$0x12800] =	vst v63  }
0x45: {  	_ =	swait.ge [sflag:s18], $0x4000  }
0x46: {  	[sflag:s18] =	ssyncset.done $0x0  }
0x47: {  	[sflag:s18] =	ssyncadd.s32 $0xFFFFC000  }
0x48: {  	_ =	swait.ge [sflag:s18], $0x4000  }
0x49: {  	[sflag:s18] =	ssyncset.done $0x0  }
0x4a: {  	s26 =	sadd.s32 s25, s9;
	[sflag:s18] =	ssyncadd.s32 $0xFFFFC000  }
0x4b: {  	[hbm4b:s26+s2] =	stream.linear.scatter [tilespmem:s14], [sflag:$0x3], $0x4000, $0x38;
	[tilespmem:$0x12800] =	vst v63  }
0x4c: {  	s26 =	sadd.s32 s25, s8  }
0x4d: {  	[hbm4b:s26+s2] =	stream.linear.scatter [tilespmem:s15], [sflag:$0x3], $0x4000, $0x38;
	[tilespmem:$0x12800] =	vst v63  }
0x4e: {  	_ =	swait.ge [sflag:s19], $0x4000  }
0x4f: {  	[sflag:s19] =	ssyncset.done $0x0  }
0x50: {  	[sflag:s19] =	ssyncadd.s32 $0xFFFFC000  }
0x51: {  	_ =	swait.ge [sflag:s19], $0x4000  }
0x52: {  	[sflag:s19] =	ssyncset.done $0x0  }
0x53: {  	s26 =	sadd.s32 s25, s10;
	[sflag:s19] =	ssyncadd.s32 $0xFFFFC000  }
0x54: {  	[hbm4b:s26+s2] =	stream.linear.scatter [tilespmem:s16], [sflag:$0x3], $0x4000, $0x38;
	[tilespmem:$0x12800] =	vst v63  }
0x55: {  	s25 =	sadd.s32 s25, s11  }
0x56: {  	[hbm4b:s25+s2] =	stream.linear.scatter [tilespmem:s17], [sflag:$0x3], $0x4000, $0x38;
	[tilespmem:$0x12800] =	vst v63  }
0x57: {  	_ =	swait.ge [sflag:s20], $0x4000  }
0x58: {  	[sflag:s20] =	ssyncset.done $0x0  }
0x59: {  	[sflag:s20] =	ssyncadd.s32 $0xFFFFC000  }
0x5a: {  	_ =	swait.ge [sflag:s20], $0x4000  }
0x5b: {  	[sflag:s20] =	ssyncset.done $0x0  }
0x5c: {  	[sflag:s20] =	ssyncadd.s32 $0xFFFFC000  }
.Ltmp0:
0x5d: {  	_ =	swait.ge [sflag:s20], $0x4000;
	(pc) =	sbr.rel @p0 .LBB2_2-.Ltmp0, $4  }
0x5e: {  	[sflag:s20] =	ssyncset.done $0x0  }
0x5f: {  	[sflag:s20] =	ssyncadd.s32 $0xFFFFC000  }
0x60: {  	_ =	swait.ge [sflag:s20], $0x4000  }
0x61: {  	[sflag:s20] =	ssyncset.done $0x0  }
0x62: {  	s21 =	sadd.s32 $0x1, s21  }
0x63: {  	p0 =	sne.s32 s21, s7  }
.Ltmp1:
0x64: {  	_ = 	snop;
	(pc) =	sbr.rel @p0 .LBB2_1-.Ltmp1, $2  }
0x65: {  	_ =	sdelay $0x2  }
0x66: {  	[sflag:s20] =	ssyncadd.s32 $0xFFFFC000  }
0x67: {  	_ =	sfence.sel $0x180000  }
0x68: {  	[bflag:$0x0] =	sbarrier.arrive $0xFFFF  }
0x69: {  	p0 =	sne.s32 s0, $0x0;
	_ =	strace $0x9000004A  }
0x6a: {  	s0 =	sadd.s32 @!p0 $0x100000, s1;
	[bflag:$0x2] =	sbarrier.arrive $0xFFFF  }
0x6b: {  	[sflag:s0] =	ssyncadd.tile.s32 @!p0 $0x1;
	_ =	shalt  }
.Lfunc_end2:
_tile_overlayer_lowered:
.L_overlay_start_2:
0x6c: {  	(tag) =	ssettag $0x2  }
0x6d: {  	s0 =	rddreg [dreg:$0x0];
	s2 =	stileid.u32  }
0x6e: {  	s1 =	rddreg [dreg:$0x1];
	p0 =	sne.s32 s2, $0x0  }
0x6f: {  	s3 =	rddreg [dreg:$0x2];
	[bflag:$0x3] =	sbarrier.arrive $0xFFFF;
	s2 =	simm.s32 @!p0 $0x1C04  }
0x70: {  	[timem:s3], [sflag:s2] =	dma.local @!p0 [hbm:s0], s1  }
0x71: {  	s0 =	simm.s32 @!p0 $0x4  }
0x72: {  	_ =	swait.ge @!p0 [sflag:s0], s1  }
0x73: {  	s1 =	ssub.s32 @!p0 $0x0, s1;
	[sflag:s0] =	ssyncset.done @!p0 $0x0  }
0x74: {  	[sflag:s0] =	ssyncadd.s32 @!p0 s1  }
0x75: {  	[bflag:$0x3] =	sbarrier.arrive $0xFFFF  }
0x76: {  	_ =	shalt  }

// kernel: kernel.19.cloned.1.call-start
scs
__scs_entry_jumppad:
0x0: {  	(pc) =	sbr.rel $0x88, $3  }
0x1: {  	(tag) =	ssettag $0x0;
	lr =	simm.s32 $0x1  }
0x2: {  	[smem:$0x3F91] =	sst lr;
	_ =	strace $0xD0000000  }
0x3: {  	_ = 	snop  }
0x4: {  	_ = 	snop  }
0x5: {  	_ = 	snop  }
0x6: {  	_ = 	snop  }
0x7: {  	_ = 	snop  }
__scs_overlays_trampoline_lowered:
0x8: {  	[smem:$0x3FA0] =	sst s0  }
0x9: {  	[smem:$0x3FA1] =	sst s1  }
0xa: {  	[smem:$0x3FA2] =	sst s2  }
0xb: {  	[smem:$0x3FA3] =	sst s3  }
0xc: {  	[smem:$0x3FA4] =	sst s4  }
0xd: {  	[smem:$0x3FA5] =	sst s5  }
0xe: {  	[smem:$0x3FA6] =	sst s6  }
0xf: {  	[smem:$0x3FA7] =	sst s7  }
0x10: {  	[smem:$0x3FA8] =	sst s8  }
0x11: {  	[smem:$0x3FA9] =	sst s9;
	s0 =	simm.s32 @!p0 $0x0  }
0x12: {  	s1 =	sld [smem:$0x3F8F];
	s0 =	simm.s32 @p0 $0x1  }
0x13: {  	[smem:$0x3FAA] =	sst s0;
	s0 =	simm.s32 @!p1 $0x0  }
0x14: {  	s2 =	sld [smem:$0x3F8E];
	s0 =	simm.s32 @p1 $0x1  }
0x15: {  	[smem:$0x3FAB] =	sst s0;
	s0 =	simm.s32 @!p2 $0x0  }
0x16: {  	s3 =	sld [smem:$0x3FDB];
	s0 =	simm.s32 @p2 $0x1  }
0x17: {  	s4 =	simm.s32 $0x1BF5;
	[smem:$0x3FAD] =	sst s0  }
0x18: {  	s0 =	sld [smem:$0x3F90];
	_ =	swait.ge [sflag:s4], $0x0  }
0x19: {  	s7 =	sld [smem:$0x3F91]  }
0x1a: {  	s8 =	sadd.s32 $0xFFFFE003, lr  }
0x1b: {  	s9 =	sadd.s32 $0xFFFFFEF7, lr;
	s5 =	simm.s32 $0xFFFFFFFF;
	p2 =	slt.u32 s8, $0xFFFFF086  }
0x1c: {  	p1 =	slt.u32 s9, $0xF7A;
	s5 =	simm.s32 @!p2 $0x0  }
0x1d: {  	s5 =	simm.s32 @p1 $0x1;
	p0 =	seq.s32 s7, s2  }
0x1e: {  	s7 =	smul.u32 @!p0 $0xF7A, s2;
	p2 =	seq.s32 @!p0 s5, $0x0  }
0x1f: {  	s9 =	smul.u32 $0xF7A, s1;
	s8 =	simm.s32 @!p0 $0x1BF5;
	p2 =	por !p2, p0  }
0x20: {  	[sflag:s8] =	ssyncset.s32 @!p0 $0xFFFFF086;
	s6 =	sadd.s32 @!p0 s3, s7;
	s7 =	simm.s32 @!p0 $0x108  }
0x21: {  	s3 =	sadd.s32 s3, s9;
	s6 =	sadd.s32 @!p0 $0x88, s6;
	s7 =	simm.s32 @p2 $0x1082  }
0x22: {  	[simem:s7], [sflag:s8] =	dma.local @!p0 [hbm:s6], $0xF7A  }
0x23: {  	s9 =	sor.u32 $0xD0000000, s2;
	s6 =	simm.s32 $0x108;
	_ =	swait.ge @!p0 [sflag:s8], $0x0  }
0x24: {  	s3 =	sadd.s32 $0x88, s3;
	s6 =	simm.s32 @!p1 $0x1082;
	[sflag:s4] =	ssyncset.s32 $0xFFFFF086  }
0x25: {  	[simem:s6], [sflag:s4] =	dma.local [hbm:s3], $0xF7A  }
0x26: {  	[smem:$0x3F91] =	sst s1;
	(tag) =	ssettag s2;
	_ =	strace s9  }
0x27: {  	s1 =	sld [smem:$0x3FA1]  }
0x28: {  	s2 =	sld [smem:$0x3FA2]  }
0x29: {  	s4 =	sld [smem:$0x3FA4]  }
0x2a: {  	p0 =	seq.s32 s5, $0x0;
	s5 =	sld [smem:$0x3FA5]  }
0x2b: {  	s6 =	sld [smem:$0x3FA6]  }
0x2c: {  	s7 =	sld [smem:$0x3FA7]  }
0x2d: {  	s3 =	simm.s32 $0x108;
	s8 =	sld [smem:$0x3FA8]  }
0x2e: {  	s3 =	simm.s32 @!p0 $0x1082;
	s9 =	sld [smem:$0x3FA9]  }
0x2f: {  	lr =	sadd.s32 s0, s3;
	s0 =	sld [smem:$0x3FA0]  }
0x30: {  	s3 =	sld [smem:$0x3FA3]  }
0x31: {  	[smem:$0x3FAC] =	sst s10  }
0x32: {  	s10 =	sld [smem:$0x3FAA];
	_ =	sdelay $0x3  }
0x33: {  	p0 =	seq.s32 s10, $0x1;
	s10 =	sld [smem:$0x3FAC];
	_ =	sdelay $0x3  }
0x34: {  	[smem:$0x3FAC] =	sst s10  }
0x35: {  	s10 =	sld [smem:$0x3FAB];
	_ =	sdelay $0x3  }
0x36: {  	p1 =	seq.s32 s10, $0x1;
	s10 =	sld [smem:$0x3FAC];
	_ =	sdelay $0x3  }
0x37: {  	[smem:$0x3FAC] =	sst s10  }
0x38: {  	s10 =	sld [smem:$0x3FAD]  }
0x39: {  	_ = 	snop;
	(pc) =	sbr.ind lr, $3  }
0x3a: {  	_ = 	snop  }
0x3b: {  	_ = 	snop  }
0x3c: {  	p2 =	seq.s32 s10, $0x1;
	s10 =	sld [smem:$0x3FAC]  }
0x3d: {  	_ =	shalt  }
0x3e: {  	_ =	shalt  }
0x3f: {  	_ =	shalt  }
0x40: {  	_ =	shalt  }
0x41: {  	_ =	shalt  }
0x42: {  	_ =	shalt  }
0x43: {  	_ =	shalt  }
0x44: {  	_ =	shalt  }
0x45: {  	_ =	shalt  }
0x46: {  	_ =	shalt  }
0x47: {  	_ =	shalt  }
0x48: {  	_ =	shalt  }
0x49: {  	_ =	shalt  }
0x4a: {  	_ =	shalt  }
0x4b: {  	_ =	shalt  }
0x4c: {  	_ =	shalt  }
0x4d: {  	_ =	shalt  }
0x4e: {  	_ =	shalt  }
0x4f: {  	_ =	shalt  }
0x50: {  	_ =	shalt  }
0x51: {  	_ =	shalt  }
0x52: {  	_ =	shalt  }
0x53: {  	_ =	shalt  }
0x54: {  	_ =	shalt  }
0x55: {  	_ =	shalt  }
0x56: {  	_ =	shalt  }
0x57: {  	_ =	shalt  }
0x58: {  	_ =	shalt  }
0x59: {  	_ =	shalt  }
0x5a: {  	_ =	shalt  }
0x5b: {  	_ =	shalt  }
0x5c: {  	_ =	shalt  }
0x5d: {  	_ =	shalt  }
0x5e: {  	_ =	shalt  }
0x5f: {  	_ =	shalt  }
0x60: {  	_ =	shalt  }
0x61: {  	_ =	shalt  }
0x62: {  	_ =	shalt  }
0x63: {  	_ =	shalt  }
0x64: {  	_ =	shalt  }
0x65: {  	_ =	shalt  }
0x66: {  	_ =	shalt  }
0x67: {  	_ =	shalt  }
0x68: {  	_ =	shalt  }
0x69: {  	_ =	shalt  }
0x6a: {  	_ =	shalt  }
0x6b: {  	_ =	shalt  }
0x6c: {  	_ =	shalt  }
0x6d: {  	_ =	shalt  }
0x6e: {  	_ =	shalt  }
0x6f: {  	_ =	shalt  }
0x70: {  	_ =	shalt  }
0x71: {  	_ =	shalt  }
0x72: {  	_ =	shalt  }
0x73: {  	_ =	shalt  }
0x74: {  	_ =	shalt  }
0x75: {  	_ =	shalt  }
0x76: {  	_ =	shalt  }
0x77: {  	_ =	shalt  }
0x78: {  	_ =	shalt  }
0x79: {  	_ =	shalt  }
0x7a: {  	_ =	shalt  }
0x7b: {  	_ =	shalt  }
0x7c: {  	_ =	shalt  }
0x7d: {  	_ =	shalt  }
0x7e: {  	_ =	shalt  }
0x7f: {  	_ =	shalt  }
0x80: {  	_ =	shalt  }
0x81: {  	_ =	shalt  }
0x82: {  	_ =	shalt  }
0x83: {  	_ =	shalt  }
0x84: {  	_ =	shalt  }
0x85: {  	_ =	shalt  }
0x86: {  	_ =	shalt  }
0x87: {  	_ =	shalt  }
.Lfunc_end0:
.L_simem_size_0:
called_computation.5_lowered:
.L_overlay_start_0:
0x88: {  	s2 =	sld [smem:$0x3FD9]  }
0x89: {  	s3 =	sld [smem:$0x3FFE];
	_ =	sdelay $0x1  }
0x8a: {  	s1 =	srdreg.scid  }
0x8b: {  	s0 =	sand.u32 $0x1, s1  }
0x8c: {  	s16 =	sshll.u32 s0, $0xA;
	s2 =	sadd.s32 s3, s2  }
0x8d: {  	s2 =	sadd.s32 s2, s16  }
0x8e: {  	[smem:$0x3FB8] =	sst s2  }
0x8f: {  	_ = 	snop  }
0x90: {  	(tm) =	ssettm $0x1  }
0x91: {  	s17 =	sld [smem:$0x3FFB];
	_ =	sdelay $0x3  }
0x92: {  	_ =	strace s17  }
0x93: {  	s2 =	sld [smem:$0x3FFC];
	_ =	sdelay $0x3  }
0x94: {  	_ =	strace s2  }
0x95: {  	s2 =	sld [smem:$0x3FFD];
	_ =	sdelay $0x3  }
0x96: {  	_ =	strace s2  }
0x97: {  	_ =	strace $0x8FFFFFFF  }
0x98: {  	s18 =	sld [smem:$0x3FDB];
	_ =	sdelay $0x1  }
0x99: {  	s19 =	simm.s32 $_scs_section_size  }
0x9a: {  	s4 =	simm.s32 $_size__tile_overlayer_lowered;
	s5 =	simm.s32 $_tile_overlayer_lowered  }
0x9b: {  	s22 =	simm.s32 $0x1BFF;
	s21 =	sshll.u32 s5, $0x1;
	s2 =	sadd.s32 s19, s18  }
0x9c: {  	s6 =	simm.s32 $0x0;
	s20 =	sshll.u32 s4, $0x1;
	s4 =	sadd.s32 s21, s2  }
0x9d: {  	[timem:s6], [sflag:s22] =	dma.local [hbm:s4], s20  }
0x9e: {  	_ =	swait.ge [sflag:s22], s20  }
0x9f: {  	s3 =	ssub.s32 $0x0, s20;
	[sflag:s22] =	ssyncset.done $0x0  }
0xa0: {  	[sflag:s22] =	ssyncadd.s32 s3;
	_ =	sdelay $0x1  }
0xa1: {  	s23 =	simm.s32 $0x1B8B  }
0xa2: {  	_ =	swait.ge [sflag:s23], $0x1  }
0xa3: {  	[sflag:s23] =	ssyncset.done $0x0  }
0xa4: {  	s25 =	simm.s32 $0x1B8E;
	s24 =	sld [smem:$0x3FFE];
	[sflag:s23] =	ssyncadd.s32 $0xFFFFFFFF  }
0xa5: {  	s26 =	simm.s32 $execute0_lowered;
	[smem:$0x3FD2] =	sst s25  }
0xa6: {  	s4 =	sshll.u32 s26, $0x1;
	_ =	strace $0x80000046;
	[dreg:$0x1] =	wrdreg $0xFFFFFFFF  }
0xa7: {  	s28 =	simm.s32 $_size_execute0_lowered;
	s2 =	sadd.s32 s2, s4;
	[dreg:$0x0] =	wrdreg $0x0  }
0xa8: {  	s4 =	sshll.u32 s28, $0x1;
	[dreg:$0x2] =	wrdreg s2  }
0xa9: {  	[dreg:$0x3] =	wrdreg s4  }
0xaa: {  	[dreg:$0x4] =	wrdreg $0xC0  }
0xab: {  	_ =	task [dreg:s6], $0x5FFFF  }
0xac: {  	[dreg:$0x1] =	wrdreg $0xFFFFFFFF  }
0xad: {  	[dreg:$0x0] =	wrdreg $0x60  }
0xae: {  	[dreg:$0x2] =	wrdreg s24  }
0xaf: {  	[dreg:$0x3] =	wrdreg $0xC  }
0xb0: {  	_ =	task.clear_ibuf [dreg:s6], $0x4FFFF;
	_ =	strace $0x90000046  }
0xb1: {  	s29 =	simm.s32 $0xC;
	_ =	strace $0x80000048  }
0xb2: {  	_ =	swait.ge [sflag:s29], $0x1  }
0xb3: {  	[sflag:s29] =	ssyncadd.s32 $0xFFFFFFFF  }
0xb4: {  	_ =	strace $0x90000048  }
0xb5: {  	_ =	sfence  }
0xb6: {  	s30 =	sld [smem:$0x0];
	_ =	sdelay $0x2  }
0xb7: {  	s31 =	sshll.u32 s1, $0xD;
	s1 =	sshrl.u32 s1, $0x2  }
0xb8: {  	s3 =	sand.u32 $0x4000, s31;
	s1 =	sadd.s32 s1, s30  }
0xb9: {  	s0 =	sor.u32 s3, s0;
	s1 =	sshll.u32 s1, $0x11  }
0xba: {  	s0 =	sor.u32 s1, s0  }
0xbb: {  	s0 =	sadd.s32 $0x8F2B, s0  }
0xbc: {  	[sflag:s0] =	ssyncadd.remote.s32 $0x1  }
0xbd: {  	_ =	sfence.sel $0xFFFF  }
0xbe: {  	[dreg:$0x0] =	wrdreg $0xFFFFFFFF;
	(pc) =	sbr.abs _section_cstart, $3  }
0xbf: {  	[dreg:$0x1] =	wrdreg $0xFFFFFFFF  }
0xc0: {  	_ =	task.clear_ibuf [dreg:s6], $0x2FFFF;
	_ =	strace $0x9FFFFFFF  }
0xc1: {  	(tm) =	ssettm $0x7FFFFFFF  }
tec
execute0_lowered:
.L_overlay_start_1:
0x0: {  	(tag) =	ssettag $0x1  }
0x1: {  	s1 =	srdreg.scid  }
0x2: {  	s0 =	stileid.u32;
	s5 =	rddreg [dreg:$0x0]  }
0x3: {  	s2 =	simm.s32 $0x0;
	s15 =	simm.s32 $0x3000;
	s16 =	simm.s32 $0x4000  }
0x4: {  	s17 =	simm.s32 $0x1;
	s18 =	simm.s32 $0x2;
	s19 =	simm.s32 $0x3  }
0x5: {  	s20 =	simm.s32 $0x0;
	s4 =	sand.u32 $0x1, s1;
	s6 =	smul.u32 $0x28000, s0  }
0x6: {  	s28 =	sshll.u32 s0, $0x1;
	[smem:$0x7FF] =	sst s2;
	s10 =	smul.u32 $0x2800, s0  }
0x7: {  	s11 =	sadd.s32 $0x99800, s5;
	s14 =	sadd.s32 $0x49800, s5;
	s8 =	smul.u32 $0x14000, s4  }
0x8: {  	s1 =	sor.u32 s4, s28;
	s9 =	ssub.s32 $0x2, s4;
	s13 =	smul.u32 $0x1400, s4  }
0x9: {  	s3 =	smul.u32 $0x1400, s1;
	s1 =	rddreg [dreg:$0x1];
	s12 =	sshrl.u32 s9, $0x1  }
0xa: {  	_ =	strace $0x80000047;
	s9 =	ssub.s32 s9, s12;
	s29 =	sadd.s32 s8, s6  }
0xb: {  	s30 =	sadd.s32 s13, s10;
	s12 =	simm.s32 $0x80;
	s13 =	simm.s32 $0x2800  }
0xc: {  	s3 =	sshrl.u32 s3, $0x3;
	s6 =	smax.u32 s9, $0x1;
	s31 =	sshrl.u32 s29, $0x3  }
0xd: {  	s10 =	sshll.u32 s30, $0x1;
	s7 =	sadd.s32 s3, s5;
	s3 =	sadd.s32 $0x30800, s5  }
0xe: {  	s8 =	sadd.s32 s31, s11;
	s10 =	sor.u32 $0x100, s10;
	s4 =	sadd.s32 $0x3F800, s7  }
0xf: {  	s5 =	sadd.s32 $0x35800, s7;
	s7 =	sadd.s32 s31, s14;
	s9 =	sadd.s32 s10, s11  }
0x10: {  	s10 =	sadd.s32 s10, s14;
	s11 =	simm.s32 $0x4;
	s14 =	simm.s32 $0x3800  }
.LBB2_1:
0x11: {  	[tilespmem:s2], [sflag:$0x4] =	stream.linear.gather [hbm4b:s4+s2], $0x1400, $0x38;
	[tilespmem:$0x4800] =	vst v63  }
0x12: {  	_ =	swait.ge [sflag:s11], $0x1400  }
0x13: {  	[sflag:s11] =	ssyncset.done $0x0  }
0x14: {  	s21 =	simm.s32 $0x1400;
	[sflag:s11] =	ssyncadd.s32 $0xFFFFEC00  }
0x15: {  	[tilespmem:s21], [sflag:$0x4] =	stream.linear.gather [hbm4b:s5+s2], $0x1400, $0x38;
	[tilespmem:$0x4800] =	vst v63  }
0x16: {  	_ =	swait.ge [sflag:s11], $0x1400  }
0x17: {  	[sflag:s11] =	ssyncset.done $0x0  }
0x18: {  	[sflag:s11] =	ssyncadd.s32 $0xFFFFEC00  }
0x19: {  	[tilespmem:s13], [sflag:$0x1] =	stream.indirect.gather [hbm4b:s3+s12], $0x10, s2, s12, $0xb8;
	[tilespmem:$0x4800] =	vst v63  }
0x1a: {  	_ = 	snop  }
0x1b: {  	[tilespmem:s14], [sflag:$0x1] =	stream.indirect.gather [hbm4b:s3+s12], $0x10, s21, s12, $0xb8;
	[tilespmem:$0x4800] =	vst v63  }
0x1c: {  	s22 =	simm.s32 $0x80  }
0x1d: {  	[tilespmem:s15], [sflag:$0x2] =	stream.indirect.gather [hbm4b:s3+s12], $0x10, s22, s12, $0xb8;
	[tilespmem:$0x4800] =	vst v63  }
0x1e: {  	s26 =	simm.s32 $0x1480  }
0x1f: {  	[tilespmem:s16], [sflag:$0x2] =	stream.indirect.gather [hbm4b:s3+s12], $0x10, s26, s12, $0xb8;
	[tilespmem:$0x4800] =	vst v63  }
0x20: {  	_ =	swait.ge [sflag:s17], $0x800  }
0x21: {  	[sflag:s17] =	ssyncset.done $0x0  }
0x22: {  	[sflag:s17] =	ssyncadd.s32 $0xFFFFF800  }
0x23: {  	_ =	swait.ge [sflag:s17], $0x800  }
0x24: {  	[sflag:s17] =	ssyncset.done $0x0  }
0x25: {  	s28 =	sadd.s32 $0x0, s8;
	[sflag:s17] =	ssyncadd.s32 $0xFFFFF800  }
0x26: {  	[hbm4b:s28+s2] =	stream.linear.scatter [tilespmem:s13], [sflag:$0x3], $0x800, $0x38;
	[tilespmem:$0x4800] =	vst v63  }
0x27: {  	s29 =	sadd.s32 $0x0, s7  }
0x28: {  	[hbm4b:s29+s2] =	stream.linear.scatter [tilespmem:s14], [sflag:$0x3], $0x800, $0x38;
	[tilespmem:$0x4800] =	vst v63  }
0x29: {  	_ =	swait.ge [sflag:s18], $0x800  }
0x2a: {  	[sflag:s18] =	ssyncset.done $0x0  }
0x2b: {  	[sflag:s18] =	ssyncadd.s32 $0xFFFFF800  }
0x2c: {  	_ =	swait.ge [sflag:s18], $0x800  }
0x2d: {  	[sflag:s18] =	ssyncset.done $0x0  }
0x2e: {  	s30 =	sadd.s32 $0x0, s9;
	[sflag:s18] =	ssyncadd.s32 $0xFFFFF800  }
0x2f: {  	[hbm4b:s30+s2] =	stream.linear.scatter [tilespmem:s15], [sflag:$0x3], $0x800, $0x38;
	[tilespmem:$0x4800] =	vst v63  }
0x30: {  	s31 =	sadd.s32 $0x0, s10  }
0x31: {  	[hbm4b:s31+s2] =	stream.linear.scatter [tilespmem:s16], [sflag:$0x3], $0x800, $0x38;
	[tilespmem:$0x4800] =	vst v63  }
0x32: {  	_ =	swait.ge [sflag:s19], $0x800  }
0x33: {  	[sflag:s19] =	ssyncset.done $0x0  }
0x34: {  	[sflag:s19] =	ssyncadd.s32 $0xFFFFF800  }
0x35: {  	_ =	swait.ge [sflag:s19], $0x800  }
0x36: {  	[sflag:s19] =	ssyncset.done $0x0  }
0x37: {  	[sflag:s19] =	ssyncadd.s32 $0xFFFFF800  }
0x38: {  	_ =	swait.ge [sflag:s19], $0x800  }
0x39: {  	[sflag:s19] =	ssyncset.done $0x0  }
0x3a: {  	[sflag:s19] =	ssyncadd.s32 $0xFFFFF800  }
0x3b: {  	_ =	swait.ge [sflag:s19], $0x800  }
0x3c: {  	s23 =	simm.s32 $0x0;
	s22 =	simm.s32 $0x200;
	[sflag:s19] =	ssyncset.done $0x0  }
.LBB2_2:
0x3d: {  	[sflag:s19] =	ssyncadd.s32 $0xFFFFF800;
	s23 =	sadd.s32 $0x100, s23;
	s21 =	sadd.s32 $0x100, s21  }
0x3e: {  	[tilespmem:s13], [sflag:$0x1] =	stream.indirect.gather [hbm4b:s3+s12], $0x10, s23, s12, $0xb8;
	[tilespmem:$0x4800] =	vst v63  }
0x3f: {  	p0 =	sne.s32 s22, $0x2600;
	s24 =	smov.u32 s22;
	s22 =	sadd.s32 $0x200, s22  }
0x40: {  	[tilespmem:s14], [sflag:$0x1] =	stream.indirect.gather [hbm4b:s3+s12], $0x10, s21, s12, $0xb8;
	[tilespmem:$0x4800] =	vst v63  }
0x41: {  	s25 =	sadd.s32 $0x80, s23  }
0x42: {  	[tilespmem:s15], [sflag:$0x2] =	stream.indirect.gather [hbm4b:s3+s12], $0x10, s25, s12, $0xb8;
	[tilespmem:$0x4800] =	vst v63  }
0x43: {  	s25 =	sadd.s32 $0x80, s21  }
0x44: {  	[tilespmem:s16], [sflag:$0x2] =	stream.indirect.gather [hbm4b:s3+s12], $0x10, s25, s12, $0xb8;
	[tilespmem:$0x4800] =	vst v63  }
0x45: {  	_ =	swait.ge [sflag:s17], $0x800  }
0x46: {  	[sflag:s17] =	ssyncset.done $0x0  }
0x47: {  	[sflag:s17] =	ssyncadd.s32 $0xFFFFF800  }
0x48: {  	_ =	swait.ge [sflag:s17], $0x800  }
0x49: {  	[sflag:s17] =	ssyncset.done $0x0  }
0x4a: {  	s25 =	sadd.s32 s24, s8;
	[sflag:s17] =	ssyncadd.s32 $0xFFFFF800  }
0x4b: {  	[hbm4b:s25+s2] =	stream.linear.scatter [tilespmem:s13], [sflag:$0x3], $0x800, $0x38;
	[tilespmem:$0x4800] =	vst v63  }
0x4c: {  	s25 =	sadd.s32 s24, s7  }
0x4d: {  	[hbm4b:s25+s2] =	stream.linear.scatter [tilespmem:s14], [sflag:$0x3], $0x800, $0x38;
	[tilespmem:$0x4800] =	vst v63  }
0x4e: {  	_ =	swait.ge [sflag:s18], $0x800  }
0x4f: {  	[sflag:s18] =	ssyncset.done $0x0  }
0x50: {  	[sflag:s18] =	ssyncadd.s32 $0xFFFFF800  }
0x51: {  	_ =	swait.ge [sflag:s18], $0x800  }
0x52: {  	[sflag:s18] =	ssyncset.done $0x0  }
0x53: {  	s25 =	sadd.s32 s24, s9;
	[sflag:s18] =	ssyncadd.s32 $0xFFFFF800  }
0x54: {  	[hbm4b:s25+s2] =	stream.linear.scatter [tilespmem:s15], [sflag:$0x3], $0x800, $0x38;
	[tilespmem:$0x4800] =	vst v63  }
0x55: {  	s24 =	sadd.s32 s24, s10  }
0x56: {  	[hbm4b:s24+s2] =	stream.linear.scatter [tilespmem:s16], [sflag:$0x3], $0x800, $0x38;
	[tilespmem:$0x4800] =	vst v63  }
0x57: {  	_ =	swait.ge [sflag:s19], $0x800  }
0x58: {  	[sflag:s19] =	ssyncset.done $0x0  }
0x59: {  	[sflag:s19] =	ssyncadd.s32 $0xFFFFF800  }
0x5a: {  	_ =	swait.ge [sflag:s19], $0x800  }
0x5b: {  	[sflag:s19] =	ssyncset.done $0x0  }
0x5c: {  	[sflag:s19] =	ssyncadd.s32 $0xFFFFF800  }
.Ltmp0:
0x5d: {  	_ =	swait.ge [sflag:s19], $0x800;
	(pc) =	sbr.rel @p0 .LBB2_2-.Ltmp0, $4  }
0x5e: {  	[sflag:s19] =	ssyncset.done $0x0  }
0x5f: {  	[sflag:s19] =	ssyncadd.s32 $0xFFFFF800  }
0x60: {  	_ =	swait.ge [sflag:s19], $0x800  }
0x61: {  	[sflag:s19] =	ssyncset.done $0x0  }
0x62: {  	s20 =	sadd.s32 $0x1, s20  }
0x63: {  	p0 =	sne.s32 s20, s6  }
.Ltmp1:
0x64: {  	_ = 	snop;
	(pc) =	sbr.rel @p0 .LBB2_1-.Ltmp1, $2  }
0x65: {  	_ =	sdelay $0x2  }
0x66: {  	[sflag:s19] =	ssyncadd.s32 $0xFFFFF800  }
0x67: {  	_ =	sfence.sel $0x180000  }
0x68: {  	[bflag:$0x0] =	sbarrier.arrive $0xFFFF  }
0x69: {  	p0 =	sne.s32 s0, $0x0;
	_ =	strace $0x90000047  }
0x6a: {  	s0 =	sadd.s32 @!p0 $0x100000, s1;
	[bflag:$0x2] =	sbarrier.arrive $0xFFFF  }
0x6b: {  	[sflag:s0] =	ssyncadd.tile.s32 @!p0 $0x1;
	_ =	shalt  }
.Lfunc_end2:
_tile_overlayer_lowered:
.L_overlay_start_2:
0x6c: {  	(tag) =	ssettag $0x2  }
0x6d: {  	s0 =	rddreg [dreg:$0x0];
	s2 =	stileid.u32  }
0x6e: {  	s1 =	rddreg [dreg:$0x1];
	p0 =	sne.s32 s2, $0x0  }
0x6f: {  	s3 =	rddreg [dreg:$0x2];
	[bflag:$0x3] =	sbarrier.arrive $0xFFFF;
	s2 =	simm.s32 @!p0 $0x1C04  }
0x70: {  	[timem:s3], [sflag:s2] =	dma.local @!p0 [hbm:s0], s1  }
0x71: {  	s0 =	simm.s32 @!p0 $0x4  }
0x72: {  	_ =	swait.ge @!p0 [sflag:s0], s1  }
0x73: {  	s1 =	ssub.s32 @!p0 $0x0, s1;
	[sflag:s0] =	ssyncset.done @!p0 $0x0  }
0x74: {  	[sflag:s0] =	ssyncadd.s32 @!p0 s1  }
0x75: {  	[bflag:$0x3] =	sbarrier.arrive $0xFFFF  }
0x76: {  	_ =	shalt  }

</sc_bundles>
